<compile_context>
chip_gen: v7x
topology: tpu7x:2x2x1
jax: 0.10.2.dev20260603
libtpu: 0.0.44.dev20260713+nightly
codegen_flags: <defaults>
</compile_context>

<pallas_src>
import dataclasses
import functools

import jax
import jax.numpy as jnp
from jax import lax
from jax.experimental import pallas as pl
from jax.experimental.pallas import tpu as pltpu
from jax.experimental.pallas import tpu_sc as plsc

N = 10000
E = 160000
C = 128
BASIS = 128
NL = 4
H = 128
NG = 128
AVG_DEGREE = 23.395238876342773
AVG_NUM_NODES = 77.81317
MAX_RADIUS = 12.0

NC = 2
NS = 16
NW = NC * NS
BLK = 128
NBLK = E // BLK
MAX_BLK_PER_TILE = (NBLK + NW - 1) // NW
NPAD = 10240
ROWS_PER_SUB = NPAD // NS
ZCHUNK = 128

EB = 2000
NB = 1000

_mesh = plsc.VectorSubcoreMesh(core_axis_name="c", subcore_axis_name="s")

_sc_params = pltpu.CompilerParams()
if "needs_layout_passes" in pltpu.CompilerParams.__dataclass_fields__:
    _sc_params = dataclasses.replace(_sc_params, needs_layout_passes=False)


def _tile_id():
    return lax.axis_index("s") * NC + lax.axis_index("c")


def _silu(t):
    return t * (1.0 / (1.0 + jnp.exp(-t)))


@functools.partial(
    pl.kernel,
    out_type=jax.ShapeDtypeStruct((NBLK, BLK), jnp.float32),
    mesh=_mesh,
    scratch_types=[
        pltpu.VMEM((N,), jnp.float32),
        pltpu.VMEM((N,), jnp.float32),
        pltpu.VMEM((N,), jnp.float32),
        pltpu.VMEM((BLK,), jnp.int32),
        pltpu.VMEM((BLK,), jnp.int32),
        pltpu.VMEM((BLK,), jnp.float32),
    ],
    compiler_params=_sc_params,
)
def _sc_d2(px_hbm, py_hbm, pz_hbm, src_hbm, dst_hbm, d2_hbm,
           px_v, py_v, pz_v, srcv, dstv, d2v):
    w = _tile_id()
    pltpu.sync_copy(px_hbm, px_v)
    pltpu.sync_copy(py_hbm, py_v)
    pltpu.sync_copy(pz_hbm, pz_v)

    @pl.loop(0, MAX_BLK_PER_TILE)
    def _(i):
        b = w + i * NW

        @pl.when(b < NBLK)
        def _():
            e0 = b * BLK
            pltpu.sync_copy(src_hbm.at[pl.ds(e0, BLK)], srcv)
            pltpu.sync_copy(dst_hbm.at[pl.ds(e0, BLK)], dstv)

            @pl.loop(0, BLK, step=16)
            def _(k):
                si = srcv[pl.ds(k, 16)]
                di = dstv[pl.ds(k, 16)]
                acc = jnp.zeros((16,), jnp.float32)
                for pv in (px_v, py_v, pz_v):
                    a = plsc.load_gather(pv, [si])
                    bb = plsc.load_gather(pv, [di])
                    d = a - bb
                    acc = acc + d * d
                d2v[pl.ds(k, 16)] = acc

            pltpu.sync_copy(d2v, d2_hbm.at[b])


@functools.partial(
    pl.kernel,
    out_type=jax.ShapeDtypeStruct((NC, NPAD, C), jnp.float32),
    mesh=_mesh,
    scratch_types=[
        pltpu.VMEM((BLK,), jnp.int32),
        pltpu.VMEM((BLK, C), jnp.float32),
        pltpu.VMEM_SHARED((NPAD, C), jnp.float32),
    ],
    compiler_params=_sc_params,
)
def _sc_deg(h_hbm, dst_hbm, out_hbm, dstv, hv, acc_sh):
    cidx = lax.axis_index("c")
    sidx = lax.axis_index("s")
    w = _tile_id()

    @pl.loop(0, BLK)
    def _(j):
        @pl.loop(0, C, step=16)
        def _(k):
            hv[j, pl.ds(k, 16)] = jnp.zeros((16,), jnp.float32)

    r0 = sidx * ROWS_PER_SUB
    for j in range(ROWS_PER_SUB // ZCHUNK):
        pltpu.sync_copy(hv, acc_sh.at[pl.ds(r0 + j * ZCHUNK, ZCHUNK)])
    plsc.subcore_barrier()

    @pl.loop(0, MAX_BLK_PER_TILE)
    def _(i):
        b = w + i * NW

        @pl.when(b < NBLK)
        def _():
            e0 = b * BLK
            pltpu.sync_copy(dst_hbm.at[pl.ds(e0, BLK)], dstv)
            pltpu.sync_copy(h_hbm.at[pl.ds(e0, BLK)], hv)
            pltpu.sync_copy(hv, acc_sh.at[dstv], add=True)

    plsc.subcore_barrier()
    pltpu.sync_copy(acc_sh.at[pl.ds(r0, ROWS_PER_SUB)],
                    out_hbm.at[cidx, pl.ds(r0, ROWS_PER_SUB)])


@functools.partial(
    pl.kernel,
    out_type=jax.ShapeDtypeStruct((NC, NPAD, C), jnp.float32),
    mesh=_mesh,
    scratch_types=[
        pltpu.VMEM((BLK,), jnp.int32),
        pltpu.VMEM((2, BLK), jnp.int32),
        pltpu.VMEM((BLK, C), jnp.float32),
        pltpu.VMEM((BLK, C), jnp.float32),
        pltpu.VMEM_SHARED((NPAD, C), jnp.float32),
        pltpu.SemaphoreType.DMA,
        pltpu.SemaphoreType.DMA,
    ],
    compiler_params=_sc_params,
)
def _sc_layer(x_hbm, r_hbm, src_hbm, dst_hbm, out_hbm,
              srcv, dstv2, xg, rv, acc_sh, sem, ssc):
    cidx = lax.axis_index("c")
    sidx = lax.axis_index("s")
    w = _tile_id()

    @pl.loop(0, BLK)
    def _(j):
        @pl.loop(0, C, step=16)
        def _(k):
            xg[j, pl.ds(k, 16)] = jnp.zeros((16,), jnp.float32)

    r0 = sidx * ROWS_PER_SUB
    for j in range(ROWS_PER_SUB // ZCHUNK):
        pltpu.sync_copy(xg, acc_sh.at[pl.ds(r0 + j * ZCHUNK, ZCHUNK)])
    plsc.subcore_barrier()

    def scat(s):
        return pltpu.make_async_copy(xg, acc_sh.at[dstv2.at[s]], ssc)

    @pl.loop(0, MAX_BLK_PER_TILE, step=2)
    def _(ii):
        for t in range(2):
            i = ii + t
            b = w + i * NW

            @pl.when(b < NBLK)
            def _():
                e0 = b * BLK
                pltpu.sync_copy(src_hbm.at[pl.ds(e0, BLK)], srcv)
                pltpu.sync_copy(dst_hbm.at[pl.ds(e0, BLK)], dstv2.at[t])

                @pl.when(i >= 1)
                def _():
                    scat(1 - t).wait()

                cp = pltpu.async_copy(x_hbm.at[srcv], xg, sem)
                pltpu.sync_copy(r_hbm.at[pl.ds(e0, BLK)], rv)
                cp.wait()

                @pl.loop(0, BLK)
                def _(j):
                    @pl.loop(0, C, step=16)
                    def _(k):
                        xg[j, pl.ds(k, 16)] = (
                            xg[j, pl.ds(k, 16)] * rv[j, pl.ds(k, 16)])

                scat(t).start(add=True)

    nb = MAX_BLK_PER_TILE - jnp.where(w + (MAX_BLK_PER_TILE - 1) * NW < NBLK,
                                      0, 1)
    last_slot = (nb - 1) % 2

    @pl.when(last_slot == 0)
    def _():
        scat(0).wait()

    @pl.when(last_slot == 1)
    def _():
        scat(1).wait()

    plsc.subcore_barrier()
    pltpu.sync_copy(acc_sh.at[pl.ds(r0, ROWS_PER_SUB)],
                    out_hbm.at[cidx, pl.ds(r0, ROWS_PER_SUB)])


def _enc_from_d2(d2b):
    dist = jnp.sqrt(d2b + 1e-12)
    delta = MAX_RADIUS / (BASIS - 1)
    coeff = -0.5 / (2.0 * delta) ** 2
    off = lax.broadcasted_iota(jnp.int32, (EB, BASIS), 1).astype(jnp.float32)
    off = off * delta
    return jnp.exp(coeff * (dist - off) ** 2)


def _edge_mlp_body(nmlp, d2_ref, w1_ref, b1_ref, w2_ref, b2_ref, *out_refs):
    enc = _enc_from_d2(d2_ref[...])
    for i in range(nmlp):
        t = jnp.dot(enc, w1_ref[i], preferred_element_type=jnp.float32)
        t = _silu(t + b1_ref[i][None, :])
        o = jnp.dot(t, w2_ref[i], preferred_element_type=jnp.float32)
        out_refs[i][...] = o + b2_ref[i][None, :]


def _tc_edge_mlp(nmlp, d2, w1s, b1s, w2s, b2s):
    grid = (E // EB,)
    outs = [jax.ShapeDtypeStruct((E, C), jnp.float32) for _ in range(nmlp)]
    return pl.pallas_call(
        functools.partial(_edge_mlp_body, nmlp),
        grid=grid,
        in_specs=[
            pl.BlockSpec((EB, 1), lambda i: (i, 0)),
            pl.BlockSpec((nmlp, C, C), lambda i: (0, 0, 0)),
            pl.BlockSpec((nmlp, C), lambda i: (0, 0)),
            pl.BlockSpec((nmlp, C, C), lambda i: (0, 0, 0)),
            pl.BlockSpec((nmlp, C), lambda i: (0, 0)),
        ],
        out_specs=[pl.BlockSpec((EB, C), lambda i: (i, 0))] * nmlp,
        out_shape=outs,
    )(d2, w1s, b1s, w2s, b2s)


def _node_init_body(an_ref, sph_ref, acc_ref, out_ref):
    ids = an_ref[...]
    oh = (ids == lax.broadcasted_iota(jnp.int32, (NB, C), 1))
    sph = jnp.dot(oh.astype(jnp.float32), sph_ref[...],
                  preferred_element_type=jnp.float32)
    acc = (acc_ref[0] + acc_ref[1]) * (1.0 / AVG_DEGREE)
    out_ref[...] = sph + acc


def _tc_node_init(an2, sphere_pad, accpair):
    return pl.pallas_call(
        _node_init_body,
        grid=(N // NB,),
        in_specs=[
            pl.BlockSpec((NB, 1), lambda i: (i, 0)),
            pl.BlockSpec((C, C), lambda i: (0, 0)),
            pl.BlockSpec((NC, NB, C), lambda i: (0, i, 0)),
        ],
        out_specs=pl.BlockSpec((NB, C), lambda i: (i, 0)),
        out_shape=jax.ShapeDtypeStruct((N, C), jnp.float32),
    )(an2, sphere_pad, accpair)


def _update_body(x_ref, acc_ref, wm_ref, wf1_ref, bf1_ref, wf2_ref, bf2_ref,
                 out_ref):
    p = acc_ref[0] + acc_ref[1]
    agg = jnp.dot(p, wm_ref[...], preferred_element_type=jnp.float32)
    y = x_ref[...] + agg * (1.0 / AVG_DEGREE)
    t = jnp.dot(y, wf1_ref[...], preferred_element_type=jnp.float32)
    t = _silu(t + bf1_ref[...])
    f = jnp.dot(t, wf2_ref[...], preferred_element_type=jnp.float32)
    out_ref[...] = y + f + bf2_ref[...]


def _tc_update(x, accpair, wm, wf1, bf1, wf2, bf2):
    return pl.pallas_call(
        _update_body,
        grid=(N // NB,),
        in_specs=[
            pl.BlockSpec((NB, C), lambda i: (i, 0)),
            pl.BlockSpec((NC, NB, C), lambda i: (0, i, 0)),
            pl.BlockSpec((C, C), lambda i: (0, 0)),
            pl.BlockSpec((C, H), lambda i: (0, 0)),
            pl.BlockSpec((1, H), lambda i: (0, 0)),
            pl.BlockSpec((H, C), lambda i: (0, 0)),
            pl.BlockSpec((1, C), lambda i: (0, 0)),
        ],
        out_specs=pl.BlockSpec((NB, C), lambda i: (i, 0)),
        out_shape=jax.ShapeDtypeStruct((N, C), jnp.float32),
    )(x, accpair, wm, wf1, bf1, wf2, bf2)


def _final_body(x_ref, batch_ref, ns_ref, we_ref, be_ref, out_ref):
    xb = x_ref[...]
    ms = jnp.mean(xb * xb, axis=1, keepdims=True)
    xn = xb / jnp.sqrt(ms + 1e-6) * ns_ref[...]
    ne = jnp.dot(xn, we_ref[...], preferred_element_type=jnp.float32)
    ne = ne + be_ref[...]
    oh = (batch_ref[...] == lax.broadcasted_iota(jnp.int32, (NB, NG), 1))
    contrib = jnp.sum(oh.astype(jnp.float32) * ne, axis=0, keepdims=True)

    @pl.when(pl.program_id(0) == 0)
    def _():
        out_ref[...] = jnp.zeros_like(out_ref)

    out_ref[...] += contrib * (1.0 / AVG_NUM_NODES)


def _tc_final(x, batch2, norm_scale2, we, be2):
    return pl.pallas_call(
        _final_body,
        grid=(N // NB,),
        in_specs=[
            pl.BlockSpec((NB, C), lambda i: (i, 0)),
            pl.BlockSpec((NB, 1), lambda i: (i, 0)),
            pl.BlockSpec((1, C), lambda i: (0, 0)),
            pl.BlockSpec((C, 1), lambda i: (0, 0)),
            pl.BlockSpec((1, 1), lambda i: (0, 0)),
        ],
        out_specs=pl.BlockSpec((1, NG), lambda i: (0, 0)),
        out_shape=jax.ShapeDtypeStruct((1, NG), jnp.float32),
    )(x, batch2, norm_scale2, we, be2)


def kernel(atomic_numbers, pos, edge_index, batch, natoms, sphere_table,
           Wdeg1, bdeg1, Wdeg2, bdeg2, Wd1, bd1, Wd2, bd2, Wmsg,
           Wf1, bf1, Wf2, bf2, norm_scale, We, be):
    src = edge_index[0]
    dst = edge_index[1]

    posf = jnp.asarray(pos, jnp.float32)
    d2 = _sc_d2(posf[:, 0], posf[:, 1], posf[:, 2], src, dst)

    d2c = d2.reshape(E, 1)
    (h,) = _tc_edge_mlp(1, d2c, Wdeg1[None], bdeg1[None], Wdeg2[None],
                        bdeg2[None])
    rs = _tc_edge_mlp(NL, d2c, Wd1, bd1, Wd2, bd2)

    accd = _sc_deg(h, dst)
    sphere_pad = jnp.zeros((C, C), jnp.float32).at[: sphere_table.shape[0]].set(
        sphere_table)
    x = _tc_node_init(atomic_numbers.reshape(N, 1), sphere_pad, accd)

    for i in range(NL):
        acci = _sc_layer(x, rs[i], src, dst)
        x = _tc_update(x, acci, Wmsg[i], Wf1[i], bf1[i].reshape(1, H),
                       Wf2[i], bf2[i].reshape(1, C))

    out = _tc_final(x, batch.reshape(N, 1), norm_scale.reshape(1, C),
                    We, be.reshape(1, 1))
    return out.reshape(NG)

# --- scband reference (transcript-rebuilt; emitter-appended) ---
"""Pipeline reference for scband-equiformer-v2-oc20-26886495273485 (READ-ONLY COPY).

The authoritative reference and input builder live on the scoring server;
editing this copy changes nothing except your own understanding.
"""

import jax, jax.numpy as jnp
import numpy as np

N = 10000
E = 160000
C = 128
L = 16
BASIS = 128
NL = 4
H = 128
NELEM = 90
NG = 128
AVG_DEGREE = 23.395238876342773
AVG_NUM_NODES = 77.81317
MAX_RADIUS = 12.0


def _smear(dist):
    offset = jnp.linspace(0.0, MAX_RADIUS, BASIS)
    coeff = -0.5 / (2.0 * (offset[1] - offset[0])) ** 2
    return jnp.exp(coeff * (dist[:, None] - offset[None, :]) ** 2)


def setup_inputs(seed: int = 0):
    key = jax.random.key(seed)
    ks = jax.random.split(key, 16)
    s = 0.05
    inp = {}
    inp['atomic_numbers'] = jax.random.randint(ks[0], (N,), 0, NELEM, dtype=jnp.int32)
    inp['pos'] = jax.random.normal(ks[1], (N, 3), dtype=jnp.float32) * 5.0
    inp['edge_index'] = jax.random.randint(ks[2], (2, E), 0, N, dtype=jnp.int32)
    inp['batch'] = jnp.sort(jax.random.randint(ks[3], (N,), 0, NG, dtype=jnp.int32))
    inp['natoms'] = jax.random.randint(ks[4], (NG,), 1, 100, dtype=jnp.int32)
    inp['sphere_table'] = jax.random.normal(ks[5], (NELEM, C), dtype=jnp.float32) * s
    inp['Wdeg1'] = jax.random.normal(ks[6], (BASIS, C), dtype=jnp.float32) * s
    inp['bdeg1'] = jnp.zeros((C,), dtype=jnp.float32)
    inp['Wdeg2'] = jax.random.normal(ks[7], (C, C), dtype=jnp.float32) * s
    inp['bdeg2'] = jnp.zeros((C,), dtype=jnp.float32)
    inp['Wd1'] = jax.random.normal(ks[8], (NL, BASIS, C), dtype=jnp.float32) * s
    inp['bd1'] = jnp.zeros((NL, C), dtype=jnp.float32)
    inp['Wd2'] = jax.random.normal(ks[9], (NL, C, C), dtype=jnp.float32) * s
    inp['bd2'] = jnp.zeros((NL, C), dtype=jnp.float32)
    inp['Wmsg'] = jax.random.normal(ks[10], (NL, C, C), dtype=jnp.float32) * s
    inp['Wf1'] = jax.random.normal(ks[11], (NL, C, H), dtype=jnp.float32) * s
    inp['bf1'] = jnp.zeros((NL, H), dtype=jnp.float32)
    inp['Wf2'] = jax.random.normal(ks[12], (NL, H, C), dtype=jnp.float32) * s
    inp['bf2'] = jnp.zeros((NL, C), dtype=jnp.float32)
    inp['norm_scale'] = jnp.ones((C,), dtype=jnp.float32)
    inp['We'] = jax.random.normal(ks[13], (C, 1), dtype=jnp.float32) * s
    inp['be'] = jnp.zeros((1,), dtype=jnp.float32)
    return inp


def reference(atomic_numbers, pos, edge_index, batch, natoms, sphere_table, Wdeg1, bdeg1, Wdeg2, bdeg2, Wd1, bd1, Wd2, bd2, Wmsg, Wf1, bf1, Wf2, bf2, norm_scale, We, be):
    src = edge_index[0]
    dst = edge_index[1]
    vec = jnp.take(pos, src, axis=0) - jnp.take(pos, dst, axis=0)
    dist = jnp.sqrt(jnp.sum(vec * vec, axis=-1) + 1e-12)
    enc = _smear(dist)
    x = jnp.zeros((N, L, C), dtype=jnp.float32)
    x = x.at[:, 0, :].set(jnp.take(sphere_table, atomic_numbers, axis=0))
    h = jax.nn.silu(enc @ Wdeg1 + bdeg1) @ Wdeg2 + bdeg2
    deg = jax.ops.segment_sum(h, dst, num_segments=N) / AVG_DEGREE
    x = x.at[:, 0, :].add(deg)
    for i in range(NL):
        r = jax.nn.silu(enc @ Wd1[i] + bd1[i]) @ Wd2[i] + bd2[i]
        m = (jnp.take(x[:, 0, :], src, axis=0) * r) @ Wmsg[i]
        agg = jax.ops.segment_sum(m, dst, num_segments=N) / AVG_DEGREE
        x = x.at[:, 0, :].add(agg)
        f = jax.nn.silu(x @ Wf1[i] + bf1[i]) @ Wf2[i] + bf2[i]
        x = x + f
    x = x / jnp.sqrt(jnp.mean(x * x, axis=-1, keepdims=True) + 1e-6) * norm_scale
    node_energy = (x[:, 0, :] @ We + be)[:, 0]
    energy = jax.ops.segment_sum(node_energy, batch, num_segments=NG) / AVG_NUM_NODES
    return energy

if __name__ == "__main__":
    import jax
    _d = setup_inputs()
    print(jax.jit(kernel)(*tuple(_d.values())))

</pallas_src>

<mosaic_0001>
#map = affine_map<(d0, d1) -> (0)>
#map1 = affine_map<(d0, d1) -> (0, 0)>
module attributes {stable_mosaic.version = 14 : i64} {
  func.func @_sc_d2(%arg0: i32, %arg1: i32, %arg2: memref<10000xf32, #tpu.memory_space<hbm>>, %arg3: memref<10000xf32, #tpu.memory_space<hbm>>, %arg4: memref<10000xf32, #tpu.memory_space<hbm>>, %arg5: memref<160000xi32, #tpu.memory_space<hbm>>, %arg6: memref<160000xi32, #tpu.memory_space<hbm>>, %arg7: memref<1250x128xf32, #tpu.memory_space<hbm>>, %arg8: memref<10000xf32, #tpu.memory_space<vmem>>, %arg9: memref<10000xf32, #tpu.memory_space<vmem>>, %arg10: memref<10000xf32, #tpu.memory_space<vmem>>, %arg11: memref<128xi32, #tpu.memory_space<vmem>>, %arg12: memref<128xi32, #tpu.memory_space<vmem>>, %arg13: memref<128xf32, #tpu.memory_space<vmem>>) attributes {dimension_semantics = [#tpu.dimension_semantics<core_parallel>, #tpu.dimension_semantics<subcore_parallel>], iteration_bounds = array<i64: 2, 16>, scalar_prefetch = 0 : i64, scratch_operands = 6 : i64, tpu.core_type = #tpu.core_type<sc_vector_subcore>, window_params = [{transform_indices = #map}, {transform_indices = #map}, {transform_indices = #map}, {transform_indices = #map}, {transform_indices = #map}, {transform_indices = #map1}]} {
    %mul3A = arith.constant 2 : i32
    %mul3A_0 = arith.muli %arg1, %mul3A : i32
    %add3A = arith.addi %mul3A_0, %arg0 : i32
    "tpu.region"() ({
      %run_scoped3A = tpu.sem_alloc : memref<!tpu.dma_semaphore, #tpu.memory_space<semaphore_mem>>
      tpu.enqueue_dma source(%arg2 : memref<10000xf32, #tpu.memory_space<hbm>>) target(%arg8 : memref<10000xf32, #tpu.memory_space<vmem>>) target_semaphore(%run_scoped3A : memref<!tpu.dma_semaphore, #tpu.memory_space<semaphore_mem>>)
      tpu.wait_dma2 semaphore(%run_scoped3A : memref<!tpu.dma_semaphore, #tpu.memory_space<semaphore_mem>>) src(%arg2 : memref<10000xf32, #tpu.memory_space<hbm>>) dst(%arg8 : memref<10000xf32, #tpu.memory_space<vmem>>)
      tpu.yield
    }) : () -> ()
    "tpu.region"() ({
      %run_scoped3A = tpu.sem_alloc : memref<!tpu.dma_semaphore, #tpu.memory_space<semaphore_mem>>
      tpu.enqueue_dma source(%arg3 : memref<10000xf32, #tpu.memory_space<hbm>>) target(%arg9 : memref<10000xf32, #tpu.memory_space<vmem>>) target_semaphore(%run_scoped3A : memref<!tpu.dma_semaphore, #tpu.memory_space<semaphore_mem>>)
      tpu.wait_dma2 semaphore(%run_scoped3A : memref<!tpu.dma_semaphore, #tpu.memory_space<semaphore_mem>>) src(%arg3 : memref<10000xf32, #tpu.memory_space<hbm>>) dst(%arg9 : memref<10000xf32, #tpu.memory_space<vmem>>)
      tpu.yield
    }) : () -> ()
    "tpu.region"() ({
      %run_scoped3A = tpu.sem_alloc : memref<!tpu.dma_semaphore, #tpu.memory_space<semaphore_mem>>
      tpu.enqueue_dma source(%arg4 : memref<10000xf32, #tpu.memory_space<hbm>>) target(%arg10 : memref<10000xf32, #tpu.memory_space<vmem>>) target_semaphore(%run_scoped3A : memref<!tpu.dma_semaphore, #tpu.memory_space<semaphore_mem>>)
      tpu.wait_dma2 semaphore(%run_scoped3A : memref<!tpu.dma_semaphore, #tpu.memory_space<semaphore_mem>>) src(%arg4 : memref<10000xf32, #tpu.memory_space<hbm>>) dst(%arg10 : memref<10000xf32, #tpu.memory_space<vmem>>)
      tpu.yield
    }) : () -> ()
    %scan3A = arith.constant 0 : i32
    %scan3A_1 = arith.constant 40 : i32
    %scan3A_2 = arith.addi %scan3A, %scan3A_1 : i32
    %scan3A_3 = arith.constant 1 : i32
    scf.for %scan3A_5 = %scan3A to %scan3A_2 step %scan3A_3  : i32 {
      %mul3A_6 = arith.constant 1 : i32
      %mul3A_7 = arith.muli %scan3A_5, %mul3A_6 : i32
      %add3A_8 = arith.constant 0 : i32
      %add3A_9 = arith.addi %add3A_8, %mul3A_7 : i32
      %mul3A_10 = arith.constant 32 : i32
      %mul3A_11 = arith.muli %add3A_9, %mul3A_10 : i32
      %add3A_12 = arith.addi %add3A, %mul3A_11 : i32
      %lt3A = arith.constant 1250 : i32
      %lt3A_13 = arith.cmpi slt, %add3A_12, %lt3A : i32
      %convert_element_type3A = arith.extui %lt3A_13 : i1 to i32
      %cond3A = arith.constant 0 : i32
      %cond3A_14 = arith.cmpi ne, %convert_element_type3A, %cond3A : i32
      scf.if %cond3A_14 {
        %mul3A_15 = arith.constant 128 : i32
        %mul3A_16 = arith.muli %add3A_12, %mul3A_15 : i32
        "tpu.region"() ({
          %run_scoped3A = tpu.sem_alloc : memref<!tpu.dma_semaphore, #tpu.memory_space<semaphore_mem>>
          %dma_start3A = tpu.memref_slice %arg5[%mul3A_16] : memref<160000xi32, #tpu.memory_space<hbm>> -> memref<128xi32, #tpu.memory_space<hbm>>
          %dma_start3A_22 = tpu.memref_slice %arg5[%mul3A_16] : memref<160000xi32, #tpu.memory_space<hbm>> -> memref<128xi32, #tpu.memory_space<hbm>>
          tpu.enqueue_dma source(%dma_start3A_22 : memref<128xi32, #tpu.memory_space<hbm>>) target(%arg11 : memref<128xi32, #tpu.memory_space<vmem>>) target_semaphore(%run_scoped3A : memref<!tpu.dma_semaphore, #tpu.memory_space<semaphore_mem>>)
          %dma_wait3A = tpu.memref_slice %arg5[%mul3A_16] : memref<160000xi32, #tpu.memory_space<hbm>> -> memref<128xi32, #tpu.memory_space<hbm>>
          %dma_wait3A_23 = tpu.memref_slice %arg5[%mul3A_16] : memref<160000xi32, #tpu.memory_space<hbm>> -> memref<128xi32, #tpu.memory_space<hbm>>
          tpu.wait_dma2 semaphore(%run_scoped3A : memref<!tpu.dma_semaphore, #tpu.memory_space<semaphore_mem>>) src(%dma_wait3A_23 : memref<128xi32, #tpu.memory_space<hbm>>) dst(%arg11 : memref<128xi32, #tpu.memory_space<vmem>>)
          tpu.yield
        }) : () -> ()
        "tpu.region"() ({
          %run_scoped3A = tpu.sem_alloc : memref<!tpu.dma_semaphore, #tpu.memory_space<semaphore_mem>>
          %dma_start3A = tpu.memref_slice %arg6[%mul3A_16] : memref<160000xi32, #tpu.memory_space<hbm>> -> memref<128xi32, #tpu.memory_space<hbm>>
          %dma_start3A_22 = tpu.memref_slice %arg6[%mul3A_16] : memref<160000xi32, #tpu.memory_space<hbm>> -> memref<128xi32, #tpu.memory_space<hbm>>
          tpu.enqueue_dma source(%dma_start3A_22 : memref<128xi32, #tpu.memory_space<hbm>>) target(%arg12 : memref<128xi32, #tpu.memory_space<vmem>>) target_semaphore(%run_scoped3A : memref<!tpu.dma_semaphore, #tpu.memory_space<semaphore_mem>>)
          %dma_wait3A = tpu.memref_slice %arg6[%mul3A_16] : memref<160000xi32, #tpu.memory_space<hbm>> -> memref<128xi32, #tpu.memory_space<hbm>>
          %dma_wait3A_23 = tpu.memref_slice %arg6[%mul3A_16] : memref<160000xi32, #tpu.memory_space<hbm>> -> memref<128xi32, #tpu.memory_space<hbm>>
          tpu.wait_dma2 semaphore(%run_scoped3A : memref<!tpu.dma_semaphore, #tpu.memory_space<semaphore_mem>>) src(%dma_wait3A_23 : memref<128xi32, #tpu.memory_space<hbm>>) dst(%arg12 : memref<128xi32, #tpu.memory_space<vmem>>)
          tpu.yield
        }) : () -> ()
        %scan3A_17 = arith.constant 0 : i32
        %scan3A_18 = arith.constant 8 : i32
        %scan3A_19 = arith.addi %scan3A_17, %scan3A_18 : i32
        %scan3A_20 = arith.constant 1 : i32
        scf.for %scan3A_22 = %scan3A_17 to %scan3A_19 step %scan3A_20  : i32 {
          %mul3A_23 = arith.constant 16 : i32
          %mul3A_24 = arith.muli %scan3A_22, %mul3A_23 : i32
          %add3A_25 = arith.constant 0 : i32
          %add3A_26 = arith.addi %add3A_25, %mul3A_24 : i32
          %get3A = arith.index_cast %add3A_26 : i32 to index
          %get3A_27 = tpu.vector_load %arg11[%get3A] {strides = array<i32>} : memref<128xi32, #tpu.memory_space<vmem>>, vector<16xi32>,
          %get3A_28 = arith.index_cast %add3A_26 : i32 to index
          %get3A_29 = tpu.vector_load %arg12[%get3A_28] {strides = array<i32>} : memref<128xi32, #tpu.memory_space<vmem>>, vector<16xi32>,
          %broadcast_in_dim3A = arith.constant 0.000000e+00 : f32
          %broadcast_in_dim3A_30 = vector.broadcast %broadcast_in_dim3A : f32 to vector<16xf32>
          %gather3A = tpu.vector_load_idx %arg8[%get3A_27] : memref<10000xf32, #tpu.memory_space<vmem>>[vector<16xi32>], vector<16xf32>,
          %gather3A_31 = tpu.vector_load_idx %arg8[%get3A_29] : memref<10000xf32, #tpu.memory_space<vmem>>[vector<16xi32>], vector<16xf32>,
          %sub3A = arith.subf %gather3A, %gather3A_31 : vector<16xf32>
          %mul3A_32 = arith.mulf %sub3A, %sub3A : vector<16xf32>
          %add3A_33 = arith.addf %broadcast_in_dim3A_30, %mul3A_32 : vector<16xf32>
          %gather3A_34 = tpu.vector_load_idx %arg9[%get3A_27] : memref<10000xf32, #tpu.memory_space<vmem>>[vector<16xi32>], vector<16xf32>,
          %gather3A_35 = tpu.vector_load_idx %arg9[%get3A_29] : memref<10000xf32, #tpu.memory_space<vmem>>[vector<16xi32>], vector<16xf32>,
          %sub3A_36 = arith.subf %gather3A_34, %gather3A_35 : vector<16xf32>
          %mul3A_37 = arith.mulf %sub3A_36, %sub3A_36 : vector<16xf32>
          %add3A_38 = arith.addf %add3A_33, %mul3A_37 : vector<16xf32>
          %gather3A_39 = tpu.vector_load_idx %arg10[%get3A_27] : memref<10000xf32, #tpu.memory_space<vmem>>[vector<16xi32>], vector<16xf32>,
          %gather3A_40 = tpu.vector_load_idx %arg10[%get3A_29] : memref<10000xf32, #tpu.memory_space<vmem>>[vector<16xi32>], vector<16xf32>,
          %sub3A_41 = arith.subf %gather3A_39, %gather3A_40 : vector<16xf32>
          %mul3A_42 = arith.mulf %sub3A_41, %sub3A_41 : vector<16xf32>
          %add3A_43 = arith.addf %add3A_38, %mul3A_42 : vector<16xf32>
          %swap3A = arith.index_cast %add3A_26 : i32 to index
          %swap3A_44 = tpu.vector_load %arg13[%swap3A] {strides = array<i32>} : memref<128xf32, #tpu.memory_space<vmem>>, vector<16xf32>,
          tpu.vector_store %arg13[%swap3A], %add3A_43 {strides = array<i32>} : memref<128xf32, #tpu.memory_space<vmem>>, vector<16xf32>,
        }
        %scan3A_21 = arith.constant 8 : i32
        "tpu.region"() ({
          %run_scoped3A = tpu.sem_alloc : memref<!tpu.dma_semaphore, #tpu.memory_space<semaphore_mem>>
          %dma_start3A = arith.constant 0 : i32
          %dma_start3A_22 = tpu.memref_slice %arg7[%add3A_12, %dma_start3A] : memref<1250x128xf32, #tpu.memory_space<hbm>> -> memref<1x128xf32, #tpu.memory_space<hbm>>
          %dma_start3A_23 = tpu.memref_squeeze %dma_start3A_22 : memref<1x128xf32, #tpu.memory_space<hbm>> -> memref<128xf32, #tpu.memory_space<hbm>>
          %dma_start3A_24 = arith.constant 0 : i32
          %dma_start3A_25 = tpu.memref_slice %arg7[%add3A_12, %dma_start3A_24] : memref<1250x128xf32, #tpu.memory_space<hbm>> -> memref<1x128xf32, #tpu.memory_space<hbm>>
          %dma_start3A_26 = tpu.memref_squeeze %dma_start3A_25 : memref<1x128xf32, #tpu.memory_space<hbm>> -> memref<128xf32, #tpu.memory_space<hbm>>
          tpu.enqueue_dma source(%arg13 : memref<128xf32, #tpu.memory_space<vmem>>) target(%dma_start3A_26 : memref<128xf32, #tpu.memory_space<hbm>>) target_semaphore(%run_scoped3A : memref<!tpu.dma_semaphore, #tpu.memory_space<semaphore_mem>>)
          %dma_wait3A = arith.constant 0 : i32
          %dma_wait3A_27 = tpu.memref_slice %arg7[%add3A_12, %dma_wait3A] : memref<1250x128xf32, #tpu.memory_space<hbm>> -> memref<1x128xf32, #tpu.memory_space<hbm>>
          %dma_wait3A_28 = tpu.memref_squeeze %dma_wait3A_27 : memref<1x128xf32, #tpu.memory_space<hbm>> -> memref<128xf32, #tpu.memory_space<hbm>>
          %dma_wait3A_29 = arith.constant 0 : i32
          %dma_wait3A_30 = tpu.memref_slice %arg7[%add3A_12, %dma_wait3A_29] : memref<1250x128xf32, #tpu.memory_space<hbm>> -> memref<1x128xf32, #tpu.memory_space<hbm>>
          %dma_wait3A_31 = tpu.memref_squeeze %dma_wait3A_30 : memref<1x128xf32, #tpu.memory_space<hbm>> -> memref<128xf32, #tpu.memory_space<hbm>>
          tpu.wait_dma2 semaphore(%run_scoped3A : memref<!tpu.dma_semaphore, #tpu.memory_space<semaphore_mem>>) src(%arg13 : memref<128xf32, #tpu.memory_space<vmem>>) dst(%dma_wait3A_31 : memref<128xf32, #tpu.memory_space<hbm>>)
          tpu.yield
        }) : () -> ()
      } else {
      }
    }
    %scan3A_4 = arith.constant 40 : i32
    return
  }
}

#map = affine_map<(d0, d1) -> (0, 0)>
#map1 = affine_map<(d0, d1) -> (0)>
#map2 = affine_map<(d0, d1) -> (0, 0, 0)>
module attributes {stable_mosaic.version = 14 : i64} {
  func.func @_sc_layer(%arg0: i32, %arg1: i32, %arg2: memref<10000x128xf32, #tpu.memory_space<hbm>>, %arg3: memref<160000x128xf32, #tpu.memory_space<hbm>>, %arg4: memref<160000xi32, #tpu.memory_space<hbm>>, %arg5: memref<160000xi32, #tpu.memory_space<hbm>>, %arg6: memref<2x10240x128xf32, #tpu.memory_space<hbm>>, %arg7: memref<128xi32, #tpu.memory_space<vmem>>, %arg8: memref<2x128xi32, #tpu.memory_space<vmem>>, %arg9: memref<128x128xf32, #tpu.memory_space<vmem>>, %arg10: memref<128x128xf32, #tpu.memory_space<vmem>>, %arg11: memref<10240x128xf32, #tpu.memory_space<vmem_shared>>, %arg12: memref<!tpu.dma_semaphore, #tpu.memory_space<semaphore_mem>>, %arg13: memref<!tpu.dma_semaphore, #tpu.memory_space<semaphore_mem>>) attributes {dimension_semantics = [#tpu.dimension_semantics<core_parallel>, #tpu.dimension_semantics<subcore_parallel>], iteration_bounds = array<i64: 2, 16>, scalar_prefetch = 0 : i64, scratch_operands = 7 : i64, tpu.core_type = #tpu.core_type<sc_vector_subcore>, window_params = [{transform_indices = #map}, {transform_indices = #map}, {transform_indices = #map1}, {transform_indices = #map1}, {transform_indices = #map2}]} {
    %mul3A = arith.constant 2 : i32
    %mul3A_0 = arith.muli %arg1, %mul3A : i32
    %add3A = arith.addi %mul3A_0, %arg0 : i32
    %scan3A = arith.constant 0 : i32
    %scan3A_1 = arith.constant 128 : i32
    %scan3A_2 = arith.addi %scan3A, %scan3A_1 : i32
    %scan3A_3 = arith.constant 1 : i32
    scf.for %scan3A_50 = %scan3A to %scan3A_2 step %scan3A_3  : i32 {
      %mul3A_51 = arith.constant 1 : i32
      %mul3A_52 = arith.muli %scan3A_50, %mul3A_51 : i32
      %add3A_53 = arith.constant 0 : i32
      %add3A_54 = arith.addi %add3A_53, %mul3A_52 : i32
      %scan3A_55 = arith.constant 0 : i32
      %scan3A_56 = arith.constant 8 : i32
      %scan3A_57 = arith.addi %scan3A_55, %scan3A_56 : i32
      %scan3A_58 = arith.constant 1 : i32
      scf.for %scan3A_60 = %scan3A_55 to %scan3A_57 step %scan3A_58  : i32 {
        %mul3A_61 = arith.constant 16 : i32
        %mul3A_62 = arith.muli %scan3A_60, %mul3A_61 : i32
        %add3A_63 = arith.constant 0 : i32
        %add3A_64 = arith.addi %add3A_63, %mul3A_62 : i32
        %broadcast_in_dim3A = arith.constant 0.000000e+00 : f32
        %broadcast_in_dim3A_65 = vector.broadcast %broadcast_in_dim3A : f32 to vector<16xf32>
        %swap3A = arith.index_cast %add3A_54 : i32 to index
        %swap3A_66 = arith.index_cast %add3A_64 : i32 to index
        %swap3A_67 = tpu.vector_load %arg9[%swap3A, %swap3A_66] {strides = array<i32>} : memref<128x128xf32, #tpu.memory_space<vmem>>, vector<16xf32>,
        tpu.vector_store %arg9[%swap3A, %swap3A_66], %broadcast_in_dim3A_65 {strides = array<i32>} : memref<128x128xf32, #tpu.memory_space<vmem>>, vector<16xf32>,
      }
      %scan3A_59 = arith.constant 8 : i32
    }
    %scan3A_4 = arith.constant 128 : i32
    %mul3A_5 = arith.constant 640 : i32
    %mul3A_6 = arith.muli %arg1, %mul3A_5 : i32
    %add3A_7 = arith.constant 0 : i32
    %add3A_8 = arith.addi %mul3A_6, %add3A_7 : i32
    "tpu.region"() ({
      %run_scoped3A = tpu.sem_alloc : memref<!tpu.dma_semaphore, #tpu.memory_space<semaphore_mem>>
      %dma_start3A = arith.constant 0 : i32
      %dma_start3A_50 = tpu.memref_slice %arg11[%add3A_8, %dma_start3A] : memref<10240x128xf32, #tpu.memory_space<vmem_shared>> -> memref<128x128xf32, #tpu.memory_space<vmem_shared>>
      %dma_start3A_51 = arith.constant 0 : i32
      %dma_start3A_52 = tpu.memref_slice %arg11[%add3A_8, %dma_start3A_51] : memref<10240x128xf32, #tpu.memory_space<vmem_shared>> -> memref<128x128xf32, #tpu.memory_space<vmem_shared>>
      tpu.enqueue_dma source(%arg9 : memref<128x128xf32, #tpu.memory_space<vmem>>) target(%dma_start3A_52 : memref<128x128xf32, #tpu.memory_space<vmem_shared>>) target_semaphore(%run_scoped3A : memref<!tpu.dma_semaphore, #tpu.memory_space<semaphore_mem>>)
      %dma_wait3A = arith.constant 0 : i32
      %dma_wait3A_53 = tpu.memref_slice %arg11[%add3A_8, %dma_wait3A] : memref<10240x128xf32, #tpu.memory_space<vmem_shared>> -> memref<128x128xf32, #tpu.memory_space<vmem_shared>>
      %dma_wait3A_54 = arith.constant 0 : i32
      %dma_wait3A_55 = tpu.memref_slice %arg11[%add3A_8, %dma_wait3A_54] : memref<10240x128xf32, #tpu.memory_space<vmem_shared>> -> memref<128x128xf32, #tpu.memory_space<vmem_shared>>
      tpu.wait_dma2 semaphore(%run_scoped3A : memref<!tpu.dma_semaphore, #tpu.memory_space<semaphore_mem>>) src(%arg9 : memref<128x128xf32, #tpu.memory_space<vmem>>) dst(%dma_wait3A_55 : memref<128x128xf32, #tpu.memory_space<vmem_shared>>)
      tpu.yield
    }) : () -> ()
    %add3A_9 = arith.constant 128 : i32
    %add3A_10 = arith.addi %mul3A_6, %add3A_9 : i32
    "tpu.region"() ({
      %run_scoped3A = tpu.sem_alloc : memref<!tpu.dma_semaphore, #tpu.memory_space<semaphore_mem>>
      %dma_start3A = arith.constant 0 : i32
      %dma_start3A_50 = tpu.memref_slice %arg11[%add3A_10, %dma_start3A] : memref<10240x128xf32, #tpu.memory_space<vmem_shared>> -> memref<128x128xf32, #tpu.memory_space<vmem_shared>>
      %dma_start3A_51 = arith.constant 0 : i32
      %dma_start3A_52 = tpu.memref_slice %arg11[%add3A_10, %dma_start3A_51] : memref<10240x128xf32, #tpu.memory_space<vmem_shared>> -> memref<128x128xf32, #tpu.memory_space<vmem_shared>>
      tpu.enqueue_dma source(%arg9 : memref<128x128xf32, #tpu.memory_space<vmem>>) target(%dma_start3A_52 : memref<128x128xf32, #tpu.memory_space<vmem_shared>>) target_semaphore(%run_scoped3A : memref<!tpu.dma_semaphore, #tpu.memory_space<semaphore_mem>>)
      %dma_wait3A = arith.constant 0 : i32
      %dma_wait3A_53 = tpu.memref_slice %arg11[%add3A_10, %dma_wait3A] : memref<10240x128xf32, #tpu.memory_space<vmem_shared>> -> memref<128x128xf32, #tpu.memory_space<vmem_shared>>
      %dma_wait3A_54 = arith.constant 0 : i32
      %dma_wait3A_55 = tpu.memref_slice %arg11[%add3A_10, %dma_wait3A_54] : memref<10240x128xf32, #tpu.memory_space<vmem_shared>> -> memref<128x128xf32, #tpu.memory_space<vmem_shared>>
      tpu.wait_dma2 semaphore(%run_scoped3A : memref<!tpu.dma_semaphore, #tpu.memory_space<semaphore_mem>>) src(%arg9 : memref<128x128xf32, #tpu.memory_space<vmem>>) dst(%dma_wait3A_55 : memref<128x128xf32, #tpu.memory_space<vmem_shared>>)
      tpu.yield
    }) : () -> ()
    %add3A_11 = arith.constant 256 : i32
    %add3A_12 = arith.addi %mul3A_6, %add3A_11 : i32
    "tpu.region"() ({
      %run_scoped3A = tpu.sem_alloc : memref<!tpu.dma_semaphore, #tpu.memory_space<semaphore_mem>>
      %dma_start3A = arith.constant 0 : i32
      %dma_start3A_50 = tpu.memref_slice %arg11[%add3A_12, %dma_start3A] : memref<10240x128xf32, #tpu.memory_space<vmem_shared>> -> memref<128x128xf32, #tpu.memory_space<vmem_shared>>
      %dma_start3A_51 = arith.constant 0 : i32
      %dma_start3A_52 = tpu.memref_slice %arg11[%add3A_12, %dma_start3A_51] : memref<10240x128xf32, #tpu.memory_space<vmem_shared>> -> memref<128x128xf32, #tpu.memory_space<vmem_shared>>
      tpu.enqueue_dma source(%arg9 : memref<128x128xf32, #tpu.memory_space<vmem>>) target(%dma_start3A_52 : memref<128x128xf32, #tpu.memory_space<vmem_shared>>) target_semaphore(%run_scoped3A : memref<!tpu.dma_semaphore, #tpu.memory_space<semaphore_mem>>)
      %dma_wait3A = arith.constant 0 : i32
      %dma_wait3A_53 = tpu.memref_slice %arg11[%add3A_12, %dma_wait3A] : memref<10240x128xf32, #tpu.memory_space<vmem_shared>> -> memref<128x128xf32, #tpu.memory_space<vmem_shared>>
      %dma_wait3A_54 = arith.constant 0 : i32
      %dma_wait3A_55 = tpu.memref_slice %arg11[%add3A_12, %dma_wait3A_54] : memref<10240x128xf32, #tpu.memory_space<vmem_shared>> -> memref<128x128xf32, #tpu.memory_space<vmem_shared>>
      tpu.wait_dma2 semaphore(%run_scoped3A : memref<!tpu.dma_semaphore, #tpu.memory_space<semaphore_mem>>) src(%arg9 : memref<128x128xf32, #tpu.memory_space<vmem>>) dst(%dma_wait3A_55 : memref<128x128xf32, #tpu.memory_space<vmem_shared>>)
      tpu.yield
    }) : () -> ()
    %add3A_13 = arith.constant 384 : i32
    %add3A_14 = arith.addi %mul3A_6, %add3A_13 : i32
    "tpu.region"() ({
      %run_scoped3A = tpu.sem_alloc : memref<!tpu.dma_semaphore, #tpu.memory_space<semaphore_mem>>
      %dma_start3A = arith.constant 0 : i32
      %dma_start3A_50 = tpu.memref_slice %arg11[%add3A_14, %dma_start3A] : memref<10240x128xf32, #tpu.memory_space<vmem_shared>> -> memref<128x128xf32, #tpu.memory_space<vmem_shared>>
      %dma_start3A_51 = arith.constant 0 : i32
      %dma_start3A_52 = tpu.memref_slice %arg11[%add3A_14, %dma_start3A_51] : memref<10240x128xf32, #tpu.memory_space<vmem_shared>> -> memref<128x128xf32, #tpu.memory_space<vmem_shared>>
      tpu.enqueue_dma source(%arg9 : memref<128x128xf32, #tpu.memory_space<vmem>>) target(%dma_start3A_52 : memref<128x128xf32, #tpu.memory_space<vmem_shared>>) target_semaphore(%run_scoped3A : memref<!tpu.dma_semaphore, #tpu.memory_space<semaphore_mem>>)
      %dma_wait3A = arith.constant 0 : i32
      %dma_wait3A_53 = tpu.memref_slice %arg11[%add3A_14, %dma_wait3A] : memref<10240x128xf32, #tpu.memory_space<vmem_shared>> -> memref<128x128xf32, #tpu.memory_space<vmem_shared>>
      %dma_wait3A_54 = arith.constant 0 : i32
      %dma_wait3A_55 = tpu.memref_slice %arg11[%add3A_14, %dma_wait3A_54] : memref<10240x128xf32, #tpu.memory_space<vmem_shared>> -> memref<128x128xf32, #tpu.memory_space<vmem_shared>>
      tpu.wait_dma2 semaphore(%run_scoped3A : memref<!tpu.dma_semaphore, #tpu.memory_space<semaphore_mem>>) src(%arg9 : memref<128x128xf32, #tpu.memory_space<vmem>>) dst(%dma_wait3A_55 : memref<128x128xf32, #tpu.memory_space<vmem_shared>>)
      tpu.yield
    }) : () -> ()
    %add3A_15 = arith.constant 512 : i32
    %add3A_16 = arith.addi %mul3A_6, %add3A_15 : i32
    "tpu.region"() ({
      %run_scoped3A = tpu.sem_alloc : memref<!tpu.dma_semaphore, #tpu.memory_space<semaphore_mem>>
      %dma_start3A = arith.constant 0 : i32
      %dma_start3A_50 = tpu.memref_slice %arg11[%add3A_16, %dma_start3A] : memref<10240x128xf32, #tpu.memory_space<vmem_shared>> -> memref<128x128xf32, #tpu.memory_space<vmem_shared>>
      %dma_start3A_51 = arith.constant 0 : i32
      %dma_start3A_52 = tpu.memref_slice %arg11[%add3A_16, %dma_start3A_51] : memref<10240x128xf32, #tpu.memory_space<vmem_shared>> -> memref<128x128xf32, #tpu.memory_space<vmem_shared>>
      tpu.enqueue_dma source(%arg9 : memref<128x128xf32, #tpu.memory_space<vmem>>) target(%dma_start3A_52 : memref<128x128xf32, #tpu.memory_space<vmem_shared>>) target_semaphore(%run_scoped3A : memref<!tpu.dma_semaphore, #tpu.memory_space<semaphore_mem>>)
      %dma_wait3A = arith.constant 0 : i32
      %dma_wait3A_53 = tpu.memref_slice %arg11[%add3A_16, %dma_wait3A] : memref<10240x128xf32, #tpu.memory_space<vmem_shared>> -> memref<128x128xf32, #tpu.memory_space<vmem_shared>>
      %dma_wait3A_54 = arith.constant 0 : i32
      %dma_wait3A_55 = tpu.memref_slice %arg11[%add3A_16, %dma_wait3A_54] : memref<10240x128xf32, #tpu.memory_space<vmem_shared>> -> memref<128x128xf32, #tpu.memory_space<vmem_shared>>
      tpu.wait_dma2 semaphore(%run_scoped3A : memref<!tpu.dma_semaphore, #tpu.memory_space<semaphore_mem>>) src(%arg9 : memref<128x128xf32, #tpu.memory_space<vmem>>) dst(%dma_wait3A_55 : memref<128x128xf32, #tpu.memory_space<vmem_shared>>)
      tpu.yield
    }) : () -> ()
    %barrier3A = arith.constant 0 : index
    tpu.barrier barrier_id(%barrier3A)
    %scan3A_17 = arith.constant 0 : i32
    %scan3A_18 = arith.constant 20 : i32
    %scan3A_19 = arith.addi %scan3A_17, %scan3A_18 : i32
    %scan3A_20 = arith.constant 1 : i32
    scf.for %scan3A_50 = %scan3A_17 to %scan3A_19 step %scan3A_20  : i32 {
      %mul3A_51 = arith.constant 2 : i32
      %mul3A_52 = arith.muli %scan3A_50, %mul3A_51 : i32
      %add3A_53 = arith.constant 0 : i32
      %add3A_54 = arith.addi %add3A_53, %mul3A_52 : i32
      %add3A_55 = arith.constant 0 : i32
      %add3A_56 = arith.addi %add3A_54, %add3A_55 : i32
      %mul3A_57 = arith.constant 32 : i32
      %mul3A_58 = arith.muli %add3A_56, %mul3A_57 : i32
      %add3A_59 = arith.addi %add3A, %mul3A_58 : i32
      %lt3A_60 = arith.constant 1250 : i32
      %lt3A_61 = arith.cmpi slt, %add3A_59, %lt3A_60 : i32
      %convert_element_type3A_62 = arith.extui %lt3A_61 : i1 to i32
      %cond3A_63 = arith.constant 0 : i32
      %cond3A_64 = arith.cmpi ne, %convert_element_type3A_62, %cond3A_63 : i32
      scf.if %cond3A_64 {
        %mul3A_75 = arith.constant 128 : i32
        %mul3A_76 = arith.muli %add3A_59, %mul3A_75 : i32
        "tpu.region"() ({
          %run_scoped3A_97 = tpu.sem_alloc : memref<!tpu.dma_semaphore, #tpu.memory_space<semaphore_mem>>
          %dma_start3A_98 = tpu.memref_slice %arg4[%mul3A_76] : memref<160000xi32, #tpu.memory_space<hbm>> -> memref<128xi32, #tpu.memory_space<hbm>>
          %dma_start3A_99 = tpu.memref_slice %arg4[%mul3A_76] : memref<160000xi32, #tpu.memory_space<hbm>> -> memref<128xi32, #tpu.memory_space<hbm>>
          tpu.enqueue_dma source(%dma_start3A_99 : memref<128xi32, #tpu.memory_space<hbm>>) target(%arg7 : memref<128xi32, #tpu.memory_space<vmem>>) target_semaphore(%run_scoped3A_97 : memref<!tpu.dma_semaphore, #tpu.memory_space<semaphore_mem>>)
          %dma_wait3A_100 = tpu.memref_slice %arg4[%mul3A_76] : memref<160000xi32, #tpu.memory_space<hbm>> -> memref<128xi32, #tpu.memory_space<hbm>>
          %dma_wait3A_101 = tpu.memref_slice %arg4[%mul3A_76] : memref<160000xi32, #tpu.memory_space<hbm>> -> memref<128xi32, #tpu.memory_space<hbm>>
          tpu.wait_dma2 semaphore(%run_scoped3A_97 : memref<!tpu.dma_semaphore, #tpu.memory_space<semaphore_mem>>) src(%dma_wait3A_101 : memref<128xi32, #tpu.memory_space<hbm>>) dst(%arg7 : memref<128xi32, #tpu.memory_space<vmem>>)
          tpu.yield
        }) : () -> ()
        %run_scoped3A = arith.constant 0 : i32
        "tpu.region"() ({
          %run_scoped3A_97 = tpu.sem_alloc : memref<!tpu.dma_semaphore, #tpu.memory_space<semaphore_mem>>
          %dma_start3A_98 = arith.constant 0 : i32
          %dma_start3A_99 = tpu.memref_slice %arg8[%run_scoped3A, %dma_start3A_98] : memref<2x128xi32, #tpu.memory_space<vmem>> -> memref<1x128xi32, #tpu.memory_space<vmem>>
          %dma_start3A_100 = tpu.memref_squeeze %dma_start3A_99 : memref<1x128xi32, #tpu.memory_space<vmem>> -> memref<128xi32, #tpu.memory_space<vmem>>
          %dma_start3A_101 = tpu.memref_slice %arg5[%mul3A_76] : memref<160000xi32, #tpu.memory_space<hbm>> -> memref<128xi32, #tpu.memory_space<hbm>>
          %dma_start3A_102 = arith.constant 0 : i32
          %dma_start3A_103 = tpu.memref_slice %arg8[%run_scoped3A, %dma_start3A_102] : memref<2x128xi32, #tpu.memory_space<vmem>> -> memref<1x128xi32, #tpu.memory_space<vmem>>
          %dma_start3A_104 = tpu.memref_squeeze %dma_start3A_103 : memref<1x128xi32, #tpu.memory_space<vmem>> -> memref<128xi32, #tpu.memory_space<vmem>>
          %dma_start3A_105 = tpu.memref_slice %arg5[%mul3A_76] : memref<160000xi32, #tpu.memory_space<hbm>> -> memref<128xi32, #tpu.memory_space<hbm>>
          tpu.enqueue_dma source(%dma_start3A_105 : memref<128xi32, #tpu.memory_space<hbm>>) target(%dma_start3A_104 : memref<128xi32, #tpu.memory_space<vmem>>) target_semaphore(%run_scoped3A_97 : memref<!tpu.dma_semaphore, #tpu.memory_space<semaphore_mem>>)
          %dma_wait3A_106 = arith.constant 0 : i32
          %dma_wait3A_107 = tpu.memref_slice %arg8[%run_scoped3A, %dma_wait3A_106] : memref<2x128xi32, #tpu.memory_space<vmem>> -> memref<1x128xi32, #tpu.memory_space<vmem>>
          %dma_wait3A_108 = tpu.memref_squeeze %dma_wait3A_107 : memref<1x128xi32, #tpu.memory_space<vmem>> -> memref<128xi32, #tpu.memory_space<vmem>>
          %dma_wait3A_109 = tpu.memref_slice %arg5[%mul3A_76] : memref<160000xi32, #tpu.memory_space<hbm>> -> memref<128xi32, #tpu.memory_space<hbm>>
          %dma_wait3A_110 = arith.constant 0 : i32
          %dma_wait3A_111 = tpu.memref_slice %arg8[%run_scoped3A, %dma_wait3A_110] : memref<2x128xi32, #tpu.memory_space<vmem>> -> memref<1x128xi32, #tpu.memory_space<vmem>>
          %dma_wait3A_112 = tpu.memref_squeeze %dma_wait3A_111 : memref<1x128xi32, #tpu.memory_space<vmem>> -> memref<128xi32, #tpu.memory_space<vmem>>
          %dma_wait3A_113 = tpu.memref_slice %arg5[%mul3A_76] : memref<160000xi32, #tpu.memory_space<hbm>> -> memref<128xi32, #tpu.memory_space<hbm>>
          tpu.wait_dma2 semaphore(%run_scoped3A_97 : memref<!tpu.dma_semaphore, #tpu.memory_space<semaphore_mem>>) src(%dma_wait3A_113 : memref<128xi32, #tpu.memory_space<hbm>>) dst(%dma_wait3A_112 : memref<128xi32, #tpu.memory_space<vmem>>)
          tpu.yield
        }) : () -> ()
        %ge3A = arith.constant 1 : i32
        %ge3A_77 = arith.cmpi sge, %add3A_56, %ge3A : i32
        %convert_element_type3A_78 = arith.extui %ge3A_77 : i1 to i32
        %cond3A_79 = arith.constant 0 : i32
        %cond3A_80 = arith.cmpi ne, %convert_element_type3A_78, %cond3A_79 : i32
        scf.if %cond3A_80 {
          %dma_wait3A_97 = arith.constant 1 : i32
          %dma_wait3A_98 = arith.constant 0 : i32
          %dma_wait3A_99 = tpu.memref_slice %arg8[%dma_wait3A_97, %dma_wait3A_98] : memref<2x128xi32, #tpu.memory_space<vmem>> -> memref<1x128xi32, #tpu.memory_space<vmem>>
          %dma_wait3A_100 = tpu.memref_squeeze %dma_wait3A_99 : memref<1x128xi32, #tpu.memory_space<vmem>> -> memref<128xi32, #tpu.memory_space<vmem>>
          %dma_wait3A_101 = arith.constant 0 : i32
          %dma_wait3A_102 = arith.constant 0 : i32
          %dma_wait3A_103 = tpu.memref_slice %arg11[%dma_wait3A_101, %dma_wait3A_102] : memref<10240x128xf32, #tpu.memory_space<vmem_shared>> -> memref<10240x128xf32, #tpu.memory_space<vmem_shared>>
          tpu.wait_indirect_dma semaphore(%arg13 : memref<!tpu.dma_semaphore, #tpu.memory_space<semaphore_mem>>) src(%arg9 : memref<128x128xf32, #tpu.memory_space<vmem>>) dst(%dma_wait3A_103 : memref<10240x128xf32, #tpu.memory_space<vmem_shared>>)
        } else {
        }
        %dma_start3A = arith.constant 0 : i32
        %dma_start3A_81 = arith.constant 0 : i32
        %dma_start3A_82 = tpu.memref_slice %arg2[%dma_start3A, %dma_start3A_81] : memref<10000x128xf32, #tpu.memory_space<hbm>> -> memref<10000x128xf32, #tpu.memory_space<hbm>>
        tpu.enqueue_indirect_dma source(%dma_start3A_82 : memref<10000x128xf32, #tpu.memory_space<hbm>>) target(%arg9 : memref<128x128xf32, #tpu.memory_space<vmem>>) offsets(%arg7 : memref<128xi32, #tpu.memory_space<vmem>>) semaphore(%arg12 : memref<!tpu.dma_semaphore, #tpu.memory_space<semaphore_mem>>)
        "tpu.region"() ({
          %run_scoped3A_97 = tpu.sem_alloc : memref<!tpu.dma_semaphore, #tpu.memory_space<semaphore_mem>>
          %dma_start3A_98 = arith.constant 0 : i32
          %dma_start3A_99 = tpu.memref_slice %arg3[%mul3A_76, %dma_start3A_98] : memref<160000x128xf32, #tpu.memory_space<hbm>> -> memref<128x128xf32, #tpu.memory_space<hbm>>
          %dma_start3A_100 = arith.constant 0 : i32
          %dma_start3A_101 = tpu.memref_slice %arg3[%mul3A_76, %dma_start3A_100] : memref<160000x128xf32, #tpu.memory_space<hbm>> -> memref<128x128xf32, #tpu.memory_space<hbm>>
          tpu.enqueue_dma source(%dma_start3A_101 : memref<128x128xf32, #tpu.memory_space<hbm>>) target(%arg10 : memref<128x128xf32, #tpu.memory_space<vmem>>) target_semaphore(%run_scoped3A_97 : memref<!tpu.dma_semaphore, #tpu.memory_space<semaphore_mem>>)
          %dma_wait3A_102 = arith.constant 0 : i32
          %dma_wait3A_103 = tpu.memref_slice %arg3[%mul3A_76, %dma_wait3A_102] : memref<160000x128xf32, #tpu.memory_space<hbm>> -> memref<128x128xf32, #tpu.memory_space<hbm>>
          %dma_wait3A_104 = arith.constant 0 : i32
          %dma_wait3A_105 = tpu.memref_slice %arg3[%mul3A_76, %dma_wait3A_104] : memref<160000x128xf32, #tpu.memory_space<hbm>> -> memref<128x128xf32, #tpu.memory_space<hbm>>
          tpu.wait_dma2 semaphore(%run_scoped3A_97 : memref<!tpu.dma_semaphore, #tpu.memory_space<semaphore_mem>>) src(%dma_wait3A_105 : memref<128x128xf32, #tpu.memory_space<hbm>>) dst(%arg10 : memref<128x128xf32, #tpu.memory_space<vmem>>)
          tpu.yield
        }) : () -> ()
        %dma_wait3A = arith.constant 0 : i32
        %dma_wait3A_83 = arith.constant 0 : i32
        %dma_wait3A_84 = tpu.memref_slice %arg2[%dma_wait3A, %dma_wait3A_83] : memref<10000x128xf32, #tpu.memory_space<hbm>> -> memref<10000x128xf32, #tpu.memory_space<hbm>>
        tpu.wait_indirect_dma semaphore(%arg12 : memref<!tpu.dma_semaphore, #tpu.memory_space<semaphore_mem>>) src(%dma_wait3A_84 : memref<10000x128xf32, #tpu.memory_space<hbm>>) dst(%arg9 : memref<128x128xf32, #tpu.memory_space<vmem>>)
        %scan3A_85 = arith.constant 0 : i32
        %scan3A_86 = arith.constant 128 : i32
        %scan3A_87 = arith.addi %scan3A_85, %scan3A_86 : i32
        %scan3A_88 = arith.constant 1 : i32
        scf.for %scan3A_97 = %scan3A_85 to %scan3A_87 step %scan3A_88  : i32 {
          %mul3A_98 = arith.constant 1 : i32
          %mul3A_99 = arith.muli %scan3A_97, %mul3A_98 : i32
          %add3A_100 = arith.constant 0 : i32
          %add3A_101 = arith.addi %add3A_100, %mul3A_99 : i32
          %scan3A_102 = arith.constant 0 : i32
          %scan3A_103 = arith.constant 8 : i32
          %scan3A_104 = arith.addi %scan3A_102, %scan3A_103 : i32
          %scan3A_105 = arith.constant 1 : i32
          scf.for %scan3A_107 = %scan3A_102 to %scan3A_104 step %scan3A_105  : i32 {
            %mul3A_108 = arith.constant 16 : i32
            %mul3A_109 = arith.muli %scan3A_107, %mul3A_108 : i32
            %add3A_110 = arith.constant 0 : i32
            %add3A_111 = arith.addi %add3A_110, %mul3A_109 : i32
            %get3A = arith.index_cast %add3A_101 : i32 to index
            %get3A_112 = arith.index_cast %add3A_111 : i32 to index
            %get3A_113 = tpu.vector_load %arg9[%get3A, %get3A_112] {strides = array<i32>} : memref<128x128xf32, #tpu.memory_space<vmem>>, vector<16xf32>,
            %get3A_114 = arith.index_cast %add3A_101 : i32 to index
            %get3A_115 = arith.index_cast %add3A_111 : i32 to index
            %get3A_116 = tpu.vector_load %arg10[%get3A_114, %get3A_115] {strides = array<i32>} : memref<128x128xf32, #tpu.memory_space<vmem>>, vector<16xf32>,
            %mul3A_117 = arith.mulf %get3A_113, %get3A_116 : vector<16xf32>
            %swap3A = arith.index_cast %add3A_101 : i32 to index
            %swap3A_118 = arith.index_cast %add3A_111 : i32 to index
            %swap3A_119 = tpu.vector_load %arg9[%swap3A, %swap3A_118] {strides = array<i32>} : memref<128x128xf32, #tpu.memory_space<vmem>>, vector<16xf32>,
            tpu.vector_store %arg9[%swap3A, %swap3A_118], %mul3A_117 {strides = array<i32>} : memref<128x128xf32, #tpu.memory_space<vmem>>, vector<16xf32>,
          }
          %scan3A_106 = arith.constant 8 : i32
        }
        %scan3A_89 = arith.constant 128 : i32
        %dma_start3A_90 = arith.constant 0 : i32
        %dma_start3A_91 = arith.constant 0 : i32
        %dma_start3A_92 = tpu.memref_slice %arg8[%dma_start3A_90, %dma_start3A_91] : memref<2x128xi32, #tpu.memory_space<vmem>> -> memref<1x128xi32, #tpu.memory_space<vmem>>
        %dma_start3A_93 = tpu.memref_squeeze %dma_start3A_92 : memref<1x128xi32, #tpu.memory_space<vmem>> -> memref<128xi32, #tpu.memory_space<vmem>>
        %dma_start3A_94 = arith.constant 0 : i32
        %dma_start3A_95 = arith.constant 0 : i32
        %dma_start3A_96 = tpu.memref_slice %arg11[%dma_start3A_94, %dma_start3A_95] : memref<10240x128xf32, #tpu.memory_space<vmem_shared>> -> memref<10240x128xf32, #tpu.memory_space<vmem_shared>>
        tpu.enqueue_indirect_dma source(%arg9 : memref<128x128xf32, #tpu.memory_space<vmem>>) target(%dma_start3A_96 : memref<10240x128xf32, #tpu.memory_space<vmem_shared>>) offsets(%dma_start3A_93 : memref<128xi32, #tpu.memory_space<vmem>>) semaphore(%arg13 : memref<!tpu.dma_semaphore, #tpu.memory_space<semaphore_mem>>) {add = true}
      } else {
      }
      %add3A_65 = arith.constant 1 : i32
      %add3A_66 = arith.addi %add3A_54, %add3A_65 : i32
      %mul3A_67 = arith.constant 32 : i32
      %mul3A_68 = arith.muli %add3A_66, %mul3A_67 : i32
      %add3A_69 = arith.addi %add3A, %mul3A_68 : i32
      %lt3A_70 = arith.constant 1250 : i32
      %lt3A_71 = arith.cmpi slt, %add3A_69, %lt3A_70 : i32
      %convert_element_type3A_72 = arith.extui %lt3A_71 : i1 to i32
      %cond3A_73 = arith.constant 0 : i32
      %cond3A_74 = arith.cmpi ne, %convert_element_type3A_72, %cond3A_73 : i32
      scf.if %cond3A_74 {
        %mul3A_75 = arith.constant 128 : i32
        %mul3A_76 = arith.muli %add3A_69, %mul3A_75 : i32
        "tpu.region"() ({
          %run_scoped3A_97 = tpu.sem_alloc : memref<!tpu.dma_semaphore, #tpu.memory_space<semaphore_mem>>
          %dma_start3A_98 = tpu.memref_slice %arg4[%mul3A_76] : memref<160000xi32, #tpu.memory_space<hbm>> -> memref<128xi32, #tpu.memory_space<hbm>>
          %dma_start3A_99 = tpu.memref_slice %arg4[%mul3A_76] : memref<160000xi32, #tpu.memory_space<hbm>> -> memref<128xi32, #tpu.memory_space<hbm>>
          tpu.enqueue_dma source(%dma_start3A_99 : memref<128xi32, #tpu.memory_space<hbm>>) target(%arg7 : memref<128xi32, #tpu.memory_space<vmem>>) target_semaphore(%run_scoped3A_97 : memref<!tpu.dma_semaphore, #tpu.memory_space<semaphore_mem>>)
          %dma_wait3A_100 = tpu.memref_slice %arg4[%mul3A_76] : memref<160000xi32, #tpu.memory_space<hbm>> -> memref<128xi32, #tpu.memory_space<hbm>>
          %dma_wait3A_101 = tpu.memref_slice %arg4[%mul3A_76] : memref<160000xi32, #tpu.memory_space<hbm>> -> memref<128xi32, #tpu.memory_space<hbm>>
          tpu.wait_dma2 semaphore(%run_scoped3A_97 : memref<!tpu.dma_semaphore, #tpu.memory_space<semaphore_mem>>) src(%dma_wait3A_101 : memref<128xi32, #tpu.memory_space<hbm>>) dst(%arg7 : memref<128xi32, #tpu.memory_space<vmem>>)
          tpu.yield
        }) : () -> ()
        %run_scoped3A = arith.constant 1 : i32
        "tpu.region"() ({
          %run_scoped3A_97 = tpu.sem_alloc : memref<!tpu.dma_semaphore, #tpu.memory_space<semaphore_mem>>
          %dma_start3A_98 = arith.constant 0 : i32
          %dma_start3A_99 = tpu.memref_slice %arg8[%run_scoped3A, %dma_start3A_98] : memref<2x128xi32, #tpu.memory_space<vmem>> -> memref<1x128xi32, #tpu.memory_space<vmem>>
          %dma_start3A_100 = tpu.memref_squeeze %dma_start3A_99 : memref<1x128xi32, #tpu.memory_space<vmem>> -> memref<128xi32, #tpu.memory_space<vmem>>
          %dma_start3A_101 = tpu.memref_slice %arg5[%mul3A_76] : memref<160000xi32, #tpu.memory_space<hbm>> -> memref<128xi32, #tpu.memory_space<hbm>>
          %dma_start3A_102 = arith.constant 0 : i32
          %dma_start3A_103 = tpu.memref_slice %arg8[%run_scoped3A, %dma_start3A_102] : memref<2x128xi32, #tpu.memory_space<vmem>> -> memref<1x128xi32, #tpu.memory_space<vmem>>
          %dma_start3A_104 = tpu.memref_squeeze %dma_start3A_103 : memref<1x128xi32, #tpu.memory_space<vmem>> -> memref<128xi32, #tpu.memory_space<vmem>>
          %dma_start3A_105 = tpu.memref_slice %arg5[%mul3A_76] : memref<160000xi32, #tpu.memory_space<hbm>> -> memref<128xi32, #tpu.memory_space<hbm>>
          tpu.enqueue_dma source(%dma_start3A_105 : memref<128xi32, #tpu.memory_space<hbm>>) target(%dma_start3A_104 : memref<128xi32, #tpu.memory_space<vmem>>) target_semaphore(%run_scoped3A_97 : memref<!tpu.dma_semaphore, #tpu.memory_space<semaphore_mem>>)
          %dma_wait3A_106 = arith.constant 0 : i32
          %dma_wait3A_107 = tpu.memref_slice %arg8[%run_scoped3A, %dma_wait3A_106] : memref<2x128xi32, #tpu.memory_space<vmem>> -> memref<1x128xi32, #tpu.memory_space<vmem>>
          %dma_wait3A_108 = tpu.memref_squeeze %dma_wait3A_107 : memref<1x128xi32, #tpu.memory_space<vmem>> -> memref<128xi32, #tpu.memory_space<vmem>>
          %dma_wait3A_109 = tpu.memref_slice %arg5[%mul3A_76] : memref<160000xi32, #tpu.memory_space<hbm>> -> memref<128xi32, #tpu.memory_space<hbm>>
          %dma_wait3A_110 = arith.constant 0 : i32
          %dma_wait3A_111 = tpu.memref_slice %arg8[%run_scoped3A, %dma_wait3A_110] : memref<2x128xi32, #tpu.memory_space<vmem>> -> memref<1x128xi32, #tpu.memory_space<vmem>>
          %dma_wait3A_112 = tpu.memref_squeeze %dma_wait3A_111 : memref<1x128xi32, #tpu.memory_space<vmem>> -> memref<128xi32, #tpu.memory_space<vmem>>
          %dma_wait3A_113 = tpu.memref_slice %arg5[%mul3A_76] : memref<160000xi32, #tpu.memory_space<hbm>> -> memref<128xi32, #tpu.memory_space<hbm>>
          tpu.wait_dma2 semaphore(%run_scoped3A_97 : memref<!tpu.dma_semaphore, #tpu.memory_space<semaphore_mem>>) src(%dma_wait3A_113 : memref<128xi32, #tpu.memory_space<hbm>>) dst(%dma_wait3A_112 : memref<128xi32, #tpu.memory_space<vmem>>)
          tpu.yield
        }) : () -> ()
        %ge3A = arith.constant 1 : i32
        %ge3A_77 = arith.cmpi sge, %add3A_66, %ge3A : i32
        %convert_element_type3A_78 = arith.extui %ge3A_77 : i1 to i32
        %cond3A_79 = arith.constant 0 : i32
        %cond3A_80 = arith.cmpi ne, %convert_element_type3A_78, %cond3A_79 : i32
        scf.if %cond3A_80 {
          %dma_wait3A_97 = arith.constant 0 : i32
          %dma_wait3A_98 = arith.constant 0 : i32
          %dma_wait3A_99 = tpu.memref_slice %arg8[%dma_wait3A_97, %dma_wait3A_98] : memref<2x128xi32, #tpu.memory_space<vmem>> -> memref<1x128xi32, #tpu.memory_space<vmem>>
          %dma_wait3A_100 = tpu.memref_squeeze %dma_wait3A_99 : memref<1x128xi32, #tpu.memory_space<vmem>> -> memref<128xi32, #tpu.memory_space<vmem>>
          %dma_wait3A_101 = arith.constant 0 : i32
          %dma_wait3A_102 = arith.constant 0 : i32
          %dma_wait3A_103 = tpu.memref_slice %arg11[%dma_wait3A_101, %dma_wait3A_102] : memref<10240x128xf32, #tpu.memory_space<vmem_shared>> -> memref<10240x128xf32, #tpu.memory_space<vmem_shared>>
          tpu.wait_indirect_dma semaphore(%arg13 : memref<!tpu.dma_semaphore, #tpu.memory_space<semaphore_mem>>) src(%arg9 : memref<128x128xf32, #tpu.memory_space<vmem>>) dst(%dma_wait3A_103 : memref<10240x128xf32, #tpu.memory_space<vmem_shared>>)
        } else {
        }
        %dma_start3A = arith.constant 0 : i32
        %dma_start3A_81 = arith.constant 0 : i32
        %dma_start3A_82 = tpu.memref_slice %arg2[%dma_start3A, %dma_start3A_81] : memref<10000x128xf32, #tpu.memory_space<hbm>> -> memref<10000x128xf32, #tpu.memory_space<hbm>>
        tpu.enqueue_indirect_dma source(%dma_start3A_82 : memref<10000x128xf32, #tpu.memory_space<hbm>>) target(%arg9 : memref<128x128xf32, #tpu.memory_space<vmem>>) offsets(%arg7 : memref<128xi32, #tpu.memory_space<vmem>>) semaphore(%arg12 : memref<!tpu.dma_semaphore, #tpu.memory_space<semaphore_mem>>)
        "tpu.region"() ({
          %run_scoped3A_97 = tpu.sem_alloc : memref<!tpu.dma_semaphore, #tpu.memory_space<semaphore_mem>>
          %dma_start3A_98 = arith.constant 0 : i32
          %dma_start3A_99 = tpu.memref_slice %arg3[%mul3A_76, %dma_start3A_98] : memref<160000x128xf32, #tpu.memory_space<hbm>> -> memref<128x128xf32, #tpu.memory_space<hbm>>
          %dma_start3A_100 = arith.constant 0 : i32
          %dma_start3A_101 = tpu.memref_slice %arg3[%mul3A_76, %dma_start3A_100] : memref<160000x128xf32, #tpu.memory_space<hbm>> -> memref<128x128xf32, #tpu.memory_space<hbm>>
          tpu.enqueue_dma source(%dma_start3A_101 : memref<128x128xf32, #tpu.memory_space<hbm>>) target(%arg10 : memref<128x128xf32, #tpu.memory_space<vmem>>) target_semaphore(%run_scoped3A_97 : memref<!tpu.dma_semaphore, #tpu.memory_space<semaphore_mem>>)
          %dma_wait3A_102 = arith.constant 0 : i32
          %dma_wait3A_103 = tpu.memref_slice %arg3[%mul3A_76, %dma_wait3A_102] : memref<160000x128xf32, #tpu.memory_space<hbm>> -> memref<128x128xf32, #tpu.memory_space<hbm>>
          %dma_wait3A_104 = arith.constant 0 : i32
          %dma_wait3A_105 = tpu.memref_slice %arg3[%mul3A_76, %dma_wait3A_104] : memref<160000x128xf32, #tpu.memory_space<hbm>> -> memref<128x128xf32, #tpu.memory_space<hbm>>
          tpu.wait_dma2 semaphore(%run_scoped3A_97 : memref<!tpu.dma_semaphore, #tpu.memory_space<semaphore_mem>>) src(%dma_wait3A_105 : memref<128x128xf32, #tpu.memory_space<hbm>>) dst(%arg10 : memref<128x128xf32, #tpu.memory_space<vmem>>)
          tpu.yield
        }) : () -> ()
        %dma_wait3A = arith.constant 0 : i32
        %dma_wait3A_83 = arith.constant 0 : i32
        %dma_wait3A_84 = tpu.memref_slice %arg2[%dma_wait3A, %dma_wait3A_83] : memref<10000x128xf32, #tpu.memory_space<hbm>> -> memref<10000x128xf32, #tpu.memory_space<hbm>>
        tpu.wait_indirect_dma semaphore(%arg12 : memref<!tpu.dma_semaphore, #tpu.memory_space<semaphore_mem>>) src(%dma_wait3A_84 : memref<10000x128xf32, #tpu.memory_space<hbm>>) dst(%arg9 : memref<128x128xf32, #tpu.memory_space<vmem>>)
        %scan3A_85 = arith.constant 0 : i32
        %scan3A_86 = arith.constant 128 : i32
        %scan3A_87 = arith.addi %scan3A_85, %scan3A_86 : i32
        %scan3A_88 = arith.constant 1 : i32
        scf.for %scan3A_97 = %scan3A_85 to %scan3A_87 step %scan3A_88  : i32 {
          %mul3A_98 = arith.constant 1 : i32
          %mul3A_99 = arith.muli %scan3A_97, %mul3A_98 : i32
          %add3A_100 = arith.constant 0 : i32
          %add3A_101 = arith.addi %add3A_100, %mul3A_99 : i32
          %scan3A_102 = arith.constant 0 : i32
          %scan3A_103 = arith.constant 8 : i32
          %scan3A_104 = arith.addi %scan3A_102, %scan3A_103 : i32
          %scan3A_105 = arith.constant 1 : i32
          scf.for %scan3A_107 = %scan3A_102 to %scan3A_104 step %scan3A_105  : i32 {
            %mul3A_108 = arith.constant 16 : i32
            %mul3A_109 = arith.muli %scan3A_107, %mul3A_108 : i32
            %add3A_110 = arith.constant 0 : i32
            %add3A_111 = arith.addi %add3A_110, %mul3A_109 : i32
            %get3A = arith.index_cast %add3A_101 : i32 to index
            %get3A_112 = arith.index_cast %add3A_111 : i32 to index
            %get3A_113 = tpu.vector_load %arg9[%get3A, %get3A_112] {strides = array<i32>} : memref<128x128xf32, #tpu.memory_space<vmem>>, vector<16xf32>,
            %get3A_114 = arith.index_cast %add3A_101 : i32 to index
            %get3A_115 = arith.index_cast %add3A_111 : i32 to index
            %get3A_116 = tpu.vector_load %arg10[%get3A_114, %get3A_115] {strides = array<i32>} : memref<128x128xf32, #tpu.memory_space<vmem>>, vector<16xf32>,
            %mul3A_117 = arith.mulf %get3A_113, %get3A_116 : vector<16xf32>
            %swap3A = arith.index_cast %add3A_101 : i32 to index
            %swap3A_118 = arith.index_cast %add3A_111 : i32 to index
            %swap3A_119 = tpu.vector_load %arg9[%swap3A, %swap3A_118] {strides = array<i32>} : memref<128x128xf32, #tpu.memory_space<vmem>>, vector<16xf32>,
            tpu.vector_store %arg9[%swap3A, %swap3A_118], %mul3A_117 {strides = array<i32>} : memref<128x128xf32, #tpu.memory_space<vmem>>, vector<16xf32>,
          }
          %scan3A_106 = arith.constant 8 : i32
        }
        %scan3A_89 = arith.constant 128 : i32
        %dma_start3A_90 = arith.constant 1 : i32
        %dma_start3A_91 = arith.constant 0 : i32
        %dma_start3A_92 = tpu.memref_slice %arg8[%dma_start3A_90, %dma_start3A_91] : memref<2x128xi32, #tpu.memory_space<vmem>> -> memref<1x128xi32, #tpu.memory_space<vmem>>
        %dma_start3A_93 = tpu.memref_squeeze %dma_start3A_92 : memref<1x128xi32, #tpu.memory_space<vmem>> -> memref<128xi32, #tpu.memory_space<vmem>>
        %dma_start3A_94 = arith.constant 0 : i32
        %dma_start3A_95 = arith.constant 0 : i32
        %dma_start3A_96 = tpu.memref_slice %arg11[%dma_start3A_94, %dma_start3A_95] : memref<10240x128xf32, #tpu.memory_space<vmem_shared>> -> memref<10240x128xf32, #tpu.memory_space<vmem_shared>>
        tpu.enqueue_indirect_dma source(%arg9 : memref<128x128xf32, #tpu.memory_space<vmem>>) target(%dma_start3A_96 : memref<10240x128xf32, #tpu.memory_space<vmem_shared>>) offsets(%dma_start3A_93 : memref<128xi32, #tpu.memory_space<vmem>>) semaphore(%arg13 : memref<!tpu.dma_semaphore, #tpu.memory_space<semaphore_mem>>) {add = true}
      } else {
      }
    }
    %scan3A_21 = arith.constant 20 : i32
    %add3A_22 = arith.constant 1248 : i32
    %add3A_23 = arith.addi %add3A, %add3A_22 : i32
    %lt3A = arith.constant 1250 : i32
    %lt3A_24 = arith.cmpi slt, %add3A_23, %lt3A : i32
    %jit3A = arith.constant 0 : i32
    %jit3A_25 = arith.constant 1 : i32
    %select_n3A = arith.select %lt3A_24, %jit3A, %jit3A_25 : i32
    %sub3A = arith.constant 40 : i32
    %sub3A_26 = arith.subi %sub3A, %select_n3A : i32
    %sub3A_27 = arith.constant 1 : i32
    %sub3A_28 = arith.subi %sub3A_26, %sub3A_27 : i32
    %jit3A_29 = arith.constant 2 : i32
    %eq3A = arith.constant 0 : i32
    %eq3A_30 = arith.cmpi eq, %jit3A_29, %eq3A : i32
    %jit3A_31 = arith.constant 1 : i32
    %select_n3A_32 = arith.select %eq3A_30, %jit3A_31, %jit3A_29 : i32
    %rem3A = arith.remsi %sub3A_28, %select_n3A_32 : i32
    %ne3A = arith.constant 0 : i32
    %ne3A_33 = arith.cmpi ne, %rem3A, %ne3A : i32
    %lt3A_34 = arith.constant 0 : i32
    %lt3A_35 = arith.cmpi slt, %rem3A, %lt3A_34 : i32
    %lt3A_36 = arith.constant 0 : i32
    %lt3A_37 = arith.cmpi slt, %select_n3A_32, %lt3A_36 : i32
    %ne3A_38 = arith.xori %lt3A_35, %lt3A_37 : i1
    %and3A = arith.andi %ne3A_38, %ne3A_33 : i1
    %add3A_39 = arith.addi %rem3A, %select_n3A_32 : i32
    %select_n3A_40 = arith.select %and3A, %add3A_39, %rem3A : i32
    %eq3A_41 = arith.constant 0 : i32
    %eq3A_42 = arith.cmpi eq, %select_n3A_40, %eq3A_41 : i32
    %convert_element_type3A = arith.extui %eq3A_42 : i1 to i32
    %cond3A = arith.constant 0 : i32
    %cond3A_43 = arith.cmpi ne, %convert_element_type3A, %cond3A : i32
    scf.if %cond3A_43 {
      %dma_wait3A = arith.constant 0 : i32
      %dma_wait3A_50 = arith.constant 0 : i32
      %dma_wait3A_51 = tpu.memref_slice %arg8[%dma_wait3A, %dma_wait3A_50] : memref<2x128xi32, #tpu.memory_space<vmem>> -> memref<1x128xi32, #tpu.memory_space<vmem>>
      %dma_wait3A_52 = tpu.memref_squeeze %dma_wait3A_51 : memref<1x128xi32, #tpu.memory_space<vmem>> -> memref<128xi32, #tpu.memory_space<vmem>>
      %dma_wait3A_53 = arith.constant 0 : i32
      %dma_wait3A_54 = arith.constant 0 : i32
      %dma_wait3A_55 = tpu.memref_slice %arg11[%dma_wait3A_53, %dma_wait3A_54] : memref<10240x128xf32, #tpu.memory_space<vmem_shared>> -> memref<10240x128xf32, #tpu.memory_space<vmem_shared>>
      tpu.wait_indirect_dma semaphore(%arg13 : memref<!tpu.dma_semaphore, #tpu.memory_space<semaphore_mem>>) src(%arg9 : memref<128x128xf32, #tpu.memory_space<vmem>>) dst(%dma_wait3A_55 : memref<10240x128xf32, #tpu.memory_space<vmem_shared>>)
    } else {
    }
    %eq3A_44 = arith.constant 1 : i32
    %eq3A_45 = arith.cmpi eq, %select_n3A_40, %eq3A_44 : i32
    %convert_element_type3A_46 = arith.extui %eq3A_45 : i1 to i32
    %cond3A_47 = arith.constant 0 : i32
    %cond3A_48 = arith.cmpi ne, %convert_element_type3A_46, %cond3A_47 : i32
    scf.if %cond3A_48 {
      %dma_wait3A = arith.constant 1 : i32
      %dma_wait3A_50 = arith.constant 0 : i32
      %dma_wait3A_51 = tpu.memref_slice %arg8[%dma_wait3A, %dma_wait3A_50] : memref<2x128xi32, #tpu.memory_space<vmem>> -> memref<1x128xi32, #tpu.memory_space<vmem>>
      %dma_wait3A_52 = tpu.memref_squeeze %dma_wait3A_51 : memref<1x128xi32, #tpu.memory_space<vmem>> -> memref<128xi32, #tpu.memory_space<vmem>>
      %dma_wait3A_53 = arith.constant 0 : i32
      %dma_wait3A_54 = arith.constant 0 : i32
      %dma_wait3A_55 = tpu.memref_slice %arg11[%dma_wait3A_53, %dma_wait3A_54] : memref<10240x128xf32, #tpu.memory_space<vmem_shared>> -> memref<10240x128xf32, #tpu.memory_space<vmem_shared>>
      tpu.wait_indirect_dma semaphore(%arg13 : memref<!tpu.dma_semaphore, #tpu.memory_space<semaphore_mem>>) src(%arg9 : memref<128x128xf32, #tpu.memory_space<vmem>>) dst(%dma_wait3A_55 : memref<10240x128xf32, #tpu.memory_space<vmem_shared>>)
    } else {
    }
    %barrier3A_49 = arith.constant 0 : index
    tpu.barrier barrier_id(%barrier3A_49)
    "tpu.region"() ({
      %run_scoped3A = tpu.sem_alloc : memref<!tpu.dma_semaphore, #tpu.memory_space<semaphore_mem>>
      %dma_start3A = arith.constant 0 : i32
      %dma_start3A_50 = tpu.memref_slice %arg6[%arg0, %mul3A_6, %dma_start3A] : memref<2x10240x128xf32, #tpu.memory_space<hbm>> -> memref<1x640x128xf32, #tpu.memory_space<hbm>>
      %dma_start3A_51 = tpu.memref_squeeze %dma_start3A_50 : memref<1x640x128xf32, #tpu.memory_space<hbm>> -> memref<640x128xf32, #tpu.memory_space<hbm>>
      %dma_start3A_52 = arith.constant 0 : i32
      %dma_start3A_53 = tpu.memref_slice %arg11[%mul3A_6, %dma_start3A_52] : memref<10240x128xf32, #tpu.memory_space<vmem_shared>> -> memref<640x128xf32, #tpu.memory_space<vmem_shared>>
      tpu.enqueue_dma source(%dma_start3A_53 : memref<640x128xf32, #tpu.memory_space<vmem_shared>>) target(%dma_start3A_51 : memref<640x128xf32, #tpu.memory_space<hbm>>) target_semaphore(%run_scoped3A : memref<!tpu.dma_semaphore, #tpu.memory_space<semaphore_mem>>)
      %dma_wait3A = arith.constant 0 : i32
      %dma_wait3A_54 = tpu.memref_slice %arg6[%arg0, %mul3A_6, %dma_wait3A] : memref<2x10240x128xf32, #tpu.memory_space<hbm>> -> memref<1x640x128xf32, #tpu.memory_space<hbm>>
      %dma_wait3A_55 = tpu.memref_squeeze %dma_wait3A_54 : memref<1x640x128xf32, #tpu.memory_space<hbm>> -> memref<640x128xf32, #tpu.memory_space<hbm>>
      %dma_wait3A_56 = arith.constant 0 : i32
      %dma_wait3A_57 = tpu.memref_slice %arg11[%mul3A_6, %dma_wait3A_56] : memref<10240x128xf32, #tpu.memory_space<vmem_shared>> -> memref<640x128xf32, #tpu.memory_space<vmem_shared>>
      tpu.wait_dma2 semaphore(%run_scoped3A : memref<!tpu.dma_semaphore, #tpu.memory_space<semaphore_mem>>) src(%dma_wait3A_57 : memref<640x128xf32, #tpu.memory_space<vmem_shared>>) dst(%dma_wait3A_55 : memref<640x128xf32, #tpu.memory_space<hbm>>)
      tpu.yield
    }) : () -> ()
    return
  }
}

#map = affine_map<(d0, d1) -> (0, 0)>
#map1 = affine_map<(d0, d1) -> (0)>
#map2 = affine_map<(d0, d1) -> (0, 0, 0)>
module attributes {stable_mosaic.version = 14 : i64} {
  func.func @_sc_layer(%arg0: i32, %arg1: i32, %arg2: memref<10000x128xf32, #tpu.memory_space<hbm>>, %arg3: memref<160000x128xf32, #tpu.memory_space<hbm>>, %arg4: memref<160000xi32, #tpu.memory_space<hbm>>, %arg5: memref<160000xi32, #tpu.memory_space<hbm>>, %arg6: memref<2x10240x128xf32, #tpu.memory_space<hbm>>, %arg7: memref<128xi32, #tpu.memory_space<vmem>>, %arg8: memref<2x128xi32, #tpu.memory_space<vmem>>, %arg9: memref<128x128xf32, #tpu.memory_space<vmem>>, %arg10: memref<128x128xf32, #tpu.memory_space<vmem>>, %arg11: memref<10240x128xf32, #tpu.memory_space<vmem_shared>>, %arg12: memref<!tpu.dma_semaphore, #tpu.memory_space<semaphore_mem>>, %arg13: memref<!tpu.dma_semaphore, #tpu.memory_space<semaphore_mem>>) attributes {dimension_semantics = [#tpu.dimension_semantics<core_parallel>, #tpu.dimension_semantics<subcore_parallel>], iteration_bounds = array<i64: 2, 16>, scalar_prefetch = 0 : i64, scratch_operands = 7 : i64, tpu.core_type = #tpu.core_type<sc_vector_subcore>, window_params = [{transform_indices = #map}, {transform_indices = #map}, {transform_indices = #map1}, {transform_indices = #map1}, {transform_indices = #map2}]} {
    %mul3A = arith.constant 2 : i32
    %mul3A_0 = arith.muli %arg1, %mul3A : i32
    %add3A = arith.addi %mul3A_0, %arg0 : i32
    %scan3A = arith.constant 0 : i32
    %scan3A_1 = arith.constant 128 : i32
    %scan3A_2 = arith.addi %scan3A, %scan3A_1 : i32
    %scan3A_3 = arith.constant 1 : i32
    scf.for %scan3A_50 = %scan3A to %scan3A_2 step %scan3A_3  : i32 {
      %mul3A_51 = arith.constant 1 : i32
      %mul3A_52 = arith.muli %scan3A_50, %mul3A_51 : i32
      %add3A_53 = arith.constant 0 : i32
      %add3A_54 = arith.addi %add3A_53, %mul3A_52 : i32
      %scan3A_55 = arith.constant 0 : i32
      %scan3A_56 = arith.constant 8 : i32
      %scan3A_57 = arith.addi %scan3A_55, %scan3A_56 : i32
      %scan3A_58 = arith.constant 1 : i32
      scf.for %scan3A_60 = %scan3A_55 to %scan3A_57 step %scan3A_58  : i32 {
        %mul3A_61 = arith.constant 16 : i32
        %mul3A_62 = arith.muli %scan3A_60, %mul3A_61 : i32
        %add3A_63 = arith.constant 0 : i32
        %add3A_64 = arith.addi %add3A_63, %mul3A_62 : i32
        %broadcast_in_dim3A = arith.constant 0.000000e+00 : f32
        %broadcast_in_dim3A_65 = vector.broadcast %broadcast_in_dim3A : f32 to vector<16xf32>
        %swap3A = arith.index_cast %add3A_54 : i32 to index
        %swap3A_66 = arith.index_cast %add3A_64 : i32 to index
        %swap3A_67 = tpu.vector_load %arg9[%swap3A, %swap3A_66] {strides = array<i32>} : memref<128x128xf32, #tpu.memory_space<vmem>>, vector<16xf32>,
        tpu.vector_store %arg9[%swap3A, %swap3A_66], %broadcast_in_dim3A_65 {strides = array<i32>} : memref<128x128xf32, #tpu.memory_space<vmem>>, vector<16xf32>,
      }
      %scan3A_59 = arith.constant 8 : i32
    }
    %scan3A_4 = arith.constant 128 : i32
    %mul3A_5 = arith.constant 640 : i32
    %mul3A_6 = arith.muli %arg1, %mul3A_5 : i32
    %add3A_7 = arith.constant 0 : i32
    %add3A_8 = arith.addi %mul3A_6, %add3A_7 : i32
    "tpu.region"() ({
      %run_scoped3A = tpu.sem_alloc : memref<!tpu.dma_semaphore, #tpu.memory_space<semaphore_mem>>
      %dma_start3A = arith.constant 0 : i32
      %dma_start3A_50 = tpu.memref_slice %arg11[%add3A_8, %dma_start3A] : memref<10240x128xf32, #tpu.memory_space<vmem_shared>> -> memref<128x128xf32, #tpu.memory_space<vmem_shared>>
      %dma_start3A_51 = arith.constant 0 : i32
      %dma_start3A_52 = tpu.memref_slice %arg11[%add3A_8, %dma_start3A_51] : memref<10240x128xf32, #tpu.memory_space<vmem_shared>> -> memref<128x128xf32, #tpu.memory_space<vmem_shared>>
      tpu.enqueue_dma source(%arg9 : memref<128x128xf32, #tpu.memory_space<vmem>>) target(%dma_start3A_52 : memref<128x128xf32, #tpu.memory_space<vmem_shared>>) target_semaphore(%run_scoped3A : memref<!tpu.dma_semaphore, #tpu.memory_space<semaphore_mem>>)
      %dma_wait3A = arith.constant 0 : i32
      %dma_wait3A_53 = tpu.memref_slice %arg11[%add3A_8, %dma_wait3A] : memref<10240x128xf32, #tpu.memory_space<vmem_shared>> -> memref<128x128xf32, #tpu.memory_space<vmem_shared>>
      %dma_wait3A_54 = arith.constant 0 : i32
      %dma_wait3A_55 = tpu.memref_slice %arg11[%add3A_8, %dma_wait3A_54] : memref<10240x128xf32, #tpu.memory_space<vmem_shared>> -> memref<128x128xf32, #tpu.memory_space<vmem_shared>>
      tpu.wait_dma2 semaphore(%run_scoped3A : memref<!tpu.dma_semaphore, #tpu.memory_space<semaphore_mem>>) src(%arg9 : memref<128x128xf32, #tpu.memory_space<vmem>>) dst(%dma_wait3A_55 : memref<128x128xf32, #tpu.memory_space<vmem_shared>>)
      tpu.yield
    }) : () -> ()
    %add3A_9 = arith.constant 128 : i32
    %add3A_10 = arith.addi %mul3A_6, %add3A_9 : i32
    "tpu.region"() ({
      %run_scoped3A = tpu.sem_alloc : memref<!tpu.dma_semaphore, #tpu.memory_space<semaphore_mem>>
      %dma_start3A = arith.constant 0 : i32
      %dma_start3A_50 = tpu.memref_slice %arg11[%add3A_10, %dma_start3A] : memref<10240x128xf32, #tpu.memory_space<vmem_shared>> -> memref<128x128xf32, #tpu.memory_space<vmem_shared>>
      %dma_start3A_51 = arith.constant 0 : i32
      %dma_start3A_52 = tpu.memref_slice %arg11[%add3A_10, %dma_start3A_51] : memref<10240x128xf32, #tpu.memory_space<vmem_shared>> -> memref<128x128xf32, #tpu.memory_space<vmem_shared>>
      tpu.enqueue_dma source(%arg9 : memref<128x128xf32, #tpu.memory_space<vmem>>) target(%dma_start3A_52 : memref<128x128xf32, #tpu.memory_space<vmem_shared>>) target_semaphore(%run_scoped3A : memref<!tpu.dma_semaphore, #tpu.memory_space<semaphore_mem>>)
      %dma_wait3A = arith.constant 0 : i32
      %dma_wait3A_53 = tpu.memref_slice %arg11[%add3A_10, %dma_wait3A] : memref<10240x128xf32, #tpu.memory_space<vmem_shared>> -> memref<128x128xf32, #tpu.memory_space<vmem_shared>>
      %dma_wait3A_54 = arith.constant 0 : i32
      %dma_wait3A_55 = tpu.memref_slice %arg11[%add3A_10, %dma_wait3A_54] : memref<10240x128xf32, #tpu.memory_space<vmem_shared>> -> memref<128x128xf32, #tpu.memory_space<vmem_shared>>
      tpu.wait_dma2 semaphore(%run_scoped3A : memref<!tpu.dma_semaphore, #tpu.memory_space<semaphore_mem>>) src(%arg9 : memref<128x128xf32, #tpu.memory_space<vmem>>) dst(%dma_wait3A_55 : memref<128x128xf32, #tpu.memory_space<vmem_shared>>)
      tpu.yield
    }) : () -> ()
    %add3A_11 = arith.constant 256 : i32
    %add3A_12 = arith.addi %mul3A_6, %add3A_11 : i32
    "tpu.region"() ({
      %run_scoped3A = tpu.sem_alloc : memref<!tpu.dma_semaphore, #tpu.memory_space<semaphore_mem>>
      %dma_start3A = arith.constant 0 : i32
      %dma_start3A_50 = tpu.memref_slice %arg11[%add3A_12, %dma_start3A] : memref<10240x128xf32, #tpu.memory_space<vmem_shared>> -> memref<128x128xf32, #tpu.memory_space<vmem_shared>>
      %dma_start3A_51 = arith.constant 0 : i32
      %dma_start3A_52 = tpu.memref_slice %arg11[%add3A_12, %dma_start3A_51] : memref<10240x128xf32, #tpu.memory_space<vmem_shared>> -> memref<128x128xf32, #tpu.memory_space<vmem_shared>>
      tpu.enqueue_dma source(%arg9 : memref<128x128xf32, #tpu.memory_space<vmem>>) target(%dma_start3A_52 : memref<128x128xf32, #tpu.memory_space<vmem_shared>>) target_semaphore(%run_scoped3A : memref<!tpu.dma_semaphore, #tpu.memory_space<semaphore_mem>>)
      %dma_wait3A = arith.constant 0 : i32
      %dma_wait3A_53 = tpu.memref_slice %arg11[%add3A_12, %dma_wait3A] : memref<10240x128xf32, #tpu.memory_space<vmem_shared>> -> memref<128x128xf32, #tpu.memory_space<vmem_shared>>
      %dma_wait3A_54 = arith.constant 0 : i32
      %dma_wait3A_55 = tpu.memref_slice %arg11[%add3A_12, %dma_wait3A_54] : memref<10240x128xf32, #tpu.memory_space<vmem_shared>> -> memref<128x128xf32, #tpu.memory_space<vmem_shared>>
      tpu.wait_dma2 semaphore(%run_scoped3A : memref<!tpu.dma_semaphore, #tpu.memory_space<semaphore_mem>>) src(%arg9 : memref<128x128xf32, #tpu.memory_space<vmem>>) dst(%dma_wait3A_55 : memref<128x128xf32, #tpu.memory_space<vmem_shared>>)
      tpu.yield
    }) : () -> ()
    %add3A_13 = arith.constant 384 : i32
    %add3A_14 = arith.addi %mul3A_6, %add3A_13 : i32
    "tpu.region"() ({
      %run_scoped3A = tpu.sem_alloc : memref<!tpu.dma_semaphore, #tpu.memory_space<semaphore_mem>>
      %dma_start3A = arith.constant 0 : i32
      %dma_start3A_50 = tpu.memref_slice %arg11[%add3A_14, %dma_start3A] : memref<10240x128xf32, #tpu.memory_space<vmem_shared>> -> memref<128x128xf32, #tpu.memory_space<vmem_shared>>
      %dma_start3A_51 = arith.constant 0 : i32
      %dma_start3A_52 = tpu.memref_slice %arg11[%add3A_14, %dma_start3A_51] : memref<10240x128xf32, #tpu.memory_space<vmem_shared>> -> memref<128x128xf32, #tpu.memory_space<vmem_shared>>
      tpu.enqueue_dma source(%arg9 : memref<128x128xf32, #tpu.memory_space<vmem>>) target(%dma_start3A_52 : memref<128x128xf32, #tpu.memory_space<vmem_shared>>) target_semaphore(%run_scoped3A : memref<!tpu.dma_semaphore, #tpu.memory_space<semaphore_mem>>)
      %dma_wait3A = arith.constant 0 : i32
      %dma_wait3A_53 = tpu.memref_slice %arg11[%add3A_14, %dma_wait3A] : memref<10240x128xf32, #tpu.memory_space<vmem_shared>> -> memref<128x128xf32, #tpu.memory_space<vmem_shared>>
      %dma_wait3A_54 = arith.constant 0 : i32
      %dma_wait3A_55 = tpu.memref_slice %arg11[%add3A_14, %dma_wait3A_54] : memref<10240x128xf32, #tpu.memory_space<vmem_shared>> -> memref<128x128xf32, #tpu.memory_space<vmem_shared>>
      tpu.wait_dma2 semaphore(%run_scoped3A : memref<!tpu.dma_semaphore, #tpu.memory_space<semaphore_mem>>) src(%arg9 : memref<128x128xf32, #tpu.memory_space<vmem>>) dst(%dma_wait3A_55 : memref<128x128xf32, #tpu.memory_space<vmem_shared>>)
      tpu.yield
    }) : () -> ()
    %add3A_15 = arith.constant 512 : i32
    %add3A_16 = arith.addi %mul3A_6, %add3A_15 : i32
    "tpu.region"() ({
      %run_scoped3A = tpu.sem_alloc : memref<!tpu.dma_semaphore, #tpu.memory_space<semaphore_mem>>
      %dma_start3A = arith.constant 0 : i32
      %dma_start3A_50 = tpu.memref_slice %arg11[%add3A_16, %dma_start3A] : memref<10240x128xf32, #tpu.memory_space<vmem_shared>> -> memref<128x128xf32, #tpu.memory_space<vmem_shared>>
      %dma_start3A_51 = arith.constant 0 : i32
      %dma_start3A_52 = tpu.memref_slice %arg11[%add3A_16, %dma_start3A_51] : memref<10240x128xf32, #tpu.memory_space<vmem_shared>> -> memref<128x128xf32, #tpu.memory_space<vmem_shared>>
      tpu.enqueue_dma source(%arg9 : memref<128x128xf32, #tpu.memory_space<vmem>>) target(%dma_start3A_52 : memref<128x128xf32, #tpu.memory_space<vmem_shared>>) target_semaphore(%run_scoped3A : memref<!tpu.dma_semaphore, #tpu.memory_space<semaphore_mem>>)
      %dma_wait3A = arith.constant 0 : i32
      %dma_wait3A_53 = tpu.memref_slice %arg11[%add3A_16, %dma_wait3A] : memref<10240x128xf32, #tpu.memory_space<vmem_shared>> -> memref<128x128xf32, #tpu.memory_space<vmem_shared>>
      %dma_wait3A_54 = arith.constant 0 : i32
      %dma_wait3A_55 = tpu.memref_slice %arg11[%add3A_16, %dma_wait3A_54] : memref<10240x128xf32, #tpu.memory_space<vmem_shared>> -> memref<128x128xf32, #tpu.memory_space<vmem_shared>>
      tpu.wait_dma2 semaphore(%run_scoped3A : memref<!tpu.dma_semaphore, #tpu.memory_space<semaphore_mem>>) src(%arg9 : memref<128x128xf32, #tpu.memory_space<vmem>>) dst(%dma_wait3A_55 : memref<128x128xf32, #tpu.memory_space<vmem_shared>>)
      tpu.yield
    }) : () -> ()
    %barrier3A = arith.constant 0 : index
    tpu.barrier barrier_id(%barrier3A)
    %scan3A_17 = arith.constant 0 : i32
    %scan3A_18 = arith.constant 20 : i32
    %scan3A_19 = arith.addi %scan3A_17, %scan3A_18 : i32
    %scan3A_20 = arith.constant 1 : i32
    scf.for %scan3A_50 = %scan3A_17 to %scan3A_19 step %scan3A_20  : i32 {
      %mul3A_51 = arith.constant 2 : i32
      %mul3A_52 = arith.muli %scan3A_50, %mul3A_51 : i32
      %add3A_53 = arith.constant 0 : i32
      %add3A_54 = arith.addi %add3A_53, %mul3A_52 : i32
      %add3A_55 = arith.constant 0 : i32
      %add3A_56 = arith.addi %add3A_54, %add3A_55 : i32
      %mul3A_57 = arith.constant 32 : i32
      %mul3A_58 = arith.muli %add3A_56, %mul3A_57 : i32
      %add3A_59 = arith.addi %add3A, %mul3A_58 : i32
      %lt3A_60 = arith.constant 1250 : i32
      %lt3A_61 = arith.cmpi slt, %add3A_59, %lt3A_60 : i32
      %convert_element_type3A_62 = arith.extui %lt3A_61 : i1 to i32
      %cond3A_63 = arith.constant 0 : i32
      %cond3A_64 = arith.cmpi ne, %convert_element_type3A_62, %cond3A_63 : i32
      scf.if %cond3A_64 {
        %mul3A_75 = arith.constant 128 : i32
        %mul3A_76 = arith.muli %add3A_59, %mul3A_75 : i32
        "tpu.region"() ({
          %run_scoped3A_97 = tpu.sem_alloc : memref<!tpu.dma_semaphore, #tpu.memory_space<semaphore_mem>>
          %dma_start3A_98 = tpu.memref_slice %arg4[%mul3A_76] : memref<160000xi32, #tpu.memory_space<hbm>> -> memref<128xi32, #tpu.memory_space<hbm>>
          %dma_start3A_99 = tpu.memref_slice %arg4[%mul3A_76] : memref<160000xi32, #tpu.memory_space<hbm>> -> memref<128xi32, #tpu.memory_space<hbm>>
          tpu.enqueue_dma source(%dma_start3A_99 : memref<128xi32, #tpu.memory_space<hbm>>) target(%arg7 : memref<128xi32, #tpu.memory_space<vmem>>) target_semaphore(%run_scoped3A_97 : memref<!tpu.dma_semaphore, #tpu.memory_space<semaphore_mem>>)
          %dma_wait3A_100 = tpu.memref_slice %arg4[%mul3A_76] : memref<160000xi32, #tpu.memory_space<hbm>> -> memref<128xi32, #tpu.memory_space<hbm>>
          %dma_wait3A_101 = tpu.memref_slice %arg4[%mul3A_76] : memref<160000xi32, #tpu.memory_space<hbm>> -> memref<128xi32, #tpu.memory_space<hbm>>
          tpu.wait_dma2 semaphore(%run_scoped3A_97 : memref<!tpu.dma_semaphore, #tpu.memory_space<semaphore_mem>>) src(%dma_wait3A_101 : memref<128xi32, #tpu.memory_space<hbm>>) dst(%arg7 : memref<128xi32, #tpu.memory_space<vmem>>)
          tpu.yield
        }) : () -> ()
        %run_scoped3A = arith.constant 0 : i32
        "tpu.region"() ({
          %run_scoped3A_97 = tpu.sem_alloc : memref<!tpu.dma_semaphore, #tpu.memory_space<semaphore_mem>>
          %dma_start3A_98 = arith.constant 0 : i32
          %dma_start3A_99 = tpu.memref_slice %arg8[%run_scoped3A, %dma_start3A_98] : memref<2x128xi32, #tpu.memory_space<vmem>> -> memref<1x128xi32, #tpu.memory_space<vmem>>
          %dma_start3A_100 = tpu.memref_squeeze %dma_start3A_99 : memref<1x128xi32, #tpu.memory_space<vmem>> -> memref<128xi32, #tpu.memory_space<vmem>>
          %dma_start3A_101 = tpu.memref_slice %arg5[%mul3A_76] : memref<160000xi32, #tpu.memory_space<hbm>> -> memref<128xi32, #tpu.memory_space<hbm>>
          %dma_start3A_102 = arith.constant 0 : i32
          %dma_start3A_103 = tpu.memref_slice %arg8[%run_scoped3A, %dma_start3A_102] : memref<2x128xi32, #tpu.memory_space<vmem>> -> memref<1x128xi32, #tpu.memory_space<vmem>>
          %dma_start3A_104 = tpu.memref_squeeze %dma_start3A_103 : memref<1x128xi32, #tpu.memory_space<vmem>> -> memref<128xi32, #tpu.memory_space<vmem>>
          %dma_start3A_105 = tpu.memref_slice %arg5[%mul3A_76] : memref<160000xi32, #tpu.memory_space<hbm>> -> memref<128xi32, #tpu.memory_space<hbm>>
          tpu.enqueue_dma source(%dma_start3A_105 : memref<128xi32, #tpu.memory_space<hbm>>) target(%dma_start3A_104 : memref<128xi32, #tpu.memory_space<vmem>>) target_semaphore(%run_scoped3A_97 : memref<!tpu.dma_semaphore, #tpu.memory_space<semaphore_mem>>)
          %dma_wait3A_106 = arith.constant 0 : i32
          %dma_wait3A_107 = tpu.memref_slice %arg8[%run_scoped3A, %dma_wait3A_106] : memref<2x128xi32, #tpu.memory_space<vmem>> -> memref<1x128xi32, #tpu.memory_space<vmem>>
          %dma_wait3A_108 = tpu.memref_squeeze %dma_wait3A_107 : memref<1x128xi32, #tpu.memory_space<vmem>> -> memref<128xi32, #tpu.memory_space<vmem>>
          %dma_wait3A_109 = tpu.memref_slice %arg5[%mul3A_76] : memref<160000xi32, #tpu.memory_space<hbm>> -> memref<128xi32, #tpu.memory_space<hbm>>
          %dma_wait3A_110 = arith.constant 0 : i32
          %dma_wait3A_111 = tpu.memref_slice %arg8[%run_scoped3A, %dma_wait3A_110] : memref<2x128xi32, #tpu.memory_space<vmem>> -> memref<1x128xi32, #tpu.memory_space<vmem>>
          %dma_wait3A_112 = tpu.memref_squeeze %dma_wait3A_111 : memref<1x128xi32, #tpu.memory_space<vmem>> -> memref<128xi32, #tpu.memory_space<vmem>>
          %dma_wait3A_113 = tpu.memref_slice %arg5[%mul3A_76] : memref<160000xi32, #tpu.memory_space<hbm>> -> memref<128xi32, #tpu.memory_space<hbm>>
          tpu.wait_dma2 semaphore(%run_scoped3A_97 : memref<!tpu.dma_semaphore, #tpu.memory_space<semaphore_mem>>) src(%dma_wait3A_113 : memref<128xi32, #tpu.memory_space<hbm>>) dst(%dma_wait3A_112 : memref<128xi32, #tpu.memory_space<vmem>>)
          tpu.yield
        }) : () -> ()
        %ge3A = arith.constant 1 : i32
        %ge3A_77 = arith.cmpi sge, %add3A_56, %ge3A : i32
        %convert_element_type3A_78 = arith.extui %ge3A_77 : i1 to i32
        %cond3A_79 = arith.constant 0 : i32
        %cond3A_80 = arith.cmpi ne, %convert_element_type3A_78, %cond3A_79 : i32
        scf.if %cond3A_80 {
          %dma_wait3A_97 = arith.constant 1 : i32
          %dma_wait3A_98 = arith.constant 0 : i32
          %dma_wait3A_99 = tpu.memref_slice %arg8[%dma_wait3A_97, %dma_wait3A_98] : memref<2x128xi32, #tpu.memory_space<vmem>> -> memref<1x128xi32, #tpu.memory_space<vmem>>
          %dma_wait3A_100 = tpu.memref_squeeze %dma_wait3A_99 : memref<1x128xi32, #tpu.memory_space<vmem>> -> memref<128xi32, #tpu.memory_space<vmem>>
          %dma_wait3A_101 = arith.constant 0 : i32
          %dma_wait3A_102 = arith.constant 0 : i32
          %dma_wait3A_103 = tpu.memref_slice %arg11[%dma_wait3A_101, %dma_wait3A_102] : memref<10240x128xf32, #tpu.memory_space<vmem_shared>> -> memref<10240x128xf32, #tpu.memory_space<vmem_shared>>
          tpu.wait_indirect_dma semaphore(%arg13 : memref<!tpu.dma_semaphore, #tpu.memory_space<semaphore_mem>>) src(%arg9 : memref<128x128xf32, #tpu.memory_space<vmem>>) dst(%dma_wait3A_103 : memref<10240x128xf32, #tpu.memory_space<vmem_shared>>)
        } else {
        }
        %dma_start3A = arith.constant 0 : i32
        %dma_start3A_81 = arith.constant 0 : i32
        %dma_start3A_82 = tpu.memref_slice %arg2[%dma_start3A, %dma_start3A_81] : memref<10000x128xf32, #tpu.memory_space<hbm>> -> memref<10000x128xf32, #tpu.memory_space<hbm>>
        tpu.enqueue_indirect_dma source(%dma_start3A_82 : memref<10000x128xf32, #tpu.memory_space<hbm>>) target(%arg9 : memref<128x128xf32, #tpu.memory_space<vmem>>) offsets(%arg7 : memref<128xi32, #tpu.memory_space<vmem>>) semaphore(%arg12 : memref<!tpu.dma_semaphore, #tpu.memory_space<semaphore_mem>>)
        "tpu.region"() ({
          %run_scoped3A_97 = tpu.sem_alloc : memref<!tpu.dma_semaphore, #tpu.memory_space<semaphore_mem>>
          %dma_start3A_98 = arith.constant 0 : i32
          %dma_start3A_99 = tpu.memref_slice %arg3[%mul3A_76, %dma_start3A_98] : memref<160000x128xf32, #tpu.memory_space<hbm>> -> memref<128x128xf32, #tpu.memory_space<hbm>>
          %dma_start3A_100 = arith.constant 0 : i32
          %dma_start3A_101 = tpu.memref_slice %arg3[%mul3A_76, %dma_start3A_100] : memref<160000x128xf32, #tpu.memory_space<hbm>> -> memref<128x128xf32, #tpu.memory_space<hbm>>
          tpu.enqueue_dma source(%dma_start3A_101 : memref<128x128xf32, #tpu.memory_space<hbm>>) target(%arg10 : memref<128x128xf32, #tpu.memory_space<vmem>>) target_semaphore(%run_scoped3A_97 : memref<!tpu.dma_semaphore, #tpu.memory_space<semaphore_mem>>)
          %dma_wait3A_102 = arith.constant 0 : i32
          %dma_wait3A_103 = tpu.memref_slice %arg3[%mul3A_76, %dma_wait3A_102] : memref<160000x128xf32, #tpu.memory_space<hbm>> -> memref<128x128xf32, #tpu.memory_space<hbm>>
          %dma_wait3A_104 = arith.constant 0 : i32
          %dma_wait3A_105 = tpu.memref_slice %arg3[%mul3A_76, %dma_wait3A_104] : memref<160000x128xf32, #tpu.memory_space<hbm>> -> memref<128x128xf32, #tpu.memory_space<hbm>>
          tpu.wait_dma2 semaphore(%run_scoped3A_97 : memref<!tpu.dma_semaphore, #tpu.memory_space<semaphore_mem>>) src(%dma_wait3A_105 : memref<128x128xf32, #tpu.memory_space<hbm>>) dst(%arg10 : memref<128x128xf32, #tpu.memory_space<vmem>>)
          tpu.yield
        }) : () -> ()
        %dma_wait3A = arith.constant 0 : i32
        %dma_wait3A_83 = arith.constant 0 : i32
        %dma_wait3A_84 = tpu.memref_slice %arg2[%dma_wait3A, %dma_wait3A_83] : memref<10000x128xf32, #tpu.memory_space<hbm>> -> memref<10000x128xf32, #tpu.memory_space<hbm>>
        tpu.wait_indirect_dma semaphore(%arg12 : memref<!tpu.dma_semaphore, #tpu.memory_space<semaphore_mem>>) src(%dma_wait3A_84 : memref<10000x128xf32, #tpu.memory_space<hbm>>) dst(%arg9 : memref<128x128xf32, #tpu.memory_space<vmem>>)
        %scan3A_85 = arith.constant 0 : i32
        %scan3A_86 = arith.constant 128 : i32
        %scan3A_87 = arith.addi %scan3A_85, %scan3A_86 : i32
        %scan3A_88 = arith.constant 1 : i32
        scf.for %scan3A_97 = %scan3A_85 to %scan3A_87 step %scan3A_88  : i32 {
          %mul3A_98 = arith.constant 1 : i32
          %mul3A_99 = arith.muli %scan3A_97, %mul3A_98 : i32
          %add3A_100 = arith.constant 0 : i32
          %add3A_101 = arith.addi %add3A_100, %mul3A_99 : i32
          %scan3A_102 = arith.constant 0 : i32
          %scan3A_103 = arith.constant 8 : i32
          %scan3A_104 = arith.addi %scan3A_102, %scan3A_103 : i32
          %scan3A_105 = arith.constant 1 : i32
          scf.for %scan3A_107 = %scan3A_102 to %scan3A_104 step %scan3A_105  : i32 {
            %mul3A_108 = arith.constant 16 : i32
            %mul3A_109 = arith.muli %scan3A_107, %mul3A_108 : i32
            %add3A_110 = arith.constant 0 : i32
            %add3A_111 = arith.addi %add3A_110, %mul3A_109 : i32
            %get3A = arith.index_cast %add3A_101 : i32 to index
            %get3A_112 = arith.index_cast %add3A_111 : i32 to index
            %get3A_113 = tpu.vector_load %arg9[%get3A, %get3A_112] {strides = array<i32>} : memref<128x128xf32, #tpu.memory_space<vmem>>, vector<16xf32>,
            %get3A_114 = arith.index_cast %add3A_101 : i32 to index
            %get3A_115 = arith.index_cast %add3A_111 : i32 to index
            %get3A_116 = tpu.vector_load %arg10[%get3A_114, %get3A_115] {strides = array<i32>} : memref<128x128xf32, #tpu.memory_space<vmem>>, vector<16xf32>,
            %mul3A_117 = arith.mulf %get3A_113, %get3A_116 : vector<16xf32>
            %swap3A = arith.index_cast %add3A_101 : i32 to index
            %swap3A_118 = arith.index_cast %add3A_111 : i32 to index
            %swap3A_119 = tpu.vector_load %arg9[%swap3A, %swap3A_118] {strides = array<i32>} : memref<128x128xf32, #tpu.memory_space<vmem>>, vector<16xf32>,
            tpu.vector_store %arg9[%swap3A, %swap3A_118], %mul3A_117 {strides = array<i32>} : memref<128x128xf32, #tpu.memory_space<vmem>>, vector<16xf32>,
          }
          %scan3A_106 = arith.constant 8 : i32
        }
        %scan3A_89 = arith.constant 128 : i32
        %dma_start3A_90 = arith.constant 0 : i32
        %dma_start3A_91 = arith.constant 0 : i32
        %dma_start3A_92 = tpu.memref_slice %arg8[%dma_start3A_90, %dma_start3A_91] : memref<2x128xi32, #tpu.memory_space<vmem>> -> memref<1x128xi32, #tpu.memory_space<vmem>>
        %dma_start3A_93 = tpu.memref_squeeze %dma_start3A_92 : memref<1x128xi32, #tpu.memory_space<vmem>> -> memref<128xi32, #tpu.memory_space<vmem>>
        %dma_start3A_94 = arith.constant 0 : i32
        %dma_start3A_95 = arith.constant 0 : i32
        %dma_start3A_96 = tpu.memref_slice %arg11[%dma_start3A_94, %dma_start3A_95] : memref<10240x128xf32, #tpu.memory_space<vmem_shared>> -> memref<10240x128xf32, #tpu.memory_space<vmem_shared>>
        tpu.enqueue_indirect_dma source(%arg9 : memref<128x128xf32, #tpu.memory_space<vmem>>) target(%dma_start3A_96 : memref<10240x128xf32, #tpu.memory_space<vmem_shared>>) offsets(%dma_start3A_93 : memref<128xi32, #tpu.memory_space<vmem>>) semaphore(%arg13 : memref<!tpu.dma_semaphore, #tpu.memory_space<semaphore_mem>>) {add = true}
      } else {
      }
      %add3A_65 = arith.constant 1 : i32
      %add3A_66 = arith.addi %add3A_54, %add3A_65 : i32
      %mul3A_67 = arith.constant 32 : i32
      %mul3A_68 = arith.muli %add3A_66, %mul3A_67 : i32
      %add3A_69 = arith.addi %add3A, %mul3A_68 : i32
      %lt3A_70 = arith.constant 1250 : i32
      %lt3A_71 = arith.cmpi slt, %add3A_69, %lt3A_70 : i32
      %convert_element_type3A_72 = arith.extui %lt3A_71 : i1 to i32
      %cond3A_73 = arith.constant 0 : i32
      %cond3A_74 = arith.cmpi ne, %convert_element_type3A_72, %cond3A_73 : i32
      scf.if %cond3A_74 {
        %mul3A_75 = arith.constant 128 : i32
        %mul3A_76 = arith.muli %add3A_69, %mul3A_75 : i32
        "tpu.region"() ({
          %run_scoped3A_97 = tpu.sem_alloc : memref<!tpu.dma_semaphore, #tpu.memory_space<semaphore_mem>>
          %dma_start3A_98 = tpu.memref_slice %arg4[%mul3A_76] : memref<160000xi32, #tpu.memory_space<hbm>> -> memref<128xi32, #tpu.memory_space<hbm>>
          %dma_start3A_99 = tpu.memref_slice %arg4[%mul3A_76] : memref<160000xi32, #tpu.memory_space<hbm>> -> memref<128xi32, #tpu.memory_space<hbm>>
          tpu.enqueue_dma source(%dma_start3A_99 : memref<128xi32, #tpu.memory_space<hbm>>) target(%arg7 : memref<128xi32, #tpu.memory_space<vmem>>) target_semaphore(%run_scoped3A_97 : memref<!tpu.dma_semaphore, #tpu.memory_space<semaphore_mem>>)
          %dma_wait3A_100 = tpu.memref_slice %arg4[%mul3A_76] : memref<160000xi32, #tpu.memory_space<hbm>> -> memref<128xi32, #tpu.memory_space<hbm>>
          %dma_wait3A_101 = tpu.memref_slice %arg4[%mul3A_76] : memref<160000xi32, #tpu.memory_space<hbm>> -> memref<128xi32, #tpu.memory_space<hbm>>
          tpu.wait_dma2 semaphore(%run_scoped3A_97 : memref<!tpu.dma_semaphore, #tpu.memory_space<semaphore_mem>>) src(%dma_wait3A_101 : memref<128xi32, #tpu.memory_space<hbm>>) dst(%arg7 : memref<128xi32, #tpu.memory_space<vmem>>)
          tpu.yield
        }) : () -> ()
        %run_scoped3A = arith.constant 1 : i32
        "tpu.region"() ({
          %run_scoped3A_97 = tpu.sem_alloc : memref<!tpu.dma_semaphore, #tpu.memory_space<semaphore_mem>>
          %dma_start3A_98 = arith.constant 0 : i32
          %dma_start3A_99 = tpu.memref_slice %arg8[%run_scoped3A, %dma_start3A_98] : memref<2x128xi32, #tpu.memory_space<vmem>> -> memref<1x128xi32, #tpu.memory_space<vmem>>
          %dma_start3A_100 = tpu.memref_squeeze %dma_start3A_99 : memref<1x128xi32, #tpu.memory_space<vmem>> -> memref<128xi32, #tpu.memory_space<vmem>>
          %dma_start3A_101 = tpu.memref_slice %arg5[%mul3A_76] : memref<160000xi32, #tpu.memory_space<hbm>> -> memref<128xi32, #tpu.memory_space<hbm>>
          %dma_start3A_102 = arith.constant 0 : i32
          %dma_start3A_103 = tpu.memref_slice %arg8[%run_scoped3A, %dma_start3A_102] : memref<2x128xi32, #tpu.memory_space<vmem>> -> memref<1x128xi32, #tpu.memory_space<vmem>>
          %dma_start3A_104 = tpu.memref_squeeze %dma_start3A_103 : memref<1x128xi32, #tpu.memory_space<vmem>> -> memref<128xi32, #tpu.memory_space<vmem>>
          %dma_start3A_105 = tpu.memref_slice %arg5[%mul3A_76] : memref<160000xi32, #tpu.memory_space<hbm>> -> memref<128xi32, #tpu.memory_space<hbm>>
          tpu.enqueue_dma source(%dma_start3A_105 : memref<128xi32, #tpu.memory_space<hbm>>) target(%dma_start3A_104 : memref<128xi32, #tpu.memory_space<vmem>>) target_semaphore(%run_scoped3A_97 : memref<!tpu.dma_semaphore, #tpu.memory_space<semaphore_mem>>)
          %dma_wait3A_106 = arith.constant 0 : i32
          %dma_wait3A_107 = tpu.memref_slice %arg8[%run_scoped3A, %dma_wait3A_106] : memref<2x128xi32, #tpu.memory_space<vmem>> -> memref<1x128xi32, #tpu.memory_space<vmem>>
          %dma_wait3A_108 = tpu.memref_squeeze %dma_wait3A_107 : memref<1x128xi32, #tpu.memory_space<vmem>> -> memref<128xi32, #tpu.memory_space<vmem>>
          %dma_wait3A_109 = tpu.memref_slice %arg5[%mul3A_76] : memref<160000xi32, #tpu.memory_space<hbm>> -> memref<128xi32, #tpu.memory_space<hbm>>
          %dma_wait3A_110 = arith.constant 0 : i32
          %dma_wait3A_111 = tpu.memref_slice %arg8[%run_scoped3A, %dma_wait3A_110] : memref<2x128xi32, #tpu.memory_space<vmem>> -> memref<1x128xi32, #tpu.memory_space<vmem>>
          %dma_wait3A_112 = tpu.memref_squeeze %dma_wait3A_111 : memref<1x128xi32, #tpu.memory_space<vmem>> -> memref<128xi32, #tpu.memory_space<vmem>>
          %dma_wait3A_113 = tpu.memref_slice %arg5[%mul3A_76] : memref<160000xi32, #tpu.memory_space<hbm>> -> memref<128xi32, #tpu.memory_space<hbm>>
          tpu.wait_dma2 semaphore(%run_scoped3A_97 : memref<!tpu.dma_semaphore, #tpu.memory_space<semaphore_mem>>) src(%dma_wait3A_113 : memref<128xi32, #tpu.memory_space<hbm>>) dst(%dma_wait3A_112 : memref<128xi32, #tpu.memory_space<vmem>>)
          tpu.yield
        }) : () -> ()
        %ge3A = arith.constant 1 : i32
        %ge3A_77 = arith.cmpi sge, %add3A_66, %ge3A : i32
        %convert_element_type3A_78 = arith.extui %ge3A_77 : i1 to i32
        %cond3A_79 = arith.constant 0 : i32
        %cond3A_80 = arith.cmpi ne, %convert_element_type3A_78, %cond3A_79 : i32
        scf.if %cond3A_80 {
          %dma_wait3A_97 = arith.constant 0 : i32
          %dma_wait3A_98 = arith.constant 0 : i32
          %dma_wait3A_99 = tpu.memref_slice %arg8[%dma_wait3A_97, %dma_wait3A_98] : memref<2x128xi32, #tpu.memory_space<vmem>> -> memref<1x128xi32, #tpu.memory_space<vmem>>
          %dma_wait3A_100 = tpu.memref_squeeze %dma_wait3A_99 : memref<1x128xi32, #tpu.memory_space<vmem>> -> memref<128xi32, #tpu.memory_space<vmem>>
          %dma_wait3A_101 = arith.constant 0 : i32
          %dma_wait3A_102 = arith.constant 0 : i32
          %dma_wait3A_103 = tpu.memref_slice %arg11[%dma_wait3A_101, %dma_wait3A_102] : memref<10240x128xf32, #tpu.memory_space<vmem_shared>> -> memref<10240x128xf32, #tpu.memory_space<vmem_shared>>
          tpu.wait_indirect_dma semaphore(%arg13 : memref<!tpu.dma_semaphore, #tpu.memory_space<semaphore_mem>>) src(%arg9 : memref<128x128xf32, #tpu.memory_space<vmem>>) dst(%dma_wait3A_103 : memref<10240x128xf32, #tpu.memory_space<vmem_shared>>)
        } else {
        }
        %dma_start3A = arith.constant 0 : i32
        %dma_start3A_81 = arith.constant 0 : i32
        %dma_start3A_82 = tpu.memref_slice %arg2[%dma_start3A, %dma_start3A_81] : memref<10000x128xf32, #tpu.memory_space<hbm>> -> memref<10000x128xf32, #tpu.memory_space<hbm>>
        tpu.enqueue_indirect_dma source(%dma_start3A_82 : memref<10000x128xf32, #tpu.memory_space<hbm>>) target(%arg9 : memref<128x128xf32, #tpu.memory_space<vmem>>) offsets(%arg7 : memref<128xi32, #tpu.memory_space<vmem>>) semaphore(%arg12 : memref<!tpu.dma_semaphore, #tpu.memory_space<semaphore_mem>>)
        "tpu.region"() ({
          %run_scoped3A_97 = tpu.sem_alloc : memref<!tpu.dma_semaphore, #tpu.memory_space<semaphore_mem>>
          %dma_start3A_98 = arith.constant 0 : i32
          %dma_start3A_99 = tpu.memref_slice %arg3[%mul3A_76, %dma_start3A_98] : memref<160000x128xf32, #tpu.memory_space<hbm>> -> memref<128x128xf32, #tpu.memory_space<hbm>>
          %dma_start3A_100 = arith.constant 0 : i32
          %dma_start3A_101 = tpu.memref_slice %arg3[%mul3A_76, %dma_start3A_100] : memref<160000x128xf32, #tpu.memory_space<hbm>> -> memref<128x128xf32, #tpu.memory_space<hbm>>
          tpu.enqueue_dma source(%dma_start3A_101 : memref<128x128xf32, #tpu.memory_space<hbm>>) target(%arg10 : memref<128x128xf32, #tpu.memory_space<vmem>>) target_semaphore(%run_scoped3A_97 : memref<!tpu.dma_semaphore, #tpu.memory_space<semaphore_mem>>)
          %dma_wait3A_102 = arith.constant 0 : i32
          %dma_wait3A_103 = tpu.memref_slice %arg3[%mul3A_76, %dma_wait3A_102] : memref<160000x128xf32, #tpu.memory_space<hbm>> -> memref<128x128xf32, #tpu.memory_space<hbm>>
          %dma_wait3A_104 = arith.constant 0 : i32
          %dma_wait3A_105 = tpu.memref_slice %arg3[%mul3A_76, %dma_wait3A_104] : memref<160000x128xf32, #tpu.memory_space<hbm>> -> memref<128x128xf32, #tpu.memory_space<hbm>>
          tpu.wait_dma2 semaphore(%run_scoped3A_97 : memref<!tpu.dma_semaphore, #tpu.memory_space<semaphore_mem>>) src(%dma_wait3A_105 : memref<128x128xf32, #tpu.memory_space<hbm>>) dst(%arg10 : memref<128x128xf32, #tpu.memory_space<vmem>>)
          tpu.yield
        }) : () -> ()
        %dma_wait3A = arith.constant 0 : i32
        %dma_wait3A_83 = arith.constant 0 : i32
        %dma_wait3A_84 = tpu.memref_slice %arg2[%dma_wait3A, %dma_wait3A_83] : memref<10000x128xf32, #tpu.memory_space<hbm>> -> memref<10000x128xf32, #tpu.memory_space<hbm>>
        tpu.wait_indirect_dma semaphore(%arg12 : memref<!tpu.dma_semaphore, #tpu.memory_space<semaphore_mem>>) src(%dma_wait3A_84 : memref<10000x128xf32, #tpu.memory_space<hbm>>) dst(%arg9 : memref<128x128xf32, #tpu.memory_space<vmem>>)
        %scan3A_85 = arith.constant 0 : i32
        %scan3A_86 = arith.constant 128 : i32
        %scan3A_87 = arith.addi %scan3A_85, %scan3A_86 : i32
        %scan3A_88 = arith.constant 1 : i32
        scf.for %scan3A_97 = %scan3A_85 to %scan3A_87 step %scan3A_88  : i32 {
          %mul3A_98 = arith.constant 1 : i32
          %mul3A_99 = arith.muli %scan3A_97, %mul3A_98 : i32
          %add3A_100 = arith.constant 0 : i32
          %add3A_101 = arith.addi %add3A_100, %mul3A_99 : i32
          %scan3A_102 = arith.constant 0 : i32
          %scan3A_103 = arith.constant 8 : i32
          %scan3A_104 = arith.addi %scan3A_102, %scan3A_103 : i32
          %scan3A_105 = arith.constant 1 : i32
          scf.for %scan3A_107 = %scan3A_102 to %scan3A_104 step %scan3A_105  : i32 {
            %mul3A_108 = arith.constant 16 : i32
            %mul3A_109 = arith.muli %scan3A_107, %mul3A_108 : i32
            %add3A_110 = arith.constant 0 : i32
            %add3A_111 = arith.addi %add3A_110, %mul3A_109 : i32
            %get3A = arith.index_cast %add3A_101 : i32 to index
            %get3A_112 = arith.index_cast %add3A_111 : i32 to index
            %get3A_113 = tpu.vector_load %arg9[%get3A, %get3A_112] {strides = array<i32>} : memref<128x128xf32, #tpu.memory_space<vmem>>, vector<16xf32>,
            %get3A_114 = arith.index_cast %add3A_101 : i32 to index
            %get3A_115 = arith.index_cast %add3A_111 : i32 to index
            %get3A_116 = tpu.vector_load %arg10[%get3A_114, %get3A_115] {strides = array<i32>} : memref<128x128xf32, #tpu.memory_space<vmem>>, vector<16xf32>,
            %mul3A_117 = arith.mulf %get3A_113, %get3A_116 : vector<16xf32>
            %swap3A = arith.index_cast %add3A_101 : i32 to index
            %swap3A_118 = arith.index_cast %add3A_111 : i32 to index
            %swap3A_119 = tpu.vector_load %arg9[%swap3A, %swap3A_118] {strides = array<i32>} : memref<128x128xf32, #tpu.memory_space<vmem>>, vector<16xf32>,
            tpu.vector_store %arg9[%swap3A, %swap3A_118], %mul3A_117 {strides = array<i32>} : memref<128x128xf32, #tpu.memory_space<vmem>>, vector<16xf32>,
          }
          %scan3A_106 = arith.constant 8 : i32
        }
        %scan3A_89 = arith.constant 128 : i32
        %dma_start3A_90 = arith.constant 1 : i32
        %dma_start3A_91 = arith.constant 0 : i32
        %dma_start3A_92 = tpu.memref_slice %arg8[%dma_start3A_90, %dma_start3A_91] : memref<2x128xi32, #tpu.memory_space<vmem>> -> memref<1x128xi32, #tpu.memory_space<vmem>>
        %dma_start3A_93 = tpu.memref_squeeze %dma_start3A_92 : memref<1x128xi32, #tpu.memory_space<vmem>> -> memref<128xi32, #tpu.memory_space<vmem>>
        %dma_start3A_94 = arith.constant 0 : i32
        %dma_start3A_95 = arith.constant 0 : i32
        %dma_start3A_96 = tpu.memref_slice %arg11[%dma_start3A_94, %dma_start3A_95] : memref<10240x128xf32, #tpu.memory_space<vmem_shared>> -> memref<10240x128xf32, #tpu.memory_space<vmem_shared>>
        tpu.enqueue_indirect_dma source(%arg9 : memref<128x128xf32, #tpu.memory_space<vmem>>) target(%dma_start3A_96 : memref<10240x128xf32, #tpu.memory_space<vmem_shared>>) offsets(%dma_start3A_93 : memref<128xi32, #tpu.memory_space<vmem>>) semaphore(%arg13 : memref<!tpu.dma_semaphore, #tpu.memory_space<semaphore_mem>>) {add = true}
      } else {
      }
    }
    %scan3A_21 = arith.constant 20 : i32
    %add3A_22 = arith.constant 1248 : i32
    %add3A_23 = arith.addi %add3A, %add3A_22 : i32
    %lt3A = arith.constant 1250 : i32
    %lt3A_24 = arith.cmpi slt, %add3A_23, %lt3A : i32
    %jit3A = arith.constant 0 : i32
    %jit3A_25 = arith.constant 1 : i32
    %select_n3A = arith.select %lt3A_24, %jit3A, %jit3A_25 : i32
    %sub3A = arith.constant 40 : i32
    %sub3A_26 = arith.subi %sub3A, %select_n3A : i32
    %sub3A_27 = arith.constant 1 : i32
    %sub3A_28 = arith.subi %sub3A_26, %sub3A_27 : i32
    %jit3A_29 = arith.constant 2 : i32
    %eq3A = arith.constant 0 : i32
    %eq3A_30 = arith.cmpi eq, %jit3A_29, %eq3A : i32
    %jit3A_31 = arith.constant 1 : i32
    %select_n3A_32 = arith.select %eq3A_30, %jit3A_31, %jit3A_29 : i32
    %rem3A = arith.remsi %sub3A_28, %select_n3A_32 : i32
    %ne3A = arith.constant 0 : i32
    %ne3A_33 = arith.cmpi ne, %rem3A, %ne3A : i32
    %lt3A_34 = arith.constant 0 : i32
    %lt3A_35 = arith.cmpi slt, %rem3A, %lt3A_34 : i32
    %lt3A_36 = arith.constant 0 : i32
    %lt3A_37 = arith.cmpi slt, %select_n3A_32, %lt3A_36 : i32
    %ne3A_38 = arith.xori %lt3A_35, %lt3A_37 : i1
    %and3A = arith.andi %ne3A_38, %ne3A_33 : i1
    %add3A_39 = arith.addi %rem3A, %select_n3A_32 : i32
    %select_n3A_40 = arith.select %and3A, %add3A_39, %rem3A : i32
    %eq3A_41 = arith.constant 0 : i32
    %eq3A_42 = arith.cmpi eq, %select_n3A_40, %eq3A_41 : i32
    %convert_element_type3A = arith.extui %eq3A_42 : i1 to i32
    %cond3A = arith.constant 0 : i32
    %cond3A_43 = arith.cmpi ne, %convert_element_type3A, %cond3A : i32
    scf.if %cond3A_43 {
      %dma_wait3A = arith.constant 0 : i32
      %dma_wait3A_50 = arith.constant 0 : i32
      %dma_wait3A_51 = tpu.memref_slice %arg8[%dma_wait3A, %dma_wait3A_50] : memref<2x128xi32, #tpu.memory_space<vmem>> -> memref<1x128xi32, #tpu.memory_space<vmem>>
      %dma_wait3A_52 = tpu.memref_squeeze %dma_wait3A_51 : memref<1x128xi32, #tpu.memory_space<vmem>> -> memref<128xi32, #tpu.memory_space<vmem>>
      %dma_wait3A_53 = arith.constant 0 : i32
      %dma_wait3A_54 = arith.constant 0 : i32
      %dma_wait3A_55 = tpu.memref_slice %arg11[%dma_wait3A_53, %dma_wait3A_54] : memref<10240x128xf32, #tpu.memory_space<vmem_shared>> -> memref<10240x128xf32, #tpu.memory_space<vmem_shared>>
      tpu.wait_indirect_dma semaphore(%arg13 : memref<!tpu.dma_semaphore, #tpu.memory_space<semaphore_mem>>) src(%arg9 : memref<128x128xf32, #tpu.memory_space<vmem>>) dst(%dma_wait3A_55 : memref<10240x128xf32, #tpu.memory_space<vmem_shared>>)
    } else {
    }
    %eq3A_44 = arith.constant 1 : i32
    %eq3A_45 = arith.cmpi eq, %select_n3A_40, %eq3A_44 : i32
    %convert_element_type3A_46 = arith.extui %eq3A_45 : i1 to i32
    %cond3A_47 = arith.constant 0 : i32
    %cond3A_48 = arith.cmpi ne, %convert_element_type3A_46, %cond3A_47 : i32
    scf.if %cond3A_48 {
      %dma_wait3A = arith.constant 1 : i32
      %dma_wait3A_50 = arith.constant 0 : i32
      %dma_wait3A_51 = tpu.memref_slice %arg8[%dma_wait3A, %dma_wait3A_50] : memref<2x128xi32, #tpu.memory_space<vmem>> -> memref<1x128xi32, #tpu.memory_space<vmem>>
      %dma_wait3A_52 = tpu.memref_squeeze %dma_wait3A_51 : memref<1x128xi32, #tpu.memory_space<vmem>> -> memref<128xi32, #tpu.memory_space<vmem>>
      %dma_wait3A_53 = arith.constant 0 : i32
      %dma_wait3A_54 = arith.constant 0 : i32
      %dma_wait3A_55 = tpu.memref_slice %arg11[%dma_wait3A_53, %dma_wait3A_54] : memref<10240x128xf32, #tpu.memory_space<vmem_shared>> -> memref<10240x128xf32, #tpu.memory_space<vmem_shared>>
      tpu.wait_indirect_dma semaphore(%arg13 : memref<!tpu.dma_semaphore, #tpu.memory_space<semaphore_mem>>) src(%arg9 : memref<128x128xf32, #tpu.memory_space<vmem>>) dst(%dma_wait3A_55 : memref<10240x128xf32, #tpu.memory_space<vmem_shared>>)
    } else {
    }
    %barrier3A_49 = arith.constant 0 : index
    tpu.barrier barrier_id(%barrier3A_49)
    "tpu.region"() ({
      %run_scoped3A = tpu.sem_alloc : memref<!tpu.dma_semaphore, #tpu.memory_space<semaphore_mem>>
      %dma_start3A = arith.constant 0 : i32
      %dma_start3A_50 = tpu.memref_slice %arg6[%arg0, %mul3A_6, %dma_start3A] : memref<2x10240x128xf32, #tpu.memory_space<hbm>> -> memref<1x640x128xf32, #tpu.memory_space<hbm>>
      %dma_start3A_51 = tpu.memref_squeeze %dma_start3A_50 : memref<1x640x128xf32, #tpu.memory_space<hbm>> -> memref<640x128xf32, #tpu.memory_space<hbm>>
      %dma_start3A_52 = arith.constant 0 : i32
      %dma_start3A_53 = tpu.memref_slice %arg11[%mul3A_6, %dma_start3A_52] : memref<10240x128xf32, #tpu.memory_space<vmem_shared>> -> memref<640x128xf32, #tpu.memory_space<vmem_shared>>
      tpu.enqueue_dma source(%dma_start3A_53 : memref<640x128xf32, #tpu.memory_space<vmem_shared>>) target(%dma_start3A_51 : memref<640x128xf32, #tpu.memory_space<hbm>>) target_semaphore(%run_scoped3A : memref<!tpu.dma_semaphore, #tpu.memory_space<semaphore_mem>>)
      %dma_wait3A = arith.constant 0 : i32
      %dma_wait3A_54 = tpu.memref_slice %arg6[%arg0, %mul3A_6, %dma_wait3A] : memref<2x10240x128xf32, #tpu.memory_space<hbm>> -> memref<1x640x128xf32, #tpu.memory_space<hbm>>
      %dma_wait3A_55 = tpu.memref_squeeze %dma_wait3A_54 : memref<1x640x128xf32, #tpu.memory_space<hbm>> -> memref<640x128xf32, #tpu.memory_space<hbm>>
      %dma_wait3A_56 = arith.constant 0 : i32
      %dma_wait3A_57 = tpu.memref_slice %arg11[%mul3A_6, %dma_wait3A_56] : memref<10240x128xf32, #tpu.memory_space<vmem_shared>> -> memref<640x128xf32, #tpu.memory_space<vmem_shared>>
      tpu.wait_dma2 semaphore(%run_scoped3A : memref<!tpu.dma_semaphore, #tpu.memory_space<semaphore_mem>>) src(%dma_wait3A_57 : memref<640x128xf32, #tpu.memory_space<vmem_shared>>) dst(%dma_wait3A_55 : memref<640x128xf32, #tpu.memory_space<hbm>>)
      tpu.yield
    }) : () -> ()
    return
  }
}

#map = affine_map<(d0, d1) -> (0, 0)>
#map1 = affine_map<(d0, d1) -> (0)>
#map2 = affine_map<(d0, d1) -> (0, 0, 0)>
module attributes {stable_mosaic.version = 14 : i64} {
  func.func @_sc_deg(%arg0: i32, %arg1: i32, %arg2: memref<160000x128xf32, #tpu.memory_space<hbm>>, %arg3: memref<160000xi32, #tpu.memory_space<hbm>>, %arg4: memref<2x10240x128xf32, #tpu.memory_space<hbm>>, %arg5: memref<128xi32, #tpu.memory_space<vmem>>, %arg6: memref<128x128xf32, #tpu.memory_space<vmem>>, %arg7: memref<10240x128xf32, #tpu.memory_space<vmem_shared>>) attributes {dimension_semantics = [#tpu.dimension_semantics<core_parallel>, #tpu.dimension_semantics<subcore_parallel>], iteration_bounds = array<i64: 2, 16>, scalar_prefetch = 0 : i64, scratch_operands = 3 : i64, tpu.core_type = #tpu.core_type<sc_vector_subcore>, window_params = [{transform_indices = #map}, {transform_indices = #map1}, {transform_indices = #map2}]} {
    %mul3A = arith.constant 2 : i32
    %mul3A_0 = arith.muli %arg1, %mul3A : i32
    %add3A = arith.addi %mul3A_0, %arg0 : i32
    %scan3A = arith.constant 0 : i32
    %scan3A_1 = arith.constant 128 : i32
    %scan3A_2 = arith.addi %scan3A, %scan3A_1 : i32
    %scan3A_3 = arith.constant 1 : i32
    scf.for %scan3A_23 = %scan3A to %scan3A_2 step %scan3A_3  : i32 {
      %mul3A_24 = arith.constant 1 : i32
      %mul3A_25 = arith.muli %scan3A_23, %mul3A_24 : i32
      %add3A_26 = arith.constant 0 : i32
      %add3A_27 = arith.addi %add3A_26, %mul3A_25 : i32
      %scan3A_28 = arith.constant 0 : i32
      %scan3A_29 = arith.constant 8 : i32
      %scan3A_30 = arith.addi %scan3A_28, %scan3A_29 : i32
      %scan3A_31 = arith.constant 1 : i32
      scf.for %scan3A_33 = %scan3A_28 to %scan3A_30 step %scan3A_31  : i32 {
        %mul3A_34 = arith.constant 16 : i32
        %mul3A_35 = arith.muli %scan3A_33, %mul3A_34 : i32
        %add3A_36 = arith.constant 0 : i32
        %add3A_37 = arith.addi %add3A_36, %mul3A_35 : i32
        %broadcast_in_dim3A = arith.constant 0.000000e+00 : f32
        %broadcast_in_dim3A_38 = vector.broadcast %broadcast_in_dim3A : f32 to vector<16xf32>
        %swap3A = arith.index_cast %add3A_27 : i32 to index
        %swap3A_39 = arith.index_cast %add3A_37 : i32 to index
        %swap3A_40 = tpu.vector_load %arg6[%swap3A, %swap3A_39] {strides = array<i32>} : memref<128x128xf32, #tpu.memory_space<vmem>>, vector<16xf32>,
        tpu.vector_store %arg6[%swap3A, %swap3A_39], %broadcast_in_dim3A_38 {strides = array<i32>} : memref<128x128xf32, #tpu.memory_space<vmem>>, vector<16xf32>,
      }
      %scan3A_32 = arith.constant 8 : i32
    }
    %scan3A_4 = arith.constant 128 : i32
    %mul3A_5 = arith.constant 640 : i32
    %mul3A_6 = arith.muli %arg1, %mul3A_5 : i32
    %add3A_7 = arith.constant 0 : i32
    %add3A_8 = arith.addi %mul3A_6, %add3A_7 : i32
    "tpu.region"() ({
      %run_scoped3A = tpu.sem_alloc : memref<!tpu.dma_semaphore, #tpu.memory_space<semaphore_mem>>
      %dma_start3A = arith.constant 0 : i32
      %dma_start3A_23 = tpu.memref_slice %arg7[%add3A_8, %dma_start3A] : memref<10240x128xf32, #tpu.memory_space<vmem_shared>> -> memref<128x128xf32, #tpu.memory_space<vmem_shared>>
      %dma_start3A_24 = arith.constant 0 : i32
      %dma_start3A_25 = tpu.memref_slice %arg7[%add3A_8, %dma_start3A_24] : memref<10240x128xf32, #tpu.memory_space<vmem_shared>> -> memref<128x128xf32, #tpu.memory_space<vmem_shared>>
      tpu.enqueue_dma source(%arg6 : memref<128x128xf32, #tpu.memory_space<vmem>>) target(%dma_start3A_25 : memref<128x128xf32, #tpu.memory_space<vmem_shared>>) target_semaphore(%run_scoped3A : memref<!tpu.dma_semaphore, #tpu.memory_space<semaphore_mem>>)
      %dma_wait3A = arith.constant 0 : i32
      %dma_wait3A_26 = tpu.memref_slice %arg7[%add3A_8, %dma_wait3A] : memref<10240x128xf32, #tpu.memory_space<vmem_shared>> -> memref<128x128xf32, #tpu.memory_space<vmem_shared>>
      %dma_wait3A_27 = arith.constant 0 : i32
      %dma_wait3A_28 = tpu.memref_slice %arg7[%add3A_8, %dma_wait3A_27] : memref<10240x128xf32, #tpu.memory_space<vmem_shared>> -> memref<128x128xf32, #tpu.memory_space<vmem_shared>>
      tpu.wait_dma2 semaphore(%run_scoped3A : memref<!tpu.dma_semaphore, #tpu.memory_space<semaphore_mem>>) src(%arg6 : memref<128x128xf32, #tpu.memory_space<vmem>>) dst(%dma_wait3A_28 : memref<128x128xf32, #tpu.memory_space<vmem_shared>>)
      tpu.yield
    }) : () -> ()
    %add3A_9 = arith.constant 128 : i32
    %add3A_10 = arith.addi %mul3A_6, %add3A_9 : i32
    "tpu.region"() ({
      %run_scoped3A = tpu.sem_alloc : memref<!tpu.dma_semaphore, #tpu.memory_space<semaphore_mem>>
      %dma_start3A = arith.constant 0 : i32
      %dma_start3A_23 = tpu.memref_slice %arg7[%add3A_10, %dma_start3A] : memref<10240x128xf32, #tpu.memory_space<vmem_shared>> -> memref<128x128xf32, #tpu.memory_space<vmem_shared>>
      %dma_start3A_24 = arith.constant 0 : i32
      %dma_start3A_25 = tpu.memref_slice %arg7[%add3A_10, %dma_start3A_24] : memref<10240x128xf32, #tpu.memory_space<vmem_shared>> -> memref<128x128xf32, #tpu.memory_space<vmem_shared>>
      tpu.enqueue_dma source(%arg6 : memref<128x128xf32, #tpu.memory_space<vmem>>) target(%dma_start3A_25 : memref<128x128xf32, #tpu.memory_space<vmem_shared>>) target_semaphore(%run_scoped3A : memref<!tpu.dma_semaphore, #tpu.memory_space<semaphore_mem>>)
      %dma_wait3A = arith.constant 0 : i32
      %dma_wait3A_26 = tpu.memref_slice %arg7[%add3A_10, %dma_wait3A] : memref<10240x128xf32, #tpu.memory_space<vmem_shared>> -> memref<128x128xf32, #tpu.memory_space<vmem_shared>>
      %dma_wait3A_27 = arith.constant 0 : i32
      %dma_wait3A_28 = tpu.memref_slice %arg7[%add3A_10, %dma_wait3A_27] : memref<10240x128xf32, #tpu.memory_space<vmem_shared>> -> memref<128x128xf32, #tpu.memory_space<vmem_shared>>
      tpu.wait_dma2 semaphore(%run_scoped3A : memref<!tpu.dma_semaphore, #tpu.memory_space<semaphore_mem>>) src(%arg6 : memref<128x128xf32, #tpu.memory_space<vmem>>) dst(%dma_wait3A_28 : memref<128x128xf32, #tpu.memory_space<vmem_shared>>)
      tpu.yield
    }) : () -> ()
    %add3A_11 = arith.constant 256 : i32
    %add3A_12 = arith.addi %mul3A_6, %add3A_11 : i32
    "tpu.region"() ({
      %run_scoped3A = tpu.sem_alloc : memref<!tpu.dma_semaphore, #tpu.memory_space<semaphore_mem>>
      %dma_start3A = arith.constant 0 : i32
      %dma_start3A_23 = tpu.memref_slice %arg7[%add3A_12, %dma_start3A] : memref<10240x128xf32, #tpu.memory_space<vmem_shared>> -> memref<128x128xf32, #tpu.memory_space<vmem_shared>>
      %dma_start3A_24 = arith.constant 0 : i32
      %dma_start3A_25 = tpu.memref_slice %arg7[%add3A_12, %dma_start3A_24] : memref<10240x128xf32, #tpu.memory_space<vmem_shared>> -> memref<128x128xf32, #tpu.memory_space<vmem_shared>>
      tpu.enqueue_dma source(%arg6 : memref<128x128xf32, #tpu.memory_space<vmem>>) target(%dma_start3A_25 : memref<128x128xf32, #tpu.memory_space<vmem_shared>>) target_semaphore(%run_scoped3A : memref<!tpu.dma_semaphore, #tpu.memory_space<semaphore_mem>>)
      %dma_wait3A = arith.constant 0 : i32
      %dma_wait3A_26 = tpu.memref_slice %arg7[%add3A_12, %dma_wait3A] : memref<10240x128xf32, #tpu.memory_space<vmem_shared>> -> memref<128x128xf32, #tpu.memory_space<vmem_shared>>
      %dma_wait3A_27 = arith.constant 0 : i32
      %dma_wait3A_28 = tpu.memref_slice %arg7[%add3A_12, %dma_wait3A_27] : memref<10240x128xf32, #tpu.memory_space<vmem_shared>> -> memref<128x128xf32, #tpu.memory_space<vmem_shared>>
      tpu.wait_dma2 semaphore(%run_scoped3A : memref<!tpu.dma_semaphore, #tpu.memory_space<semaphore_mem>>) src(%arg6 : memref<128x128xf32, #tpu.memory_space<vmem>>) dst(%dma_wait3A_28 : memref<128x128xf32, #tpu.memory_space<vmem_shared>>)
      tpu.yield
    }) : () -> ()
    %add3A_13 = arith.constant 384 : i32
    %add3A_14 = arith.addi %mul3A_6, %add3A_13 : i32
    "tpu.region"() ({
      %run_scoped3A = tpu.sem_alloc : memref<!tpu.dma_semaphore, #tpu.memory_space<semaphore_mem>>
      %dma_start3A = arith.constant 0 : i32
      %dma_start3A_23 = tpu.memref_slice %arg7[%add3A_14, %dma_start3A] : memref<10240x128xf32, #tpu.memory_space<vmem_shared>> -> memref<128x128xf32, #tpu.memory_space<vmem_shared>>
      %dma_start3A_24 = arith.constant 0 : i32
      %dma_start3A_25 = tpu.memref_slice %arg7[%add3A_14, %dma_start3A_24] : memref<10240x128xf32, #tpu.memory_space<vmem_shared>> -> memref<128x128xf32, #tpu.memory_space<vmem_shared>>
      tpu.enqueue_dma source(%arg6 : memref<128x128xf32, #tpu.memory_space<vmem>>) target(%dma_start3A_25 : memref<128x128xf32, #tpu.memory_space<vmem_shared>>) target_semaphore(%run_scoped3A : memref<!tpu.dma_semaphore, #tpu.memory_space<semaphore_mem>>)
      %dma_wait3A = arith.constant 0 : i32
      %dma_wait3A_26 = tpu.memref_slice %arg7[%add3A_14, %dma_wait3A] : memref<10240x128xf32, #tpu.memory_space<vmem_shared>> -> memref<128x128xf32, #tpu.memory_space<vmem_shared>>
      %dma_wait3A_27 = arith.constant 0 : i32
      %dma_wait3A_28 = tpu.memref_slice %arg7[%add3A_14, %dma_wait3A_27] : memref<10240x128xf32, #tpu.memory_space<vmem_shared>> -> memref<128x128xf32, #tpu.memory_space<vmem_shared>>
      tpu.wait_dma2 semaphore(%run_scoped3A : memref<!tpu.dma_semaphore, #tpu.memory_space<semaphore_mem>>) src(%arg6 : memref<128x128xf32, #tpu.memory_space<vmem>>) dst(%dma_wait3A_28 : memref<128x128xf32, #tpu.memory_space<vmem_shared>>)
      tpu.yield
    }) : () -> ()
    %add3A_15 = arith.constant 512 : i32
    %add3A_16 = arith.addi %mul3A_6, %add3A_15 : i32
    "tpu.region"() ({
      %run_scoped3A = tpu.sem_alloc : memref<!tpu.dma_semaphore, #tpu.memory_space<semaphore_mem>>
      %dma_start3A = arith.constant 0 : i32
      %dma_start3A_23 = tpu.memref_slice %arg7[%add3A_16, %dma_start3A] : memref<10240x128xf32, #tpu.memory_space<vmem_shared>> -> memref<128x128xf32, #tpu.memory_space<vmem_shared>>
      %dma_start3A_24 = arith.constant 0 : i32
      %dma_start3A_25 = tpu.memref_slice %arg7[%add3A_16, %dma_start3A_24] : memref<10240x128xf32, #tpu.memory_space<vmem_shared>> -> memref<128x128xf32, #tpu.memory_space<vmem_shared>>
      tpu.enqueue_dma source(%arg6 : memref<128x128xf32, #tpu.memory_space<vmem>>) target(%dma_start3A_25 : memref<128x128xf32, #tpu.memory_space<vmem_shared>>) target_semaphore(%run_scoped3A : memref<!tpu.dma_semaphore, #tpu.memory_space<semaphore_mem>>)
      %dma_wait3A = arith.constant 0 : i32
      %dma_wait3A_26 = tpu.memref_slice %arg7[%add3A_16, %dma_wait3A] : memref<10240x128xf32, #tpu.memory_space<vmem_shared>> -> memref<128x128xf32, #tpu.memory_space<vmem_shared>>
      %dma_wait3A_27 = arith.constant 0 : i32
      %dma_wait3A_28 = tpu.memref_slice %arg7[%add3A_16, %dma_wait3A_27] : memref<10240x128xf32, #tpu.memory_space<vmem_shared>> -> memref<128x128xf32, #tpu.memory_space<vmem_shared>>
      tpu.wait_dma2 semaphore(%run_scoped3A : memref<!tpu.dma_semaphore, #tpu.memory_space<semaphore_mem>>) src(%arg6 : memref<128x128xf32, #tpu.memory_space<vmem>>) dst(%dma_wait3A_28 : memref<128x128xf32, #tpu.memory_space<vmem_shared>>)
      tpu.yield
    }) : () -> ()
    %barrier3A = arith.constant 0 : index
    tpu.barrier barrier_id(%barrier3A)
    %scan3A_17 = arith.constant 0 : i32
    %scan3A_18 = arith.constant 40 : i32
    %scan3A_19 = arith.addi %scan3A_17, %scan3A_18 : i32
    %scan3A_20 = arith.constant 1 : i32
    scf.for %scan3A_23 = %scan3A_17 to %scan3A_19 step %scan3A_20  : i32 {
      %mul3A_24 = arith.constant 1 : i32
      %mul3A_25 = arith.muli %scan3A_23, %mul3A_24 : i32
      %add3A_26 = arith.constant 0 : i32
      %add3A_27 = arith.addi %add3A_26, %mul3A_25 : i32
      %mul3A_28 = arith.constant 32 : i32
      %mul3A_29 = arith.muli %add3A_27, %mul3A_28 : i32
      %add3A_30 = arith.addi %add3A, %mul3A_29 : i32
      %lt3A = arith.constant 1250 : i32
      %lt3A_31 = arith.cmpi slt, %add3A_30, %lt3A : i32
      %convert_element_type3A = arith.extui %lt3A_31 : i1 to i32
      %cond3A = arith.constant 0 : i32
      %cond3A_32 = arith.cmpi ne, %convert_element_type3A, %cond3A : i32
      scf.if %cond3A_32 {
        %mul3A_33 = arith.constant 128 : i32
        %mul3A_34 = arith.muli %add3A_30, %mul3A_33 : i32
        "tpu.region"() ({
          %run_scoped3A = tpu.sem_alloc : memref<!tpu.dma_semaphore, #tpu.memory_space<semaphore_mem>>
          %dma_start3A = tpu.memref_slice %arg3[%mul3A_34] : memref<160000xi32, #tpu.memory_space<hbm>> -> memref<128xi32, #tpu.memory_space<hbm>>
          %dma_start3A_35 = tpu.memref_slice %arg3[%mul3A_34] : memref<160000xi32, #tpu.memory_space<hbm>> -> memref<128xi32, #tpu.memory_space<hbm>>
          tpu.enqueue_dma source(%dma_start3A_35 : memref<128xi32, #tpu.memory_space<hbm>>) target(%arg5 : memref<128xi32, #tpu.memory_space<vmem>>) target_semaphore(%run_scoped3A : memref<!tpu.dma_semaphore, #tpu.memory_space<semaphore_mem>>)
          %dma_wait3A = tpu.memref_slice %arg3[%mul3A_34] : memref<160000xi32, #tpu.memory_space<hbm>> -> memref<128xi32, #tpu.memory_space<hbm>>
          %dma_wait3A_36 = tpu.memref_slice %arg3[%mul3A_34] : memref<160000xi32, #tpu.memory_space<hbm>> -> memref<128xi32, #tpu.memory_space<hbm>>
          tpu.wait_dma2 semaphore(%run_scoped3A : memref<!tpu.dma_semaphore, #tpu.memory_space<semaphore_mem>>) src(%dma_wait3A_36 : memref<128xi32, #tpu.memory_space<hbm>>) dst(%arg5 : memref<128xi32, #tpu.memory_space<vmem>>)
          tpu.yield
        }) : () -> ()
        "tpu.region"() ({
          %run_scoped3A = tpu.sem_alloc : memref<!tpu.dma_semaphore, #tpu.memory_space<semaphore_mem>>
          %dma_start3A = arith.constant 0 : i32
          %dma_start3A_35 = tpu.memref_slice %arg2[%mul3A_34, %dma_start3A] : memref<160000x128xf32, #tpu.memory_space<hbm>> -> memref<128x128xf32, #tpu.memory_space<hbm>>
          %dma_start3A_36 = arith.constant 0 : i32
          %dma_start3A_37 = tpu.memref_slice %arg2[%mul3A_34, %dma_start3A_36] : memref<160000x128xf32, #tpu.memory_space<hbm>> -> memref<128x128xf32, #tpu.memory_space<hbm>>
          tpu.enqueue_dma source(%dma_start3A_37 : memref<128x128xf32, #tpu.memory_space<hbm>>) target(%arg6 : memref<128x128xf32, #tpu.memory_space<vmem>>) target_semaphore(%run_scoped3A : memref<!tpu.dma_semaphore, #tpu.memory_space<semaphore_mem>>)
          %dma_wait3A = arith.constant 0 : i32
          %dma_wait3A_38 = tpu.memref_slice %arg2[%mul3A_34, %dma_wait3A] : memref<160000x128xf32, #tpu.memory_space<hbm>> -> memref<128x128xf32, #tpu.memory_space<hbm>>
          %dma_wait3A_39 = arith.constant 0 : i32
          %dma_wait3A_40 = tpu.memref_slice %arg2[%mul3A_34, %dma_wait3A_39] : memref<160000x128xf32, #tpu.memory_space<hbm>> -> memref<128x128xf32, #tpu.memory_space<hbm>>
          tpu.wait_dma2 semaphore(%run_scoped3A : memref<!tpu.dma_semaphore, #tpu.memory_space<semaphore_mem>>) src(%dma_wait3A_40 : memref<128x128xf32, #tpu.memory_space<hbm>>) dst(%arg6 : memref<128x128xf32, #tpu.memory_space<vmem>>)
          tpu.yield
        }) : () -> ()
        "tpu.region"() ({
          %run_scoped3A = tpu.sem_alloc : memref<!tpu.dma_semaphore, #tpu.memory_space<semaphore_mem>>
          %dma_start3A = arith.constant 0 : i32
          %dma_start3A_35 = arith.constant 0 : i32
          %dma_start3A_36 = tpu.memref_slice %arg7[%dma_start3A, %dma_start3A_35] : memref<10240x128xf32, #tpu.memory_space<vmem_shared>> -> memref<10240x128xf32, #tpu.memory_space<vmem_shared>>
          tpu.enqueue_indirect_dma source(%arg6 : memref<128x128xf32, #tpu.memory_space<vmem>>) target(%dma_start3A_36 : memref<10240x128xf32, #tpu.memory_space<vmem_shared>>) offsets(%arg5 : memref<128xi32, #tpu.memory_space<vmem>>) semaphore(%run_scoped3A : memref<!tpu.dma_semaphore, #tpu.memory_space<semaphore_mem>>) {add = true}
          %dma_wait3A = arith.constant 0 : i32
          %dma_wait3A_37 = arith.constant 0 : i32
          %dma_wait3A_38 = tpu.memref_slice %arg7[%dma_wait3A, %dma_wait3A_37] : memref<10240x128xf32, #tpu.memory_space<vmem_shared>> -> memref<10240x128xf32, #tpu.memory_space<vmem_shared>>
          tpu.wait_indirect_dma semaphore(%run_scoped3A : memref<!tpu.dma_semaphore, #tpu.memory_space<semaphore_mem>>) src(%arg6 : memref<128x128xf32, #tpu.memory_space<vmem>>) dst(%dma_wait3A_38 : memref<10240x128xf32, #tpu.memory_space<vmem_shared>>)
          tpu.yield
        }) : () -> ()
      } else {
      }
    }
    %scan3A_21 = arith.constant 40 : i32
    %barrier3A_22 = arith.constant 0 : index
    tpu.barrier barrier_id(%barrier3A_22)
    "tpu.region"() ({
      %run_scoped3A = tpu.sem_alloc : memref<!tpu.dma_semaphore, #tpu.memory_space<semaphore_mem>>
      %dma_start3A = arith.constant 0 : i32
      %dma_start3A_23 = tpu.memref_slice %arg4[%arg0, %mul3A_6, %dma_start3A] : memref<2x10240x128xf32, #tpu.memory_space<hbm>> -> memref<1x640x128xf32, #tpu.memory_space<hbm>>
      %dma_start3A_24 = tpu.memref_squeeze %dma_start3A_23 : memref<1x640x128xf32, #tpu.memory_space<hbm>> -> memref<640x128xf32, #tpu.memory_space<hbm>>
      %dma_start3A_25 = arith.constant 0 : i32
      %dma_start3A_26 = tpu.memref_slice %arg7[%mul3A_6, %dma_start3A_25] : memref<10240x128xf32, #tpu.memory_space<vmem_shared>> -> memref<640x128xf32, #tpu.memory_space<vmem_shared>>
      tpu.enqueue_dma source(%dma_start3A_26 : memref<640x128xf32, #tpu.memory_space<vmem_shared>>) target(%dma_start3A_24 : memref<640x128xf32, #tpu.memory_space<hbm>>) target_semaphore(%run_scoped3A : memref<!tpu.dma_semaphore, #tpu.memory_space<semaphore_mem>>)
      %dma_wait3A = arith.constant 0 : i32
      %dma_wait3A_27 = tpu.memref_slice %arg4[%arg0, %mul3A_6, %dma_wait3A] : memref<2x10240x128xf32, #tpu.memory_space<hbm>> -> memref<1x640x128xf32, #tpu.memory_space<hbm>>
      %dma_wait3A_28 = tpu.memref_squeeze %dma_wait3A_27 : memref<1x640x128xf32, #tpu.memory_space<hbm>> -> memref<640x128xf32, #tpu.memory_space<hbm>>
      %dma_wait3A_29 = arith.constant 0 : i32
      %dma_wait3A_30 = tpu.memref_slice %arg7[%mul3A_6, %dma_wait3A_29] : memref<10240x128xf32, #tpu.memory_space<vmem_shared>> -> memref<640x128xf32, #tpu.memory_space<vmem_shared>>
      tpu.wait_dma2 semaphore(%run_scoped3A : memref<!tpu.dma_semaphore, #tpu.memory_space<semaphore_mem>>) src(%dma_wait3A_30 : memref<640x128xf32, #tpu.memory_space<vmem_shared>>) dst(%dma_wait3A_28 : memref<640x128xf32, #tpu.memory_space<hbm>>)
      tpu.yield
    }) : () -> ()
    return
  }
}

#map = affine_map<(d0, d1) -> (0, 0)>
#map1 = affine_map<(d0, d1) -> (0)>
#map2 = affine_map<(d0, d1) -> (0, 0, 0)>
module attributes {stable_mosaic.version = 14 : i64} {
  func.func @_sc_layer(%arg0: i32, %arg1: i32, %arg2: memref<10000x128xf32, #tpu.memory_space<hbm>>, %arg3: memref<160000x128xf32, #tpu.memory_space<hbm>>, %arg4: memref<160000xi32, #tpu.memory_space<hbm>>, %arg5: memref<160000xi32, #tpu.memory_space<hbm>>, %arg6: memref<2x10240x128xf32, #tpu.memory_space<hbm>>, %arg7: memref<128xi32, #tpu.memory_space<vmem>>, %arg8: memref<2x128xi32, #tpu.memory_space<vmem>>, %arg9: memref<128x128xf32, #tpu.memory_space<vmem>>, %arg10: memref<128x128xf32, #tpu.memory_space<vmem>>, %arg11: memref<10240x128xf32, #tpu.memory_space<vmem_shared>>, %arg12: memref<!tpu.dma_semaphore, #tpu.memory_space<semaphore_mem>>, %arg13: memref<!tpu.dma_semaphore, #tpu.memory_space<semaphore_mem>>) attributes {dimension_semantics = [#tpu.dimension_semantics<core_parallel>, #tpu.dimension_semantics<subcore_parallel>], iteration_bounds = array<i64: 2, 16>, scalar_prefetch = 0 : i64, scratch_operands = 7 : i64, tpu.core_type = #tpu.core_type<sc_vector_subcore>, window_params = [{transform_indices = #map}, {transform_indices = #map}, {transform_indices = #map1}, {transform_indices = #map1}, {transform_indices = #map2}]} {
    %mul3A = arith.constant 2 : i32
    %mul3A_0 = arith.muli %arg1, %mul3A : i32
    %add3A = arith.addi %mul3A_0, %arg0 : i32
    %scan3A = arith.constant 0 : i32
    %scan3A_1 = arith.constant 128 : i32
    %scan3A_2 = arith.addi %scan3A, %scan3A_1 : i32
    %scan3A_3 = arith.constant 1 : i32
    scf.for %scan3A_50 = %scan3A to %scan3A_2 step %scan3A_3  : i32 {
      %mul3A_51 = arith.constant 1 : i32
      %mul3A_52 = arith.muli %scan3A_50, %mul3A_51 : i32
      %add3A_53 = arith.constant 0 : i32
      %add3A_54 = arith.addi %add3A_53, %mul3A_52 : i32
      %scan3A_55 = arith.constant 0 : i32
      %scan3A_56 = arith.constant 8 : i32
      %scan3A_57 = arith.addi %scan3A_55, %scan3A_56 : i32
      %scan3A_58 = arith.constant 1 : i32
      scf.for %scan3A_60 = %scan3A_55 to %scan3A_57 step %scan3A_58  : i32 {
        %mul3A_61 = arith.constant 16 : i32
        %mul3A_62 = arith.muli %scan3A_60, %mul3A_61 : i32
        %add3A_63 = arith.constant 0 : i32
        %add3A_64 = arith.addi %add3A_63, %mul3A_62 : i32
        %broadcast_in_dim3A = arith.constant 0.000000e+00 : f32
        %broadcast_in_dim3A_65 = vector.broadcast %broadcast_in_dim3A : f32 to vector<16xf32>
        %swap3A = arith.index_cast %add3A_54 : i32 to index
        %swap3A_66 = arith.index_cast %add3A_64 : i32 to index
        %swap3A_67 = tpu.vector_load %arg9[%swap3A, %swap3A_66] {strides = array<i32>} : memref<128x128xf32, #tpu.memory_space<vmem>>, vector<16xf32>,
        tpu.vector_store %arg9[%swap3A, %swap3A_66], %broadcast_in_dim3A_65 {strides = array<i32>} : memref<128x128xf32, #tpu.memory_space<vmem>>, vector<16xf32>,
      }
      %scan3A_59 = arith.constant 8 : i32
    }
    %scan3A_4 = arith.constant 128 : i32
    %mul3A_5 = arith.constant 640 : i32
    %mul3A_6 = arith.muli %arg1, %mul3A_5 : i32
    %add3A_7 = arith.constant 0 : i32
    %add3A_8 = arith.addi %mul3A_6, %add3A_7 : i32
    "tpu.region"() ({
      %run_scoped3A = tpu.sem_alloc : memref<!tpu.dma_semaphore, #tpu.memory_space<semaphore_mem>>
      %dma_start3A = arith.constant 0 : i32
      %dma_start3A_50 = tpu.memref_slice %arg11[%add3A_8, %dma_start3A] : memref<10240x128xf32, #tpu.memory_space<vmem_shared>> -> memref<128x128xf32, #tpu.memory_space<vmem_shared>>
      %dma_start3A_51 = arith.constant 0 : i32
      %dma_start3A_52 = tpu.memref_slice %arg11[%add3A_8, %dma_start3A_51] : memref<10240x128xf32, #tpu.memory_space<vmem_shared>> -> memref<128x128xf32, #tpu.memory_space<vmem_shared>>
      tpu.enqueue_dma source(%arg9 : memref<128x128xf32, #tpu.memory_space<vmem>>) target(%dma_start3A_52 : memref<128x128xf32, #tpu.memory_space<vmem_shared>>) target_semaphore(%run_scoped3A : memref<!tpu.dma_semaphore, #tpu.memory_space<semaphore_mem>>)
      %dma_wait3A = arith.constant 0 : i32
      %dma_wait3A_53 = tpu.memref_slice %arg11[%add3A_8, %dma_wait3A] : memref<10240x128xf32, #tpu.memory_space<vmem_shared>> -> memref<128x128xf32, #tpu.memory_space<vmem_shared>>
      %dma_wait3A_54 = arith.constant 0 : i32
      %dma_wait3A_55 = tpu.memref_slice %arg11[%add3A_8, %dma_wait3A_54] : memref<10240x128xf32, #tpu.memory_space<vmem_shared>> -> memref<128x128xf32, #tpu.memory_space<vmem_shared>>
      tpu.wait_dma2 semaphore(%run_scoped3A : memref<!tpu.dma_semaphore, #tpu.memory_space<semaphore_mem>>) src(%arg9 : memref<128x128xf32, #tpu.memory_space<vmem>>) dst(%dma_wait3A_55 : memref<128x128xf32, #tpu.memory_space<vmem_shared>>)
      tpu.yield
    }) : () -> ()
    %add3A_9 = arith.constant 128 : i32
    %add3A_10 = arith.addi %mul3A_6, %add3A_9 : i32
    "tpu.region"() ({
      %run_scoped3A = tpu.sem_alloc : memref<!tpu.dma_semaphore, #tpu.memory_space<semaphore_mem>>
      %dma_start3A = arith.constant 0 : i32
      %dma_start3A_50 = tpu.memref_slice %arg11[%add3A_10, %dma_start3A] : memref<10240x128xf32, #tpu.memory_space<vmem_shared>> -> memref<128x128xf32, #tpu.memory_space<vmem_shared>>
      %dma_start3A_51 = arith.constant 0 : i32
      %dma_start3A_52 = tpu.memref_slice %arg11[%add3A_10, %dma_start3A_51] : memref<10240x128xf32, #tpu.memory_space<vmem_shared>> -> memref<128x128xf32, #tpu.memory_space<vmem_shared>>
      tpu.enqueue_dma source(%arg9 : memref<128x128xf32, #tpu.memory_space<vmem>>) target(%dma_start3A_52 : memref<128x128xf32, #tpu.memory_space<vmem_shared>>) target_semaphore(%run_scoped3A : memref<!tpu.dma_semaphore, #tpu.memory_space<semaphore_mem>>)
      %dma_wait3A = arith.constant 0 : i32
      %dma_wait3A_53 = tpu.memref_slice %arg11[%add3A_10, %dma_wait3A] : memref<10240x128xf32, #tpu.memory_space<vmem_shared>> -> memref<128x128xf32, #tpu.memory_space<vmem_shared>>
      %dma_wait3A_54 = arith.constant 0 : i32
      %dma_wait3A_55 = tpu.memref_slice %arg11[%add3A_10, %dma_wait3A_54] : memref<10240x128xf32, #tpu.memory_space<vmem_shared>> -> memref<128x128xf32, #tpu.memory_space<vmem_shared>>
      tpu.wait_dma2 semaphore(%run_scoped3A : memref<!tpu.dma_semaphore, #tpu.memory_space<semaphore_mem>>) src(%arg9 : memref<128x128xf32, #tpu.memory_space<vmem>>) dst(%dma_wait3A_55 : memref<128x128xf32, #tpu.memory_space<vmem_shared>>)
      tpu.yield
    }) : () -> ()
    %add3A_11 = arith.constant 256 : i32
    %add3A_12 = arith.addi %mul3A_6, %add3A_11 : i32
    "tpu.region"() ({
      %run_scoped3A = tpu.sem_alloc : memref<!tpu.dma_semaphore, #tpu.memory_space<semaphore_mem>>
      %dma_start3A = arith.constant 0 : i32
      %dma_start3A_50 = tpu.memref_slice %arg11[%add3A_12, %dma_start3A] : memref<10240x128xf32, #tpu.memory_space<vmem_shared>> -> memref<128x128xf32, #tpu.memory_space<vmem_shared>>
      %dma_start3A_51 = arith.constant 0 : i32
      %dma_start3A_52 = tpu.memref_slice %arg11[%add3A_12, %dma_start3A_51] : memref<10240x128xf32, #tpu.memory_space<vmem_shared>> -> memref<128x128xf32, #tpu.memory_space<vmem_shared>>
      tpu.enqueue_dma source(%arg9 : memref<128x128xf32, #tpu.memory_space<vmem>>) target(%dma_start3A_52 : memref<128x128xf32, #tpu.memory_space<vmem_shared>>) target_semaphore(%run_scoped3A : memref<!tpu.dma_semaphore, #tpu.memory_space<semaphore_mem>>)
      %dma_wait3A = arith.constant 0 : i32
      %dma_wait3A_53 = tpu.memref_slice %arg11[%add3A_12, %dma_wait3A] : memref<10240x128xf32, #tpu.memory_space<vmem_shared>> -> memref<128x128xf32, #tpu.memory_space<vmem_shared>>
      %dma_wait3A_54 = arith.constant 0 : i32
      %dma_wait3A_55 = tpu.memref_slice %arg11[%add3A_12, %dma_wait3A_54] : memref<10240x128xf32, #tpu.memory_space<vmem_shared>> -> memref<128x128xf32, #tpu.memory_space<vmem_shared>>
      tpu.wait_dma2 semaphore(%run_scoped3A : memref<!tpu.dma_semaphore, #tpu.memory_space<semaphore_mem>>) src(%arg9 : memref<128x128xf32, #tpu.memory_space<vmem>>) dst(%dma_wait3A_55 : memref<128x128xf32, #tpu.memory_space<vmem_shared>>)
      tpu.yield
    }) : () -> ()
    %add3A_13 = arith.constant 384 : i32
    %add3A_14 = arith.addi %mul3A_6, %add3A_13 : i32
    "tpu.region"() ({
      %run_scoped3A = tpu.sem_alloc : memref<!tpu.dma_semaphore, #tpu.memory_space<semaphore_mem>>
      %dma_start3A = arith.constant 0 : i32
      %dma_start3A_50 = tpu.memref_slice %arg11[%add3A_14, %dma_start3A] : memref<10240x128xf32, #tpu.memory_space<vmem_shared>> -> memref<128x128xf32, #tpu.memory_space<vmem_shared>>
      %dma_start3A_51 = arith.constant 0 : i32
      %dma_start3A_52 = tpu.memref_slice %arg11[%add3A_14, %dma_start3A_51] : memref<10240x128xf32, #tpu.memory_space<vmem_shared>> -> memref<128x128xf32, #tpu.memory_space<vmem_shared>>
      tpu.enqueue_dma source(%arg9 : memref<128x128xf32, #tpu.memory_space<vmem>>) target(%dma_start3A_52 : memref<128x128xf32, #tpu.memory_space<vmem_shared>>) target_semaphore(%run_scoped3A : memref<!tpu.dma_semaphore, #tpu.memory_space<semaphore_mem>>)
      %dma_wait3A = arith.constant 0 : i32
      %dma_wait3A_53 = tpu.memref_slice %arg11[%add3A_14, %dma_wait3A] : memref<10240x128xf32, #tpu.memory_space<vmem_shared>> -> memref<128x128xf32, #tpu.memory_space<vmem_shared>>
      %dma_wait3A_54 = arith.constant 0 : i32
      %dma_wait3A_55 = tpu.memref_slice %arg11[%add3A_14, %dma_wait3A_54] : memref<10240x128xf32, #tpu.memory_space<vmem_shared>> -> memref<128x128xf32, #tpu.memory_space<vmem_shared>>
      tpu.wait_dma2 semaphore(%run_scoped3A : memref<!tpu.dma_semaphore, #tpu.memory_space<semaphore_mem>>) src(%arg9 : memref<128x128xf32, #tpu.memory_space<vmem>>) dst(%dma_wait3A_55 : memref<128x128xf32, #tpu.memory_space<vmem_shared>>)
      tpu.yield
    }) : () -> ()
    %add3A_15 = arith.constant 512 : i32
    %add3A_16 = arith.addi %mul3A_6, %add3A_15 : i32
    "tpu.region"() ({
      %run_scoped3A = tpu.sem_alloc : memref<!tpu.dma_semaphore, #tpu.memory_space<semaphore_mem>>
      %dma_start3A = arith.constant 0 : i32
      %dma_start3A_50 = tpu.memref_slice %arg11[%add3A_16, %dma_start3A] : memref<10240x128xf32, #tpu.memory_space<vmem_shared>> -> memref<128x128xf32, #tpu.memory_space<vmem_shared>>
      %dma_start3A_51 = arith.constant 0 : i32
      %dma_start3A_52 = tpu.memref_slice %arg11[%add3A_16, %dma_start3A_51] : memref<10240x128xf32, #tpu.memory_space<vmem_shared>> -> memref<128x128xf32, #tpu.memory_space<vmem_shared>>
      tpu.enqueue_dma source(%arg9 : memref<128x128xf32, #tpu.memory_space<vmem>>) target(%dma_start3A_52 : memref<128x128xf32, #tpu.memory_space<vmem_shared>>) target_semaphore(%run_scoped3A : memref<!tpu.dma_semaphore, #tpu.memory_space<semaphore_mem>>)
      %dma_wait3A = arith.constant 0 : i32
      %dma_wait3A_53 = tpu.memref_slice %arg11[%add3A_16, %dma_wait3A] : memref<10240x128xf32, #tpu.memory_space<vmem_shared>> -> memref<128x128xf32, #tpu.memory_space<vmem_shared>>
      %dma_wait3A_54 = arith.constant 0 : i32
      %dma_wait3A_55 = tpu.memref_slice %arg11[%add3A_16, %dma_wait3A_54] : memref<10240x128xf32, #tpu.memory_space<vmem_shared>> -> memref<128x128xf32, #tpu.memory_space<vmem_shared>>
      tpu.wait_dma2 semaphore(%run_scoped3A : memref<!tpu.dma_semaphore, #tpu.memory_space<semaphore_mem>>) src(%arg9 : memref<128x128xf32, #tpu.memory_space<vmem>>) dst(%dma_wait3A_55 : memref<128x128xf32, #tpu.memory_space<vmem_shared>>)
      tpu.yield
    }) : () -> ()
    %barrier3A = arith.constant 0 : index
    tpu.barrier barrier_id(%barrier3A)
    %scan3A_17 = arith.constant 0 : i32
    %scan3A_18 = arith.constant 20 : i32
    %scan3A_19 = arith.addi %scan3A_17, %scan3A_18 : i32
    %scan3A_20 = arith.constant 1 : i32
    scf.for %scan3A_50 = %scan3A_17 to %scan3A_19 step %scan3A_20  : i32 {
      %mul3A_51 = arith.constant 2 : i32
      %mul3A_52 = arith.muli %scan3A_50, %mul3A_51 : i32
      %add3A_53 = arith.constant 0 : i32
      %add3A_54 = arith.addi %add3A_53, %mul3A_52 : i32
      %add3A_55 = arith.constant 0 : i32
      %add3A_56 = arith.addi %add3A_54, %add3A_55 : i32
      %mul3A_57 = arith.constant 32 : i32
      %mul3A_58 = arith.muli %add3A_56, %mul3A_57 : i32
      %add3A_59 = arith.addi %add3A, %mul3A_58 : i32
      %lt3A_60 = arith.constant 1250 : i32
      %lt3A_61 = arith.cmpi slt, %add3A_59, %lt3A_60 : i32
      %convert_element_type3A_62 = arith.extui %lt3A_61 : i1 to i32
      %cond3A_63 = arith.constant 0 : i32
      %cond3A_64 = arith.cmpi ne, %convert_element_type3A_62, %cond3A_63 : i32
      scf.if %cond3A_64 {
        %mul3A_75 = arith.constant 128 : i32
        %mul3A_76 = arith.muli %add3A_59, %mul3A_75 : i32
        "tpu.region"() ({
          %run_scoped3A_97 = tpu.sem_alloc : memref<!tpu.dma_semaphore, #tpu.memory_space<semaphore_mem>>
          %dma_start3A_98 = tpu.memref_slice %arg4[%mul3A_76] : memref<160000xi32, #tpu.memory_space<hbm>> -> memref<128xi32, #tpu.memory_space<hbm>>
          %dma_start3A_99 = tpu.memref_slice %arg4[%mul3A_76] : memref<160000xi32, #tpu.memory_space<hbm>> -> memref<128xi32, #tpu.memory_space<hbm>>
          tpu.enqueue_dma source(%dma_start3A_99 : memref<128xi32, #tpu.memory_space<hbm>>) target(%arg7 : memref<128xi32, #tpu.memory_space<vmem>>) target_semaphore(%run_scoped3A_97 : memref<!tpu.dma_semaphore, #tpu.memory_space<semaphore_mem>>)
          %dma_wait3A_100 = tpu.memref_slice %arg4[%mul3A_76] : memref<160000xi32, #tpu.memory_space<hbm>> -> memref<128xi32, #tpu.memory_space<hbm>>
          %dma_wait3A_101 = tpu.memref_slice %arg4[%mul3A_76] : memref<160000xi32, #tpu.memory_space<hbm>> -> memref<128xi32, #tpu.memory_space<hbm>>
          tpu.wait_dma2 semaphore(%run_scoped3A_97 : memref<!tpu.dma_semaphore, #tpu.memory_space<semaphore_mem>>) src(%dma_wait3A_101 : memref<128xi32, #tpu.memory_space<hbm>>) dst(%arg7 : memref<128xi32, #tpu.memory_space<vmem>>)
          tpu.yield
        }) : () -> ()
        %run_scoped3A = arith.constant 0 : i32
        "tpu.region"() ({
          %run_scoped3A_97 = tpu.sem_alloc : memref<!tpu.dma_semaphore, #tpu.memory_space<semaphore_mem>>
          %dma_start3A_98 = arith.constant 0 : i32
          %dma_start3A_99 = tpu.memref_slice %arg8[%run_scoped3A, %dma_start3A_98] : memref<2x128xi32, #tpu.memory_space<vmem>> -> memref<1x128xi32, #tpu.memory_space<vmem>>
          %dma_start3A_100 = tpu.memref_squeeze %dma_start3A_99 : memref<1x128xi32, #tpu.memory_space<vmem>> -> memref<128xi32, #tpu.memory_space<vmem>>
          %dma_start3A_101 = tpu.memref_slice %arg5[%mul3A_76] : memref<160000xi32, #tpu.memory_space<hbm>> -> memref<128xi32, #tpu.memory_space<hbm>>
          %dma_start3A_102 = arith.constant 0 : i32
          %dma_start3A_103 = tpu.memref_slice %arg8[%run_scoped3A, %dma_start3A_102] : memref<2x128xi32, #tpu.memory_space<vmem>> -> memref<1x128xi32, #tpu.memory_space<vmem>>
          %dma_start3A_104 = tpu.memref_squeeze %dma_start3A_103 : memref<1x128xi32, #tpu.memory_space<vmem>> -> memref<128xi32, #tpu.memory_space<vmem>>
          %dma_start3A_105 = tpu.memref_slice %arg5[%mul3A_76] : memref<160000xi32, #tpu.memory_space<hbm>> -> memref<128xi32, #tpu.memory_space<hbm>>
          tpu.enqueue_dma source(%dma_start3A_105 : memref<128xi32, #tpu.memory_space<hbm>>) target(%dma_start3A_104 : memref<128xi32, #tpu.memory_space<vmem>>) target_semaphore(%run_scoped3A_97 : memref<!tpu.dma_semaphore, #tpu.memory_space<semaphore_mem>>)
          %dma_wait3A_106 = arith.constant 0 : i32
          %dma_wait3A_107 = tpu.memref_slice %arg8[%run_scoped3A, %dma_wait3A_106] : memref<2x128xi32, #tpu.memory_space<vmem>> -> memref<1x128xi32, #tpu.memory_space<vmem>>
          %dma_wait3A_108 = tpu.memref_squeeze %dma_wait3A_107 : memref<1x128xi32, #tpu.memory_space<vmem>> -> memref<128xi32, #tpu.memory_space<vmem>>
          %dma_wait3A_109 = tpu.memref_slice %arg5[%mul3A_76] : memref<160000xi32, #tpu.memory_space<hbm>> -> memref<128xi32, #tpu.memory_space<hbm>>
          %dma_wait3A_110 = arith.constant 0 : i32
          %dma_wait3A_111 = tpu.memref_slice %arg8[%run_scoped3A, %dma_wait3A_110] : memref<2x128xi32, #tpu.memory_space<vmem>> -> memref<1x128xi32, #tpu.memory_space<vmem>>
          %dma_wait3A_112 = tpu.memref_squeeze %dma_wait3A_111 : memref<1x128xi32, #tpu.memory_space<vmem>> -> memref<128xi32, #tpu.memory_space<vmem>>
          %dma_wait3A_113 = tpu.memref_slice %arg5[%mul3A_76] : memref<160000xi32, #tpu.memory_space<hbm>> -> memref<128xi32, #tpu.memory_space<hbm>>
          tpu.wait_dma2 semaphore(%run_scoped3A_97 : memref<!tpu.dma_semaphore, #tpu.memory_space<semaphore_mem>>) src(%dma_wait3A_113 : memref<128xi32, #tpu.memory_space<hbm>>) dst(%dma_wait3A_112 : memref<128xi32, #tpu.memory_space<vmem>>)
          tpu.yield
        }) : () -> ()
        %ge3A = arith.constant 1 : i32
        %ge3A_77 = arith.cmpi sge, %add3A_56, %ge3A : i32
        %convert_element_type3A_78 = arith.extui %ge3A_77 : i1 to i32
        %cond3A_79 = arith.constant 0 : i32
        %cond3A_80 = arith.cmpi ne, %convert_element_type3A_78, %cond3A_79 : i32
        scf.if %cond3A_80 {
          %dma_wait3A_97 = arith.constant 1 : i32
          %dma_wait3A_98 = arith.constant 0 : i32
          %dma_wait3A_99 = tpu.memref_slice %arg8[%dma_wait3A_97, %dma_wait3A_98] : memref<2x128xi32, #tpu.memory_space<vmem>> -> memref<1x128xi32, #tpu.memory_space<vmem>>
          %dma_wait3A_100 = tpu.memref_squeeze %dma_wait3A_99 : memref<1x128xi32, #tpu.memory_space<vmem>> -> memref<128xi32, #tpu.memory_space<vmem>>
          %dma_wait3A_101 = arith.constant 0 : i32
          %dma_wait3A_102 = arith.constant 0 : i32
          %dma_wait3A_103 = tpu.memref_slice %arg11[%dma_wait3A_101, %dma_wait3A_102] : memref<10240x128xf32, #tpu.memory_space<vmem_shared>> -> memref<10240x128xf32, #tpu.memory_space<vmem_shared>>
          tpu.wait_indirect_dma semaphore(%arg13 : memref<!tpu.dma_semaphore, #tpu.memory_space<semaphore_mem>>) src(%arg9 : memref<128x128xf32, #tpu.memory_space<vmem>>) dst(%dma_wait3A_103 : memref<10240x128xf32, #tpu.memory_space<vmem_shared>>)
        } else {
        }
        %dma_start3A = arith.constant 0 : i32
        %dma_start3A_81 = arith.constant 0 : i32
        %dma_start3A_82 = tpu.memref_slice %arg2[%dma_start3A, %dma_start3A_81] : memref<10000x128xf32, #tpu.memory_space<hbm>> -> memref<10000x128xf32, #tpu.memory_space<hbm>>
        tpu.enqueue_indirect_dma source(%dma_start3A_82 : memref<10000x128xf32, #tpu.memory_space<hbm>>) target(%arg9 : memref<128x128xf32, #tpu.memory_space<vmem>>) offsets(%arg7 : memref<128xi32, #tpu.memory_space<vmem>>) semaphore(%arg12 : memref<!tpu.dma_semaphore, #tpu.memory_space<semaphore_mem>>)
        "tpu.region"() ({
          %run_scoped3A_97 = tpu.sem_alloc : memref<!tpu.dma_semaphore, #tpu.memory_space<semaphore_mem>>
          %dma_start3A_98 = arith.constant 0 : i32
          %dma_start3A_99 = tpu.memref_slice %arg3[%mul3A_76, %dma_start3A_98] : memref<160000x128xf32, #tpu.memory_space<hbm>> -> memref<128x128xf32, #tpu.memory_space<hbm>>
          %dma_start3A_100 = arith.constant 0 : i32
          %dma_start3A_101 = tpu.memref_slice %arg3[%mul3A_76, %dma_start3A_100] : memref<160000x128xf32, #tpu.memory_space<hbm>> -> memref<128x128xf32, #tpu.memory_space<hbm>>
          tpu.enqueue_dma source(%dma_start3A_101 : memref<128x128xf32, #tpu.memory_space<hbm>>) target(%arg10 : memref<128x128xf32, #tpu.memory_space<vmem>>) target_semaphore(%run_scoped3A_97 : memref<!tpu.dma_semaphore, #tpu.memory_space<semaphore_mem>>)
          %dma_wait3A_102 = arith.constant 0 : i32
          %dma_wait3A_103 = tpu.memref_slice %arg3[%mul3A_76, %dma_wait3A_102] : memref<160000x128xf32, #tpu.memory_space<hbm>> -> memref<128x128xf32, #tpu.memory_space<hbm>>
          %dma_wait3A_104 = arith.constant 0 : i32
          %dma_wait3A_105 = tpu.memref_slice %arg3[%mul3A_76, %dma_wait3A_104] : memref<160000x128xf32, #tpu.memory_space<hbm>> -> memref<128x128xf32, #tpu.memory_space<hbm>>
          tpu.wait_dma2 semaphore(%run_scoped3A_97 : memref<!tpu.dma_semaphore, #tpu.memory_space<semaphore_mem>>) src(%dma_wait3A_105 : memref<128x128xf32, #tpu.memory_space<hbm>>) dst(%arg10 : memref<128x128xf32, #tpu.memory_space<vmem>>)
          tpu.yield
        }) : () -> ()
        %dma_wait3A = arith.constant 0 : i32
        %dma_wait3A_83 = arith.constant 0 : i32
        %dma_wait3A_84 = tpu.memref_slice %arg2[%dma_wait3A, %dma_wait3A_83] : memref<10000x128xf32, #tpu.memory_space<hbm>> -> memref<10000x128xf32, #tpu.memory_space<hbm>>
        tpu.wait_indirect_dma semaphore(%arg12 : memref<!tpu.dma_semaphore, #tpu.memory_space<semaphore_mem>>) src(%dma_wait3A_84 : memref<10000x128xf32, #tpu.memory_space<hbm>>) dst(%arg9 : memref<128x128xf32, #tpu.memory_space<vmem>>)
        %scan3A_85 = arith.constant 0 : i32
        %scan3A_86 = arith.constant 128 : i32
        %scan3A_87 = arith.addi %scan3A_85, %scan3A_86 : i32
        %scan3A_88 = arith.constant 1 : i32
        scf.for %scan3A_97 = %scan3A_85 to %scan3A_87 step %scan3A_88  : i32 {
          %mul3A_98 = arith.constant 1 : i32
          %mul3A_99 = arith.muli %scan3A_97, %mul3A_98 : i32
          %add3A_100 = arith.constant 0 : i32
          %add3A_101 = arith.addi %add3A_100, %mul3A_99 : i32
          %scan3A_102 = arith.constant 0 : i32
          %scan3A_103 = arith.constant 8 : i32
          %scan3A_104 = arith.addi %scan3A_102, %scan3A_103 : i32
          %scan3A_105 = arith.constant 1 : i32
          scf.for %scan3A_107 = %scan3A_102 to %scan3A_104 step %scan3A_105  : i32 {
            %mul3A_108 = arith.constant 16 : i32
            %mul3A_109 = arith.muli %scan3A_107, %mul3A_108 : i32
            %add3A_110 = arith.constant 0 : i32
            %add3A_111 = arith.addi %add3A_110, %mul3A_109 : i32
            %get3A = arith.index_cast %add3A_101 : i32 to index
            %get3A_112 = arith.index_cast %add3A_111 : i32 to index
            %get3A_113 = tpu.vector_load %arg9[%get3A, %get3A_112] {strides = array<i32>} : memref<128x128xf32, #tpu.memory_space<vmem>>, vector<16xf32>,
            %get3A_114 = arith.index_cast %add3A_101 : i32 to index
            %get3A_115 = arith.index_cast %add3A_111 : i32 to index
            %get3A_116 = tpu.vector_load %arg10[%get3A_114, %get3A_115] {strides = array<i32>} : memref<128x128xf32, #tpu.memory_space<vmem>>, vector<16xf32>,
            %mul3A_117 = arith.mulf %get3A_113, %get3A_116 : vector<16xf32>
            %swap3A = arith.index_cast %add3A_101 : i32 to index
            %swap3A_118 = arith.index_cast %add3A_111 : i32 to index
            %swap3A_119 = tpu.vector_load %arg9[%swap3A, %swap3A_118] {strides = array<i32>} : memref<128x128xf32, #tpu.memory_space<vmem>>, vector<16xf32>,
            tpu.vector_store %arg9[%swap3A, %swap3A_118], %mul3A_117 {strides = array<i32>} : memref<128x128xf32, #tpu.memory_space<vmem>>, vector<16xf32>,
          }
          %scan3A_106 = arith.constant 8 : i32
        }
        %scan3A_89 = arith.constant 128 : i32
        %dma_start3A_90 = arith.constant 0 : i32
        %dma_start3A_91 = arith.constant 0 : i32
        %dma_start3A_92 = tpu.memref_slice %arg8[%dma_start3A_90, %dma_start3A_91] : memref<2x128xi32, #tpu.memory_space<vmem>> -> memref<1x128xi32, #tpu.memory_space<vmem>>
        %dma_start3A_93 = tpu.memref_squeeze %dma_start3A_92 : memref<1x128xi32, #tpu.memory_space<vmem>> -> memref<128xi32, #tpu.memory_space<vmem>>
        %dma_start3A_94 = arith.constant 0 : i32
        %dma_start3A_95 = arith.constant 0 : i32
        %dma_start3A_96 = tpu.memref_slice %arg11[%dma_start3A_94, %dma_start3A_95] : memref<10240x128xf32, #tpu.memory_space<vmem_shared>> -> memref<10240x128xf32, #tpu.memory_space<vmem_shared>>
        tpu.enqueue_indirect_dma source(%arg9 : memref<128x128xf32, #tpu.memory_space<vmem>>) target(%dma_start3A_96 : memref<10240x128xf32, #tpu.memory_space<vmem_shared>>) offsets(%dma_start3A_93 : memref<128xi32, #tpu.memory_space<vmem>>) semaphore(%arg13 : memref<!tpu.dma_semaphore, #tpu.memory_space<semaphore_mem>>) {add = true}
      } else {
      }
      %add3A_65 = arith.constant 1 : i32
      %add3A_66 = arith.addi %add3A_54, %add3A_65 : i32
      %mul3A_67 = arith.constant 32 : i32
      %mul3A_68 = arith.muli %add3A_66, %mul3A_67 : i32
      %add3A_69 = arith.addi %add3A, %mul3A_68 : i32
      %lt3A_70 = arith.constant 1250 : i32
      %lt3A_71 = arith.cmpi slt, %add3A_69, %lt3A_70 : i32
      %convert_element_type3A_72 = arith.extui %lt3A_71 : i1 to i32
      %cond3A_73 = arith.constant 0 : i32
      %cond3A_74 = arith.cmpi ne, %convert_element_type3A_72, %cond3A_73 : i32
      scf.if %cond3A_74 {
        %mul3A_75 = arith.constant 128 : i32
        %mul3A_76 = arith.muli %add3A_69, %mul3A_75 : i32
        "tpu.region"() ({
          %run_scoped3A_97 = tpu.sem_alloc : memref<!tpu.dma_semaphore, #tpu.memory_space<semaphore_mem>>
          %dma_start3A_98 = tpu.memref_slice %arg4[%mul3A_76] : memref<160000xi32, #tpu.memory_space<hbm>> -> memref<128xi32, #tpu.memory_space<hbm>>
          %dma_start3A_99 = tpu.memref_slice %arg4[%mul3A_76] : memref<160000xi32, #tpu.memory_space<hbm>> -> memref<128xi32, #tpu.memory_space<hbm>>
          tpu.enqueue_dma source(%dma_start3A_99 : memref<128xi32, #tpu.memory_space<hbm>>) target(%arg7 : memref<128xi32, #tpu.memory_space<vmem>>) target_semaphore(%run_scoped3A_97 : memref<!tpu.dma_semaphore, #tpu.memory_space<semaphore_mem>>)
          %dma_wait3A_100 = tpu.memref_slice %arg4[%mul3A_76] : memref<160000xi32, #tpu.memory_space<hbm>> -> memref<128xi32, #tpu.memory_space<hbm>>
          %dma_wait3A_101 = tpu.memref_slice %arg4[%mul3A_76] : memref<160000xi32, #tpu.memory_space<hbm>> -> memref<128xi32, #tpu.memory_space<hbm>>
          tpu.wait_dma2 semaphore(%run_scoped3A_97 : memref<!tpu.dma_semaphore, #tpu.memory_space<semaphore_mem>>) src(%dma_wait3A_101 : memref<128xi32, #tpu.memory_space<hbm>>) dst(%arg7 : memref<128xi32, #tpu.memory_space<vmem>>)
          tpu.yield
        }) : () -> ()
        %run_scoped3A = arith.constant 1 : i32
        "tpu.region"() ({
          %run_scoped3A_97 = tpu.sem_alloc : memref<!tpu.dma_semaphore, #tpu.memory_space<semaphore_mem>>
          %dma_start3A_98 = arith.constant 0 : i32
          %dma_start3A_99 = tpu.memref_slice %arg8[%run_scoped3A, %dma_start3A_98] : memref<2x128xi32, #tpu.memory_space<vmem>> -> memref<1x128xi32, #tpu.memory_space<vmem>>
          %dma_start3A_100 = tpu.memref_squeeze %dma_start3A_99 : memref<1x128xi32, #tpu.memory_space<vmem>> -> memref<128xi32, #tpu.memory_space<vmem>>
          %dma_start3A_101 = tpu.memref_slice %arg5[%mul3A_76] : memref<160000xi32, #tpu.memory_space<hbm>> -> memref<128xi32, #tpu.memory_space<hbm>>
          %dma_start3A_102 = arith.constant 0 : i32
          %dma_start3A_103 = tpu.memref_slice %arg8[%run_scoped3A, %dma_start3A_102] : memref<2x128xi32, #tpu.memory_space<vmem>> -> memref<1x128xi32, #tpu.memory_space<vmem>>
          %dma_start3A_104 = tpu.memref_squeeze %dma_start3A_103 : memref<1x128xi32, #tpu.memory_space<vmem>> -> memref<128xi32, #tpu.memory_space<vmem>>
          %dma_start3A_105 = tpu.memref_slice %arg5[%mul3A_76] : memref<160000xi32, #tpu.memory_space<hbm>> -> memref<128xi32, #tpu.memory_space<hbm>>
          tpu.enqueue_dma source(%dma_start3A_105 : memref<128xi32, #tpu.memory_space<hbm>>) target(%dma_start3A_104 : memref<128xi32, #tpu.memory_space<vmem>>) target_semaphore(%run_scoped3A_97 : memref<!tpu.dma_semaphore, #tpu.memory_space<semaphore_mem>>)
          %dma_wait3A_106 = arith.constant 0 : i32
          %dma_wait3A_107 = tpu.memref_slice %arg8[%run_scoped3A, %dma_wait3A_106] : memref<2x128xi32, #tpu.memory_space<vmem>> -> memref<1x128xi32, #tpu.memory_space<vmem>>
          %dma_wait3A_108 = tpu.memref_squeeze %dma_wait3A_107 : memref<1x128xi32, #tpu.memory_space<vmem>> -> memref<128xi32, #tpu.memory_space<vmem>>
          %dma_wait3A_109 = tpu.memref_slice %arg5[%mul3A_76] : memref<160000xi32, #tpu.memory_space<hbm>> -> memref<128xi32, #tpu.memory_space<hbm>>
          %dma_wait3A_110 = arith.constant 0 : i32
          %dma_wait3A_111 = tpu.memref_slice %arg8[%run_scoped3A, %dma_wait3A_110] : memref<2x128xi32, #tpu.memory_space<vmem>> -> memref<1x128xi32, #tpu.memory_space<vmem>>
          %dma_wait3A_112 = tpu.memref_squeeze %dma_wait3A_111 : memref<1x128xi32, #tpu.memory_space<vmem>> -> memref<128xi32, #tpu.memory_space<vmem>>
          %dma_wait3A_113 = tpu.memref_slice %arg5[%mul3A_76] : memref<160000xi32, #tpu.memory_space<hbm>> -> memref<128xi32, #tpu.memory_space<hbm>>
          tpu.wait_dma2 semaphore(%run_scoped3A_97 : memref<!tpu.dma_semaphore, #tpu.memory_space<semaphore_mem>>) src(%dma_wait3A_113 : memref<128xi32, #tpu.memory_space<hbm>>) dst(%dma_wait3A_112 : memref<128xi32, #tpu.memory_space<vmem>>)
          tpu.yield
        }) : () -> ()
        %ge3A = arith.constant 1 : i32
        %ge3A_77 = arith.cmpi sge, %add3A_66, %ge3A : i32
        %convert_element_type3A_78 = arith.extui %ge3A_77 : i1 to i32
        %cond3A_79 = arith.constant 0 : i32
        %cond3A_80 = arith.cmpi ne, %convert_element_type3A_78, %cond3A_79 : i32
        scf.if %cond3A_80 {
          %dma_wait3A_97 = arith.constant 0 : i32
          %dma_wait3A_98 = arith.constant 0 : i32
          %dma_wait3A_99 = tpu.memref_slice %arg8[%dma_wait3A_97, %dma_wait3A_98] : memref<2x128xi32, #tpu.memory_space<vmem>> -> memref<1x128xi32, #tpu.memory_space<vmem>>
          %dma_wait3A_100 = tpu.memref_squeeze %dma_wait3A_99 : memref<1x128xi32, #tpu.memory_space<vmem>> -> memref<128xi32, #tpu.memory_space<vmem>>
          %dma_wait3A_101 = arith.constant 0 : i32
          %dma_wait3A_102 = arith.constant 0 : i32
          %dma_wait3A_103 = tpu.memref_slice %arg11[%dma_wait3A_101, %dma_wait3A_102] : memref<10240x128xf32, #tpu.memory_space<vmem_shared>> -> memref<10240x128xf32, #tpu.memory_space<vmem_shared>>
          tpu.wait_indirect_dma semaphore(%arg13 : memref<!tpu.dma_semaphore, #tpu.memory_space<semaphore_mem>>) src(%arg9 : memref<128x128xf32, #tpu.memory_space<vmem>>) dst(%dma_wait3A_103 : memref<10240x128xf32, #tpu.memory_space<vmem_shared>>)
        } else {
        }
        %dma_start3A = arith.constant 0 : i32
        %dma_start3A_81 = arith.constant 0 : i32
        %dma_start3A_82 = tpu.memref_slice %arg2[%dma_start3A, %dma_start3A_81] : memref<10000x128xf32, #tpu.memory_space<hbm>> -> memref<10000x128xf32, #tpu.memory_space<hbm>>
        tpu.enqueue_indirect_dma source(%dma_start3A_82 : memref<10000x128xf32, #tpu.memory_space<hbm>>) target(%arg9 : memref<128x128xf32, #tpu.memory_space<vmem>>) offsets(%arg7 : memref<128xi32, #tpu.memory_space<vmem>>) semaphore(%arg12 : memref<!tpu.dma_semaphore, #tpu.memory_space<semaphore_mem>>)
        "tpu.region"() ({
          %run_scoped3A_97 = tpu.sem_alloc : memref<!tpu.dma_semaphore, #tpu.memory_space<semaphore_mem>>
          %dma_start3A_98 = arith.constant 0 : i32
          %dma_start3A_99 = tpu.memref_slice %arg3[%mul3A_76, %dma_start3A_98] : memref<160000x128xf32, #tpu.memory_space<hbm>> -> memref<128x128xf32, #tpu.memory_space<hbm>>
          %dma_start3A_100 = arith.constant 0 : i32
          %dma_start3A_101 = tpu.memref_slice %arg3[%mul3A_76, %dma_start3A_100] : memref<160000x128xf32, #tpu.memory_space<hbm>> -> memref<128x128xf32, #tpu.memory_space<hbm>>
          tpu.enqueue_dma source(%dma_start3A_101 : memref<128x128xf32, #tpu.memory_space<hbm>>) target(%arg10 : memref<128x128xf32, #tpu.memory_space<vmem>>) target_semaphore(%run_scoped3A_97 : memref<!tpu.dma_semaphore, #tpu.memory_space<semaphore_mem>>)
          %dma_wait3A_102 = arith.constant 0 : i32
          %dma_wait3A_103 = tpu.memref_slice %arg3[%mul3A_76, %dma_wait3A_102] : memref<160000x128xf32, #tpu.memory_space<hbm>> -> memref<128x128xf32, #tpu.memory_space<hbm>>
          %dma_wait3A_104 = arith.constant 0 : i32
          %dma_wait3A_105 = tpu.memref_slice %arg3[%mul3A_76, %dma_wait3A_104] : memref<160000x128xf32, #tpu.memory_space<hbm>> -> memref<128x128xf32, #tpu.memory_space<hbm>>
          tpu.wait_dma2 semaphore(%run_scoped3A_97 : memref<!tpu.dma_semaphore, #tpu.memory_space<semaphore_mem>>) src(%dma_wait3A_105 : memref<128x128xf32, #tpu.memory_space<hbm>>) dst(%arg10 : memref<128x128xf32, #tpu.memory_space<vmem>>)
          tpu.yield
        }) : () -> ()
        %dma_wait3A = arith.constant 0 : i32
        %dma_wait3A_83 = arith.constant 0 : i32
        %dma_wait3A_84 = tpu.memref_slice %arg2[%dma_wait3A, %dma_wait3A_83] : memref<10000x128xf32, #tpu.memory_space<hbm>> -> memref<10000x128xf32, #tpu.memory_space<hbm>>
        tpu.wait_indirect_dma semaphore(%arg12 : memref<!tpu.dma_semaphore, #tpu.memory_space<semaphore_mem>>) src(%dma_wait3A_84 : memref<10000x128xf32, #tpu.memory_space<hbm>>) dst(%arg9 : memref<128x128xf32, #tpu.memory_space<vmem>>)
        %scan3A_85 = arith.constant 0 : i32
        %scan3A_86 = arith.constant 128 : i32
        %scan3A_87 = arith.addi %scan3A_85, %scan3A_86 : i32
        %scan3A_88 = arith.constant 1 : i32
        scf.for %scan3A_97 = %scan3A_85 to %scan3A_87 step %scan3A_88  : i32 {
          %mul3A_98 = arith.constant 1 : i32
          %mul3A_99 = arith.muli %scan3A_97, %mul3A_98 : i32
          %add3A_100 = arith.constant 0 : i32
          %add3A_101 = arith.addi %add3A_100, %mul3A_99 : i32
          %scan3A_102 = arith.constant 0 : i32
          %scan3A_103 = arith.constant 8 : i32
          %scan3A_104 = arith.addi %scan3A_102, %scan3A_103 : i32
          %scan3A_105 = arith.constant 1 : i32
          scf.for %scan3A_107 = %scan3A_102 to %scan3A_104 step %scan3A_105  : i32 {
            %mul3A_108 = arith.constant 16 : i32
            %mul3A_109 = arith.muli %scan3A_107, %mul3A_108 : i32
            %add3A_110 = arith.constant 0 : i32
            %add3A_111 = arith.addi %add3A_110, %mul3A_109 : i32
            %get3A = arith.index_cast %add3A_101 : i32 to index
            %get3A_112 = arith.index_cast %add3A_111 : i32 to index
            %get3A_113 = tpu.vector_load %arg9[%get3A, %get3A_112] {strides = array<i32>} : memref<128x128xf32, #tpu.memory_space<vmem>>, vector<16xf32>,
            %get3A_114 = arith.index_cast %add3A_101 : i32 to index
            %get3A_115 = arith.index_cast %add3A_111 : i32 to index
            %get3A_116 = tpu.vector_load %arg10[%get3A_114, %get3A_115] {strides = array<i32>} : memref<128x128xf32, #tpu.memory_space<vmem>>, vector<16xf32>,
            %mul3A_117 = arith.mulf %get3A_113, %get3A_116 : vector<16xf32>
            %swap3A = arith.index_cast %add3A_101 : i32 to index
            %swap3A_118 = arith.index_cast %add3A_111 : i32 to index
            %swap3A_119 = tpu.vector_load %arg9[%swap3A, %swap3A_118] {strides = array<i32>} : memref<128x128xf32, #tpu.memory_space<vmem>>, vector<16xf32>,
            tpu.vector_store %arg9[%swap3A, %swap3A_118], %mul3A_117 {strides = array<i32>} : memref<128x128xf32, #tpu.memory_space<vmem>>, vector<16xf32>,
          }
          %scan3A_106 = arith.constant 8 : i32
        }
        %scan3A_89 = arith.constant 128 : i32
        %dma_start3A_90 = arith.constant 1 : i32
        %dma_start3A_91 = arith.constant 0 : i32
        %dma_start3A_92 = tpu.memref_slice %arg8[%dma_start3A_90, %dma_start3A_91] : memref<2x128xi32, #tpu.memory_space<vmem>> -> memref<1x128xi32, #tpu.memory_space<vmem>>
        %dma_start3A_93 = tpu.memref_squeeze %dma_start3A_92 : memref<1x128xi32, #tpu.memory_space<vmem>> -> memref<128xi32, #tpu.memory_space<vmem>>
        %dma_start3A_94 = arith.constant 0 : i32
        %dma_start3A_95 = arith.constant 0 : i32
        %dma_start3A_96 = tpu.memref_slice %arg11[%dma_start3A_94, %dma_start3A_95] : memref<10240x128xf32, #tpu.memory_space<vmem_shared>> -> memref<10240x128xf32, #tpu.memory_space<vmem_shared>>
        tpu.enqueue_indirect_dma source(%arg9 : memref<128x128xf32, #tpu.memory_space<vmem>>) target(%dma_start3A_96 : memref<10240x128xf32, #tpu.memory_space<vmem_shared>>) offsets(%dma_start3A_93 : memref<128xi32, #tpu.memory_space<vmem>>) semaphore(%arg13 : memref<!tpu.dma_semaphore, #tpu.memory_space<semaphore_mem>>) {add = true}
      } else {
      }
    }
    %scan3A_21 = arith.constant 20 : i32
    %add3A_22 = arith.constant 1248 : i32
    %add3A_23 = arith.addi %add3A, %add3A_22 : i32
    %lt3A = arith.constant 1250 : i32
    %lt3A_24 = arith.cmpi slt, %add3A_23, %lt3A : i32
    %jit3A = arith.constant 0 : i32
    %jit3A_25 = arith.constant 1 : i32
    %select_n3A = arith.select %lt3A_24, %jit3A, %jit3A_25 : i32
    %sub3A = arith.constant 40 : i32
    %sub3A_26 = arith.subi %sub3A, %select_n3A : i32
    %sub3A_27 = arith.constant 1 : i32
    %sub3A_28 = arith.subi %sub3A_26, %sub3A_27 : i32
    %jit3A_29 = arith.constant 2 : i32
    %eq3A = arith.constant 0 : i32
    %eq3A_30 = arith.cmpi eq, %jit3A_29, %eq3A : i32
    %jit3A_31 = arith.constant 1 : i32
    %select_n3A_32 = arith.select %eq3A_30, %jit3A_31, %jit3A_29 : i32
    %rem3A = arith.remsi %sub3A_28, %select_n3A_32 : i32
    %ne3A = arith.constant 0 : i32
    %ne3A_33 = arith.cmpi ne, %rem3A, %ne3A : i32
    %lt3A_34 = arith.constant 0 : i32
    %lt3A_35 = arith.cmpi slt, %rem3A, %lt3A_34 : i32
    %lt3A_36 = arith.constant 0 : i32
    %lt3A_37 = arith.cmpi slt, %select_n3A_32, %lt3A_36 : i32
    %ne3A_38 = arith.xori %lt3A_35, %lt3A_37 : i1
    %and3A = arith.andi %ne3A_38, %ne3A_33 : i1
    %add3A_39 = arith.addi %rem3A, %select_n3A_32 : i32
    %select_n3A_40 = arith.select %and3A, %add3A_39, %rem3A : i32
    %eq3A_41 = arith.constant 0 : i32
    %eq3A_42 = arith.cmpi eq, %select_n3A_40, %eq3A_41 : i32
    %convert_element_type3A = arith.extui %eq3A_42 : i1 to i32
    %cond3A = arith.constant 0 : i32
    %cond3A_43 = arith.cmpi ne, %convert_element_type3A, %cond3A : i32
    scf.if %cond3A_43 {
      %dma_wait3A = arith.constant 0 : i32
      %dma_wait3A_50 = arith.constant 0 : i32
      %dma_wait3A_51 = tpu.memref_slice %arg8[%dma_wait3A, %dma_wait3A_50] : memref<2x128xi32, #tpu.memory_space<vmem>> -> memref<1x128xi32, #tpu.memory_space<vmem>>
      %dma_wait3A_52 = tpu.memref_squeeze %dma_wait3A_51 : memref<1x128xi32, #tpu.memory_space<vmem>> -> memref<128xi32, #tpu.memory_space<vmem>>
      %dma_wait3A_53 = arith.constant 0 : i32
      %dma_wait3A_54 = arith.constant 0 : i32
      %dma_wait3A_55 = tpu.memref_slice %arg11[%dma_wait3A_53, %dma_wait3A_54] : memref<10240x128xf32, #tpu.memory_space<vmem_shared>> -> memref<10240x128xf32, #tpu.memory_space<vmem_shared>>
      tpu.wait_indirect_dma semaphore(%arg13 : memref<!tpu.dma_semaphore, #tpu.memory_space<semaphore_mem>>) src(%arg9 : memref<128x128xf32, #tpu.memory_space<vmem>>) dst(%dma_wait3A_55 : memref<10240x128xf32, #tpu.memory_space<vmem_shared>>)
    } else {
    }
    %eq3A_44 = arith.constant 1 : i32
    %eq3A_45 = arith.cmpi eq, %select_n3A_40, %eq3A_44 : i32
    %convert_element_type3A_46 = arith.extui %eq3A_45 : i1 to i32
    %cond3A_47 = arith.constant 0 : i32
    %cond3A_48 = arith.cmpi ne, %convert_element_type3A_46, %cond3A_47 : i32
    scf.if %cond3A_48 {
      %dma_wait3A = arith.constant 1 : i32
      %dma_wait3A_50 = arith.constant 0 : i32
      %dma_wait3A_51 = tpu.memref_slice %arg8[%dma_wait3A, %dma_wait3A_50] : memref<2x128xi32, #tpu.memory_space<vmem>> -> memref<1x128xi32, #tpu.memory_space<vmem>>
      %dma_wait3A_52 = tpu.memref_squeeze %dma_wait3A_51 : memref<1x128xi32, #tpu.memory_space<vmem>> -> memref<128xi32, #tpu.memory_space<vmem>>
      %dma_wait3A_53 = arith.constant 0 : i32
      %dma_wait3A_54 = arith.constant 0 : i32
      %dma_wait3A_55 = tpu.memref_slice %arg11[%dma_wait3A_53, %dma_wait3A_54] : memref<10240x128xf32, #tpu.memory_space<vmem_shared>> -> memref<10240x128xf32, #tpu.memory_space<vmem_shared>>
      tpu.wait_indirect_dma semaphore(%arg13 : memref<!tpu.dma_semaphore, #tpu.memory_space<semaphore_mem>>) src(%arg9 : memref<128x128xf32, #tpu.memory_space<vmem>>) dst(%dma_wait3A_55 : memref<10240x128xf32, #tpu.memory_space<vmem_shared>>)
    } else {
    }
    %barrier3A_49 = arith.constant 0 : index
    tpu.barrier barrier_id(%barrier3A_49)
    "tpu.region"() ({
      %run_scoped3A = tpu.sem_alloc : memref<!tpu.dma_semaphore, #tpu.memory_space<semaphore_mem>>
      %dma_start3A = arith.constant 0 : i32
      %dma_start3A_50 = tpu.memref_slice %arg6[%arg0, %mul3A_6, %dma_start3A] : memref<2x10240x128xf32, #tpu.memory_space<hbm>> -> memref<1x640x128xf32, #tpu.memory_space<hbm>>
      %dma_start3A_51 = tpu.memref_squeeze %dma_start3A_50 : memref<1x640x128xf32, #tpu.memory_space<hbm>> -> memref<640x128xf32, #tpu.memory_space<hbm>>
      %dma_start3A_52 = arith.constant 0 : i32
      %dma_start3A_53 = tpu.memref_slice %arg11[%mul3A_6, %dma_start3A_52] : memref<10240x128xf32, #tpu.memory_space<vmem_shared>> -> memref<640x128xf32, #tpu.memory_space<vmem_shared>>
      tpu.enqueue_dma source(%dma_start3A_53 : memref<640x128xf32, #tpu.memory_space<vmem_shared>>) target(%dma_start3A_51 : memref<640x128xf32, #tpu.memory_space<hbm>>) target_semaphore(%run_scoped3A : memref<!tpu.dma_semaphore, #tpu.memory_space<semaphore_mem>>)
      %dma_wait3A = arith.constant 0 : i32
      %dma_wait3A_54 = tpu.memref_slice %arg6[%arg0, %mul3A_6, %dma_wait3A] : memref<2x10240x128xf32, #tpu.memory_space<hbm>> -> memref<1x640x128xf32, #tpu.memory_space<hbm>>
      %dma_wait3A_55 = tpu.memref_squeeze %dma_wait3A_54 : memref<1x640x128xf32, #tpu.memory_space<hbm>> -> memref<640x128xf32, #tpu.memory_space<hbm>>
      %dma_wait3A_56 = arith.constant 0 : i32
      %dma_wait3A_57 = tpu.memref_slice %arg11[%mul3A_6, %dma_wait3A_56] : memref<10240x128xf32, #tpu.memory_space<vmem_shared>> -> memref<640x128xf32, #tpu.memory_space<vmem_shared>>
      tpu.wait_dma2 semaphore(%run_scoped3A : memref<!tpu.dma_semaphore, #tpu.memory_space<semaphore_mem>>) src(%dma_wait3A_57 : memref<640x128xf32, #tpu.memory_space<vmem_shared>>) dst(%dma_wait3A_55 : memref<640x128xf32, #tpu.memory_space<hbm>>)
      tpu.yield
    }) : () -> ()
    return
  }
}

#map = affine_map<(d0, d1) -> (0, 0)>
#map1 = affine_map<(d0, d1) -> (0)>
#map2 = affine_map<(d0, d1) -> (0, 0, 0)>
module attributes {stable_mosaic.version = 14 : i64} {
  func.func @_sc_layer(%arg0: i32, %arg1: i32, %arg2: memref<10000x128xf32, #tpu.memory_space<hbm>>, %arg3: memref<160000x128xf32, #tpu.memory_space<hbm>>, %arg4: memref<160000xi32, #tpu.memory_space<hbm>>, %arg5: memref<160000xi32, #tpu.memory_space<hbm>>, %arg6: memref<2x10240x128xf32, #tpu.memory_space<hbm>>, %arg7: memref<128xi32, #tpu.memory_space<vmem>>, %arg8: memref<2x128xi32, #tpu.memory_space<vmem>>, %arg9: memref<128x128xf32, #tpu.memory_space<vmem>>, %arg10: memref<128x128xf32, #tpu.memory_space<vmem>>, %arg11: memref<10240x128xf32, #tpu.memory_space<vmem_shared>>, %arg12: memref<!tpu.dma_semaphore, #tpu.memory_space<semaphore_mem>>, %arg13: memref<!tpu.dma_semaphore, #tpu.memory_space<semaphore_mem>>) attributes {dimension_semantics = [#tpu.dimension_semantics<core_parallel>, #tpu.dimension_semantics<subcore_parallel>], iteration_bounds = array<i64: 2, 16>, scalar_prefetch = 0 : i64, scratch_operands = 7 : i64, tpu.core_type = #tpu.core_type<sc_vector_subcore>, window_params = [{transform_indices = #map}, {transform_indices = #map}, {transform_indices = #map1}, {transform_indices = #map1}, {transform_indices = #map2}]} {
    %mul3A = arith.constant 2 : i32
    %mul3A_0 = arith.muli %arg1, %mul3A : i32
    %add3A = arith.addi %mul3A_0, %arg0 : i32
    %scan3A = arith.constant 0 : i32
    %scan3A_1 = arith.constant 128 : i32
    %scan3A_2 = arith.addi %scan3A, %scan3A_1 : i32
    %scan3A_3 = arith.constant 1 : i32
    scf.for %scan3A_50 = %scan3A to %scan3A_2 step %scan3A_3  : i32 {
      %mul3A_51 = arith.constant 1 : i32
      %mul3A_52 = arith.muli %scan3A_50, %mul3A_51 : i32
      %add3A_53 = arith.constant 0 : i32
      %add3A_54 = arith.addi %add3A_53, %mul3A_52 : i32
      %scan3A_55 = arith.constant 0 : i32
      %scan3A_56 = arith.constant 8 : i32
      %scan3A_57 = arith.addi %scan3A_55, %scan3A_56 : i32
      %scan3A_58 = arith.constant 1 : i32
      scf.for %scan3A_60 = %scan3A_55 to %scan3A_57 step %scan3A_58  : i32 {
        %mul3A_61 = arith.constant 16 : i32
        %mul3A_62 = arith.muli %scan3A_60, %mul3A_61 : i32
        %add3A_63 = arith.constant 0 : i32
        %add3A_64 = arith.addi %add3A_63, %mul3A_62 : i32
        %broadcast_in_dim3A = arith.constant 0.000000e+00 : f32
        %broadcast_in_dim3A_65 = vector.broadcast %broadcast_in_dim3A : f32 to vector<16xf32>
        %swap3A = arith.index_cast %add3A_54 : i32 to index
        %swap3A_66 = arith.index_cast %add3A_64 : i32 to index
        %swap3A_67 = tpu.vector_load %arg9[%swap3A, %swap3A_66] {strides = array<i32>} : memref<128x128xf32, #tpu.memory_space<vmem>>, vector<16xf32>,
        tpu.vector_store %arg9[%swap3A, %swap3A_66], %broadcast_in_dim3A_65 {strides = array<i32>} : memref<128x128xf32, #tpu.memory_space<vmem>>, vector<16xf32>,
      }
      %scan3A_59 = arith.constant 8 : i32
    }
    %scan3A_4 = arith.constant 128 : i32
    %mul3A_5 = arith.constant 640 : i32
    %mul3A_6 = arith.muli %arg1, %mul3A_5 : i32
    %add3A_7 = arith.constant 0 : i32
    %add3A_8 = arith.addi %mul3A_6, %add3A_7 : i32
    "tpu.region"() ({
      %run_scoped3A = tpu.sem_alloc : memref<!tpu.dma_semaphore, #tpu.memory_space<semaphore_mem>>
      %dma_start3A = arith.constant 0 : i32
      %dma_start3A_50 = tpu.memref_slice %arg11[%add3A_8, %dma_start3A] : memref<10240x128xf32, #tpu.memory_space<vmem_shared>> -> memref<128x128xf32, #tpu.memory_space<vmem_shared>>
      %dma_start3A_51 = arith.constant 0 : i32
      %dma_start3A_52 = tpu.memref_slice %arg11[%add3A_8, %dma_start3A_51] : memref<10240x128xf32, #tpu.memory_space<vmem_shared>> -> memref<128x128xf32, #tpu.memory_space<vmem_shared>>
      tpu.enqueue_dma source(%arg9 : memref<128x128xf32, #tpu.memory_space<vmem>>) target(%dma_start3A_52 : memref<128x128xf32, #tpu.memory_space<vmem_shared>>) target_semaphore(%run_scoped3A : memref<!tpu.dma_semaphore, #tpu.memory_space<semaphore_mem>>)
      %dma_wait3A = arith.constant 0 : i32
      %dma_wait3A_53 = tpu.memref_slice %arg11[%add3A_8, %dma_wait3A] : memref<10240x128xf32, #tpu.memory_space<vmem_shared>> -> memref<128x128xf32, #tpu.memory_space<vmem_shared>>
      %dma_wait3A_54 = arith.constant 0 : i32
      %dma_wait3A_55 = tpu.memref_slice %arg11[%add3A_8, %dma_wait3A_54] : memref<10240x128xf32, #tpu.memory_space<vmem_shared>> -> memref<128x128xf32, #tpu.memory_space<vmem_shared>>
      tpu.wait_dma2 semaphore(%run_scoped3A : memref<!tpu.dma_semaphore, #tpu.memory_space<semaphore_mem>>) src(%arg9 : memref<128x128xf32, #tpu.memory_space<vmem>>) dst(%dma_wait3A_55 : memref<128x128xf32, #tpu.memory_space<vmem_shared>>)
      tpu.yield
    }) : () -> ()
    %add3A_9 = arith.constant 128 : i32
    %add3A_10 = arith.addi %mul3A_6, %add3A_9 : i32
    "tpu.region"() ({
      %run_scoped3A = tpu.sem_alloc : memref<!tpu.dma_semaphore, #tpu.memory_space<semaphore_mem>>
      %dma_start3A = arith.constant 0 : i32
      %dma_start3A_50 = tpu.memref_slice %arg11[%add3A_10, %dma_start3A] : memref<10240x128xf32, #tpu.memory_space<vmem_shared>> -> memref<128x128xf32, #tpu.memory_space<vmem_shared>>
      %dma_start3A_51 = arith.constant 0 : i32
      %dma_start3A_52 = tpu.memref_slice %arg11[%add3A_10, %dma_start3A_51] : memref<10240x128xf32, #tpu.memory_space<vmem_shared>> -> memref<128x128xf32, #tpu.memory_space<vmem_shared>>
      tpu.enqueue_dma source(%arg9 : memref<128x128xf32, #tpu.memory_space<vmem>>) target(%dma_start3A_52 : memref<128x128xf32, #tpu.memory_space<vmem_shared>>) target_semaphore(%run_scoped3A : memref<!tpu.dma_semaphore, #tpu.memory_space<semaphore_mem>>)
      %dma_wait3A = arith.constant 0 : i32
      %dma_wait3A_53 = tpu.memref_slice %arg11[%add3A_10, %dma_wait3A] : memref<10240x128xf32, #tpu.memory_space<vmem_shared>> -> memref<128x128xf32, #tpu.memory_space<vmem_shared>>
      %dma_wait3A_54 = arith.constant 0 : i32
      %dma_wait3A_55 = tpu.memref_slice %arg11[%add3A_10, %dma_wait3A_54] : memref<10240x128xf32, #tpu.memory_space<vmem_shared>> -> memref<128x128xf32, #tpu.memory_space<vmem_shared>>
      tpu.wait_dma2 semaphore(%run_scoped3A : memref<!tpu.dma_semaphore, #tpu.memory_space<semaphore_mem>>) src(%arg9 : memref<128x128xf32, #tpu.memory_space<vmem>>) dst(%dma_wait3A_55 : memref<128x128xf32, #tpu.memory_space<vmem_shared>>)
      tpu.yield
    }) : () -> ()
    %add3A_11 = arith.constant 256 : i32
    %add3A_12 = arith.addi %mul3A_6, %add3A_11 : i32
    "tpu.region"() ({
      %run_scoped3A = tpu.sem_alloc : memref<!tpu.dma_semaphore, #tpu.memory_space<semaphore_mem>>
      %dma_start3A = arith.constant 0 : i32
      %dma_start3A_50 = tpu.memref_slice %arg11[%add3A_12, %dma_start3A] : memref<10240x128xf32, #tpu.memory_space<vmem_shared>> -> memref<128x128xf32, #tpu.memory_space<vmem_shared>>
      %dma_start3A_51 = arith.constant 0 : i32
      %dma_start3A_52 = tpu.memref_slice %arg11[%add3A_12, %dma_start3A_51] : memref<10240x128xf32, #tpu.memory_space<vmem_shared>> -> memref<128x128xf32, #tpu.memory_space<vmem_shared>>
      tpu.enqueue_dma source(%arg9 : memref<128x128xf32, #tpu.memory_space<vmem>>) target(%dma_start3A_52 : memref<128x128xf32, #tpu.memory_space<vmem_shared>>) target_semaphore(%run_scoped3A : memref<!tpu.dma_semaphore, #tpu.memory_space<semaphore_mem>>)
      %dma_wait3A = arith.constant 0 : i32
      %dma_wait3A_53 = tpu.memref_slice %arg11[%add3A_12, %dma_wait3A] : memref<10240x128xf32, #tpu.memory_space<vmem_shared>> -> memref<128x128xf32, #tpu.memory_space<vmem_shared>>
      %dma_wait3A_54 = arith.constant 0 : i32
      %dma_wait3A_55 = tpu.memref_slice %arg11[%add3A_12, %dma_wait3A_54] : memref<10240x128xf32, #tpu.memory_space<vmem_shared>> -> memref<128x128xf32, #tpu.memory_space<vmem_shared>>
      tpu.wait_dma2 semaphore(%run_scoped3A : memref<!tpu.dma_semaphore, #tpu.memory_space<semaphore_mem>>) src(%arg9 : memref<128x128xf32, #tpu.memory_space<vmem>>) dst(%dma_wait3A_55 : memref<128x128xf32, #tpu.memory_space<vmem_shared>>)
      tpu.yield
    }) : () -> ()
    %add3A_13 = arith.constant 384 : i32
    %add3A_14 = arith.addi %mul3A_6, %add3A_13 : i32
    "tpu.region"() ({
      %run_scoped3A = tpu.sem_alloc : memref<!tpu.dma_semaphore, #tpu.memory_space<semaphore_mem>>
      %dma_start3A = arith.constant 0 : i32
      %dma_start3A_50 = tpu.memref_slice %arg11[%add3A_14, %dma_start3A] : memref<10240x128xf32, #tpu.memory_space<vmem_shared>> -> memref<128x128xf32, #tpu.memory_space<vmem_shared>>
      %dma_start3A_51 = arith.constant 0 : i32
      %dma_start3A_52 = tpu.memref_slice %arg11[%add3A_14, %dma_start3A_51] : memref<10240x128xf32, #tpu.memory_space<vmem_shared>> -> memref<128x128xf32, #tpu.memory_space<vmem_shared>>
      tpu.enqueue_dma source(%arg9 : memref<128x128xf32, #tpu.memory_space<vmem>>) target(%dma_start3A_52 : memref<128x128xf32, #tpu.memory_space<vmem_shared>>) target_semaphore(%run_scoped3A : memref<!tpu.dma_semaphore, #tpu.memory_space<semaphore_mem>>)
      %dma_wait3A = arith.constant 0 : i32
      %dma_wait3A_53 = tpu.memref_slice %arg11[%add3A_14, %dma_wait3A] : memref<10240x128xf32, #tpu.memory_space<vmem_shared>> -> memref<128x128xf32, #tpu.memory_space<vmem_shared>>
      %dma_wait3A_54 = arith.constant 0 : i32
      %dma_wait3A_55 = tpu.memref_slice %arg11[%add3A_14, %dma_wait3A_54] : memref<10240x128xf32, #tpu.memory_space<vmem_shared>> -> memref<128x128xf32, #tpu.memory_space<vmem_shared>>
      tpu.wait_dma2 semaphore(%run_scoped3A : memref<!tpu.dma_semaphore, #tpu.memory_space<semaphore_mem>>) src(%arg9 : memref<128x128xf32, #tpu.memory_space<vmem>>) dst(%dma_wait3A_55 : memref<128x128xf32, #tpu.memory_space<vmem_shared>>)
      tpu.yield
    }) : () -> ()
    %add3A_15 = arith.constant 512 : i32
    %add3A_16 = arith.addi %mul3A_6, %add3A_15 : i32
    "tpu.region"() ({
      %run_scoped3A = tpu.sem_alloc : memref<!tpu.dma_semaphore, #tpu.memory_space<semaphore_mem>>
      %dma_start3A = arith.constant 0 : i32
      %dma_start3A_50 = tpu.memref_slice %arg11[%add3A_16, %dma_start3A] : memref<10240x128xf32, #tpu.memory_space<vmem_shared>> -> memref<128x128xf32, #tpu.memory_space<vmem_shared>>
      %dma_start3A_51 = arith.constant 0 : i32
      %dma_start3A_52 = tpu.memref_slice %arg11[%add3A_16, %dma_start3A_51] : memref<10240x128xf32, #tpu.memory_space<vmem_shared>> -> memref<128x128xf32, #tpu.memory_space<vmem_shared>>
      tpu.enqueue_dma source(%arg9 : memref<128x128xf32, #tpu.memory_space<vmem>>) target(%dma_start3A_52 : memref<128x128xf32, #tpu.memory_space<vmem_shared>>) target_semaphore(%run_scoped3A : memref<!tpu.dma_semaphore, #tpu.memory_space<semaphore_mem>>)
      %dma_wait3A = arith.constant 0 : i32
      %dma_wait3A_53 = tpu.memref_slice %arg11[%add3A_16, %dma_wait3A] : memref<10240x128xf32, #tpu.memory_space<vmem_shared>> -> memref<128x128xf32, #tpu.memory_space<vmem_shared>>
      %dma_wait3A_54 = arith.constant 0 : i32
      %dma_wait3A_55 = tpu.memref_slice %arg11[%add3A_16, %dma_wait3A_54] : memref<10240x128xf32, #tpu.memory_space<vmem_shared>> -> memref<128x128xf32, #tpu.memory_space<vmem_shared>>
      tpu.wait_dma2 semaphore(%run_scoped3A : memref<!tpu.dma_semaphore, #tpu.memory_space<semaphore_mem>>) src(%arg9 : memref<128x128xf32, #tpu.memory_space<vmem>>) dst(%dma_wait3A_55 : memref<128x128xf32, #tpu.memory_space<vmem_shared>>)
      tpu.yield
    }) : () -> ()
    %barrier3A = arith.constant 0 : index
    tpu.barrier barrier_id(%barrier3A)
    %scan3A_17 = arith.constant 0 : i32
    %scan3A_18 = arith.constant 20 : i32
    %scan3A_19 = arith.addi %scan3A_17, %scan3A_18 : i32
    %scan3A_20 = arith.constant 1 : i32
    scf.for %scan3A_50 = %scan3A_17 to %scan3A_19 step %scan3A_20  : i32 {
      %mul3A_51 = arith.constant 2 : i32
      %mul3A_52 = arith.muli %scan3A_50, %mul3A_51 : i32
      %add3A_53 = arith.constant 0 : i32
      %add3A_54 = arith.addi %add3A_53, %mul3A_52 : i32
      %add3A_55 = arith.constant 0 : i32
      %add3A_56 = arith.addi %add3A_54, %add3A_55 : i32
      %mul3A_57 = arith.constant 32 : i32
      %mul3A_58 = arith.muli %add3A_56, %mul3A_57 : i32
      %add3A_59 = arith.addi %add3A, %mul3A_58 : i32
      %lt3A_60 = arith.constant 1250 : i32
      %lt3A_61 = arith.cmpi slt, %add3A_59, %lt3A_60 : i32
      %convert_element_type3A_62 = arith.extui %lt3A_61 : i1 to i32
      %cond3A_63 = arith.constant 0 : i32
      %cond3A_64 = arith.cmpi ne, %convert_element_type3A_62, %cond3A_63 : i32
      scf.if %cond3A_64 {
        %mul3A_75 = arith.constant 128 : i32
        %mul3A_76 = arith.muli %add3A_59, %mul3A_75 : i32
        "tpu.region"() ({
          %run_scoped3A_97 = tpu.sem_alloc : memref<!tpu.dma_semaphore, #tpu.memory_space<semaphore_mem>>
          %dma_start3A_98 = tpu.memref_slice %arg4[%mul3A_76] : memref<160000xi32, #tpu.memory_space<hbm>> -> memref<128xi32, #tpu.memory_space<hbm>>
          %dma_start3A_99 = tpu.memref_slice %arg4[%mul3A_76] : memref<160000xi32, #tpu.memory_space<hbm>> -> memref<128xi32, #tpu.memory_space<hbm>>
          tpu.enqueue_dma source(%dma_start3A_99 : memref<128xi32, #tpu.memory_space<hbm>>) target(%arg7 : memref<128xi32, #tpu.memory_space<vmem>>) target_semaphore(%run_scoped3A_97 : memref<!tpu.dma_semaphore, #tpu.memory_space<semaphore_mem>>)
          %dma_wait3A_100 = tpu.memref_slice %arg4[%mul3A_76] : memref<160000xi32, #tpu.memory_space<hbm>> -> memref<128xi32, #tpu.memory_space<hbm>>
          %dma_wait3A_101 = tpu.memref_slice %arg4[%mul3A_76] : memref<160000xi32, #tpu.memory_space<hbm>> -> memref<128xi32, #tpu.memory_space<hbm>>
          tpu.wait_dma2 semaphore(%run_scoped3A_97 : memref<!tpu.dma_semaphore, #tpu.memory_space<semaphore_mem>>) src(%dma_wait3A_101 : memref<128xi32, #tpu.memory_space<hbm>>) dst(%arg7 : memref<128xi32, #tpu.memory_space<vmem>>)
          tpu.yield
        }) : () -> ()
        %run_scoped3A = arith.constant 0 : i32
        "tpu.region"() ({
          %run_scoped3A_97 = tpu.sem_alloc : memref<!tpu.dma_semaphore, #tpu.memory_space<semaphore_mem>>
          %dma_start3A_98 = arith.constant 0 : i32
          %dma_start3A_99 = tpu.memref_slice %arg8[%run_scoped3A, %dma_start3A_98] : memref<2x128xi32, #tpu.memory_space<vmem>> -> memref<1x128xi32, #tpu.memory_space<vmem>>
          %dma_start3A_100 = tpu.memref_squeeze %dma_start3A_99 : memref<1x128xi32, #tpu.memory_space<vmem>> -> memref<128xi32, #tpu.memory_space<vmem>>
          %dma_start3A_101 = tpu.memref_slice %arg5[%mul3A_76] : memref<160000xi32, #tpu.memory_space<hbm>> -> memref<128xi32, #tpu.memory_space<hbm>>
          %dma_start3A_102 = arith.constant 0 : i32
          %dma_start3A_103 = tpu.memref_slice %arg8[%run_scoped3A, %dma_start3A_102] : memref<2x128xi32, #tpu.memory_space<vmem>> -> memref<1x128xi32, #tpu.memory_space<vmem>>
          %dma_start3A_104 = tpu.memref_squeeze %dma_start3A_103 : memref<1x128xi32, #tpu.memory_space<vmem>> -> memref<128xi32, #tpu.memory_space<vmem>>
          %dma_start3A_105 = tpu.memref_slice %arg5[%mul3A_76] : memref<160000xi32, #tpu.memory_space<hbm>> -> memref<128xi32, #tpu.memory_space<hbm>>
          tpu.enqueue_dma source(%dma_start3A_105 : memref<128xi32, #tpu.memory_space<hbm>>) target(%dma_start3A_104 : memref<128xi32, #tpu.memory_space<vmem>>) target_semaphore(%run_scoped3A_97 : memref<!tpu.dma_semaphore, #tpu.memory_space<semaphore_mem>>)
          %dma_wait3A_106 = arith.constant 0 : i32
          %dma_wait3A_107 = tpu.memref_slice %arg8[%run_scoped3A, %dma_wait3A_106] : memref<2x128xi32, #tpu.memory_space<vmem>> -> memref<1x128xi32, #tpu.memory_space<vmem>>
          %dma_wait3A_108 = tpu.memref_squeeze %dma_wait3A_107 : memref<1x128xi32, #tpu.memory_space<vmem>> -> memref<128xi32, #tpu.memory_space<vmem>>
          %dma_wait3A_109 = tpu.memref_slice %arg5[%mul3A_76] : memref<160000xi32, #tpu.memory_space<hbm>> -> memref<128xi32, #tpu.memory_space<hbm>>
          %dma_wait3A_110 = arith.constant 0 : i32
          %dma_wait3A_111 = tpu.memref_slice %arg8[%run_scoped3A, %dma_wait3A_110] : memref<2x128xi32, #tpu.memory_space<vmem>> -> memref<1x128xi32, #tpu.memory_space<vmem>>
          %dma_wait3A_112 = tpu.memref_squeeze %dma_wait3A_111 : memref<1x128xi32, #tpu.memory_space<vmem>> -> memref<128xi32, #tpu.memory_space<vmem>>
          %dma_wait3A_113 = tpu.memref_slice %arg5[%mul3A_76] : memref<160000xi32, #tpu.memory_space<hbm>> -> memref<128xi32, #tpu.memory_space<hbm>>
          tpu.wait_dma2 semaphore(%run_scoped3A_97 : memref<!tpu.dma_semaphore, #tpu.memory_space<semaphore_mem>>) src(%dma_wait3A_113 : memref<128xi32, #tpu.memory_space<hbm>>) dst(%dma_wait3A_112 : memref<128xi32, #tpu.memory_space<vmem>>)
          tpu.yield
        }) : () -> ()
        %ge3A = arith.constant 1 : i32
        %ge3A_77 = arith.cmpi sge, %add3A_56, %ge3A : i32
        %convert_element_type3A_78 = arith.extui %ge3A_77 : i1 to i32
        %cond3A_79 = arith.constant 0 : i32
        %cond3A_80 = arith.cmpi ne, %convert_element_type3A_78, %cond3A_79 : i32
        scf.if %cond3A_80 {
          %dma_wait3A_97 = arith.constant 1 : i32
          %dma_wait3A_98 = arith.constant 0 : i32
          %dma_wait3A_99 = tpu.memref_slice %arg8[%dma_wait3A_97, %dma_wait3A_98] : memref<2x128xi32, #tpu.memory_space<vmem>> -> memref<1x128xi32, #tpu.memory_space<vmem>>
          %dma_wait3A_100 = tpu.memref_squeeze %dma_wait3A_99 : memref<1x128xi32, #tpu.memory_space<vmem>> -> memref<128xi32, #tpu.memory_space<vmem>>
          %dma_wait3A_101 = arith.constant 0 : i32
          %dma_wait3A_102 = arith.constant 0 : i32
          %dma_wait3A_103 = tpu.memref_slice %arg11[%dma_wait3A_101, %dma_wait3A_102] : memref<10240x128xf32, #tpu.memory_space<vmem_shared>> -> memref<10240x128xf32, #tpu.memory_space<vmem_shared>>
          tpu.wait_indirect_dma semaphore(%arg13 : memref<!tpu.dma_semaphore, #tpu.memory_space<semaphore_mem>>) src(%arg9 : memref<128x128xf32, #tpu.memory_space<vmem>>) dst(%dma_wait3A_103 : memref<10240x128xf32, #tpu.memory_space<vmem_shared>>)
        } else {
        }
        %dma_start3A = arith.constant 0 : i32
        %dma_start3A_81 = arith.constant 0 : i32
        %dma_start3A_82 = tpu.memref_slice %arg2[%dma_start3A, %dma_start3A_81] : memref<10000x128xf32, #tpu.memory_space<hbm>> -> memref<10000x128xf32, #tpu.memory_space<hbm>>
        tpu.enqueue_indirect_dma source(%dma_start3A_82 : memref<10000x128xf32, #tpu.memory_space<hbm>>) target(%arg9 : memref<128x128xf32, #tpu.memory_space<vmem>>) offsets(%arg7 : memref<128xi32, #tpu.memory_space<vmem>>) semaphore(%arg12 : memref<!tpu.dma_semaphore, #tpu.memory_space<semaphore_mem>>)
        "tpu.region"() ({
          %run_scoped3A_97 = tpu.sem_alloc : memref<!tpu.dma_semaphore, #tpu.memory_space<semaphore_mem>>
          %dma_start3A_98 = arith.constant 0 : i32
          %dma_start3A_99 = tpu.memref_slice %arg3[%mul3A_76, %dma_start3A_98] : memref<160000x128xf32, #tpu.memory_space<hbm>> -> memref<128x128xf32, #tpu.memory_space<hbm>>
          %dma_start3A_100 = arith.constant 0 : i32
          %dma_start3A_101 = tpu.memref_slice %arg3[%mul3A_76, %dma_start3A_100] : memref<160000x128xf32, #tpu.memory_space<hbm>> -> memref<128x128xf32, #tpu.memory_space<hbm>>
          tpu.enqueue_dma source(%dma_start3A_101 : memref<128x128xf32, #tpu.memory_space<hbm>>) target(%arg10 : memref<128x128xf32, #tpu.memory_space<vmem>>) target_semaphore(%run_scoped3A_97 : memref<!tpu.dma_semaphore, #tpu.memory_space<semaphore_mem>>)
          %dma_wait3A_102 = arith.constant 0 : i32
          %dma_wait3A_103 = tpu.memref_slice %arg3[%mul3A_76, %dma_wait3A_102] : memref<160000x128xf32, #tpu.memory_space<hbm>> -> memref<128x128xf32, #tpu.memory_space<hbm>>
          %dma_wait3A_104 = arith.constant 0 : i32
          %dma_wait3A_105 = tpu.memref_slice %arg3[%mul3A_76, %dma_wait3A_104] : memref<160000x128xf32, #tpu.memory_space<hbm>> -> memref<128x128xf32, #tpu.memory_space<hbm>>
          tpu.wait_dma2 semaphore(%run_scoped3A_97 : memref<!tpu.dma_semaphore, #tpu.memory_space<semaphore_mem>>) src(%dma_wait3A_105 : memref<128x128xf32, #tpu.memory_space<hbm>>) dst(%arg10 : memref<128x128xf32, #tpu.memory_space<vmem>>)
          tpu.yield
        }) : () -> ()
        %dma_wait3A = arith.constant 0 : i32
        %dma_wait3A_83 = arith.constant 0 : i32
        %dma_wait3A_84 = tpu.memref_slice %arg2[%dma_wait3A, %dma_wait3A_83] : memref<10000x128xf32, #tpu.memory_space<hbm>> -> memref<10000x128xf32, #tpu.memory_space<hbm>>
        tpu.wait_indirect_dma semaphore(%arg12 : memref<!tpu.dma_semaphore, #tpu.memory_space<semaphore_mem>>) src(%dma_wait3A_84 : memref<10000x128xf32, #tpu.memory_space<hbm>>) dst(%arg9 : memref<128x128xf32, #tpu.memory_space<vmem>>)
        %scan3A_85 = arith.constant 0 : i32
        %scan3A_86 = arith.constant 128 : i32
        %scan3A_87 = arith.addi %scan3A_85, %scan3A_86 : i32
        %scan3A_88 = arith.constant 1 : i32
        scf.for %scan3A_97 = %scan3A_85 to %scan3A_87 step %scan3A_88  : i32 {
          %mul3A_98 = arith.constant 1 : i32
          %mul3A_99 = arith.muli %scan3A_97, %mul3A_98 : i32
          %add3A_100 = arith.constant 0 : i32
          %add3A_101 = arith.addi %add3A_100, %mul3A_99 : i32
          %scan3A_102 = arith.constant 0 : i32
          %scan3A_103 = arith.constant 8 : i32
          %scan3A_104 = arith.addi %scan3A_102, %scan3A_103 : i32
          %scan3A_105 = arith.constant 1 : i32
          scf.for %scan3A_107 = %scan3A_102 to %scan3A_104 step %scan3A_105  : i32 {
            %mul3A_108 = arith.constant 16 : i32
            %mul3A_109 = arith.muli %scan3A_107, %mul3A_108 : i32
            %add3A_110 = arith.constant 0 : i32
            %add3A_111 = arith.addi %add3A_110, %mul3A_109 : i32
            %get3A = arith.index_cast %add3A_101 : i32 to index
            %get3A_112 = arith.index_cast %add3A_111 : i32 to index
            %get3A_113 = tpu.vector_load %arg9[%get3A, %get3A_112] {strides = array<i32>} : memref<128x128xf32, #tpu.memory_space<vmem>>, vector<16xf32>,
            %get3A_114 = arith.index_cast %add3A_101 : i32 to index
            %get3A_115 = arith.index_cast %add3A_111 : i32 to index
            %get3A_116 = tpu.vector_load %arg10[%get3A_114, %get3A_115] {strides = array<i32>} : memref<128x128xf32, #tpu.memory_space<vmem>>, vector<16xf32>,
            %mul3A_117 = arith.mulf %get3A_113, %get3A_116 : vector<16xf32>
            %swap3A = arith.index_cast %add3A_101 : i32 to index
            %swap3A_118 = arith.index_cast %add3A_111 : i32 to index
            %swap3A_119 = tpu.vector_load %arg9[%swap3A, %swap3A_118] {strides = array<i32>} : memref<128x128xf32, #tpu.memory_space<vmem>>, vector<16xf32>,
            tpu.vector_store %arg9[%swap3A, %swap3A_118], %mul3A_117 {strides = array<i32>} : memref<128x128xf32, #tpu.memory_space<vmem>>, vector<16xf32>,
          }
          %scan3A_106 = arith.constant 8 : i32
        }
        %scan3A_89 = arith.constant 128 : i32
        %dma_start3A_90 = arith.constant 0 : i32
        %dma_start3A_91 = arith.constant 0 : i32
        %dma_start3A_92 = tpu.memref_slice %arg8[%dma_start3A_90, %dma_start3A_91] : memref<2x128xi32, #tpu.memory_space<vmem>> -> memref<1x128xi32, #tpu.memory_space<vmem>>
        %dma_start3A_93 = tpu.memref_squeeze %dma_start3A_92 : memref<1x128xi32, #tpu.memory_space<vmem>> -> memref<128xi32, #tpu.memory_space<vmem>>
        %dma_start3A_94 = arith.constant 0 : i32
        %dma_start3A_95 = arith.constant 0 : i32
        %dma_start3A_96 = tpu.memref_slice %arg11[%dma_start3A_94, %dma_start3A_95] : memref<10240x128xf32, #tpu.memory_space<vmem_shared>> -> memref<10240x128xf32, #tpu.memory_space<vmem_shared>>
        tpu.enqueue_indirect_dma source(%arg9 : memref<128x128xf32, #tpu.memory_space<vmem>>) target(%dma_start3A_96 : memref<10240x128xf32, #tpu.memory_space<vmem_shared>>) offsets(%dma_start3A_93 : memref<128xi32, #tpu.memory_space<vmem>>) semaphore(%arg13 : memref<!tpu.dma_semaphore, #tpu.memory_space<semaphore_mem>>) {add = true}
      } else {
      }
      %add3A_65 = arith.constant 1 : i32
      %add3A_66 = arith.addi %add3A_54, %add3A_65 : i32
      %mul3A_67 = arith.constant 32 : i32
      %mul3A_68 = arith.muli %add3A_66, %mul3A_67 : i32
      %add3A_69 = arith.addi %add3A, %mul3A_68 : i32
      %lt3A_70 = arith.constant 1250 : i32
      %lt3A_71 = arith.cmpi slt, %add3A_69, %lt3A_70 : i32
      %convert_element_type3A_72 = arith.extui %lt3A_71 : i1 to i32
      %cond3A_73 = arith.constant 0 : i32
      %cond3A_74 = arith.cmpi ne, %convert_element_type3A_72, %cond3A_73 : i32
      scf.if %cond3A_74 {
        %mul3A_75 = arith.constant 128 : i32
        %mul3A_76 = arith.muli %add3A_69, %mul3A_75 : i32
        "tpu.region"() ({
          %run_scoped3A_97 = tpu.sem_alloc : memref<!tpu.dma_semaphore, #tpu.memory_space<semaphore_mem>>
          %dma_start3A_98 = tpu.memref_slice %arg4[%mul3A_76] : memref<160000xi32, #tpu.memory_space<hbm>> -> memref<128xi32, #tpu.memory_space<hbm>>
          %dma_start3A_99 = tpu.memref_slice %arg4[%mul3A_76] : memref<160000xi32, #tpu.memory_space<hbm>> -> memref<128xi32, #tpu.memory_space<hbm>>
          tpu.enqueue_dma source(%dma_start3A_99 : memref<128xi32, #tpu.memory_space<hbm>>) target(%arg7 : memref<128xi32, #tpu.memory_space<vmem>>) target_semaphore(%run_scoped3A_97 : memref<!tpu.dma_semaphore, #tpu.memory_space<semaphore_mem>>)
          %dma_wait3A_100 = tpu.memref_slice %arg4[%mul3A_76] : memref<160000xi32, #tpu.memory_space<hbm>> -> memref<128xi32, #tpu.memory_space<hbm>>
          %dma_wait3A_101 = tpu.memref_slice %arg4[%mul3A_76] : memref<160000xi32, #tpu.memory_space<hbm>> -> memref<128xi32, #tpu.memory_space<hbm>>
          tpu.wait_dma2 semaphore(%run_scoped3A_97 : memref<!tpu.dma_semaphore, #tpu.memory_space<semaphore_mem>>) src(%dma_wait3A_101 : memref<128xi32, #tpu.memory_space<hbm>>) dst(%arg7 : memref<128xi32, #tpu.memory_space<vmem>>)
          tpu.yield
        }) : () -> ()
        %run_scoped3A = arith.constant 1 : i32
        "tpu.region"() ({
          %run_scoped3A_97 = tpu.sem_alloc : memref<!tpu.dma_semaphore, #tpu.memory_space<semaphore_mem>>
          %dma_start3A_98 = arith.constant 0 : i32
          %dma_start3A_99 = tpu.memref_slice %arg8[%run_scoped3A, %dma_start3A_98] : memref<2x128xi32, #tpu.memory_space<vmem>> -> memref<1x128xi32, #tpu.memory_space<vmem>>
          %dma_start3A_100 = tpu.memref_squeeze %dma_start3A_99 : memref<1x128xi32, #tpu.memory_space<vmem>> -> memref<128xi32, #tpu.memory_space<vmem>>
          %dma_start3A_101 = tpu.memref_slice %arg5[%mul3A_76] : memref<160000xi32, #tpu.memory_space<hbm>> -> memref<128xi32, #tpu.memory_space<hbm>>
          %dma_start3A_102 = arith.constant 0 : i32
          %dma_start3A_103 = tpu.memref_slice %arg8[%run_scoped3A, %dma_start3A_102] : memref<2x128xi32, #tpu.memory_space<vmem>> -> memref<1x128xi32, #tpu.memory_space<vmem>>
          %dma_start3A_104 = tpu.memref_squeeze %dma_start3A_103 : memref<1x128xi32, #tpu.memory_space<vmem>> -> memref<128xi32, #tpu.memory_space<vmem>>
          %dma_start3A_105 = tpu.memref_slice %arg5[%mul3A_76] : memref<160000xi32, #tpu.memory_space<hbm>> -> memref<128xi32, #tpu.memory_space<hbm>>
          tpu.enqueue_dma source(%dma_start3A_105 : memref<128xi32, #tpu.memory_space<hbm>>) target(%dma_start3A_104 : memref<128xi32, #tpu.memory_space<vmem>>) target_semaphore(%run_scoped3A_97 : memref<!tpu.dma_semaphore, #tpu.memory_space<semaphore_mem>>)
          %dma_wait3A_106 = arith.constant 0 : i32
          %dma_wait3A_107 = tpu.memref_slice %arg8[%run_scoped3A, %dma_wait3A_106] : memref<2x128xi32, #tpu.memory_space<vmem>> -> memref<1x128xi32, #tpu.memory_space<vmem>>
          %dma_wait3A_108 = tpu.memref_squeeze %dma_wait3A_107 : memref<1x128xi32, #tpu.memory_space<vmem>> -> memref<128xi32, #tpu.memory_space<vmem>>
          %dma_wait3A_109 = tpu.memref_slice %arg5[%mul3A_76] : memref<160000xi32, #tpu.memory_space<hbm>> -> memref<128xi32, #tpu.memory_space<hbm>>
          %dma_wait3A_110 = arith.constant 0 : i32
          %dma_wait3A_111 = tpu.memref_slice %arg8[%run_scoped3A, %dma_wait3A_110] : memref<2x128xi32, #tpu.memory_space<vmem>> -> memref<1x128xi32, #tpu.memory_space<vmem>>
          %dma_wait3A_112 = tpu.memref_squeeze %dma_wait3A_111 : memref<1x128xi32, #tpu.memory_space<vmem>> -> memref<128xi32, #tpu.memory_space<vmem>>
          %dma_wait3A_113 = tpu.memref_slice %arg5[%mul3A_76] : memref<160000xi32, #tpu.memory_space<hbm>> -> memref<128xi32, #tpu.memory_space<hbm>>
          tpu.wait_dma2 semaphore(%run_scoped3A_97 : memref<!tpu.dma_semaphore, #tpu.memory_space<semaphore_mem>>) src(%dma_wait3A_113 : memref<128xi32, #tpu.memory_space<hbm>>) dst(%dma_wait3A_112 : memref<128xi32, #tpu.memory_space<vmem>>)
          tpu.yield
        }) : () -> ()
        %ge3A = arith.constant 1 : i32
        %ge3A_77 = arith.cmpi sge, %add3A_66, %ge3A : i32
        %convert_element_type3A_78 = arith.extui %ge3A_77 : i1 to i32
        %cond3A_79 = arith.constant 0 : i32
        %cond3A_80 = arith.cmpi ne, %convert_element_type3A_78, %cond3A_79 : i32
        scf.if %cond3A_80 {
          %dma_wait3A_97 = arith.constant 0 : i32
          %dma_wait3A_98 = arith.constant 0 : i32
          %dma_wait3A_99 = tpu.memref_slice %arg8[%dma_wait3A_97, %dma_wait3A_98] : memref<2x128xi32, #tpu.memory_space<vmem>> -> memref<1x128xi32, #tpu.memory_space<vmem>>
          %dma_wait3A_100 = tpu.memref_squeeze %dma_wait3A_99 : memref<1x128xi32, #tpu.memory_space<vmem>> -> memref<128xi32, #tpu.memory_space<vmem>>
          %dma_wait3A_101 = arith.constant 0 : i32
          %dma_wait3A_102 = arith.constant 0 : i32
          %dma_wait3A_103 = tpu.memref_slice %arg11[%dma_wait3A_101, %dma_wait3A_102] : memref<10240x128xf32, #tpu.memory_space<vmem_shared>> -> memref<10240x128xf32, #tpu.memory_space<vmem_shared>>
          tpu.wait_indirect_dma semaphore(%arg13 : memref<!tpu.dma_semaphore, #tpu.memory_space<semaphore_mem>>) src(%arg9 : memref<128x128xf32, #tpu.memory_space<vmem>>) dst(%dma_wait3A_103 : memref<10240x128xf32, #tpu.memory_space<vmem_shared>>)
        } else {
        }
        %dma_start3A = arith.constant 0 : i32
        %dma_start3A_81 = arith.constant 0 : i32
        %dma_start3A_82 = tpu.memref_slice %arg2[%dma_start3A, %dma_start3A_81] : memref<10000x128xf32, #tpu.memory_space<hbm>> -> memref<10000x128xf32, #tpu.memory_space<hbm>>
        tpu.enqueue_indirect_dma source(%dma_start3A_82 : memref<10000x128xf32, #tpu.memory_space<hbm>>) target(%arg9 : memref<128x128xf32, #tpu.memory_space<vmem>>) offsets(%arg7 : memref<128xi32, #tpu.memory_space<vmem>>) semaphore(%arg12 : memref<!tpu.dma_semaphore, #tpu.memory_space<semaphore_mem>>)
        "tpu.region"() ({
          %run_scoped3A_97 = tpu.sem_alloc : memref<!tpu.dma_semaphore, #tpu.memory_space<semaphore_mem>>
          %dma_start3A_98 = arith.constant 0 : i32
          %dma_start3A_99 = tpu.memref_slice %arg3[%mul3A_76, %dma_start3A_98] : memref<160000x128xf32, #tpu.memory_space<hbm>> -> memref<128x128xf32, #tpu.memory_space<hbm>>
          %dma_start3A_100 = arith.constant 0 : i32
          %dma_start3A_101 = tpu.memref_slice %arg3[%mul3A_76, %dma_start3A_100] : memref<160000x128xf32, #tpu.memory_space<hbm>> -> memref<128x128xf32, #tpu.memory_space<hbm>>
          tpu.enqueue_dma source(%dma_start3A_101 : memref<128x128xf32, #tpu.memory_space<hbm>>) target(%arg10 : memref<128x128xf32, #tpu.memory_space<vmem>>) target_semaphore(%run_scoped3A_97 : memref<!tpu.dma_semaphore, #tpu.memory_space<semaphore_mem>>)
          %dma_wait3A_102 = arith.constant 0 : i32
          %dma_wait3A_103 = tpu.memref_slice %arg3[%mul3A_76, %dma_wait3A_102] : memref<160000x128xf32, #tpu.memory_space<hbm>> -> memref<128x128xf32, #tpu.memory_space<hbm>>
          %dma_wait3A_104 = arith.constant 0 : i32
          %dma_wait3A_105 = tpu.memref_slice %arg3[%mul3A_76, %dma_wait3A_104] : memref<160000x128xf32, #tpu.memory_space<hbm>> -> memref<128x128xf32, #tpu.memory_space<hbm>>
          tpu.wait_dma2 semaphore(%run_scoped3A_97 : memref<!tpu.dma_semaphore, #tpu.memory_space<semaphore_mem>>) src(%dma_wait3A_105 : memref<128x128xf32, #tpu.memory_space<hbm>>) dst(%arg10 : memref<128x128xf32, #tpu.memory_space<vmem>>)
          tpu.yield
        }) : () -> ()
        %dma_wait3A = arith.constant 0 : i32
        %dma_wait3A_83 = arith.constant 0 : i32
        %dma_wait3A_84 = tpu.memref_slice %arg2[%dma_wait3A, %dma_wait3A_83] : memref<10000x128xf32, #tpu.memory_space<hbm>> -> memref<10000x128xf32, #tpu.memory_space<hbm>>
        tpu.wait_indirect_dma semaphore(%arg12 : memref<!tpu.dma_semaphore, #tpu.memory_space<semaphore_mem>>) src(%dma_wait3A_84 : memref<10000x128xf32, #tpu.memory_space<hbm>>) dst(%arg9 : memref<128x128xf32, #tpu.memory_space<vmem>>)
        %scan3A_85 = arith.constant 0 : i32
        %scan3A_86 = arith.constant 128 : i32
        %scan3A_87 = arith.addi %scan3A_85, %scan3A_86 : i32
        %scan3A_88 = arith.constant 1 : i32
        scf.for %scan3A_97 = %scan3A_85 to %scan3A_87 step %scan3A_88  : i32 {
          %mul3A_98 = arith.constant 1 : i32
          %mul3A_99 = arith.muli %scan3A_97, %mul3A_98 : i32
          %add3A_100 = arith.constant 0 : i32
          %add3A_101 = arith.addi %add3A_100, %mul3A_99 : i32
          %scan3A_102 = arith.constant 0 : i32
          %scan3A_103 = arith.constant 8 : i32
          %scan3A_104 = arith.addi %scan3A_102, %scan3A_103 : i32
          %scan3A_105 = arith.constant 1 : i32
          scf.for %scan3A_107 = %scan3A_102 to %scan3A_104 step %scan3A_105  : i32 {
            %mul3A_108 = arith.constant 16 : i32
            %mul3A_109 = arith.muli %scan3A_107, %mul3A_108 : i32
            %add3A_110 = arith.constant 0 : i32
            %add3A_111 = arith.addi %add3A_110, %mul3A_109 : i32
            %get3A = arith.index_cast %add3A_101 : i32 to index
            %get3A_112 = arith.index_cast %add3A_111 : i32 to index
            %get3A_113 = tpu.vector_load %arg9[%get3A, %get3A_112] {strides = array<i32>} : memref<128x128xf32, #tpu.memory_space<vmem>>, vector<16xf32>,
            %get3A_114 = arith.index_cast %add3A_101 : i32 to index
            %get3A_115 = arith.index_cast %add3A_111 : i32 to index
            %get3A_116 = tpu.vector_load %arg10[%get3A_114, %get3A_115] {strides = array<i32>} : memref<128x128xf32, #tpu.memory_space<vmem>>, vector<16xf32>,
            %mul3A_117 = arith.mulf %get3A_113, %get3A_116 : vector<16xf32>
            %swap3A = arith.index_cast %add3A_101 : i32 to index
            %swap3A_118 = arith.index_cast %add3A_111 : i32 to index
            %swap3A_119 = tpu.vector_load %arg9[%swap3A, %swap3A_118] {strides = array<i32>} : memref<128x128xf32, #tpu.memory_space<vmem>>, vector<16xf32>,
            tpu.vector_store %arg9[%swap3A, %swap3A_118], %mul3A_117 {strides = array<i32>} : memref<128x128xf32, #tpu.memory_space<vmem>>, vector<16xf32>,
          }
          %scan3A_106 = arith.constant 8 : i32
        }
        %scan3A_89 = arith.constant 128 : i32
        %dma_start3A_90 = arith.constant 1 : i32
        %dma_start3A_91 = arith.constant 0 : i32
        %dma_start3A_92 = tpu.memref_slice %arg8[%dma_start3A_90, %dma_start3A_91] : memref<2x128xi32, #tpu.memory_space<vmem>> -> memref<1x128xi32, #tpu.memory_space<vmem>>
        %dma_start3A_93 = tpu.memref_squeeze %dma_start3A_92 : memref<1x128xi32, #tpu.memory_space<vmem>> -> memref<128xi32, #tpu.memory_space<vmem>>
        %dma_start3A_94 = arith.constant 0 : i32
        %dma_start3A_95 = arith.constant 0 : i32
        %dma_start3A_96 = tpu.memref_slice %arg11[%dma_start3A_94, %dma_start3A_95] : memref<10240x128xf32, #tpu.memory_space<vmem_shared>> -> memref<10240x128xf32, #tpu.memory_space<vmem_shared>>
        tpu.enqueue_indirect_dma source(%arg9 : memref<128x128xf32, #tpu.memory_space<vmem>>) target(%dma_start3A_96 : memref<10240x128xf32, #tpu.memory_space<vmem_shared>>) offsets(%dma_start3A_93 : memref<128xi32, #tpu.memory_space<vmem>>) semaphore(%arg13 : memref<!tpu.dma_semaphore, #tpu.memory_space<semaphore_mem>>) {add = true}
      } else {
      }
    }
    %scan3A_21 = arith.constant 20 : i32
    %add3A_22 = arith.constant 1248 : i32
    %add3A_23 = arith.addi %add3A, %add3A_22 : i32
    %lt3A = arith.constant 1250 : i32
    %lt3A_24 = arith.cmpi slt, %add3A_23, %lt3A : i32
    %jit3A = arith.constant 0 : i32
    %jit3A_25 = arith.constant 1 : i32
    %select_n3A = arith.select %lt3A_24, %jit3A, %jit3A_25 : i32
    %sub3A = arith.constant 40 : i32
    %sub3A_26 = arith.subi %sub3A, %select_n3A : i32
    %sub3A_27 = arith.constant 1 : i32
    %sub3A_28 = arith.subi %sub3A_26, %sub3A_27 : i32
    %jit3A_29 = arith.constant 2 : i32
    %eq3A = arith.constant 0 : i32
    %eq3A_30 = arith.cmpi eq, %jit3A_29, %eq3A : i32
    %jit3A_31 = arith.constant 1 : i32
    %select_n3A_32 = arith.select %eq3A_30, %jit3A_31, %jit3A_29 : i32
    %rem3A = arith.remsi %sub3A_28, %select_n3A_32 : i32
    %ne3A = arith.constant 0 : i32
    %ne3A_33 = arith.cmpi ne, %rem3A, %ne3A : i32
    %lt3A_34 = arith.constant 0 : i32
    %lt3A_35 = arith.cmpi slt, %rem3A, %lt3A_34 : i32
    %lt3A_36 = arith.constant 0 : i32
    %lt3A_37 = arith.cmpi slt, %select_n3A_32, %lt3A_36 : i32
    %ne3A_38 = arith.xori %lt3A_35, %lt3A_37 : i1
    %and3A = arith.andi %ne3A_38, %ne3A_33 : i1
    %add3A_39 = arith.addi %rem3A, %select_n3A_32 : i32
    %select_n3A_40 = arith.select %and3A, %add3A_39, %rem3A : i32
    %eq3A_41 = arith.constant 0 : i32
    %eq3A_42 = arith.cmpi eq, %select_n3A_40, %eq3A_41 : i32
    %convert_element_type3A = arith.extui %eq3A_42 : i1 to i32
    %cond3A = arith.constant 0 : i32
    %cond3A_43 = arith.cmpi ne, %convert_element_type3A, %cond3A : i32
    scf.if %cond3A_43 {
      %dma_wait3A = arith.constant 0 : i32
      %dma_wait3A_50 = arith.constant 0 : i32
      %dma_wait3A_51 = tpu.memref_slice %arg8[%dma_wait3A, %dma_wait3A_50] : memref<2x128xi32, #tpu.memory_space<vmem>> -> memref<1x128xi32, #tpu.memory_space<vmem>>
      %dma_wait3A_52 = tpu.memref_squeeze %dma_wait3A_51 : memref<1x128xi32, #tpu.memory_space<vmem>> -> memref<128xi32, #tpu.memory_space<vmem>>
      %dma_wait3A_53 = arith.constant 0 : i32
      %dma_wait3A_54 = arith.constant 0 : i32
      %dma_wait3A_55 = tpu.memref_slice %arg11[%dma_wait3A_53, %dma_wait3A_54] : memref<10240x128xf32, #tpu.memory_space<vmem_shared>> -> memref<10240x128xf32, #tpu.memory_space<vmem_shared>>
      tpu.wait_indirect_dma semaphore(%arg13 : memref<!tpu.dma_semaphore, #tpu.memory_space<semaphore_mem>>) src(%arg9 : memref<128x128xf32, #tpu.memory_space<vmem>>) dst(%dma_wait3A_55 : memref<10240x128xf32, #tpu.memory_space<vmem_shared>>)
    } else {
    }
    %eq3A_44 = arith.constant 1 : i32
    %eq3A_45 = arith.cmpi eq, %select_n3A_40, %eq3A_44 : i32
    %convert_element_type3A_46 = arith.extui %eq3A_45 : i1 to i32
    %cond3A_47 = arith.constant 0 : i32
    %cond3A_48 = arith.cmpi ne, %convert_element_type3A_46, %cond3A_47 : i32
    scf.if %cond3A_48 {
      %dma_wait3A = arith.constant 1 : i32
      %dma_wait3A_50 = arith.constant 0 : i32
      %dma_wait3A_51 = tpu.memref_slice %arg8[%dma_wait3A, %dma_wait3A_50] : memref<2x128xi32, #tpu.memory_space<vmem>> -> memref<1x128xi32, #tpu.memory_space<vmem>>
      %dma_wait3A_52 = tpu.memref_squeeze %dma_wait3A_51 : memref<1x128xi32, #tpu.memory_space<vmem>> -> memref<128xi32, #tpu.memory_space<vmem>>
      %dma_wait3A_53 = arith.constant 0 : i32
      %dma_wait3A_54 = arith.constant 0 : i32
      %dma_wait3A_55 = tpu.memref_slice %arg11[%dma_wait3A_53, %dma_wait3A_54] : memref<10240x128xf32, #tpu.memory_space<vmem_shared>> -> memref<10240x128xf32, #tpu.memory_space<vmem_shared>>
      tpu.wait_indirect_dma semaphore(%arg13 : memref<!tpu.dma_semaphore, #tpu.memory_space<semaphore_mem>>) src(%arg9 : memref<128x128xf32, #tpu.memory_space<vmem>>) dst(%dma_wait3A_55 : memref<10240x128xf32, #tpu.memory_space<vmem_shared>>)
    } else {
    }
    %barrier3A_49 = arith.constant 0 : index
    tpu.barrier barrier_id(%barrier3A_49)
    "tpu.region"() ({
      %run_scoped3A = tpu.sem_alloc : memref<!tpu.dma_semaphore, #tpu.memory_space<semaphore_mem>>
      %dma_start3A = arith.constant 0 : i32
      %dma_start3A_50 = tpu.memref_slice %arg6[%arg0, %mul3A_6, %dma_start3A] : memref<2x10240x128xf32, #tpu.memory_space<hbm>> -> memref<1x640x128xf32, #tpu.memory_space<hbm>>
      %dma_start3A_51 = tpu.memref_squeeze %dma_start3A_50 : memref<1x640x128xf32, #tpu.memory_space<hbm>> -> memref<640x128xf32, #tpu.memory_space<hbm>>
      %dma_start3A_52 = arith.constant 0 : i32
      %dma_start3A_53 = tpu.memref_slice %arg11[%mul3A_6, %dma_start3A_52] : memref<10240x128xf32, #tpu.memory_space<vmem_shared>> -> memref<640x128xf32, #tpu.memory_space<vmem_shared>>
      tpu.enqueue_dma source(%dma_start3A_53 : memref<640x128xf32, #tpu.memory_space<vmem_shared>>) target(%dma_start3A_51 : memref<640x128xf32, #tpu.memory_space<hbm>>) target_semaphore(%run_scoped3A : memref<!tpu.dma_semaphore, #tpu.memory_space<semaphore_mem>>)
      %dma_wait3A = arith.constant 0 : i32
      %dma_wait3A_54 = tpu.memref_slice %arg6[%arg0, %mul3A_6, %dma_wait3A] : memref<2x10240x128xf32, #tpu.memory_space<hbm>> -> memref<1x640x128xf32, #tpu.memory_space<hbm>>
      %dma_wait3A_55 = tpu.memref_squeeze %dma_wait3A_54 : memref<1x640x128xf32, #tpu.memory_space<hbm>> -> memref<640x128xf32, #tpu.memory_space<hbm>>
      %dma_wait3A_56 = arith.constant 0 : i32
      %dma_wait3A_57 = tpu.memref_slice %arg11[%mul3A_6, %dma_wait3A_56] : memref<10240x128xf32, #tpu.memory_space<vmem_shared>> -> memref<640x128xf32, #tpu.memory_space<vmem_shared>>
      tpu.wait_dma2 semaphore(%run_scoped3A : memref<!tpu.dma_semaphore, #tpu.memory_space<semaphore_mem>>) src(%dma_wait3A_57 : memref<640x128xf32, #tpu.memory_space<vmem_shared>>) dst(%dma_wait3A_55 : memref<640x128xf32, #tpu.memory_space<hbm>>)
      tpu.yield
    }) : () -> ()
    return
  }
}

module attributes {stable_mosaic.version = 14 : i64} {
  func.func @_edge_mlp_body(%arg0: i32, %arg1: memref<2000x1xf32, #tpu.memory_space<vmem>>, %arg2: memref<1x128x128xf32, #tpu.memory_space<vmem>>, %arg3: memref<1x128xf32, #tpu.memory_space<vmem>>, %arg4: memref<1x128x128xf32, #tpu.memory_space<vmem>>, %arg5: memref<1x128xf32, #tpu.memory_space<vmem>>, %arg6: memref<2000x128xf32, #tpu.memory_space<vmem>>) attributes {dimension_semantics = [#tpu.dimension_semantics<arbitrary>], iteration_bounds = array<i64: 80>, scalar_prefetch = 0 : i64, scratch_operands = 0 : i64, tpu.core_type = #tpu.core_type<tc>, window_params = [{transform_indices = @transform_0, window_bounds = array<i64: 2000, 1>}, {pipeline_mode = #tpu.pipeline_mode<synchronous>, transform_indices = @transform_1, window_bounds = array<i64: 1, 128, 128>}, {pipeline_mode = #tpu.pipeline_mode<synchronous>, transform_indices = @transform_2, window_bounds = array<i64: 1, 128>}, {pipeline_mode = #tpu.pipeline_mode<synchronous>, transform_indices = @transform_3, window_bounds = array<i64: 1, 128, 128>}, {pipeline_mode = #tpu.pipeline_mode<synchronous>, transform_indices = @transform_4, window_bounds = array<i64: 1, 128>}, {transform_indices = @transform_5, window_bounds = array<i64: 2000, 128>}]} {
    %get3A = arith.constant 0 : index
    %get3A_0 = arith.constant 0 : index
    %get3A_1 = vector.load %arg1[%get3A, %get3A_0] : memref<2000x1xf32, #tpu.memory_space<vmem>>, vector<2000x1xf32>
    %add3A = arith.constant 9.99999996E-13 : f32
    %add3A_2 = vector.broadcast %add3A : f32 to vector<2000x1xf32>
    %add3A_3 = arith.addf %get3A_1, %add3A_2 : vector<2000x1xf32>
    %sqrt3A = math.sqrt %add3A_3 : vector<2000x1xf32>
    %iota3A = tpu.iota {dimensions = array<i32: 1>} : vector<2000x128xi32>
    %convert_element_type3A = arith.sitofp %iota3A : vector<2000x128xi32> to vector<2000x128xf32>
    %mul3A = arith.constant 0.0944881886 : f32
    %mul3A_4 = vector.broadcast %mul3A : f32 to vector<2000x128xf32>
    %mul3A_5 = arith.mulf %convert_element_type3A, %mul3A_4 : vector<2000x128xf32>
    %sub3A = vector.broadcast %sqrt3A : vector<2000x1xf32> to vector<2000x128xf32>
    %sub3A_6 = arith.subf %sub3A, %mul3A_5 : vector<2000x128xf32>
    %integer_pow3A = arith.mulf %sub3A_6, %sub3A_6 : vector<2000x128xf32>
    %mul3A_7 = arith.constant -14.0008678 : f32
    %mul3A_8 = vector.broadcast %mul3A_7 : f32 to vector<2000x128xf32>
    %mul3A_9 = arith.mulf %mul3A_8, %integer_pow3A : vector<2000x128xf32>
    %exp3A = math.exp %mul3A_9 : vector<2000x128xf32>
    %get3A_10 = arith.constant 0 : index
    %get3A_11 = arith.constant 0 : index
    %get3A_12 = arith.constant 0 : index
    %get3A_13 = vector.load %arg2[%get3A_10, %get3A_11, %get3A_12] : memref<1x128x128xf32, #tpu.memory_space<vmem>>, vector<1x128x128xf32>
    %get3A_14 = vector.shape_cast %get3A_13 : vector<1x128x128xf32> to vector<128x128xf32>
    %dot_general3A = arith.constant dense<0.000000e+00> : vector<2000x128xf32>
    %dot_general3A_15 = tpu.matmul %exp3A, %get3A_14, %dot_general3A {dimension_numbers = #tpu.dot_dimension_numbers<[1], [0], [0], [1], [0, 0, 1, 1], [], []>, transpose_lhs_hint = false} : vector<2000x128xf32>, vector<128x128xf32>, vector<2000x128xf32> -> vector<2000x128xf32>
    %get3A_16 = arith.constant 0 : index
    %get3A_17 = arith.constant 0 : index
    %get3A_18 = vector.load %arg3[%get3A_16, %get3A_17] : memref<1x128xf32, #tpu.memory_space<vmem>>, vector<1x128xf32>
    %get3A_19 = vector.shape_cast %get3A_18 : vector<1x128xf32> to vector<128xf32>
    %broadcast_in_dim3A = vector.shape_cast %get3A_19 : vector<128xf32> to vector<1x128xf32>
    %add3A_20 = vector.broadcast %broadcast_in_dim3A : vector<1x128xf32> to vector<2000x128xf32>
    %add3A_21 = arith.addf %dot_general3A_15, %add3A_20 : vector<2000x128xf32>
    %neg3A = arith.constant 0.000000e+00 : f32
    %neg3A_22 = vector.broadcast %neg3A : f32 to vector<2000x128xf32>
    %neg3A_23 = arith.subf %neg3A_22, %add3A_21 : vector<2000x128xf32>
    %exp3A_24 = math.exp %neg3A_23 : vector<2000x128xf32>
    %add3A_25 = arith.constant 1.000000e+00 : f32
    %add3A_26 = vector.broadcast %add3A_25 : f32 to vector<2000x128xf32>
    %add3A_27 = arith.addf %add3A_26, %exp3A_24 : vector<2000x128xf32>
    %div3A = arith.constant 1.000000e+00 : f32
    %div3A_28 = vector.broadcast %div3A : f32 to vector<2000x128xf32>
    %div3A_29 = arith.divf %div3A_28, %add3A_27 : vector<2000x128xf32>
    %mul3A_30 = arith.mulf %add3A_21, %div3A_29 : vector<2000x128xf32>
    %get3A_31 = arith.constant 0 : index
    %get3A_32 = arith.constant 0 : index
    %get3A_33 = arith.constant 0 : index
    %get3A_34 = vector.load %arg4[%get3A_31, %get3A_32, %get3A_33] : memref<1x128x128xf32, #tpu.memory_space<vmem>>, vector<1x128x128xf32>
    %get3A_35 = vector.shape_cast %get3A_34 : vector<1x128x128xf32> to vector<128x128xf32>
    %dot_general3A_36 = arith.constant dense<0.000000e+00> : vector<2000x128xf32>
    %dot_general3A_37 = tpu.matmul %mul3A_30, %get3A_35, %dot_general3A_36 {dimension_numbers = #tpu.dot_dimension_numbers<[1], [0], [0], [1], [0, 0, 1, 1], [], []>, transpose_lhs_hint = false} : vector<2000x128xf32>, vector<128x128xf32>, vector<2000x128xf32> -> vector<2000x128xf32>
    %get3A_38 = arith.constant 0 : index
    %get3A_39 = arith.constant 0 : index
    %get3A_40 = vector.load %arg5[%get3A_38, %get3A_39] : memref<1x128xf32, #tpu.memory_space<vmem>>, vector<1x128xf32>
    %get3A_41 = vector.shape_cast %get3A_40 : vector<1x128xf32> to vector<128xf32>
    %broadcast_in_dim3A_42 = vector.shape_cast %get3A_41 : vector<128xf32> to vector<1x128xf32>
    %add3A_43 = vector.broadcast %broadcast_in_dim3A_42 : vector<1x128xf32> to vector<2000x128xf32>
    %add3A_44 = arith.addf %dot_general3A_37, %add3A_43 : vector<2000x128xf32>
    %swap3A = arith.constant 0 : index
    %swap3A_45 = arith.constant 0 : index
    %swap3A_46 = vector.load %arg6[%swap3A, %swap3A_45] : memref<2000x128xf32, #tpu.memory_space<vmem>>, vector<2000x128xf32>
    tpu.vector_store %arg6[%swap3A, %swap3A_45], %add3A_44 {strides = array<i32>} : memref<2000x128xf32, #tpu.memory_space<vmem>>, vector<2000x128xf32>,
    return
  }
  func.func @transform_0(%arg0: i32) -> (i32, i32) {
    %c0_i32 = arith.constant 0 : i32
    %c0_i32_0 = arith.constant 0 : i32
    return %arg0, %c0_i32 : i32, i32
  }
  func.func @transform_1(%arg0: i32) -> (i32, i32, i32) {
    %c0_i32 = arith.constant 0 : i32
    %c0_i32_0 = arith.constant 0 : i32
    %c0_i32_1 = arith.constant 0 : i32
    %c0_i32_2 = arith.constant 0 : i32
    return %c0_i32, %c0_i32_0, %c0_i32_1 : i32, i32, i32
  }
  func.func @transform_2(%arg0: i32) -> (i32, i32) {
    %c0_i32 = arith.constant 0 : i32
    %c0_i32_0 = arith.constant 0 : i32
    %c0_i32_1 = arith.constant 0 : i32
    return %c0_i32, %c0_i32_0 : i32, i32
  }
  func.func @transform_3(%arg0: i32) -> (i32, i32, i32) {
    %c0_i32 = arith.constant 0 : i32
    %c0_i32_0 = arith.constant 0 : i32
    %c0_i32_1 = arith.constant 0 : i32
    %c0_i32_2 = arith.constant 0 : i32
    return %c0_i32, %c0_i32_0, %c0_i32_1 : i32, i32, i32
  }
  func.func @transform_4(%arg0: i32) -> (i32, i32) {
    %c0_i32 = arith.constant 0 : i32
    %c0_i32_0 = arith.constant 0 : i32
    %c0_i32_1 = arith.constant 0 : i32
    return %c0_i32, %c0_i32_0 : i32, i32
  }
  func.func @transform_5(%arg0: i32) -> (i32, i32) {
    %c0_i32 = arith.constant 0 : i32
    %c0_i32_0 = arith.constant 0 : i32
    return %arg0, %c0_i32 : i32, i32
  }
}

module attributes {stable_mosaic.version = 14 : i64} {
  func.func @_edge_mlp_body(%arg0: i32, %arg1: memref<2000x1xf32, #tpu.memory_space<vmem>>, %arg2: memref<4x128x128xf32, #tpu.memory_space<vmem>>, %arg3: memref<4x128xf32, #tpu.memory_space<vmem>>, %arg4: memref<4x128x128xf32, #tpu.memory_space<vmem>>, %arg5: memref<4x128xf32, #tpu.memory_space<vmem>>, %arg6: memref<2000x128xf32, #tpu.memory_space<vmem>>, %arg7: memref<2000x128xf32, #tpu.memory_space<vmem>>, %arg8: memref<2000x128xf32, #tpu.memory_space<vmem>>, %arg9: memref<2000x128xf32, #tpu.memory_space<vmem>>) attributes {dimension_semantics = [#tpu.dimension_semantics<arbitrary>], iteration_bounds = array<i64: 80>, scalar_prefetch = 0 : i64, scratch_operands = 0 : i64, tpu.core_type = #tpu.core_type<tc>, window_params = [{transform_indices = @transform_0, window_bounds = array<i64: 2000, 1>}, {pipeline_mode = #tpu.pipeline_mode<synchronous>, transform_indices = @transform_1, window_bounds = array<i64: 4, 128, 128>}, {pipeline_mode = #tpu.pipeline_mode<synchronous>, transform_indices = @transform_2, window_bounds = array<i64: 4, 128>}, {pipeline_mode = #tpu.pipeline_mode<synchronous>, transform_indices = @transform_3, window_bounds = array<i64: 4, 128, 128>}, {pipeline_mode = #tpu.pipeline_mode<synchronous>, transform_indices = @transform_4, window_bounds = array<i64: 4, 128>}, {transform_indices = @transform_5, window_bounds = array<i64: 2000, 128>}, {transform_indices = @transform_6, window_bounds = array<i64: 2000, 128>}, {transform_indices = @transform_7, window_bounds = array<i64: 2000, 128>}, {transform_indices = @transform_8, window_bounds = array<i64: 2000, 128>}]} {
    %get3A = arith.constant 0 : index
    %get3A_0 = arith.constant 0 : index
    %get3A_1 = vector.load %arg1[%get3A, %get3A_0] : memref<2000x1xf32, #tpu.memory_space<vmem>>, vector<2000x1xf32>
    %add3A = arith.constant 9.99999996E-13 : f32
    %add3A_2 = vector.broadcast %add3A : f32 to vector<2000x1xf32>
    %add3A_3 = arith.addf %get3A_1, %add3A_2 : vector<2000x1xf32>
    %sqrt3A = math.sqrt %add3A_3 : vector<2000x1xf32>
    %iota3A = tpu.iota {dimensions = array<i32: 1>} : vector<2000x128xi32>
    %convert_element_type3A = arith.sitofp %iota3A : vector<2000x128xi32> to vector<2000x128xf32>
    %mul3A = arith.constant 0.0944881886 : f32
    %mul3A_4 = vector.broadcast %mul3A : f32 to vector<2000x128xf32>
    %mul3A_5 = arith.mulf %convert_element_type3A, %mul3A_4 : vector<2000x128xf32>
    %sub3A = vector.broadcast %sqrt3A : vector<2000x1xf32> to vector<2000x128xf32>
    %sub3A_6 = arith.subf %sub3A, %mul3A_5 : vector<2000x128xf32>
    %integer_pow3A = arith.mulf %sub3A_6, %sub3A_6 : vector<2000x128xf32>
    %mul3A_7 = arith.constant -14.0008678 : f32
    %mul3A_8 = vector.broadcast %mul3A_7 : f32 to vector<2000x128xf32>
    %mul3A_9 = arith.mulf %mul3A_8, %integer_pow3A : vector<2000x128xf32>
    %exp3A = math.exp %mul3A_9 : vector<2000x128xf32>
    %get3A_10 = arith.constant 0 : index
    %get3A_11 = arith.constant 0 : index
    %get3A_12 = arith.constant 0 : index
    %get3A_13 = vector.load %arg2[%get3A_10, %get3A_11, %get3A_12] : memref<4x128x128xf32, #tpu.memory_space<vmem>>, vector<1x128x128xf32>
    %get3A_14 = vector.shape_cast %get3A_13 : vector<1x128x128xf32> to vector<128x128xf32>
    %dot_general3A = arith.constant dense<0.000000e+00> : vector<2000x128xf32>
    %dot_general3A_15 = tpu.matmul %exp3A, %get3A_14, %dot_general3A {dimension_numbers = #tpu.dot_dimension_numbers<[1], [0], [0], [1], [0, 0, 1, 1], [], []>, transpose_lhs_hint = false} : vector<2000x128xf32>, vector<128x128xf32>, vector<2000x128xf32> -> vector<2000x128xf32>
    %get3A_16 = arith.constant 0 : index
    %get3A_17 = arith.constant 0 : index
    %get3A_18 = vector.load %arg3[%get3A_16, %get3A_17] : memref<4x128xf32, #tpu.memory_space<vmem>>, vector<1x128xf32>
    %get3A_19 = vector.shape_cast %get3A_18 : vector<1x128xf32> to vector<128xf32>
    %broadcast_in_dim3A = vector.shape_cast %get3A_19 : vector<128xf32> to vector<1x128xf32>
    %add3A_20 = vector.broadcast %broadcast_in_dim3A : vector<1x128xf32> to vector<2000x128xf32>
    %add3A_21 = arith.addf %dot_general3A_15, %add3A_20 : vector<2000x128xf32>
    %neg3A = arith.constant 0.000000e+00 : f32
    %neg3A_22 = vector.broadcast %neg3A : f32 to vector<2000x128xf32>
    %neg3A_23 = arith.subf %neg3A_22, %add3A_21 : vector<2000x128xf32>
    %exp3A_24 = math.exp %neg3A_23 : vector<2000x128xf32>
    %add3A_25 = arith.constant 1.000000e+00 : f32
    %add3A_26 = vector.broadcast %add3A_25 : f32 to vector<2000x128xf32>
    %add3A_27 = arith.addf %add3A_26, %exp3A_24 : vector<2000x128xf32>
    %div3A = arith.constant 1.000000e+00 : f32
    %div3A_28 = vector.broadcast %div3A : f32 to vector<2000x128xf32>
    %div3A_29 = arith.divf %div3A_28, %add3A_27 : vector<2000x128xf32>
    %mul3A_30 = arith.mulf %add3A_21, %div3A_29 : vector<2000x128xf32>
    %get3A_31 = arith.constant 0 : index
    %get3A_32 = arith.constant 0 : index
    %get3A_33 = arith.constant 0 : index
    %get3A_34 = vector.load %arg4[%get3A_31, %get3A_32, %get3A_33] : memref<4x128x128xf32, #tpu.memory_space<vmem>>, vector<1x128x128xf32>
    %get3A_35 = vector.shape_cast %get3A_34 : vector<1x128x128xf32> to vector<128x128xf32>
    %dot_general3A_36 = arith.constant dense<0.000000e+00> : vector<2000x128xf32>
    %dot_general3A_37 = tpu.matmul %mul3A_30, %get3A_35, %dot_general3A_36 {dimension_numbers = #tpu.dot_dimension_numbers<[1], [0], [0], [1], [0, 0, 1, 1], [], []>, transpose_lhs_hint = false} : vector<2000x128xf32>, vector<128x128xf32>, vector<2000x128xf32> -> vector<2000x128xf32>
    %get3A_38 = arith.constant 0 : index
    %get3A_39 = arith.constant 0 : index
    %get3A_40 = vector.load %arg5[%get3A_38, %get3A_39] : memref<4x128xf32, #tpu.memory_space<vmem>>, vector<1x128xf32>
    %get3A_41 = vector.shape_cast %get3A_40 : vector<1x128xf32> to vector<128xf32>
    %broadcast_in_dim3A_42 = vector.shape_cast %get3A_41 : vector<128xf32> to vector<1x128xf32>
    %add3A_43 = vector.broadcast %broadcast_in_dim3A_42 : vector<1x128xf32> to vector<2000x128xf32>
    %add3A_44 = arith.addf %dot_general3A_37, %add3A_43 : vector<2000x128xf32>
    %swap3A = arith.constant 0 : index
    %swap3A_45 = arith.constant 0 : index
    %swap3A_46 = vector.load %arg6[%swap3A, %swap3A_45] : memref<2000x128xf32, #tpu.memory_space<vmem>>, vector<2000x128xf32>
    tpu.vector_store %arg6[%swap3A, %swap3A_45], %add3A_44 {strides = array<i32>} : memref<2000x128xf32, #tpu.memory_space<vmem>>, vector<2000x128xf32>,
    %get3A_47 = arith.constant 1 : index
    %get3A_48 = arith.constant 0 : index
    %get3A_49 = arith.constant 0 : index
    %get3A_50 = vector.load %arg2[%get3A_47, %get3A_48, %get3A_49] : memref<4x128x128xf32, #tpu.memory_space<vmem>>, vector<1x128x128xf32>
    %get3A_51 = vector.shape_cast %get3A_50 : vector<1x128x128xf32> to vector<128x128xf32>
    %dot_general3A_52 = arith.constant dense<0.000000e+00> : vector<2000x128xf32>
    %dot_general3A_53 = tpu.matmul %exp3A, %get3A_51, %dot_general3A_52 {dimension_numbers = #tpu.dot_dimension_numbers<[1], [0], [0], [1], [0, 0, 1, 1], [], []>, transpose_lhs_hint = false} : vector<2000x128xf32>, vector<128x128xf32>, vector<2000x128xf32> -> vector<2000x128xf32>
    %get3A_54 = arith.constant 1 : index
    %get3A_55 = arith.constant 0 : index
    %get3A_56 = vector.load %arg3[%get3A_54, %get3A_55] : memref<4x128xf32, #tpu.memory_space<vmem>>, vector<1x128xf32>
    %get3A_57 = vector.shape_cast %get3A_56 : vector<1x128xf32> to vector<128xf32>
    %broadcast_in_dim3A_58 = vector.shape_cast %get3A_57 : vector<128xf32> to vector<1x128xf32>
    %add3A_59 = vector.broadcast %broadcast_in_dim3A_58 : vector<1x128xf32> to vector<2000x128xf32>
    %add3A_60 = arith.addf %dot_general3A_53, %add3A_59 : vector<2000x128xf32>
    %neg3A_61 = arith.constant 0.000000e+00 : f32
    %neg3A_62 = vector.broadcast %neg3A_61 : f32 to vector<2000x128xf32>
    %neg3A_63 = arith.subf %neg3A_62, %add3A_60 : vector<2000x128xf32>
    %exp3A_64 = math.exp %neg3A_63 : vector<2000x128xf32>
    %add3A_65 = arith.constant 1.000000e+00 : f32
    %add3A_66 = vector.broadcast %add3A_65 : f32 to vector<2000x128xf32>
    %add3A_67 = arith.addf %add3A_66, %exp3A_64 : vector<2000x128xf32>
    %div3A_68 = arith.constant 1.000000e+00 : f32
    %div3A_69 = vector.broadcast %div3A_68 : f32 to vector<2000x128xf32>
    %div3A_70 = arith.divf %div3A_69, %add3A_67 : vector<2000x128xf32>
    %mul3A_71 = arith.mulf %add3A_60, %div3A_70 : vector<2000x128xf32>
    %get3A_72 = arith.constant 1 : index
    %get3A_73 = arith.constant 0 : index
    %get3A_74 = arith.constant 0 : index
    %get3A_75 = vector.load %arg4[%get3A_72, %get3A_73, %get3A_74] : memref<4x128x128xf32, #tpu.memory_space<vmem>>, vector<1x128x128xf32>
    %get3A_76 = vector.shape_cast %get3A_75 : vector<1x128x128xf32> to vector<128x128xf32>
    %dot_general3A_77 = arith.constant dense<0.000000e+00> : vector<2000x128xf32>
    %dot_general3A_78 = tpu.matmul %mul3A_71, %get3A_76, %dot_general3A_77 {dimension_numbers = #tpu.dot_dimension_numbers<[1], [0], [0], [1], [0, 0, 1, 1], [], []>, transpose_lhs_hint = false} : vector<2000x128xf32>, vector<128x128xf32>, vector<2000x128xf32> -> vector<2000x128xf32>
    %get3A_79 = arith.constant 1 : index
    %get3A_80 = arith.constant 0 : index
    %get3A_81 = vector.load %arg5[%get3A_79, %get3A_80] : memref<4x128xf32, #tpu.memory_space<vmem>>, vector<1x128xf32>
    %get3A_82 = vector.shape_cast %get3A_81 : vector<1x128xf32> to vector<128xf32>
    %broadcast_in_dim3A_83 = vector.shape_cast %get3A_82 : vector<128xf32> to vector<1x128xf32>
    %add3A_84 = vector.broadcast %broadcast_in_dim3A_83 : vector<1x128xf32> to vector<2000x128xf32>
    %add3A_85 = arith.addf %dot_general3A_78, %add3A_84 : vector<2000x128xf32>
    %swap3A_86 = arith.constant 0 : index
    %swap3A_87 = arith.constant 0 : index
    %swap3A_88 = vector.load %arg7[%swap3A_86, %swap3A_87] : memref<2000x128xf32, #tpu.memory_space<vmem>>, vector<2000x128xf32>
    tpu.vector_store %arg7[%swap3A_86, %swap3A_87], %add3A_85 {strides = array<i32>} : memref<2000x128xf32, #tpu.memory_space<vmem>>, vector<2000x128xf32>,
    %get3A_89 = arith.constant 2 : index
    %get3A_90 = arith.constant 0 : index
    %get3A_91 = arith.constant 0 : index
    %get3A_92 = vector.load %arg2[%get3A_89, %get3A_90, %get3A_91] : memref<4x128x128xf32, #tpu.memory_space<vmem>>, vector<1x128x128xf32>
    %get3A_93 = vector.shape_cast %get3A_92 : vector<1x128x128xf32> to vector<128x128xf32>
    %dot_general3A_94 = arith.constant dense<0.000000e+00> : vector<2000x128xf32>
    %dot_general3A_95 = tpu.matmul %exp3A, %get3A_93, %dot_general3A_94 {dimension_numbers = #tpu.dot_dimension_numbers<[1], [0], [0], [1], [0, 0, 1, 1], [], []>, transpose_lhs_hint = false} : vector<2000x128xf32>, vector<128x128xf32>, vector<2000x128xf32> -> vector<2000x128xf32>
    %get3A_96 = arith.constant 2 : index
    %get3A_97 = arith.constant 0 : index
    %get3A_98 = vector.load %arg3[%get3A_96, %get3A_97] : memref<4x128xf32, #tpu.memory_space<vmem>>, vector<1x128xf32>
    %get3A_99 = vector.shape_cast %get3A_98 : vector<1x128xf32> to vector<128xf32>
    %broadcast_in_dim3A_100 = vector.shape_cast %get3A_99 : vector<128xf32> to vector<1x128xf32>
    %add3A_101 = vector.broadcast %broadcast_in_dim3A_100 : vector<1x128xf32> to vector<2000x128xf32>
    %add3A_102 = arith.addf %dot_general3A_95, %add3A_101 : vector<2000x128xf32>
    %neg3A_103 = arith.constant 0.000000e+00 : f32
    %neg3A_104 = vector.broadcast %neg3A_103 : f32 to vector<2000x128xf32>
    %neg3A_105 = arith.subf %neg3A_104, %add3A_102 : vector<2000x128xf32>
    %exp3A_106 = math.exp %neg3A_105 : vector<2000x128xf32>
    %add3A_107 = arith.constant 1.000000e+00 : f32
    %add3A_108 = vector.broadcast %add3A_107 : f32 to vector<2000x128xf32>
    %add3A_109 = arith.addf %add3A_108, %exp3A_106 : vector<2000x128xf32>
    %div3A_110 = arith.constant 1.000000e+00 : f32
    %div3A_111 = vector.broadcast %div3A_110 : f32 to vector<2000x128xf32>
    %div3A_112 = arith.divf %div3A_111, %add3A_109 : vector<2000x128xf32>
    %mul3A_113 = arith.mulf %add3A_102, %div3A_112 : vector<2000x128xf32>
    %get3A_114 = arith.constant 2 : index
    %get3A_115 = arith.constant 0 : index
    %get3A_116 = arith.constant 0 : index
    %get3A_117 = vector.load %arg4[%get3A_114, %get3A_115, %get3A_116] : memref<4x128x128xf32, #tpu.memory_space<vmem>>, vector<1x128x128xf32>
    %get3A_118 = vector.shape_cast %get3A_117 : vector<1x128x128xf32> to vector<128x128xf32>
    %dot_general3A_119 = arith.constant dense<0.000000e+00> : vector<2000x128xf32>
    %dot_general3A_120 = tpu.matmul %mul3A_113, %get3A_118, %dot_general3A_119 {dimension_numbers = #tpu.dot_dimension_numbers<[1], [0], [0], [1], [0, 0, 1, 1], [], []>, transpose_lhs_hint = false} : vector<2000x128xf32>, vector<128x128xf32>, vector<2000x128xf32> -> vector<2000x128xf32>
    %get3A_121 = arith.constant 2 : index
    %get3A_122 = arith.constant 0 : index
    %get3A_123 = vector.load %arg5[%get3A_121, %get3A_122] : memref<4x128xf32, #tpu.memory_space<vmem>>, vector<1x128xf32>
    %get3A_124 = vector.shape_cast %get3A_123 : vector<1x128xf32> to vector<128xf32>
    %broadcast_in_dim3A_125 = vector.shape_cast %get3A_124 : vector<128xf32> to vector<1x128xf32>
    %add3A_126 = vector.broadcast %broadcast_in_dim3A_125 : vector<1x128xf32> to vector<2000x128xf32>
    %add3A_127 = arith.addf %dot_general3A_120, %add3A_126 : vector<2000x128xf32>
    %swap3A_128 = arith.constant 0 : index
    %swap3A_129 = arith.constant 0 : index
    %swap3A_130 = vector.load %arg8[%swap3A_128, %swap3A_129] : memref<2000x128xf32, #tpu.memory_space<vmem>>, vector<2000x128xf32>
    tpu.vector_store %arg8[%swap3A_128, %swap3A_129], %add3A_127 {strides = array<i32>} : memref<2000x128xf32, #tpu.memory_space<vmem>>, vector<2000x128xf32>,
    %get3A_131 = arith.constant 3 : index
    %get3A_132 = arith.constant 0 : index
    %get3A_133 = arith.constant 0 : index
    %get3A_134 = vector.load %arg2[%get3A_131, %get3A_132, %get3A_133] : memref<4x128x128xf32, #tpu.memory_space<vmem>>, vector<1x128x128xf32>
    %get3A_135 = vector.shape_cast %get3A_134 : vector<1x128x128xf32> to vector<128x128xf32>
    %dot_general3A_136 = arith.constant dense<0.000000e+00> : vector<2000x128xf32>
    %dot_general3A_137 = tpu.matmul %exp3A, %get3A_135, %dot_general3A_136 {dimension_numbers = #tpu.dot_dimension_numbers<[1], [0], [0], [1], [0, 0, 1, 1], [], []>, transpose_lhs_hint = false} : vector<2000x128xf32>, vector<128x128xf32>, vector<2000x128xf32> -> vector<2000x128xf32>
    %get3A_138 = arith.constant 3 : index
    %get3A_139 = arith.constant 0 : index
    %get3A_140 = vector.load %arg3[%get3A_138, %get3A_139] : memref<4x128xf32, #tpu.memory_space<vmem>>, vector<1x128xf32>
    %get3A_141 = vector.shape_cast %get3A_140 : vector<1x128xf32> to vector<128xf32>
    %broadcast_in_dim3A_142 = vector.shape_cast %get3A_141 : vector<128xf32> to vector<1x128xf32>
    %add3A_143 = vector.broadcast %broadcast_in_dim3A_142 : vector<1x128xf32> to vector<2000x128xf32>
    %add3A_144 = arith.addf %dot_general3A_137, %add3A_143 : vector<2000x128xf32>
    %neg3A_145 = arith.constant 0.000000e+00 : f32
    %neg3A_146 = vector.broadcast %neg3A_145 : f32 to vector<2000x128xf32>
    %neg3A_147 = arith.subf %neg3A_146, %add3A_144 : vector<2000x128xf32>
    %exp3A_148 = math.exp %neg3A_147 : vector<2000x128xf32>
    %add3A_149 = arith.constant 1.000000e+00 : f32
    %add3A_150 = vector.broadcast %add3A_149 : f32 to vector<2000x128xf32>
    %add3A_151 = arith.addf %add3A_150, %exp3A_148 : vector<2000x128xf32>
    %div3A_152 = arith.constant 1.000000e+00 : f32
    %div3A_153 = vector.broadcast %div3A_152 : f32 to vector<2000x128xf32>
    %div3A_154 = arith.divf %div3A_153, %add3A_151 : vector<2000x128xf32>
    %mul3A_155 = arith.mulf %add3A_144, %div3A_154 : vector<2000x128xf32>
    %get3A_156 = arith.constant 3 : index
    %get3A_157 = arith.constant 0 : index
    %get3A_158 = arith.constant 0 : index
    %get3A_159 = vector.load %arg4[%get3A_156, %get3A_157, %get3A_158] : memref<4x128x128xf32, #tpu.memory_space<vmem>>, vector<1x128x128xf32>
    %get3A_160 = vector.shape_cast %get3A_159 : vector<1x128x128xf32> to vector<128x128xf32>
    %dot_general3A_161 = arith.constant dense<0.000000e+00> : vector<2000x128xf32>
    %dot_general3A_162 = tpu.matmul %mul3A_155, %get3A_160, %dot_general3A_161 {dimension_numbers = #tpu.dot_dimension_numbers<[1], [0], [0], [1], [0, 0, 1, 1], [], []>, transpose_lhs_hint = false} : vector<2000x128xf32>, vector<128x128xf32>, vector<2000x128xf32> -> vector<2000x128xf32>
    %get3A_163 = arith.constant 3 : index
    %get3A_164 = arith.constant 0 : index
    %get3A_165 = vector.load %arg5[%get3A_163, %get3A_164] : memref<4x128xf32, #tpu.memory_space<vmem>>, vector<1x128xf32>
    %get3A_166 = vector.shape_cast %get3A_165 : vector<1x128xf32> to vector<128xf32>
    %broadcast_in_dim3A_167 = vector.shape_cast %get3A_166 : vector<128xf32> to vector<1x128xf32>
    %add3A_168 = vector.broadcast %broadcast_in_dim3A_167 : vector<1x128xf32> to vector<2000x128xf32>
    %add3A_169 = arith.addf %dot_general3A_162, %add3A_168 : vector<2000x128xf32>
    %swap3A_170 = arith.constant 0 : index
    %swap3A_171 = arith.constant 0 : index
    %swap3A_172 = vector.load %arg9[%swap3A_170, %swap3A_171] : memref<2000x128xf32, #tpu.memory_space<vmem>>, vector<2000x128xf32>
    tpu.vector_store %arg9[%swap3A_170, %swap3A_171], %add3A_169 {strides = array<i32>} : memref<2000x128xf32, #tpu.memory_space<vmem>>, vector<2000x128xf32>,
    return
  }
  func.func @transform_0(%arg0: i32) -> (i32, i32) {
    %c0_i32 = arith.constant 0 : i32
    %c0_i32_0 = arith.constant 0 : i32
    return %arg0, %c0_i32 : i32, i32
  }
  func.func @transform_1(%arg0: i32) -> (i32, i32, i32) {
    %c0_i32 = arith.constant 0 : i32
    %c0_i32_0 = arith.constant 0 : i32
    %c0_i32_1 = arith.constant 0 : i32
    %c0_i32_2 = arith.constant 0 : i32
    return %c0_i32, %c0_i32_0, %c0_i32_1 : i32, i32, i32
  }
  func.func @transform_2(%arg0: i32) -> (i32, i32) {
    %c0_i32 = arith.constant 0 : i32
    %c0_i32_0 = arith.constant 0 : i32
    %c0_i32_1 = arith.constant 0 : i32
    return %c0_i32, %c0_i32_0 : i32, i32
  }
  func.func @transform_3(%arg0: i32) -> (i32, i32, i32) {
    %c0_i32 = arith.constant 0 : i32
    %c0_i32_0 = arith.constant 0 : i32
    %c0_i32_1 = arith.constant 0 : i32
    %c0_i32_2 = arith.constant 0 : i32
    return %c0_i32, %c0_i32_0, %c0_i32_1 : i32, i32, i32
  }
  func.func @transform_4(%arg0: i32) -> (i32, i32) {
    %c0_i32 = arith.constant 0 : i32
    %c0_i32_0 = arith.constant 0 : i32
    %c0_i32_1 = arith.constant 0 : i32
    return %c0_i32, %c0_i32_0 : i32, i32
  }
  func.func @transform_5(%arg0: i32) -> (i32, i32) {
    %c0_i32 = arith.constant 0 : i32
    %c0_i32_0 = arith.constant 0 : i32
    return %arg0, %c0_i32 : i32, i32
  }
  func.func @transform_6(%arg0: i32) -> (i32, i32) {
    %c0_i32 = arith.constant 0 : i32
    %c0_i32_0 = arith.constant 0 : i32
    return %arg0, %c0_i32 : i32, i32
  }
  func.func @transform_7(%arg0: i32) -> (i32, i32) {
    %c0_i32 = arith.constant 0 : i32
    %c0_i32_0 = arith.constant 0 : i32
    return %arg0, %c0_i32 : i32, i32
  }
  func.func @transform_8(%arg0: i32) -> (i32, i32) {
    %c0_i32 = arith.constant 0 : i32
    %c0_i32_0 = arith.constant 0 : i32
    return %arg0, %c0_i32 : i32, i32
  }
}

module attributes {stable_mosaic.version = 14 : i64} {
  func.func @_node_init_body(%arg0: i32, %arg1: memref<1000x1xi32, #tpu.memory_space<vmem>>, %arg2: memref<128x128xf32, #tpu.memory_space<vmem>>, %arg3: memref<2x1000x128xf32, #tpu.memory_space<vmem>>, %arg4: memref<1000x128xf32, #tpu.memory_space<vmem>>) attributes {dimension_semantics = [#tpu.dimension_semantics<arbitrary>], iteration_bounds = array<i64: 10>, scalar_prefetch = 0 : i64, scratch_operands = 0 : i64, tpu.core_type = #tpu.core_type<tc>, window_params = [{transform_indices = @transform_0, window_bounds = array<i64: 1000, 1>}, {pipeline_mode = #tpu.pipeline_mode<synchronous>, transform_indices = @transform_1, window_bounds = array<i64: 128, 128>}, {transform_indices = @transform_2, window_bounds = array<i64: 2, 1000, 128>}, {transform_indices = @transform_3, window_bounds = array<i64: 1000, 128>}]} {
    %get3A = arith.constant 0 : index
    %get3A_0 = arith.constant 0 : index
    %get3A_1 = vector.load %arg1[%get3A, %get3A_0] : memref<1000x1xi32, #tpu.memory_space<vmem>>, vector<1000x1xi32>
    %iota3A = tpu.iota {dimensions = array<i32: 1>} : vector<1000x128xi32>
    %eq3A = vector.broadcast %get3A_1 : vector<1000x1xi32> to vector<1000x128xi32>
    %eq3A_2 = arith.cmpi eq, %eq3A, %iota3A : vector<1000x128xi32>
    %convert_element_type3A = arith.extui %eq3A_2 : vector<1000x128xi1> to vector<1000x128xi32>
    %convert_element_type3A_3 = arith.sitofp %convert_element_type3A : vector<1000x128xi32> to vector<1000x128xf32>
    %get3A_4 = arith.constant 0 : index
    %get3A_5 = arith.constant 0 : index
    %get3A_6 = vector.load %arg2[%get3A_4, %get3A_5] : memref<128x128xf32, #tpu.memory_space<vmem>>, vector<128x128xf32>
    %dot_general3A = arith.constant dense<0.000000e+00> : vector<1000x128xf32>
    %dot_general3A_7 = tpu.matmul %convert_element_type3A_3, %get3A_6, %dot_general3A {dimension_numbers = #tpu.dot_dimension_numbers<[1], [0], [0], [1], [0, 0, 1, 1], [], []>, transpose_lhs_hint = false} : vector<1000x128xf32>, vector<128x128xf32>, vector<1000x128xf32> -> vector<1000x128xf32>
    %get3A_8 = arith.constant 0 : index
    %get3A_9 = arith.constant 0 : index
    %get3A_10 = arith.constant 0 : index
    %get3A_11 = vector.load %arg3[%get3A_8, %get3A_9, %get3A_10] : memref<2x1000x128xf32, #tpu.memory_space<vmem>>, vector<1x1000x128xf32>
    %get3A_12 = vector.shape_cast %get3A_11 : vector<1x1000x128xf32> to vector<1000x128xf32>
    %get3A_13 = arith.constant 1 : index
    %get3A_14 = arith.constant 0 : index
    %get3A_15 = arith.constant 0 : index
    %get3A_16 = vector.load %arg3[%get3A_13, %get3A_14, %get3A_15] : memref<2x1000x128xf32, #tpu.memory_space<vmem>>, vector<1x1000x128xf32>
    %get3A_17 = vector.shape_cast %get3A_16 : vector<1x1000x128xf32> to vector<1000x128xf32>
    %add3A = arith.addf %get3A_12, %get3A_17 : vector<1000x128xf32>
    %mul3A = arith.constant 0.0427437387 : f32
    %mul3A_18 = vector.broadcast %mul3A : f32 to vector<1000x128xf32>
    %mul3A_19 = arith.mulf %add3A, %mul3A_18 : vector<1000x128xf32>
    %add3A_20 = arith.addf %dot_general3A_7, %mul3A_19 : vector<1000x128xf32>
    %swap3A = arith.constant 0 : index
    %swap3A_21 = arith.constant 0 : index
    %swap3A_22 = vector.load %arg4[%swap3A, %swap3A_21] : memref<1000x128xf32, #tpu.memory_space<vmem>>, vector<1000x128xf32>
    tpu.vector_store %arg4[%swap3A, %swap3A_21], %add3A_20 {strides = array<i32>} : memref<1000x128xf32, #tpu.memory_space<vmem>>, vector<1000x128xf32>,
    return
  }
  func.func @transform_0(%arg0: i32) -> (i32, i32) {
    %c0_i32 = arith.constant 0 : i32
    %c0_i32_0 = arith.constant 0 : i32
    return %arg0, %c0_i32 : i32, i32
  }
  func.func @transform_1(%arg0: i32) -> (i32, i32) {
    %c0_i32 = arith.constant 0 : i32
    %c0_i32_0 = arith.constant 0 : i32
    %c0_i32_1 = arith.constant 0 : i32
    return %c0_i32, %c0_i32_0 : i32, i32
  }
  func.func @transform_2(%arg0: i32) -> (i32, i32, i32) {
    %c0_i32 = arith.constant 0 : i32
    %c0_i32_0 = arith.constant 0 : i32
    %c0_i32_1 = arith.constant 0 : i32
    return %c0_i32, %arg0, %c0_i32_0 : i32, i32, i32
  }
  func.func @transform_3(%arg0: i32) -> (i32, i32) {
    %c0_i32 = arith.constant 0 : i32
    %c0_i32_0 = arith.constant 0 : i32
    return %arg0, %c0_i32 : i32, i32
  }
}

module attributes {stable_mosaic.version = 14 : i64} {
  func.func @_update_body(%arg0: i32, %arg1: memref<1000x128xf32, #tpu.memory_space<vmem>>, %arg2: memref<2x1000x128xf32, #tpu.memory_space<vmem>>, %arg3: memref<128x128xf32, #tpu.memory_space<vmem>>, %arg4: memref<128x128xf32, #tpu.memory_space<vmem>>, %arg5: memref<1x128xf32, #tpu.memory_space<vmem>>, %arg6: memref<128x128xf32, #tpu.memory_space<vmem>>, %arg7: memref<1x128xf32, #tpu.memory_space<vmem>>, %arg8: memref<1000x128xf32, #tpu.memory_space<vmem>>) attributes {dimension_semantics = [#tpu.dimension_semantics<arbitrary>], iteration_bounds = array<i64: 10>, scalar_prefetch = 0 : i64, scratch_operands = 0 : i64, tpu.core_type = #tpu.core_type<tc>, window_params = [{transform_indices = @transform_0, window_bounds = array<i64: 1000, 128>}, {transform_indices = @transform_1, window_bounds = array<i64: 2, 1000, 128>}, {pipeline_mode = #tpu.pipeline_mode<synchronous>, transform_indices = @transform_2, window_bounds = array<i64: 128, 128>}, {pipeline_mode = #tpu.pipeline_mode<synchronous>, transform_indices = @transform_3, window_bounds = array<i64: 128, 128>}, {pipeline_mode = #tpu.pipeline_mode<synchronous>, transform_indices = @transform_4, window_bounds = array<i64: 1, 128>}, {pipeline_mode = #tpu.pipeline_mode<synchronous>, transform_indices = @transform_5, window_bounds = array<i64: 128, 128>}, {pipeline_mode = #tpu.pipeline_mode<synchronous>, transform_indices = @transform_6, window_bounds = array<i64: 1, 128>}, {transform_indices = @transform_7, window_bounds = array<i64: 1000, 128>}]} {
    %get3A = arith.constant 0 : index
    %get3A_0 = arith.constant 0 : index
    %get3A_1 = arith.constant 0 : index
    %get3A_2 = vector.load %arg2[%get3A, %get3A_0, %get3A_1] : memref<2x1000x128xf32, #tpu.memory_space<vmem>>, vector<1x1000x128xf32>
    %get3A_3 = vector.shape_cast %get3A_2 : vector<1x1000x128xf32> to vector<1000x128xf32>
    %get3A_4 = arith.constant 1 : index
    %get3A_5 = arith.constant 0 : index
    %get3A_6 = arith.constant 0 : index
    %get3A_7 = vector.load %arg2[%get3A_4, %get3A_5, %get3A_6] : memref<2x1000x128xf32, #tpu.memory_space<vmem>>, vector<1x1000x128xf32>
    %get3A_8 = vector.shape_cast %get3A_7 : vector<1x1000x128xf32> to vector<1000x128xf32>
    %add3A = arith.addf %get3A_3, %get3A_8 : vector<1000x128xf32>
    %get3A_9 = arith.constant 0 : index
    %get3A_10 = arith.constant 0 : index
    %get3A_11 = vector.load %arg3[%get3A_9, %get3A_10] : memref<128x128xf32, #tpu.memory_space<vmem>>, vector<128x128xf32>
    %dot_general3A = arith.constant dense<0.000000e+00> : vector<1000x128xf32>
    %dot_general3A_12 = tpu.matmul %add3A, %get3A_11, %dot_general3A {dimension_numbers = #tpu.dot_dimension_numbers<[1], [0], [0], [1], [0, 0, 1, 1], [], []>, transpose_lhs_hint = false} : vector<1000x128xf32>, vector<128x128xf32>, vector<1000x128xf32> -> vector<1000x128xf32>
    %get3A_13 = arith.constant 0 : index
    %get3A_14 = arith.constant 0 : index
    %get3A_15 = vector.load %arg1[%get3A_13, %get3A_14] : memref<1000x128xf32, #tpu.memory_space<vmem>>, vector<1000x128xf32>
    %mul3A = arith.constant 0.0427437387 : f32
    %mul3A_16 = vector.broadcast %mul3A : f32 to vector<1000x128xf32>
    %mul3A_17 = arith.mulf %dot_general3A_12, %mul3A_16 : vector<1000x128xf32>
    %add3A_18 = arith.addf %get3A_15, %mul3A_17 : vector<1000x128xf32>
    %get3A_19 = arith.constant 0 : index
    %get3A_20 = arith.constant 0 : index
    %get3A_21 = vector.load %arg4[%get3A_19, %get3A_20] : memref<128x128xf32, #tpu.memory_space<vmem>>, vector<128x128xf32>
    %dot_general3A_22 = arith.constant dense<0.000000e+00> : vector<1000x128xf32>
    %dot_general3A_23 = tpu.matmul %add3A_18, %get3A_21, %dot_general3A_22 {dimension_numbers = #tpu.dot_dimension_numbers<[1], [0], [0], [1], [0, 0, 1, 1], [], []>, transpose_lhs_hint = false} : vector<1000x128xf32>, vector<128x128xf32>, vector<1000x128xf32> -> vector<1000x128xf32>
    %get3A_24 = arith.constant 0 : index
    %get3A_25 = arith.constant 0 : index
    %get3A_26 = vector.load %arg5[%get3A_24, %get3A_25] : memref<1x128xf32, #tpu.memory_space<vmem>>, vector<1x128xf32>
    %add3A_27 = vector.broadcast %get3A_26 : vector<1x128xf32> to vector<1000x128xf32>
    %add3A_28 = arith.addf %dot_general3A_23, %add3A_27 : vector<1000x128xf32>
    %neg3A = arith.constant 0.000000e+00 : f32
    %neg3A_29 = vector.broadcast %neg3A : f32 to vector<1000x128xf32>
    %neg3A_30 = arith.subf %neg3A_29, %add3A_28 : vector<1000x128xf32>
    %exp3A = math.exp %neg3A_30 : vector<1000x128xf32>
    %add3A_31 = arith.constant 1.000000e+00 : f32
    %add3A_32 = vector.broadcast %add3A_31 : f32 to vector<1000x128xf32>
    %add3A_33 = arith.addf %add3A_32, %exp3A : vector<1000x128xf32>
    %div3A = arith.constant 1.000000e+00 : f32
    %div3A_34 = vector.broadcast %div3A : f32 to vector<1000x128xf32>
    %div3A_35 = arith.divf %div3A_34, %add3A_33 : vector<1000x128xf32>
    %mul3A_36 = arith.mulf %add3A_28, %div3A_35 : vector<1000x128xf32>
    %get3A_37 = arith.constant 0 : index
    %get3A_38 = arith.constant 0 : index
    %get3A_39 = vector.load %arg6[%get3A_37, %get3A_38] : memref<128x128xf32, #tpu.memory_space<vmem>>, vector<128x128xf32>
    %dot_general3A_40 = arith.constant dense<0.000000e+00> : vector<1000x128xf32>
    %dot_general3A_41 = tpu.matmul %mul3A_36, %get3A_39, %dot_general3A_40 {dimension_numbers = #tpu.dot_dimension_numbers<[1], [0], [0], [1], [0, 0, 1, 1], [], []>, transpose_lhs_hint = false} : vector<1000x128xf32>, vector<128x128xf32>, vector<1000x128xf32> -> vector<1000x128xf32>
    %add3A_42 = arith.addf %add3A_18, %dot_general3A_41 : vector<1000x128xf32>
    %get3A_43 = arith.constant 0 : index
    %get3A_44 = arith.constant 0 : index
    %get3A_45 = vector.load %arg7[%get3A_43, %get3A_44] : memref<1x128xf32, #tpu.memory_space<vmem>>, vector<1x128xf32>
    %add3A_46 = vector.broadcast %get3A_45 : vector<1x128xf32> to vector<1000x128xf32>
    %add3A_47 = arith.addf %add3A_42, %add3A_46 : vector<1000x128xf32>
    %swap3A = arith.constant 0 : index
    %swap3A_48 = arith.constant 0 : index
    %swap3A_49 = vector.load %arg8[%swap3A, %swap3A_48] : memref<1000x128xf32, #tpu.memory_space<vmem>>, vector<1000x128xf32>
    tpu.vector_store %arg8[%swap3A, %swap3A_48], %add3A_47 {strides = array<i32>} : memref<1000x128xf32, #tpu.memory_space<vmem>>, vector<1000x128xf32>,
    return
  }
  func.func @transform_0(%arg0: i32) -> (i32, i32) {
    %c0_i32 = arith.constant 0 : i32
    %c0_i32_0 = arith.constant 0 : i32
    return %arg0, %c0_i32 : i32, i32
  }
  func.func @transform_1(%arg0: i32) -> (i32, i32, i32) {
    %c0_i32 = arith.constant 0 : i32
    %c0_i32_0 = arith.constant 0 : i32
    %c0_i32_1 = arith.constant 0 : i32
    return %c0_i32, %arg0, %c0_i32_0 : i32, i32, i32
  }
  func.func @transform_2(%arg0: i32) -> (i32, i32) {
    %c0_i32 = arith.constant 0 : i32
    %c0_i32_0 = arith.constant 0 : i32
    %c0_i32_1 = arith.constant 0 : i32
    return %c0_i32, %c0_i32_0 : i32, i32
  }
  func.func @transform_3(%arg0: i32) -> (i32, i32) {
    %c0_i32 = arith.constant 0 : i32
    %c0_i32_0 = arith.constant 0 : i32
    %c0_i32_1 = arith.constant 0 : i32
    return %c0_i32, %c0_i32_0 : i32, i32
  }
  func.func @transform_4(%arg0: i32) -> (i32, i32) {
    %c0_i32 = arith.constant 0 : i32
    %c0_i32_0 = arith.constant 0 : i32
    %c0_i32_1 = arith.constant 0 : i32
    return %c0_i32, %c0_i32_0 : i32, i32
  }
  func.func @transform_5(%arg0: i32) -> (i32, i32) {
    %c0_i32 = arith.constant 0 : i32
    %c0_i32_0 = arith.constant 0 : i32
    %c0_i32_1 = arith.constant 0 : i32
    return %c0_i32, %c0_i32_0 : i32, i32
  }
  func.func @transform_6(%arg0: i32) -> (i32, i32) {
    %c0_i32 = arith.constant 0 : i32
    %c0_i32_0 = arith.constant 0 : i32
    %c0_i32_1 = arith.constant 0 : i32
    return %c0_i32, %c0_i32_0 : i32, i32
  }
  func.func @transform_7(%arg0: i32) -> (i32, i32) {
    %c0_i32 = arith.constant 0 : i32
    %c0_i32_0 = arith.constant 0 : i32
    return %arg0, %c0_i32 : i32, i32
  }
}

module attributes {stable_mosaic.version = 14 : i64} {
  func.func @_final_body(%arg0: i32, %arg1: memref<1000x128xf32, #tpu.memory_space<vmem>>, %arg2: memref<1000x1xi32, #tpu.memory_space<vmem>>, %arg3: memref<1x128xf32, #tpu.memory_space<vmem>>, %arg4: memref<128x1xf32, #tpu.memory_space<vmem>>, %arg5: memref<1x1xf32, #tpu.memory_space<vmem>>, %arg6: memref<1x128xf32, #tpu.memory_space<vmem>>) attributes {dimension_semantics = [#tpu.dimension_semantics<arbitrary>], iteration_bounds = array<i64: 10>, scalar_prefetch = 0 : i64, scratch_operands = 0 : i64, tpu.core_type = #tpu.core_type<tc>, window_params = [{transform_indices = @transform_0, window_bounds = array<i64: 1000, 128>}, {transform_indices = @transform_1, window_bounds = array<i64: 1000, 1>}, {pipeline_mode = #tpu.pipeline_mode<synchronous>, transform_indices = @transform_2, window_bounds = array<i64: 1, 128>}, {pipeline_mode = #tpu.pipeline_mode<synchronous>, transform_indices = @transform_3, window_bounds = array<i64: 128, 1>}, {pipeline_mode = #tpu.pipeline_mode<synchronous>, transform_indices = @transform_4, window_bounds = array<i64: 1, 1>}, {pipeline_mode = #tpu.pipeline_mode<synchronous>, transform_indices = @transform_5, window_bounds = array<i64: 1, 128>}]} {
    %get3A = arith.constant 0 : index
    %get3A_0 = arith.constant 0 : index
    %get3A_1 = vector.load %arg1[%get3A, %get3A_0] : memref<1000x128xf32, #tpu.memory_space<vmem>>, vector<1000x128xf32>
    %mul3A = arith.mulf %get3A_1, %get3A_1 : vector<1000x128xf32>
    %reduce_sum3A = arith.constant dense<0.000000e+00> : vector<1000xf32>
    %reduce_sum3A_2 = vector.multi_reduction <add>, %mul3A, %reduce_sum3A [1] : vector<1000x128xf32> to vector<1000xf32>
    %broadcast_in_dim3A = vector.shape_cast %reduce_sum3A_2 : vector<1000xf32> to vector<1000x1xf32>
    %div3A = arith.constant 1.280000e+02 : f32
    %div3A_3 = vector.broadcast %div3A : f32 to vector<1000x1xf32>
    %div3A_4 = arith.divf %broadcast_in_dim3A, %div3A_3 : vector<1000x1xf32>
    %add3A = arith.constant 9.99999997E-7 : f32
    %add3A_5 = vector.broadcast %add3A : f32 to vector<1000x1xf32>
    %add3A_6 = arith.addf %div3A_4, %add3A_5 : vector<1000x1xf32>
    %sqrt3A = math.sqrt %add3A_6 : vector<1000x1xf32>
    %div3A_7 = vector.broadcast %sqrt3A : vector<1000x1xf32> to vector<1000x128xf32>
    %div3A_8 = arith.divf %get3A_1, %div3A_7 : vector<1000x128xf32>
    %get3A_9 = arith.constant 0 : index
    %get3A_10 = arith.constant 0 : index
    %get3A_11 = vector.load %arg3[%get3A_9, %get3A_10] : memref<1x128xf32, #tpu.memory_space<vmem>>, vector<1x128xf32>
    %mul3A_12 = vector.broadcast %get3A_11 : vector<1x128xf32> to vector<1000x128xf32>
    %mul3A_13 = arith.mulf %div3A_8, %mul3A_12 : vector<1000x128xf32>
    %get3A_14 = arith.constant 0 : index
    %get3A_15 = arith.constant 0 : index
    %get3A_16 = vector.load %arg4[%get3A_14, %get3A_15] : memref<128x1xf32, #tpu.memory_space<vmem>>, vector<128x1xf32>
    %dot_general3A = arith.constant dense<0.000000e+00> : vector<1000x1xf32>
    %dot_general3A_17 = tpu.matmul %mul3A_13, %get3A_16, %dot_general3A {dimension_numbers = #tpu.dot_dimension_numbers<[1], [0], [0], [1], [0, 0, 1, 1], [], []>, transpose_lhs_hint = false} : vector<1000x128xf32>, vector<128x1xf32>, vector<1000x1xf32> -> vector<1000x1xf32>
    %get3A_18 = arith.constant 0 : index
    %get3A_19 = arith.constant 0 : index
    %get3A_20 = vector.load %arg5[%get3A_18, %get3A_19] : memref<1x1xf32, #tpu.memory_space<vmem>>, vector<1x1xf32>
    %add3A_21 = vector.broadcast %get3A_20 : vector<1x1xf32> to vector<1000x1xf32>
    %add3A_22 = arith.addf %dot_general3A_17, %add3A_21 : vector<1000x1xf32>
    %get3A_23 = arith.constant 0 : index
    %get3A_24 = arith.constant 0 : index
    %get3A_25 = vector.load %arg2[%get3A_23, %get3A_24] : memref<1000x1xi32, #tpu.memory_space<vmem>>, vector<1000x1xi32>
    %iota3A = tpu.iota {dimensions = array<i32: 1>} : vector<1000x128xi32>
    %eq3A = vector.broadcast %get3A_25 : vector<1000x1xi32> to vector<1000x128xi32>
    %eq3A_26 = arith.cmpi eq, %eq3A, %iota3A : vector<1000x128xi32>
    %convert_element_type3A = arith.extui %eq3A_26 : vector<1000x128xi1> to vector<1000x128xi32>
    %convert_element_type3A_27 = arith.sitofp %convert_element_type3A : vector<1000x128xi32> to vector<1000x128xf32>
    %mul3A_28 = vector.broadcast %add3A_22 : vector<1000x1xf32> to vector<1000x128xf32>
    %mul3A_29 = arith.mulf %convert_element_type3A_27, %mul3A_28 : vector<1000x128xf32>
    %reduce_sum3A_30 = arith.constant dense<0.000000e+00> : vector<128xf32>
    %reduce_sum3A_31 = vector.multi_reduction <add>, %mul3A_29, %reduce_sum3A_30 [0] : vector<1000x128xf32> to vector<128xf32>
    %broadcast_in_dim3A_32 = vector.shape_cast %reduce_sum3A_31 : vector<128xf32> to vector<1x128xf32>
    %eq3A_33 = arith.constant 0 : i32
    %eq3A_34 = arith.cmpi eq, %arg0, %eq3A_33 : i32
    %convert_element_type3A_35 = arith.extui %eq3A_34 : i1 to i32
    %cond3A = arith.constant 0 : i32
    %cond3A_36 = arith.cmpi ne, %convert_element_type3A_35, %cond3A : i32
    scf.if %cond3A_36 {
      %broadcast_in_dim3A_46 = arith.constant 0.000000e+00 : f32
      %broadcast_in_dim3A_47 = vector.broadcast %broadcast_in_dim3A_46 : f32 to vector<1x128xf32>
      %swap3A_48 = arith.constant 0 : index
      %swap3A_49 = arith.constant 0 : index
      %swap3A_50 = vector.load %arg6[%swap3A_48, %swap3A_49] : memref<1x128xf32, #tpu.memory_space<vmem>>, vector<1x128xf32>
      tpu.vector_store %arg6[%swap3A_48, %swap3A_49], %broadcast_in_dim3A_47 {strides = array<i32>} : memref<1x128xf32, #tpu.memory_space<vmem>>, vector<1x128xf32>,
    } else {
    }
    %get3A_37 = arith.constant 0 : index
    %get3A_38 = arith.constant 0 : index
    %get3A_39 = vector.load %arg6[%get3A_37, %get3A_38] : memref<1x128xf32, #tpu.memory_space<vmem>>, vector<1x128xf32>
    %mul3A_40 = arith.constant 0.0128512951 : f32
    %mul3A_41 = vector.broadcast %mul3A_40 : f32 to vector<1x128xf32>
    %mul3A_42 = arith.mulf %broadcast_in_dim3A_32, %mul3A_41 : vector<1x128xf32>
    %add3A_43 = arith.addf %get3A_39, %mul3A_42 : vector<1x128xf32>
    %swap3A = arith.constant 0 : index
    %swap3A_44 = arith.constant 0 : index
    %swap3A_45 = vector.load %arg6[%swap3A, %swap3A_44] : memref<1x128xf32, #tpu.memory_space<vmem>>, vector<1x128xf32>
    tpu.vector_store %arg6[%swap3A, %swap3A_44], %add3A_43 {strides = array<i32>} : memref<1x128xf32, #tpu.memory_space<vmem>>, vector<1x128xf32>,
    return
  }
  func.func @transform_0(%arg0: i32) -> (i32, i32) {
    %c0_i32 = arith.constant 0 : i32
    %c0_i32_0 = arith.constant 0 : i32
    return %arg0, %c0_i32 : i32, i32
  }
  func.func @transform_1(%arg0: i32) -> (i32, i32) {
    %c0_i32 = arith.constant 0 : i32
    %c0_i32_0 = arith.constant 0 : i32
    return %arg0, %c0_i32 : i32, i32
  }
  func.func @transform_2(%arg0: i32) -> (i32, i32) {
    %c0_i32 = arith.constant 0 : i32
    %c0_i32_0 = arith.constant 0 : i32
    %c0_i32_1 = arith.constant 0 : i32
    return %c0_i32, %c0_i32_0 : i32, i32
  }
  func.func @transform_3(%arg0: i32) -> (i32, i32) {
    %c0_i32 = arith.constant 0 : i32
    %c0_i32_0 = arith.constant 0 : i32
    %c0_i32_1 = arith.constant 0 : i32
    return %c0_i32, %c0_i32_0 : i32, i32
  }
  func.func @transform_4(%arg0: i32) -> (i32, i32) {
    %c0_i32 = arith.constant 0 : i32
    %c0_i32_0 = arith.constant 0 : i32
    %c0_i32_1 = arith.constant 0 : i32
    return %c0_i32, %c0_i32_0 : i32, i32
  }
  func.func @transform_5(%arg0: i32) -> (i32, i32) {
    %c0_i32 = arith.constant 0 : i32
    %c0_i32_0 = arith.constant 0 : i32
    %c0_i32_1 = arith.constant 0 : i32
    return %c0_i32, %c0_i32_0 : i32, i32
  }
}

</mosaic_0001>

<sc_bundles>
// kernel: kernel.16.cloned.1.call-start
scs
__scs_entry_jumppad:
0x0: {  	(pc) =	sbr.rel $0x88, $3  }
0x1: {  	(tag) =	ssettag $0x0;
	lr =	simm.s32 $0x1  }
0x2: {  	[smem:$0x3F8C] =	sst lr;
	_ =	strace $0xD0000000  }
0x3: {  	_ = 	snop  }
0x4: {  	_ = 	snop  }
0x5: {  	_ = 	snop  }
0x6: {  	_ = 	snop  }
0x7: {  	_ = 	snop  }
__scs_overlays_trampoline_lowered:
0x8: {  	[smem:$0x3F9B] =	sst s0  }
0x9: {  	[smem:$0x3F9C] =	sst s1  }
0xa: {  	[smem:$0x3F9D] =	sst s2  }
0xb: {  	[smem:$0x3F9E] =	sst s3  }
0xc: {  	[smem:$0x3F9F] =	sst s4  }
0xd: {  	[smem:$0x3FA0] =	sst s5  }
0xe: {  	[smem:$0x3FA1] =	sst s6  }
0xf: {  	[smem:$0x3FA2] =	sst s7  }
0x10: {  	[smem:$0x3FA3] =	sst s8  }
0x11: {  	[smem:$0x3FA4] =	sst s9;
	s0 =	simm.s32 @!p0 $0x0  }
0x12: {  	s1 =	sld [smem:$0x3F8A];
	s0 =	simm.s32 @p0 $0x1  }
0x13: {  	[smem:$0x3FA5] =	sst s0;
	s0 =	simm.s32 @!p1 $0x0  }
0x14: {  	s2 =	sld [smem:$0x3F89];
	s0 =	simm.s32 @p1 $0x1  }
0x15: {  	[smem:$0x3FA6] =	sst s0;
	s0 =	simm.s32 @!p2 $0x0  }
0x16: {  	s3 =	sld [smem:$0x3FDB];
	s0 =	simm.s32 @p2 $0x1  }
0x17: {  	s4 =	simm.s32 $0x1BF5;
	[smem:$0x3FA8] =	sst s0  }
0x18: {  	s0 =	sld [smem:$0x3F8B];
	_ =	swait.ge [sflag:s4], $0x0  }
0x19: {  	s7 =	sld [smem:$0x3F8C]  }
0x1a: {  	s8 =	sadd.s32 $0xFFFFE003, lr  }
0x1b: {  	s9 =	sadd.s32 $0xFFFFFEF7, lr;
	s5 =	simm.s32 $0xFFFFFFFF;
	p2 =	slt.u32 s8, $0xFFFFF086  }
0x1c: {  	p1 =	slt.u32 s9, $0xF7A;
	s5 =	simm.s32 @!p2 $0x0  }
0x1d: {  	s5 =	simm.s32 @p1 $0x1;
	p0 =	seq.s32 s7, s2  }
0x1e: {  	s7 =	smul.u32 @!p0 $0xF7A, s2;
	p2 =	seq.s32 @!p0 s5, $0x0  }
0x1f: {  	s9 =	smul.u32 $0xF7A, s1;
	s8 =	simm.s32 @!p0 $0x1BF5;
	p2 =	por !p2, p0  }
0x20: {  	[sflag:s8] =	ssyncset.s32 @!p0 $0xFFFFF086;
	s6 =	sadd.s32 @!p0 s3, s7;
	s7 =	simm.s32 @!p0 $0x108  }
0x21: {  	s3 =	sadd.s32 s3, s9;
	s6 =	sadd.s32 @!p0 $0x88, s6;
	s7 =	simm.s32 @p2 $0x1082  }
0x22: {  	[simem:s7], [sflag:s8] =	dma.local @!p0 [hbm:s6], $0xF7A  }
0x23: {  	s9 =	sor.u32 $0xD0000000, s2;
	s6 =	simm.s32 $0x108;
	_ =	swait.ge @!p0 [sflag:s8], $0x0  }
0x24: {  	s3 =	sadd.s32 $0x88, s3;
	s6 =	simm.s32 @!p1 $0x1082;
	[sflag:s4] =	ssyncset.s32 $0xFFFFF086  }
0x25: {  	[simem:s6], [sflag:s4] =	dma.local [hbm:s3], $0xF7A  }
0x26: {  	[smem:$0x3F8C] =	sst s1;
	(tag) =	ssettag s2;
	_ =	strace s9  }
0x27: {  	s1 =	sld [smem:$0x3F9C]  }
0x28: {  	s2 =	sld [smem:$0x3F9D]  }
0x29: {  	s4 =	sld [smem:$0x3F9F]  }
0x2a: {  	p0 =	seq.s32 s5, $0x0;
	s5 =	sld [smem:$0x3FA0]  }
0x2b: {  	s6 =	sld [smem:$0x3FA1]  }
0x2c: {  	s7 =	sld [smem:$0x3FA2]  }
0x2d: {  	s3 =	simm.s32 $0x108;
	s8 =	sld [smem:$0x3FA3]  }
0x2e: {  	s3 =	simm.s32 @!p0 $0x1082;
	s9 =	sld [smem:$0x3FA4]  }
0x2f: {  	lr =	sadd.s32 s0, s3;
	s0 =	sld [smem:$0x3F9B]  }
0x30: {  	s3 =	sld [smem:$0x3F9E]  }
0x31: {  	[smem:$0x3FA7] =	sst s10  }
0x32: {  	s10 =	sld [smem:$0x3FA5];
	_ =	sdelay $0x3  }
0x33: {  	p0 =	seq.s32 s10, $0x1;
	s10 =	sld [smem:$0x3FA7];
	_ =	sdelay $0x3  }
0x34: {  	[smem:$0x3FA7] =	sst s10  }
0x35: {  	s10 =	sld [smem:$0x3FA6];
	_ =	sdelay $0x3  }
0x36: {  	p1 =	seq.s32 s10, $0x1;
	s10 =	sld [smem:$0x3FA7];
	_ =	sdelay $0x3  }
0x37: {  	[smem:$0x3FA7] =	sst s10  }
0x38: {  	s10 =	sld [smem:$0x3FA8]  }
0x39: {  	_ = 	snop;
	(pc) =	sbr.ind lr, $3  }
0x3a: {  	_ = 	snop  }
0x3b: {  	_ = 	snop  }
0x3c: {  	p2 =	seq.s32 s10, $0x1;
	s10 =	sld [smem:$0x3FA7]  }
0x3d: {  	_ =	shalt  }
0x3e: {  	_ =	shalt  }
0x3f: {  	_ =	shalt  }
0x40: {  	_ =	shalt  }
0x41: {  	_ =	shalt  }
0x42: {  	_ =	shalt  }
0x43: {  	_ =	shalt  }
0x44: {  	_ =	shalt  }
0x45: {  	_ =	shalt  }
0x46: {  	_ =	shalt  }
0x47: {  	_ =	shalt  }
0x48: {  	_ =	shalt  }
0x49: {  	_ =	shalt  }
0x4a: {  	_ =	shalt  }
0x4b: {  	_ =	shalt  }
0x4c: {  	_ =	shalt  }
0x4d: {  	_ =	shalt  }
0x4e: {  	_ =	shalt  }
0x4f: {  	_ =	shalt  }
0x50: {  	_ =	shalt  }
0x51: {  	_ =	shalt  }
0x52: {  	_ =	shalt  }
0x53: {  	_ =	shalt  }
0x54: {  	_ =	shalt  }
0x55: {  	_ =	shalt  }
0x56: {  	_ =	shalt  }
0x57: {  	_ =	shalt  }
0x58: {  	_ =	shalt  }
0x59: {  	_ =	shalt  }
0x5a: {  	_ =	shalt  }
0x5b: {  	_ =	shalt  }
0x5c: {  	_ =	shalt  }
0x5d: {  	_ =	shalt  }
0x5e: {  	_ =	shalt  }
0x5f: {  	_ =	shalt  }
0x60: {  	_ =	shalt  }
0x61: {  	_ =	shalt  }
0x62: {  	_ =	shalt  }
0x63: {  	_ =	shalt  }
0x64: {  	_ =	shalt  }
0x65: {  	_ =	shalt  }
0x66: {  	_ =	shalt  }
0x67: {  	_ =	shalt  }
0x68: {  	_ =	shalt  }
0x69: {  	_ =	shalt  }
0x6a: {  	_ =	shalt  }
0x6b: {  	_ =	shalt  }
0x6c: {  	_ =	shalt  }
0x6d: {  	_ =	shalt  }
0x6e: {  	_ =	shalt  }
0x6f: {  	_ =	shalt  }
0x70: {  	_ =	shalt  }
0x71: {  	_ =	shalt  }
0x72: {  	_ =	shalt  }
0x73: {  	_ =	shalt  }
0x74: {  	_ =	shalt  }
0x75: {  	_ =	shalt  }
0x76: {  	_ =	shalt  }
0x77: {  	_ =	shalt  }
0x78: {  	_ =	shalt  }
0x79: {  	_ =	shalt  }
0x7a: {  	_ =	shalt  }
0x7b: {  	_ =	shalt  }
0x7c: {  	_ =	shalt  }
0x7d: {  	_ =	shalt  }
0x7e: {  	_ =	shalt  }
0x7f: {  	_ =	shalt  }
0x80: {  	_ =	shalt  }
0x81: {  	_ =	shalt  }
0x82: {  	_ =	shalt  }
0x83: {  	_ =	shalt  }
0x84: {  	_ =	shalt  }
0x85: {  	_ =	shalt  }
0x86: {  	_ =	shalt  }
0x87: {  	_ =	shalt  }
.Lfunc_end0:
.L_simem_size_0:
called_computation_lowered:
.L_overlay_start_0:
0x88: {  	s2 =	sld [smem:$0x3FD9]  }
0x89: {  	s3 =	sld [smem:$0x3FFE];
	_ =	sdelay $0x1  }
0x8a: {  	s1 =	srdreg.scid  }
0x8b: {  	s0 =	sand.u32 $0x1, s1  }
0x8c: {  	s16 =	sshll.u32 s0, $0xA;
	s2 =	sadd.s32 s3, s2  }
0x8d: {  	s2 =	sadd.s32 s2, s16  }
0x8e: {  	[smem:$0x3FB3] =	sst s2  }
0x8f: {  	_ = 	snop  }
0x90: {  	(tm) =	ssettm $0x1  }
0x91: {  	s17 =	sld [smem:$0x3FFB];
	_ =	sdelay $0x3  }
0x92: {  	_ =	strace s17  }
0x93: {  	s2 =	sld [smem:$0x3FFC];
	_ =	sdelay $0x3  }
0x94: {  	_ =	strace s2  }
0x95: {  	s2 =	sld [smem:$0x3FFD];
	_ =	sdelay $0x3  }
0x96: {  	_ =	strace s2  }
0x97: {  	_ =	strace $0x8FFFFFFF  }
0x98: {  	s18 =	sld [smem:$0x3FDB];
	_ =	sdelay $0x1  }
0x99: {  	s19 =	simm.s32 $_scs_section_size  }
0x9a: {  	s4 =	simm.s32 $_size__tile_overlayer_lowered;
	s5 =	simm.s32 $_tile_overlayer_lowered  }
0x9b: {  	s22 =	simm.s32 $0x1BFF;
	s21 =	sshll.u32 s5, $0x1;
	s2 =	sadd.s32 s19, s18  }
0x9c: {  	s6 =	simm.s32 $0x0;
	s20 =	sshll.u32 s4, $0x1;
	s4 =	sadd.s32 s21, s2  }
0x9d: {  	[timem:s6], [sflag:s22] =	dma.local [hbm:s4], s20  }
0x9e: {  	_ =	swait.ge [sflag:s22], s20  }
0x9f: {  	s3 =	ssub.s32 $0x0, s20;
	[sflag:s22] =	ssyncset.done $0x0  }
0xa0: {  	[sflag:s22] =	ssyncadd.s32 s3;
	_ =	sdelay $0x1  }
0xa1: {  	s23 =	simm.s32 $0x1B8B  }
0xa2: {  	_ =	swait.ge [sflag:s23], $0x1  }
0xa3: {  	[sflag:s23] =	ssyncset.done $0x0  }
0xa4: {  	s25 =	simm.s32 $0x1B8E;
	s24 =	sld [smem:$0x3FFE];
	[sflag:s23] =	ssyncadd.s32 $0xFFFFFFFF  }
0xa5: {  	s26 =	simm.s32 $execute0_lowered;
	[smem:$0x3FD2] =	sst s25  }
0xa6: {  	s4 =	sshll.u32 s26, $0x1;
	_ =	strace $0x80000046;
	[dreg:$0x1] =	wrdreg $0xFFFFFFFF  }
0xa7: {  	s28 =	simm.s32 $_size_execute0_lowered;
	s2 =	sadd.s32 s2, s4;
	[dreg:$0x0] =	wrdreg $0x0  }
0xa8: {  	s4 =	sshll.u32 s28, $0x1;
	[dreg:$0x2] =	wrdreg s2  }
0xa9: {  	[dreg:$0x3] =	wrdreg s4  }
0xaa: {  	[dreg:$0x4] =	wrdreg $0xC0  }
0xab: {  	_ =	task [dreg:s6], $0x5FFFF  }
0xac: {  	[dreg:$0x1] =	wrdreg $0xFFFFFFFF  }
0xad: {  	[dreg:$0x0] =	wrdreg $0x60  }
0xae: {  	[dreg:$0x2] =	wrdreg s24  }
0xaf: {  	[dreg:$0x3] =	wrdreg $0x9  }
0xb0: {  	_ =	task.clear_ibuf [dreg:s6], $0x4FFFF;
	_ =	strace $0x90000046  }
0xb1: {  	s29 =	simm.s32 $0x9;
	_ =	strace $0x80000048  }
0xb2: {  	_ =	swait.ge [sflag:s29], $0x1  }
0xb3: {  	[sflag:s29] =	ssyncadd.s32 $0xFFFFFFFF  }
0xb4: {  	_ =	strace $0x90000048  }
0xb5: {  	_ =	sfence  }
0xb6: {  	s30 =	sld [smem:$0x0];
	_ =	sdelay $0x2  }
0xb7: {  	s31 =	sshll.u32 s1, $0xD;
	s1 =	sshrl.u32 s1, $0x2  }
0xb8: {  	s3 =	sand.u32 $0x4000, s31;
	s1 =	sadd.s32 s1, s30  }
0xb9: {  	s0 =	sor.u32 s3, s0;
	s1 =	sshll.u32 s1, $0x11  }
0xba: {  	s0 =	sor.u32 s1, s0  }
0xbb: {  	s0 =	sadd.s32 $0x8F2B, s0  }
0xbc: {  	[sflag:s0] =	ssyncadd.remote.s32 $0x1  }
0xbd: {  	_ =	sfence.sel $0xFFFF  }
0xbe: {  	[dreg:$0x0] =	wrdreg $0xFFFFFFFF;
	(pc) =	sbr.abs _section_cstart, $3  }
0xbf: {  	[dreg:$0x1] =	wrdreg $0xFFFFFFFF  }
0xc0: {  	_ =	task.clear_ibuf [dreg:s6], $0x2FFFF;
	_ =	strace $0x9FFFFFFF  }
0xc1: {  	(tm) =	ssettm $0x7FFFFFFF  }
tec
execute0_lowered:
.L_overlay_start_1:
0x0: {  	(tag) =	ssettag $0x1  }
0x1: {  	s6 =	rddreg [dreg:$0x0]  }
0x2: {  	s0 =	rddreg [dreg:$0x1];
	s1 =	simm.s32 $0x0;
	s4 =	srdreg.scid  }
0x3: {  	s2 =	stileid.u32;
	s13 =	simm.s32 $0x4F00;
	s14 =	simm.s32 $0x7680  }
0x4: {  	s15 =	simm.s32 $0x2;
	s16 =	simm.s32 $0x7700;
	s17 =	simm.s32 $0x7780  }
0x5: {  	s18 =	simm.s32 $0x0;
	[smem:$0x7FF] =	sst s1;
	s3 =	sadd.s32 $0x10600, s6  }
0x6: {  	s10 =	sand.u32 $0x1, s4;
	s4 =	sadd.s32 $0x10000, s6;
	s7 =	sshll.u32 s2, $0x5  }
0x7: {  	s5 =	sadd.s32 $0xFA00, s6;
	s31 =	sshll.u32 s2, $0x1;
	_ =	strace $0x80000047  }
0x8: {  	s8 =	sshll.u32 s10, $0x4;
	s29 =	ssub.s32 $0x2, s10;
	s10 =	sor.u32 s10, s31  }
.Ltmp0:
0x9: {  	s7 =	sor.u32 s8, s7;
	s12 =	sshrl.u32 s29, $0x1;
	(pc) =	sbr.rel .LBB2_1-.Ltmp0, $4  }
0xa: {  	s9 =	sadd.s32 s7, s6;
	s11 =	sand.u32 $0x180, s7;
	s30 =	ssub.s32 s29, s12  }
0xb: {  	s7 =	sand.u32 $0x70, s7;
	s12 =	simm.s32 $0x2780;
	s11 =	sadd.s32 s11, s6  }
0xc: {  	s6 =	smax.u32 s30, $0x1;
	s8 =	sadd.s32 $0x5A00, s9;
	s7 =	sadd.s32 s7, s11  }
0xd: {  	s9 =	sadd.s32 $0xAA00, s9;
	s11 =	simm.s32 $0x1;
	s7 =	sadd.s32 $0x10C00, s7  }
.LBB2_5:
0xe: {  	s18 =	sadd.s32 $0x1, s18  }
0xf: {  	p0 =	sne.s32 s18, s6  }
.Ltmp1:
0x10: {  	_ = 	snop;
	(pc) =	sbr.rel @!p0 .LBB2_6-.Ltmp1, $1  }
0x11: {  	_ =	sdelay $0x3  }
.LBB2_1:
0x12: {  	[tilespmem:s1], [sflag:$0x1] =	stream.linear.gather [hbm4b:s3+s1], $0x2780, $0x38;
	[tilespmem:$0x7800] =	vst v63  }
0x13: {  	_ =	swait.ge [sflag:s11], $0x2780  }
0x14: {  	[sflag:s11] =	ssyncset.done $0x0  }
0x15: {  	[sflag:s11] =	ssyncadd.s32 $0xFFFFD880  }
0x16: {  	[tilespmem:s12], [sflag:$0x1] =	stream.linear.gather [hbm4b:s4+s1], $0x2780, $0x38;
	[tilespmem:$0x7800] =	vst v63  }
0x17: {  	_ =	swait.ge [sflag:s11], $0x2780  }
0x18: {  	[sflag:s11] =	ssyncset.done $0x0  }
.Ltmp2:
0x19: {  	[sflag:s11] =	ssyncadd.s32 $0xFFFFD880;
	(pc) =	sbr.rel .LBB2_2-.Ltmp2, $4  }
0x1a: {  	[tilespmem:s13], [sflag:$0x1] =	stream.linear.gather [hbm4b:s5+s1], $0x2780, $0x38;
	[tilespmem:$0x7800] =	vst v63  }
0x1b: {  	_ =	swait.ge [sflag:s11], $0x2780  }
0x1c: {  	[sflag:s11] =	ssyncset.done $0x0  }
0x1d: {  	s19 =	smov.u32 s10;
	s20 =	simm.s32 $0x0;
	[sflag:s11] =	ssyncadd.s32 $0xFFFFD880  }
.LBB2_4:
0x1e: {  	s20 =	sadd.s32 $0x200, s20  }
0x1f: {  	p0 =	sne.s32 s20, $0x5000  }
.Ltmp3:
0x20: {  	_ = 	snop;
	(pc) =	sbr.rel @!p0 .LBB2_5-.Ltmp3, $2  }
0x21: {  	_ =	sdelay $0x2  }
0x22: {  	s19 =	sadd.s32 $0x20, s19  }
.LBB2_2:
0x23: {  	p0 =	sgt.u32 s19, $0x4E1  }
.Ltmp4:
0x24: {  	_ = 	snop;
	(pc) =	sbr.rel @p0 .LBB2_4-.Ltmp4, $1  }
0x25: {  	_ =	sdelay $0x3  }
0x26: {  	s21 =	sadd.s32 s20, s9  }
0x27: {  	[tilespmem:s14], [sflag:$0x2] =	stream.linear.gather [hbm4b:s21+s1], $0x80, $0x38;
	[tilespmem:$0x7800] =	vst v63  }
0x28: {  	_ =	swait.ge [sflag:s15], $0x80  }
0x29: {  	[sflag:s15] =	ssyncset.done $0x0  }
0x2a: {  	s30 =	sadd.s32 s20, s8;
	[sflag:s15] =	ssyncadd.s32 $0xFFFFFF80  }
0x2b: {  	[tilespmem:s16], [sflag:$0x2] =	stream.linear.gather [hbm4b:s30+s1], $0x80, $0x38;
	[tilespmem:$0x7800] =	vst v63  }
0x2c: {  	_ =	swait.ge [sflag:s15], $0x80  }
0x2d: {  	[sflag:s15] =	ssyncset.done $0x0  }
0x2e: {  	[sflag:s15] =	ssyncadd.s32 $0xFFFFFF80  }
0x2f: {  	v0 =	vld [tilespmem:$0x7680]  }
0x30: {  	v1 =	vld [tilespmem:$0x7700];
	_ =	sdelay $0x6  }
0x31: {  	v2 =	vld.idx.msk [tilespmem:v0+s1+$0x0], $0xffff  }
0x32: {  	v3 =	vld.idx.msk [tilespmem:v1+s1+$0x0], $0xffff  }
0x33: {  	v4 =	vld.idx.msk [tilespmem:v0+s12+$0x0], $0xffff  }
0x34: {  	v5 =	vld.idx.msk [tilespmem:v1+s12+$0x0], $0xffff  }
0x35: {  	v0 =	vld.idx.msk [tilespmem:v0+s13+$0x0], $0xffff  }
0x36: {  	v1 =	vld.idx.msk [tilespmem:v1+s13+$0x0], $0xffff;
	_ =	sdelay $0x2  }
0x37: {  	v2 =	vsub.f32 v2, v3;
	v15 =	vsub.f32 v4, v5  }
0x38: {  	v16 =	vld [tilespmem:$0x7690]  }
0x39: {  	v17 =	vld [tilespmem:$0x7710];
	v0 =	vsub.f32 v0, v1;
	v2 =	vmul.f32 v2, v2;
	v3 =	vmul.f32 v15, v15;
	_ =	sdelay $0x1  }
0x3a: {  	v0 =	vmul.f32 v0, v0;
	v2 =	vadd.f32 v3, v2;
	_ =	sdelay $0x1  }
0x3b: {  	v0 =	vadd.f32 v0, v2;
	_ =	sdelay $0x1  }
0x3c: {  	[tilespmem:$0x7780] =	vst v0  }
0x3d: {  	v0 =	vld.idx.msk [tilespmem:v16+s1+$0x0], $0xffff  }
0x3e: {  	v18 =	vld.idx.msk [tilespmem:v17+s1+$0x0], $0xffff  }
0x3f: {  	v19 =	vld.idx.msk [tilespmem:v16+s12+$0x0], $0xffff  }
0x40: {  	v20 =	vld.idx.msk [tilespmem:v17+s12+$0x0], $0xffff  }
0x41: {  	v4 =	vld.idx.msk [tilespmem:v16+s13+$0x0], $0xffff  }
0x42: {  	v1 =	vld.idx.msk [tilespmem:v17+s13+$0x0], $0xffff;
	_ =	sdelay $0x2  }
0x43: {  	v0 =	vsub.f32 v0, v18;
	v21 =	vsub.f32 v19, v20  }
0x44: {  	v22 =	vld [tilespmem:$0x76A0]  }
0x45: {  	v23 =	vld [tilespmem:$0x7720];
	v1 =	vsub.f32 v4, v1;
	v0 =	vmul.f32 v0, v0;
	v2 =	vmul.f32 v21, v21;
	_ =	sdelay $0x1  }
0x46: {  	v1 =	vmul.f32 v1, v1;
	v0 =	vadd.f32 v2, v0;
	_ =	sdelay $0x1  }
0x47: {  	v0 =	vadd.f32 v1, v0;
	_ =	sdelay $0x1  }
0x48: {  	[tilespmem:$0x7790] =	vst v0  }
0x49: {  	v0 =	vld.idx.msk [tilespmem:v22+s1+$0x0], $0xffff  }
0x4a: {  	v24 =	vld.idx.msk [tilespmem:v23+s1+$0x0], $0xffff  }
0x4b: {  	v25 =	vld.idx.msk [tilespmem:v22+s12+$0x0], $0xffff  }
0x4c: {  	v26 =	vld.idx.msk [tilespmem:v23+s12+$0x0], $0xffff  }
0x4d: {  	v3 =	vld.idx.msk [tilespmem:v22+s13+$0x0], $0xffff  }
0x4e: {  	v4 =	vld.idx.msk [tilespmem:v23+s13+$0x0], $0xffff;
	_ =	sdelay $0x2  }
0x4f: {  	v0 =	vsub.f32 v0, v24;
	v27 =	vsub.f32 v25, v26  }
0x50: {  	v28 =	vld [tilespmem:$0x76B0]  }
0x51: {  	v29 =	vld [tilespmem:$0x7730];
	v3 =	vsub.f32 v3, v4;
	v0 =	vmul.f32 v0, v0;
	v1 =	vmul.f32 v27, v27;
	_ =	sdelay $0x1  }
0x52: {  	v30 =	vmul.f32 v3, v3;
	v0 =	vadd.f32 v1, v0;
	_ =	sdelay $0x1  }
0x53: {  	v0 =	vadd.f32 v30, v0;
	_ =	sdelay $0x1  }
0x54: {  	[tilespmem:$0x77A0] =	vst v0  }
0x55: {  	v0 =	vld.idx.msk [tilespmem:v28+s1+$0x0], $0xffff  }
0x56: {  	v31 =	vld.idx.msk [tilespmem:v29+s1+$0x0], $0xffff  }
0x57: {  	v32 =	vld.idx.msk [tilespmem:v28+s12+$0x0], $0xffff  }
0x58: {  	v33 =	vld.idx.msk [tilespmem:v29+s12+$0x0], $0xffff  }
0x59: {  	v2 =	vld.idx.msk [tilespmem:v28+s13+$0x0], $0xffff  }
0x5a: {  	v4 =	vld.idx.msk [tilespmem:v29+s13+$0x0], $0xffff;
	_ =	sdelay $0x2  }
0x5b: {  	v0 =	vsub.f32 v0, v31;
	v34 =	vsub.f32 v32, v33  }
0x5c: {  	v35 =	vld [tilespmem:$0x76C0]  }
0x5d: {  	v36 =	vld [tilespmem:$0x7740];
	v2 =	vsub.f32 v2, v4;
	v0 =	vmul.f32 v0, v0;
	v1 =	vmul.f32 v34, v34;
	_ =	sdelay $0x1  }
0x5e: {  	v37 =	vmul.f32 v2, v2;
	v0 =	vadd.f32 v1, v0;
	_ =	sdelay $0x1  }
0x5f: {  	v0 =	vadd.f32 v37, v0;
	_ =	sdelay $0x1  }
0x60: {  	[tilespmem:$0x77B0] =	vst v0  }
0x61: {  	v0 =	vld.idx.msk [tilespmem:v35+s1+$0x0], $0xffff  }
0x62: {  	v38 =	vld.idx.msk [tilespmem:v36+s1+$0x0], $0xffff  }
0x63: {  	v39 =	vld.idx.msk [tilespmem:v35+s12+$0x0], $0xffff  }
0x64: {  	v40 =	vld.idx.msk [tilespmem:v36+s12+$0x0], $0xffff  }
0x65: {  	v3 =	vld.idx.msk [tilespmem:v35+s13+$0x0], $0xffff  }
0x66: {  	v4 =	vld.idx.msk [tilespmem:v36+s13+$0x0], $0xffff;
	_ =	sdelay $0x2  }
0x67: {  	v0 =	vsub.f32 v0, v38;
	v41 =	vsub.f32 v39, v40  }
0x68: {  	v42 =	vld [tilespmem:$0x76D0]  }
0x69: {  	v43 =	vld [tilespmem:$0x7750];
	v3 =	vsub.f32 v3, v4;
	v0 =	vmul.f32 v0, v0;
	v1 =	vmul.f32 v41, v41;
	_ =	sdelay $0x1  }
0x6a: {  	v44 =	vmul.f32 v3, v3;
	v0 =	vadd.f32 v1, v0;
	_ =	sdelay $0x1  }
0x6b: {  	v0 =	vadd.f32 v44, v0;
	_ =	sdelay $0x1  }
0x6c: {  	[tilespmem:$0x77C0] =	vst v0  }
0x6d: {  	v0 =	vld.idx.msk [tilespmem:v42+s1+$0x0], $0xffff  }
0x6e: {  	v45 =	vld.idx.msk [tilespmem:v43+s1+$0x0], $0xffff  }
0x6f: {  	v46 =	vld.idx.msk [tilespmem:v42+s12+$0x0], $0xffff  }
0x70: {  	v47 =	vld.idx.msk [tilespmem:v43+s12+$0x0], $0xffff  }
0x71: {  	v2 =	vld.idx.msk [tilespmem:v42+s13+$0x0], $0xffff  }
0x72: {  	v4 =	vld.idx.msk [tilespmem:v43+s13+$0x0], $0xffff;
	_ =	sdelay $0x2  }
0x73: {  	v0 =	vsub.f32 v0, v45;
	v48 =	vsub.f32 v46, v47  }
0x74: {  	v49 =	vld [tilespmem:$0x76E0]  }
0x75: {  	v50 =	vld [tilespmem:$0x7760];
	v2 =	vsub.f32 v2, v4;
	v0 =	vmul.f32 v0, v0;
	v1 =	vmul.f32 v48, v48;
	_ =	sdelay $0x1  }
0x76: {  	v51 =	vmul.f32 v2, v2;
	v0 =	vadd.f32 v1, v0;
	_ =	sdelay $0x1  }
0x77: {  	v0 =	vadd.f32 v51, v0;
	_ =	sdelay $0x1  }
0x78: {  	[tilespmem:$0x77D0] =	vst v0  }
0x79: {  	v0 =	vld.idx.msk [tilespmem:v49+s1+$0x0], $0xffff  }
0x7a: {  	v52 =	vld.idx.msk [tilespmem:v50+s1+$0x0], $0xffff  }
0x7b: {  	v53 =	vld.idx.msk [tilespmem:v49+s12+$0x0], $0xffff  }
0x7c: {  	v54 =	vld.idx.msk [tilespmem:v50+s12+$0x0], $0xffff  }
0x7d: {  	v3 =	vld.idx.msk [tilespmem:v49+s13+$0x0], $0xffff  }
0x7e: {  	v4 =	vld.idx.msk [tilespmem:v50+s13+$0x0], $0xffff;
	_ =	sdelay $0x2  }
0x7f: {  	v0 =	vsub.f32 v0, v52;
	v55 =	vsub.f32 v53, v54  }
0x80: {  	v56 =	vld [tilespmem:$0x76F0]  }
0x81: {  	v57 =	vld [tilespmem:$0x7770];
	v3 =	vsub.f32 v3, v4;
	v0 =	vmul.f32 v0, v0;
	v1 =	vmul.f32 v55, v55;
	_ =	sdelay $0x1  }
0x82: {  	v58 =	vmul.f32 v3, v3;
	v0 =	vadd.f32 v1, v0;
	_ =	sdelay $0x1  }
0x83: {  	v0 =	vadd.f32 v58, v0;
	_ =	sdelay $0x1  }
0x84: {  	[tilespmem:$0x77E0] =	vst v0  }
0x85: {  	v0 =	vld.idx.msk [tilespmem:v56+s1+$0x0], $0xffff  }
0x86: {  	v59 =	vld.idx.msk [tilespmem:v57+s1+$0x0], $0xffff  }
0x87: {  	v60 =	vld.idx.msk [tilespmem:v56+s12+$0x0], $0xffff  }
0x88: {  	v61 =	vld.idx.msk [tilespmem:v57+s12+$0x0], $0xffff  }
0x89: {  	v2 =	vld.idx.msk [tilespmem:v56+s13+$0x0], $0xffff  }
0x8a: {  	v4 =	vld.idx.msk [tilespmem:v57+s13+$0x0], $0xffff;
	_ =	sdelay $0x2  }
0x8b: {  	v0 =	vsub.f32 v0, v59;
	v62 =	vsub.f32 v60, v61;
	_ =	sdelay $0x1  }
0x8c: {  	v2 =	vsub.f32 v2, v4;
	v0 =	vmul.f32 v0, v0;
	v1 =	vmul.f32 v62, v62;
	_ =	sdelay $0x1  }
0x8d: {  	v63 =	vmul.f32 v2, v2;
	v0 =	vadd.f32 v1, v0;
	_ =	sdelay $0x1  }
0x8e: {  	v0 =	vadd.f32 v63, v0;
	_ =	sdelay $0x1  }
.Ltmp5:
0x8f: {  	s31 =	sadd.s32 s20, s7;
	[tilespmem:$0x77F0] =	vst v0;
	(pc) =	sbr.rel .LBB2_4-.Ltmp5, $4  }
0x90: {  	[hbm4b:s31+s1] =	stream.linear.scatter [tilespmem:s17], [sflag:$0x1], $0x80, $0x38;
	[tilespmem:$0x7800] =	vst v63  }
0x91: {  	_ =	swait.ge [sflag:s11], $0x80  }
0x92: {  	[sflag:s11] =	ssyncset.done $0x0  }
0x93: {  	[sflag:s11] =	ssyncadd.s32 $0xFFFFFF80  }
.LBB2_6:
0x94: {  	_ =	sfence.sel $0x180000  }
0x95: {  	[bflag:$0x0] =	sbarrier.arrive $0xFFFF  }
0x96: {  	p0 =	sne.s32 s2, $0x0;
	_ =	strace $0x90000047  }
0x97: {  	s0 =	sadd.s32 @!p0 $0x100000, s0;
	[bflag:$0x2] =	sbarrier.arrive $0xFFFF  }
0x98: {  	[sflag:s0] =	ssyncadd.tile.s32 @!p0 $0x1;
	_ =	shalt  }
.Lfunc_end2:
_tile_overlayer_lowered:
.L_overlay_start_2:
0x99: {  	(tag) =	ssettag $0x2  }
0x9a: {  	s0 =	rddreg [dreg:$0x0];
	s2 =	stileid.u32  }
0x9b: {  	s1 =	rddreg [dreg:$0x1];
	p0 =	sne.s32 s2, $0x0  }
0x9c: {  	s3 =	rddreg [dreg:$0x2];
	[bflag:$0x3] =	sbarrier.arrive $0xFFFF;
	s2 =	simm.s32 @!p0 $0x1C01  }
0x9d: {  	[timem:s3], [sflag:s2] =	dma.local @!p0 [hbm:s0], s1  }
0x9e: {  	s0 =	simm.s32 @!p0 $0x1  }
0x9f: {  	_ =	swait.ge @!p0 [sflag:s0], s1  }
0xa0: {  	s1 =	ssub.s32 @!p0 $0x0, s1;
	[sflag:s0] =	ssyncset.done @!p0 $0x0  }
0xa1: {  	[sflag:s0] =	ssyncadd.s32 @!p0 s1  }
0xa2: {  	[bflag:$0x3] =	sbarrier.arrive $0xFFFF  }
0xa3: {  	_ =	shalt  }

// kernel: kernel.19.cloned.1.call-start
scs
__scs_entry_jumppad:
0x0: {  	(pc) =	sbr.rel $0x88, $3  }
0x1: {  	(tag) =	ssettag $0x0;
	lr =	simm.s32 $0x1  }
0x2: {  	[smem:$0x3F8C] =	sst lr;
	_ =	strace $0xD0000000  }
0x3: {  	_ = 	snop  }
0x4: {  	_ = 	snop  }
0x5: {  	_ = 	snop  }
0x6: {  	_ = 	snop  }
0x7: {  	_ = 	snop  }
__scs_overlays_trampoline_lowered:
0x8: {  	[smem:$0x3F9B] =	sst s0  }
0x9: {  	[smem:$0x3F9C] =	sst s1  }
0xa: {  	[smem:$0x3F9D] =	sst s2  }
0xb: {  	[smem:$0x3F9E] =	sst s3  }
0xc: {  	[smem:$0x3F9F] =	sst s4  }
0xd: {  	[smem:$0x3FA0] =	sst s5  }
0xe: {  	[smem:$0x3FA1] =	sst s6  }
0xf: {  	[smem:$0x3FA2] =	sst s7  }
0x10: {  	[smem:$0x3FA3] =	sst s8  }
0x11: {  	[smem:$0x3FA4] =	sst s9;
	s0 =	simm.s32 @!p0 $0x0  }
0x12: {  	s1 =	sld [smem:$0x3F8A];
	s0 =	simm.s32 @p0 $0x1  }
0x13: {  	[smem:$0x3FA5] =	sst s0;
	s0 =	simm.s32 @!p1 $0x0  }
0x14: {  	s2 =	sld [smem:$0x3F89];
	s0 =	simm.s32 @p1 $0x1  }
0x15: {  	[smem:$0x3FA6] =	sst s0;
	s0 =	simm.s32 @!p2 $0x0  }
0x16: {  	s3 =	sld [smem:$0x3FDB];
	s0 =	simm.s32 @p2 $0x1  }
0x17: {  	s4 =	simm.s32 $0x1BF5;
	[smem:$0x3FA8] =	sst s0  }
0x18: {  	s0 =	sld [smem:$0x3F8B];
	_ =	swait.ge [sflag:s4], $0x0  }
0x19: {  	s7 =	sld [smem:$0x3F8C]  }
0x1a: {  	s8 =	sadd.s32 $0xFFFFE003, lr  }
0x1b: {  	s9 =	sadd.s32 $0xFFFFFEF7, lr;
	s5 =	simm.s32 $0xFFFFFFFF;
	p2 =	slt.u32 s8, $0xFFFFF086  }
0x1c: {  	p1 =	slt.u32 s9, $0xF7A;
	s5 =	simm.s32 @!p2 $0x0  }
0x1d: {  	s5 =	simm.s32 @p1 $0x1;
	p0 =	seq.s32 s7, s2  }
0x1e: {  	s7 =	smul.u32 @!p0 $0xF7A, s2;
	p2 =	seq.s32 @!p0 s5, $0x0  }
0x1f: {  	s9 =	smul.u32 $0xF7A, s1;
	s8 =	simm.s32 @!p0 $0x1BF5;
	p2 =	por !p2, p0  }
0x20: {  	[sflag:s8] =	ssyncset.s32 @!p0 $0xFFFFF086;
	s6 =	sadd.s32 @!p0 s3, s7;
	s7 =	simm.s32 @!p0 $0x108  }
0x21: {  	s3 =	sadd.s32 s3, s9;
	s6 =	sadd.s32 @!p0 $0x88, s6;
	s7 =	simm.s32 @p2 $0x1082  }
0x22: {  	[simem:s7], [sflag:s8] =	dma.local @!p0 [hbm:s6], $0xF7A  }
0x23: {  	s9 =	sor.u32 $0xD0000000, s2;
	s6 =	simm.s32 $0x108;
	_ =	swait.ge @!p0 [sflag:s8], $0x0  }
0x24: {  	s3 =	sadd.s32 $0x88, s3;
	s6 =	simm.s32 @!p1 $0x1082;
	[sflag:s4] =	ssyncset.s32 $0xFFFFF086  }
0x25: {  	[simem:s6], [sflag:s4] =	dma.local [hbm:s3], $0xF7A  }
0x26: {  	[smem:$0x3F8C] =	sst s1;
	(tag) =	ssettag s2;
	_ =	strace s9  }
0x27: {  	s1 =	sld [smem:$0x3F9C]  }
0x28: {  	s2 =	sld [smem:$0x3F9D]  }
0x29: {  	s4 =	sld [smem:$0x3F9F]  }
0x2a: {  	p0 =	seq.s32 s5, $0x0;
	s5 =	sld [smem:$0x3FA0]  }
0x2b: {  	s6 =	sld [smem:$0x3FA1]  }
0x2c: {  	s7 =	sld [smem:$0x3FA2]  }
0x2d: {  	s3 =	simm.s32 $0x108;
	s8 =	sld [smem:$0x3FA3]  }
0x2e: {  	s3 =	simm.s32 @!p0 $0x1082;
	s9 =	sld [smem:$0x3FA4]  }
0x2f: {  	lr =	sadd.s32 s0, s3;
	s0 =	sld [smem:$0x3F9B]  }
0x30: {  	s3 =	sld [smem:$0x3F9E]  }
0x31: {  	[smem:$0x3FA7] =	sst s10  }
0x32: {  	s10 =	sld [smem:$0x3FA5];
	_ =	sdelay $0x3  }
0x33: {  	p0 =	seq.s32 s10, $0x1;
	s10 =	sld [smem:$0x3FA7];
	_ =	sdelay $0x3  }
0x34: {  	[smem:$0x3FA7] =	sst s10  }
0x35: {  	s10 =	sld [smem:$0x3FA6];
	_ =	sdelay $0x3  }
0x36: {  	p1 =	seq.s32 s10, $0x1;
	s10 =	sld [smem:$0x3FA7];
	_ =	sdelay $0x3  }
0x37: {  	[smem:$0x3FA7] =	sst s10  }
0x38: {  	s10 =	sld [smem:$0x3FA8]  }
0x39: {  	_ = 	snop;
	(pc) =	sbr.ind lr, $3  }
0x3a: {  	_ = 	snop  }
0x3b: {  	_ = 	snop  }
0x3c: {  	p2 =	seq.s32 s10, $0x1;
	s10 =	sld [smem:$0x3FA7]  }
0x3d: {  	_ =	shalt  }
0x3e: {  	_ =	shalt  }
0x3f: {  	_ =	shalt  }
0x40: {  	_ =	shalt  }
0x41: {  	_ =	shalt  }
0x42: {  	_ =	shalt  }
0x43: {  	_ =	shalt  }
0x44: {  	_ =	shalt  }
0x45: {  	_ =	shalt  }
0x46: {  	_ =	shalt  }
0x47: {  	_ =	shalt  }
0x48: {  	_ =	shalt  }
0x49: {  	_ =	shalt  }
0x4a: {  	_ =	shalt  }
0x4b: {  	_ =	shalt  }
0x4c: {  	_ =	shalt  }
0x4d: {  	_ =	shalt  }
0x4e: {  	_ =	shalt  }
0x4f: {  	_ =	shalt  }
0x50: {  	_ =	shalt  }
0x51: {  	_ =	shalt  }
0x52: {  	_ =	shalt  }
0x53: {  	_ =	shalt  }
0x54: {  	_ =	shalt  }
0x55: {  	_ =	shalt  }
0x56: {  	_ =	shalt  }
0x57: {  	_ =	shalt  }
0x58: {  	_ =	shalt  }
0x59: {  	_ =	shalt  }
0x5a: {  	_ =	shalt  }
0x5b: {  	_ =	shalt  }
0x5c: {  	_ =	shalt  }
0x5d: {  	_ =	shalt  }
0x5e: {  	_ =	shalt  }
0x5f: {  	_ =	shalt  }
0x60: {  	_ =	shalt  }
0x61: {  	_ =	shalt  }
0x62: {  	_ =	shalt  }
0x63: {  	_ =	shalt  }
0x64: {  	_ =	shalt  }
0x65: {  	_ =	shalt  }
0x66: {  	_ =	shalt  }
0x67: {  	_ =	shalt  }
0x68: {  	_ =	shalt  }
0x69: {  	_ =	shalt  }
0x6a: {  	_ =	shalt  }
0x6b: {  	_ =	shalt  }
0x6c: {  	_ =	shalt  }
0x6d: {  	_ =	shalt  }
0x6e: {  	_ =	shalt  }
0x6f: {  	_ =	shalt  }
0x70: {  	_ =	shalt  }
0x71: {  	_ =	shalt  }
0x72: {  	_ =	shalt  }
0x73: {  	_ =	shalt  }
0x74: {  	_ =	shalt  }
0x75: {  	_ =	shalt  }
0x76: {  	_ =	shalt  }
0x77: {  	_ =	shalt  }
0x78: {  	_ =	shalt  }
0x79: {  	_ =	shalt  }
0x7a: {  	_ =	shalt  }
0x7b: {  	_ =	shalt  }
0x7c: {  	_ =	shalt  }
0x7d: {  	_ =	shalt  }
0x7e: {  	_ =	shalt  }
0x7f: {  	_ =	shalt  }
0x80: {  	_ =	shalt  }
0x81: {  	_ =	shalt  }
0x82: {  	_ =	shalt  }
0x83: {  	_ =	shalt  }
0x84: {  	_ =	shalt  }
0x85: {  	_ =	shalt  }
0x86: {  	_ =	shalt  }
0x87: {  	_ =	shalt  }
.Lfunc_end0:
.L_simem_size_0:
called_computation.1_lowered:
.L_overlay_start_0:
0x88: {  	s2 =	sld [smem:$0x3FD9]  }
0x89: {  	s3 =	sld [smem:$0x3FFE];
	_ =	sdelay $0x1  }
0x8a: {  	s1 =	srdreg.scid  }
0x8b: {  	s0 =	sand.u32 $0x1, s1  }
0x8c: {  	s16 =	sshll.u32 s0, $0xA;
	s2 =	sadd.s32 s3, s2  }
0x8d: {  	s2 =	sadd.s32 s2, s16  }
0x8e: {  	[smem:$0x3FB3] =	sst s2  }
0x8f: {  	_ = 	snop  }
0x90: {  	(tm) =	ssettm $0x1  }
0x91: {  	s17 =	sld [smem:$0x3FFB];
	_ =	sdelay $0x3  }
0x92: {  	_ =	strace s17  }
0x93: {  	s2 =	sld [smem:$0x3FFC];
	_ =	sdelay $0x3  }
0x94: {  	_ =	strace s2  }
0x95: {  	s2 =	sld [smem:$0x3FFD];
	_ =	sdelay $0x3  }
0x96: {  	_ =	strace s2  }
0x97: {  	_ =	strace $0x8FFFFFFF  }
0x98: {  	s18 =	sld [smem:$0x3FDB];
	_ =	sdelay $0x1  }
0x99: {  	s19 =	simm.s32 $_scs_section_size  }
0x9a: {  	s4 =	simm.s32 $_size__tile_overlayer_lowered;
	s5 =	simm.s32 $_tile_overlayer_lowered  }
0x9b: {  	s22 =	simm.s32 $0x1BFF;
	s21 =	sshll.u32 s5, $0x1;
	s2 =	sadd.s32 s19, s18  }
0x9c: {  	s6 =	simm.s32 $0x0;
	s20 =	sshll.u32 s4, $0x1;
	s4 =	sadd.s32 s21, s2  }
0x9d: {  	[timem:s6], [sflag:s22] =	dma.local [hbm:s4], s20  }
0x9e: {  	_ =	swait.ge [sflag:s22], s20  }
0x9f: {  	s3 =	ssub.s32 $0x0, s20;
	[sflag:s22] =	ssyncset.done $0x0  }
0xa0: {  	[sflag:s22] =	ssyncadd.s32 s3;
	_ =	sdelay $0x1  }
0xa1: {  	s23 =	simm.s32 $0x1B8B  }
0xa2: {  	_ =	swait.ge [sflag:s23], $0x1  }
0xa3: {  	[sflag:s23] =	ssyncset.done $0x0  }
0xa4: {  	s25 =	simm.s32 $0x1B8E;
	s24 =	sld [smem:$0x3FFE];
	[sflag:s23] =	ssyncadd.s32 $0xFFFFFFFF  }
0xa5: {  	s26 =	simm.s32 $execute0_lowered;
	[smem:$0x3FD2] =	sst s25  }
0xa6: {  	s4 =	sshll.u32 s26, $0x1;
	_ =	strace $0x80000049;
	[dreg:$0x1] =	wrdreg $0xFFFFFFFF  }
0xa7: {  	s28 =	simm.s32 $_size_execute0_lowered;
	s2 =	sadd.s32 s2, s4;
	[dreg:$0x0] =	wrdreg $0x0  }
0xa8: {  	s4 =	sshll.u32 s28, $0x1;
	[dreg:$0x2] =	wrdreg s2  }
0xa9: {  	[dreg:$0x3] =	wrdreg s4  }
0xaa: {  	[dreg:$0x4] =	wrdreg $0xC0  }
0xab: {  	_ =	task [dreg:s6], $0x5FFFF  }
0xac: {  	[dreg:$0x1] =	wrdreg $0xFFFFFFFF  }
0xad: {  	[dreg:$0x0] =	wrdreg $0x60  }
0xae: {  	[dreg:$0x2] =	wrdreg s24  }
0xaf: {  	[dreg:$0x3] =	wrdreg $0x40800  }
0xb0: {  	[dreg:$0x4] =	wrdreg $0x9  }
0xb1: {  	_ =	task.clear_ibuf [dreg:s6], $0x5FFFF;
	_ =	strace $0x90000049  }
0xb2: {  	s29 =	simm.s32 $0x9;
	_ =	strace $0x8000004B  }
0xb3: {  	_ =	swait.ge [sflag:s29], $0x1  }
0xb4: {  	[sflag:s29] =	ssyncadd.s32 $0xFFFFFFFF  }
0xb5: {  	_ =	strace $0x9000004B  }
0xb6: {  	_ =	sfence  }
0xb7: {  	s30 =	sld [smem:$0x0];
	_ =	sdelay $0x2  }
0xb8: {  	s31 =	sshll.u32 s1, $0xD;
	s1 =	sshrl.u32 s1, $0x2  }
0xb9: {  	s3 =	sand.u32 $0x4000, s31;
	s1 =	sadd.s32 s1, s30  }
0xba: {  	s0 =	sor.u32 s3, s0;
	s1 =	sshll.u32 s1, $0x11  }
0xbb: {  	s0 =	sor.u32 s1, s0  }
0xbc: {  	s0 =	sadd.s32 $0x8F2B, s0  }
0xbd: {  	[sflag:s0] =	ssyncadd.remote.s32 $0x1  }
0xbe: {  	_ =	sfence.sel $0xFFFF  }
0xbf: {  	[dreg:$0x0] =	wrdreg $0xFFFFFFFF;
	(pc) =	sbr.abs _section_cstart, $3  }
0xc0: {  	[dreg:$0x1] =	wrdreg $0xFFFFFFFF  }
0xc1: {  	_ =	task.clear_ibuf [dreg:s6], $0x2FFFF;
	_ =	strace $0x9FFFFFFF  }
0xc2: {  	(tm) =	ssettm $0x7FFFFFFF  }
0xc3: {  	_ =	shalt  }
tec
execute0_lowered:
.L_overlay_start_1:
0x0: {  	(tag) =	ssettag $0x1  }
0x1: {  	s4 =	rddreg [dreg:$0x0]  }
0x2: {  	s1 =	rddreg [dreg:$0x1];
	s3 =	simm.s32 $0x0;
	s2 =	srdreg.scid  }
0x3: {  	[smem:$0x7FF] =	sst s3;
	s11 =	sand.u32 $0x1, s2  }
0x4: {  	s2 =	stileid.u32;
	s5 =	smul.u32 $0x140000, s11  }
0x5: {  	s0 =	rddreg [dreg:$0x2];
	_ =	strace $0x8000004A;
	s6 =	smul.u32 $0x14000, s2  }
0x6: {  	s7 =	sshll.u32 s2, $0xC;
	s8 =	sshll.u32 s2, $0x5;
	s9 =	smul.u32 $0x50000, s2  }
0x7: {  	s28 =	ssub.s32 $0x2, s11;
	s15 =	sshll.u32 s11, $0xB;
	s16 =	sshll.u32 s11, $0x4  }
0x8: {  	s31 =	sshll.u32 s2, $0x6;
	s12 =	sadd.s32 s7, s4;
	s13 =	sadd.s32 s8, s4  }
0x9: {  	s30 =	sshrl.u32 s28, $0x1;
	s5 =	sadd.s32 s6, s5;
	s29 =	sshrl.u32 s9, $0x2  }
0xa: {  	s14 =	ssub.s32 s28, s30;
	s12 =	sadd.s32 s15, s12;
	s13 =	sadd.s32 s16, s13  }
0xb: {  	s15 =	simm.s32 $0x1;
	s16 =	sor.u32 $0x1C01, s31;
	s5 =	sshrl.u32 s5, $0x3  }
0xc: {  	s11 =	smax.u32 s14, $0x1;
	s12 =	sadd.s32 $0x280A00, s12;
	s13 =	sadd.s32 $0x5A00, s13  }
0xd: {  	s14 =	simm.s32 $0x80;
	s10 =	sadd.s32 s5, s4;
	s4 =	sadd.s32 s29, s1  }
0xe: {  	s5 =	sshll.u32 s2, $0x1;
	s6 =	sadd.s32 $0x4000, s4;
	s7 =	sadd.s32 $0x8000, s4  }
0xf: {  	v0 =	vimm.f32 $0.0e+00;
	s8 =	sadd.s32 $0xC000, s4;
	s9 =	sadd.s32 $0x10000, s4;
	s10 =	sadd.s32 $0x4F1A00, s10  }
.LBB2_1:
0x10: {  	s17 =	simm.s32 $0x0;
	s18 =	simm.s32 $0x200  }
.LBB2_2:
0x11: {  	p0 =	sne.s32 s18, $0xFE00;
	[tilespmem:s17+$0xF0] =	vst v0  }
0x12: {  	[tilespmem:s17+$0x80] =	vst v0  }
0x13: {  	[tilespmem:s17+$0x90] =	vst v0  }
.Ltmp0:
0x14: {  	[tilespmem:s17+$0xA0] =	vst v0;
	(pc) =	sbr.rel @p0 .LBB2_2-.Ltmp0, $4  }
0x15: {  	[tilespmem:s17+$0xB0] =	vst v0  }
0x16: {  	[tilespmem:s17+$0xC0] =	vst v0  }
0x17: {  	[tilespmem:s17+$0xD0] =	vst v0  }
0x18: {  	[tilespmem:s17+$0xE0] =	vst v0;
	s17 =	sshra.s32 s18, $0x2;
	s18 =	sadd.s32 $0x200, s18  }
0x19: {  	[tilespmem:s17+$0xF0] =	vst v0  }
0x1a: {  	[tilespmem:s17+$0x80] =	vst v0  }
0x1b: {  	[tilespmem:s17+$0x90] =	vst v0  }
0x1c: {  	[tilespmem:s17+$0xA0] =	vst v0  }
0x1d: {  	[tilespmem:s17+$0xB0] =	vst v0  }
0x1e: {  	[tilespmem:s17+$0xC0] =	vst v0  }
0x1f: {  	[tilespmem:s17+$0xD0] =	vst v0  }
0x20: {  	[tilespmem:s17+$0xE0] =	vst v0  }
0x21: {  	[spmem:s4] =	stream.linear.scatter [tilespmem:s14], [sflag:$0x1], $0x4000, $0x38;
	[tilespmem:$0x18080] =	vst v63  }
0x22: {  	_ =	swait.ge [sflag:s15], $0x4000  }
0x23: {  	[sflag:s15] =	ssyncset.done $0x0  }
0x24: {  	[sflag:s15] =	ssyncadd.s32 $0xFFFFC000  }
0x25: {  	[spmem:s6] =	stream.linear.scatter [tilespmem:s14], [sflag:$0x1], $0x4000, $0x38;
	[tilespmem:$0x18080] =	vst v63  }
0x26: {  	_ =	swait.ge [sflag:s15], $0x4000  }
0x27: {  	[sflag:s15] =	ssyncset.done $0x0  }
0x28: {  	[sflag:s15] =	ssyncadd.s32 $0xFFFFC000  }
0x29: {  	[spmem:s7] =	stream.linear.scatter [tilespmem:s14], [sflag:$0x1], $0x4000, $0x38;
	[tilespmem:$0x18080] =	vst v63  }
0x2a: {  	_ =	swait.ge [sflag:s15], $0x4000  }
0x2b: {  	[sflag:s15] =	ssyncset.done $0x0  }
0x2c: {  	[sflag:s15] =	ssyncadd.s32 $0xFFFFC000  }
0x2d: {  	[spmem:s8] =	stream.linear.scatter [tilespmem:s14], [sflag:$0x1], $0x4000, $0x38;
	[tilespmem:$0x18080] =	vst v63  }
0x2e: {  	_ =	swait.ge [sflag:s15], $0x4000  }
0x2f: {  	[sflag:s15] =	ssyncset.done $0x0  }
0x30: {  	[sflag:s15] =	ssyncadd.s32 $0xFFFFC000  }
0x31: {  	[spmem:s9] =	stream.linear.scatter [tilespmem:s14], [sflag:$0x1], $0x4000, $0x38;
	[tilespmem:$0x18080] =	vst v63  }
0x32: {  	_ =	swait.ge [sflag:s15], $0x4000  }
0x33: {  	s30 =	sadd.s32 $0x0, s5;
	[sflag:s15] =	ssyncset.done $0x0  }
0x34: {  	p0 =	sgt.u32 s30, $0x4E1;
	[sflag:s15] =	ssyncadd.s32 $0xFFFFC000  }
0x35: {  	s17 =	simm.s32 @!p0 $0x0;
	s19 =	simm.s32 @!p0 $0x2;
	[bflag:$0x0] =	sbarrier.arrive $0xFFFF  }
0x36: {  	[tilespmem:s17], [sflag:$0x2] =	stream.linear.gather @!p0 [hbm4b:s13+s17], $0x80, $0x38;
	[tilespmem:$0x18080] =	vst v63  }
0x37: {  	_ =	swait.ge @!p0 [sflag:s19], $0x80  }
0x38: {  	[sflag:s19] =	ssyncset.done @!p0 $0x0;
	p0 =	por p0, p0  }
0x39: {  	[sflag:s19] =	ssyncadd.s32 @!p0 $0xFFFFFF80;
	s21 =	simm.s32 @!p0 $0x80  }
0x3a: {  	[tilespmem:s21], [sflag:$0x2] =	stream.linear.gather @!p0 [hbm4b:s12+s17], $0x4000, $0x38;
	[tilespmem:$0x18080] =	vst v63  }
0x3b: {  	_ =	swait.ge @!p0 [sflag:s19], $0x4000  }
0x3c: {  	[sflag:s19] =	ssyncset.done @!p0 $0x0  }
0x3d: {  	s31 =	sadd.s32 $0x20, s5;
	s20 =	simm.s32 @!p0 $0x1;
	[sflag:s19] =	ssyncadd.s32 @!p0 $0xFFFFC000  }
0x3e: {  	[spmem:s1] =	stream.indirect.scatter.add.f32 @!p0 [tilespmem:s21], [sflag:$0x1], $0x80, s17, s21, $0xb8;
	[tilespmem:$0x18080] =	vst v63  }
0x3f: {  	s18 =	simm.s32 $0x40;
	p1 =	sgt.u32 s31, $0x4E1;
	_ =	swait.ge @!p0 [sflag:s20], $0x4000  }
0x40: {  	s19 =	sadd.s32 $0x200, s13;
	s17 =	sadd.s32 $0x10000, s12;
	[sflag:s20] =	ssyncset.done @!p0 $0x0  }
.LBB2_4:
0x41: {  	s21 =	simm.s32 @!p1 $0x0;
	s22 =	simm.s32 @!p1 $0x2;
	[sflag:s20] =	ssyncadd.s32 @!p0 $0xFFFFC000  }
0x42: {  	[tilespmem:s21], [sflag:$0x2] =	stream.linear.gather @!p1 [hbm4b:s19+s21], $0x80, $0x38;
	[tilespmem:$0x18080] =	vst v63  }
0x43: {  	s23 =	smov.u32 s18;
	s18 =	sadd.s32 $0x20, s18;
	_ =	swait.ge @!p1 [sflag:s22], $0x80  }
0x44: {  	p0 =	por p1, p1;
	p2 =	sne.s32 s18, $0x500;
	[sflag:s22] =	ssyncset.done @!p1 $0x0  }
0x45: {  	s24 =	simm.s32 @!p0 $0x80;
	[sflag:s22] =	ssyncadd.s32 @!p0 $0xFFFFFF80  }
0x46: {  	[tilespmem:s24], [sflag:$0x2] =	stream.linear.gather @!p0 [hbm4b:s17+s21], $0x4000, $0x38;
	[tilespmem:$0x18080] =	vst v63  }
0x47: {  	_ =	swait.ge @!p0 [sflag:s22], $0x4000  }
.Ltmp1:
0x48: {  	[sflag:s22] =	ssyncset.done @!p0 $0x0;
	(pc) =	sbr.rel @p2 .LBB2_4-.Ltmp1, $4  }
0x49: {  	s20 =	simm.s32 @!p0 $0x1;
	[sflag:s22] =	ssyncadd.s32 @!p0 $0xFFFFC000  }
0x4a: {  	[spmem:s1] =	stream.indirect.scatter.add.f32 @!p0 [tilespmem:s24], [sflag:$0x1], $0x80, s21, s24, $0xb8;
	[tilespmem:$0x18080] =	vst v63  }
0x4b: {  	s19 =	sadd.s32 $0x200, s19;
	s21 =	sadd.s32 s23, s5;
	_ =	swait.ge @!p0 [sflag:s20], $0x4000  }
0x4c: {  	s17 =	sadd.s32 $0x10000, s17;
	p1 =	sgt.u32 s21, $0x4E1;
	[sflag:s20] =	ssyncset.done @!p0 $0x0  }
0x4d: {  	s18 =	simm.s32 @!p1 $0x0;
	s21 =	simm.s32 @!p1 $0x2;
	[sflag:s20] =	ssyncadd.s32 @!p0 $0xFFFFC000  }
0x4e: {  	[tilespmem:s18], [sflag:$0x2] =	stream.linear.gather @!p1 [hbm4b:s19+s18], $0x80, $0x38;
	[tilespmem:$0x18080] =	vst v63  }
0x4f: {  	_ =	swait.ge @!p1 [sflag:s21], $0x80  }
0x50: {  	p0 =	por p1, p1;
	[sflag:s21] =	ssyncset.done @!p1 $0x0  }
0x51: {  	s19 =	simm.s32 @!p0 $0x80;
	[sflag:s21] =	ssyncadd.s32 @!p0 $0xFFFFFF80  }
0x52: {  	[tilespmem:s19], [sflag:$0x2] =	stream.linear.gather @!p0 [hbm4b:s17+s18], $0x4000, $0x38;
	[tilespmem:$0x18080] =	vst v63  }
0x53: {  	_ =	swait.ge @!p0 [sflag:s21], $0x4000  }
0x54: {  	[sflag:s21] =	ssyncset.done @!p0 $0x0  }
0x55: {  	s17 =	simm.s32 @!p0 $0x1;
	[sflag:s21] =	ssyncadd.s32 @!p0 $0xFFFFC000  }
0x56: {  	[spmem:s1] =	stream.indirect.scatter.add.f32 @!p0 [tilespmem:s19], [sflag:$0x1], $0x80, s18, s19, $0xb8;
	[tilespmem:$0x18080] =	vst v63  }
0x57: {  	_ =	swait.ge @!p0 [sflag:s17], $0x4000  }
0x58: {  	s3 =	sadd.s32 $0x1, s3;
	[sflag:s17] =	ssyncset.done @!p0 $0x0  }
0x59: {  	[sflag:s17] =	ssyncadd.s32 @!p0 $0xFFFFC000;
	p0 =	sne.s32 s3, s11  }
.Ltmp2:
0x5a: {  	s31 =	sshrl.u32 s4, $0x3;
	[bflag:$0x0] =	sbarrier.arrive $0xFFFF;
	(pc) =	sbr.rel @p0 .LBB2_1-.Ltmp2, $4  }
0x5b: {  	[hbm:s10], [sflag:s16] =	dma.local [spmem:s31], $0x2800  }
0x5c: {  	_ =	swait.ge [sflag:s15], $0x2800  }
0x5d: {  	[sflag:s15] =	ssyncset.done $0x0  }
0x5e: {  	[sflag:s15] =	ssyncadd.s32 $0xFFFFD800  }
0x5f: {  	_ =	sfence.sel $0x180000  }
0x60: {  	[bflag:$0x0] =	sbarrier.arrive $0xFFFF  }
0x61: {  	p0 =	sne.s32 s2, $0x0;
	_ =	strace $0x9000004A  }
0x62: {  	s0 =	sadd.s32 @!p0 $0x100000, s0;
	[bflag:$0x2] =	sbarrier.arrive $0xFFFF  }
0x63: {  	[sflag:s0] =	ssyncadd.tile.s32 @!p0 $0x1;
	_ =	shalt  }
.Lfunc_end2:
_tile_overlayer_lowered:
.L_overlay_start_2:
0x64: {  	(tag) =	ssettag $0x2  }
0x65: {  	s0 =	rddreg [dreg:$0x0];
	s2 =	stileid.u32  }
0x66: {  	s1 =	rddreg [dreg:$0x1];
	p0 =	sne.s32 s2, $0x0  }
0x67: {  	s3 =	rddreg [dreg:$0x2];
	[bflag:$0x3] =	sbarrier.arrive $0xFFFF;
	s2 =	simm.s32 @!p0 $0x1C01  }
0x68: {  	[timem:s3], [sflag:s2] =	dma.local @!p0 [hbm:s0], s1  }
0x69: {  	s0 =	simm.s32 @!p0 $0x1  }
0x6a: {  	_ =	swait.ge @!p0 [sflag:s0], s1  }
0x6b: {  	s1 =	ssub.s32 @!p0 $0x0, s1;
	[sflag:s0] =	ssyncset.done @!p0 $0x0  }
0x6c: {  	[sflag:s0] =	ssyncadd.s32 @!p0 s1  }
0x6d: {  	[bflag:$0x3] =	sbarrier.arrive $0xFFFF  }
0x6e: {  	_ =	shalt  }

// kernel: kernel.22.cloned.1.call-start
scs
__scs_entry_jumppad:
0x0: {  	(pc) =	sbr.rel $0x88, $3  }
0x1: {  	(tag) =	ssettag $0x0;
	lr =	simm.s32 $0x1  }
0x2: {  	[smem:$0x3F8C] =	sst lr;
	_ =	strace $0xD0000000  }
0x3: {  	_ = 	snop  }
0x4: {  	_ = 	snop  }
0x5: {  	_ = 	snop  }
0x6: {  	_ = 	snop  }
0x7: {  	_ = 	snop  }
__scs_overlays_trampoline_lowered:
0x8: {  	[smem:$0x3F9B] =	sst s0  }
0x9: {  	[smem:$0x3F9C] =	sst s1  }
0xa: {  	[smem:$0x3F9D] =	sst s2  }
0xb: {  	[smem:$0x3F9E] =	sst s3  }
0xc: {  	[smem:$0x3F9F] =	sst s4  }
0xd: {  	[smem:$0x3FA0] =	sst s5  }
0xe: {  	[smem:$0x3FA1] =	sst s6  }
0xf: {  	[smem:$0x3FA2] =	sst s7  }
0x10: {  	[smem:$0x3FA3] =	sst s8  }
0x11: {  	[smem:$0x3FA4] =	sst s9;
	s0 =	simm.s32 @!p0 $0x0  }
0x12: {  	s1 =	sld [smem:$0x3F8A];
	s0 =	simm.s32 @p0 $0x1  }
0x13: {  	[smem:$0x3FA5] =	sst s0;
	s0 =	simm.s32 @!p1 $0x0  }
0x14: {  	s2 =	sld [smem:$0x3F89];
	s0 =	simm.s32 @p1 $0x1  }
0x15: {  	[smem:$0x3FA6] =	sst s0;
	s0 =	simm.s32 @!p2 $0x0  }
0x16: {  	s3 =	sld [smem:$0x3FDB];
	s0 =	simm.s32 @p2 $0x1  }
0x17: {  	s4 =	simm.s32 $0x1BF5;
	[smem:$0x3FA8] =	sst s0  }
0x18: {  	s0 =	sld [smem:$0x3F8B];
	_ =	swait.ge [sflag:s4], $0x0  }
0x19: {  	s7 =	sld [smem:$0x3F8C]  }
0x1a: {  	s8 =	sadd.s32 $0xFFFFE003, lr  }
0x1b: {  	s9 =	sadd.s32 $0xFFFFFEF7, lr;
	s5 =	simm.s32 $0xFFFFFFFF;
	p2 =	slt.u32 s8, $0xFFFFF086  }
0x1c: {  	p1 =	slt.u32 s9, $0xF7A;
	s5 =	simm.s32 @!p2 $0x0  }
0x1d: {  	s5 =	simm.s32 @p1 $0x1;
	p0 =	seq.s32 s7, s2  }
0x1e: {  	s7 =	smul.u32 @!p0 $0xF7A, s2;
	p2 =	seq.s32 @!p0 s5, $0x0  }
0x1f: {  	s9 =	smul.u32 $0xF7A, s1;
	s8 =	simm.s32 @!p0 $0x1BF5;
	p2 =	por !p2, p0  }
0x20: {  	[sflag:s8] =	ssyncset.s32 @!p0 $0xFFFFF086;
	s6 =	sadd.s32 @!p0 s3, s7;
	s7 =	simm.s32 @!p0 $0x108  }
0x21: {  	s3 =	sadd.s32 s3, s9;
	s6 =	sadd.s32 @!p0 $0x88, s6;
	s7 =	simm.s32 @p2 $0x1082  }
0x22: {  	[simem:s7], [sflag:s8] =	dma.local @!p0 [hbm:s6], $0xF7A  }
0x23: {  	s9 =	sor.u32 $0xD0000000, s2;
	s6 =	simm.s32 $0x108;
	_ =	swait.ge @!p0 [sflag:s8], $0x0  }
0x24: {  	s3 =	sadd.s32 $0x88, s3;
	s6 =	simm.s32 @!p1 $0x1082;
	[sflag:s4] =	ssyncset.s32 $0xFFFFF086  }
0x25: {  	[simem:s6], [sflag:s4] =	dma.local [hbm:s3], $0xF7A  }
0x26: {  	[smem:$0x3F8C] =	sst s1;
	(tag) =	ssettag s2;
	_ =	strace s9  }
0x27: {  	s1 =	sld [smem:$0x3F9C]  }
0x28: {  	s2 =	sld [smem:$0x3F9D]  }
0x29: {  	s4 =	sld [smem:$0x3F9F]  }
0x2a: {  	p0 =	seq.s32 s5, $0x0;
	s5 =	sld [smem:$0x3FA0]  }
0x2b: {  	s6 =	sld [smem:$0x3FA1]  }
0x2c: {  	s7 =	sld [smem:$0x3FA2]  }
0x2d: {  	s3 =	simm.s32 $0x108;
	s8 =	sld [smem:$0x3FA3]  }
0x2e: {  	s3 =	simm.s32 @!p0 $0x1082;
	s9 =	sld [smem:$0x3FA4]  }
0x2f: {  	lr =	sadd.s32 s0, s3;
	s0 =	sld [smem:$0x3F9B]  }
0x30: {  	s3 =	sld [smem:$0x3F9E]  }
0x31: {  	[smem:$0x3FA7] =	sst s10  }
0x32: {  	s10 =	sld [smem:$0x3FA5];
	_ =	sdelay $0x3  }
0x33: {  	p0 =	seq.s32 s10, $0x1;
	s10 =	sld [smem:$0x3FA7];
	_ =	sdelay $0x3  }
0x34: {  	[smem:$0x3FA7] =	sst s10  }
0x35: {  	s10 =	sld [smem:$0x3FA6];
	_ =	sdelay $0x3  }
0x36: {  	p1 =	seq.s32 s10, $0x1;
	s10 =	sld [smem:$0x3FA7];
	_ =	sdelay $0x3  }
0x37: {  	[smem:$0x3FA7] =	sst s10  }
0x38: {  	s10 =	sld [smem:$0x3FA8]  }
0x39: {  	_ = 	snop;
	(pc) =	sbr.ind lr, $3  }
0x3a: {  	_ = 	snop  }
0x3b: {  	_ = 	snop  }
0x3c: {  	p2 =	seq.s32 s10, $0x1;
	s10 =	sld [smem:$0x3FA7]  }
0x3d: {  	_ =	shalt  }
0x3e: {  	_ =	shalt  }
0x3f: {  	_ =	shalt  }
0x40: {  	_ =	shalt  }
0x41: {  	_ =	shalt  }
0x42: {  	_ =	shalt  }
0x43: {  	_ =	shalt  }
0x44: {  	_ =	shalt  }
0x45: {  	_ =	shalt  }
0x46: {  	_ =	shalt  }
0x47: {  	_ =	shalt  }
0x48: {  	_ =	shalt  }
0x49: {  	_ =	shalt  }
0x4a: {  	_ =	shalt  }
0x4b: {  	_ =	shalt  }
0x4c: {  	_ =	shalt  }
0x4d: {  	_ =	shalt  }
0x4e: {  	_ =	shalt  }
0x4f: {  	_ =	shalt  }
0x50: {  	_ =	shalt  }
0x51: {  	_ =	shalt  }
0x52: {  	_ =	shalt  }
0x53: {  	_ =	shalt  }
0x54: {  	_ =	shalt  }
0x55: {  	_ =	shalt  }
0x56: {  	_ =	shalt  }
0x57: {  	_ =	shalt  }
0x58: {  	_ =	shalt  }
0x59: {  	_ =	shalt  }
0x5a: {  	_ =	shalt  }
0x5b: {  	_ =	shalt  }
0x5c: {  	_ =	shalt  }
0x5d: {  	_ =	shalt  }
0x5e: {  	_ =	shalt  }
0x5f: {  	_ =	shalt  }
0x60: {  	_ =	shalt  }
0x61: {  	_ =	shalt  }
0x62: {  	_ =	shalt  }
0x63: {  	_ =	shalt  }
0x64: {  	_ =	shalt  }
0x65: {  	_ =	shalt  }
0x66: {  	_ =	shalt  }
0x67: {  	_ =	shalt  }
0x68: {  	_ =	shalt  }
0x69: {  	_ =	shalt  }
0x6a: {  	_ =	shalt  }
0x6b: {  	_ =	shalt  }
0x6c: {  	_ =	shalt  }
0x6d: {  	_ =	shalt  }
0x6e: {  	_ =	shalt  }
0x6f: {  	_ =	shalt  }
0x70: {  	_ =	shalt  }
0x71: {  	_ =	shalt  }
0x72: {  	_ =	shalt  }
0x73: {  	_ =	shalt  }
0x74: {  	_ =	shalt  }
0x75: {  	_ =	shalt  }
0x76: {  	_ =	shalt  }
0x77: {  	_ =	shalt  }
0x78: {  	_ =	shalt  }
0x79: {  	_ =	shalt  }
0x7a: {  	_ =	shalt  }
0x7b: {  	_ =	shalt  }
0x7c: {  	_ =	shalt  }
0x7d: {  	_ =	shalt  }
0x7e: {  	_ =	shalt  }
0x7f: {  	_ =	shalt  }
0x80: {  	_ =	shalt  }
0x81: {  	_ =	shalt  }
0x82: {  	_ =	shalt  }
0x83: {  	_ =	shalt  }
0x84: {  	_ =	shalt  }
0x85: {  	_ =	shalt  }
0x86: {  	_ =	shalt  }
0x87: {  	_ =	shalt  }
.Lfunc_end0:
.L_simem_size_0:
called_computation.2_lowered:
.L_overlay_start_0:
0x88: {  	s2 =	sld [smem:$0x3FD9]  }
0x89: {  	s3 =	sld [smem:$0x3FFE];
	_ =	sdelay $0x1  }
0x8a: {  	s1 =	srdreg.scid  }
0x8b: {  	s0 =	sand.u32 $0x1, s1  }
0x8c: {  	s16 =	sshll.u32 s0, $0xA;
	s2 =	sadd.s32 s3, s2  }
0x8d: {  	s2 =	sadd.s32 s2, s16  }
0x8e: {  	[smem:$0x3FB3] =	sst s2  }
0x8f: {  	_ = 	snop  }
0x90: {  	(tm) =	ssettm $0x1  }
0x91: {  	s17 =	sld [smem:$0x3FFB];
	_ =	sdelay $0x3  }
0x92: {  	_ =	strace s17  }
0x93: {  	s2 =	sld [smem:$0x3FFC];
	_ =	sdelay $0x3  }
0x94: {  	_ =	strace s2  }
0x95: {  	s2 =	sld [smem:$0x3FFD];
	_ =	sdelay $0x3  }
0x96: {  	_ =	strace s2  }
0x97: {  	_ =	strace $0x8FFFFFFF  }
0x98: {  	s18 =	sld [smem:$0x3FDB];
	_ =	sdelay $0x1  }
0x99: {  	s19 =	simm.s32 $_scs_section_size  }
0x9a: {  	s4 =	simm.s32 $_size__tile_overlayer_lowered;
	s5 =	simm.s32 $_tile_overlayer_lowered  }
0x9b: {  	s22 =	simm.s32 $0x1BFF;
	s21 =	sshll.u32 s5, $0x1;
	s2 =	sadd.s32 s19, s18  }
0x9c: {  	s6 =	simm.s32 $0x0;
	s20 =	sshll.u32 s4, $0x1;
	s4 =	sadd.s32 s21, s2  }
0x9d: {  	[timem:s6], [sflag:s22] =	dma.local [hbm:s4], s20  }
0x9e: {  	_ =	swait.ge [sflag:s22], s20  }
0x9f: {  	s3 =	ssub.s32 $0x0, s20;
	[sflag:s22] =	ssyncset.done $0x0  }
0xa0: {  	[sflag:s22] =	ssyncadd.s32 s3;
	_ =	sdelay $0x1  }
0xa1: {  	s23 =	simm.s32 $0x1B8B  }
0xa2: {  	_ =	swait.ge [sflag:s23], $0x1  }
0xa3: {  	[sflag:s23] =	ssyncset.done $0x0  }
0xa4: {  	s25 =	simm.s32 $0x1B8E;
	s24 =	sld [smem:$0x3FFE];
	[sflag:s23] =	ssyncadd.s32 $0xFFFFFFFF  }
0xa5: {  	s26 =	simm.s32 $execute0_lowered;
	[smem:$0x3FD2] =	sst s25  }
0xa6: {  	s4 =	sshll.u32 s26, $0x1;
	_ =	strace $0x8000004C;
	[dreg:$0x1] =	wrdreg $0xFFFFFFFF  }
0xa7: {  	s28 =	simm.s32 $_size_execute0_lowered;
	s2 =	sadd.s32 s2, s4;
	[dreg:$0x0] =	wrdreg $0x0  }
0xa8: {  	s4 =	sshll.u32 s28, $0x1;
	[dreg:$0x2] =	wrdreg s2  }
0xa9: {  	[dreg:$0x3] =	wrdreg s4  }
0xaa: {  	[dreg:$0x4] =	wrdreg $0xC0  }
0xab: {  	_ =	task [dreg:s6], $0x5FFFF  }
0xac: {  	[dreg:$0x1] =	wrdreg $0xFFFFFFFF  }
0xad: {  	[dreg:$0x0] =	wrdreg $0x60  }
0xae: {  	[dreg:$0x2] =	wrdreg s24  }
0xaf: {  	[dreg:$0x3] =	wrdreg $0x81800  }
0xb0: {  	[dreg:$0x4] =	wrdreg $0x9  }
0xb1: {  	_ =	task.clear_ibuf [dreg:s6], $0x5FFFF;
	_ =	strace $0x9000004C  }
0xb2: {  	s29 =	simm.s32 $0x9;
	_ =	strace $0x8000004E  }
0xb3: {  	_ =	swait.ge [sflag:s29], $0x1  }
0xb4: {  	[sflag:s29] =	ssyncadd.s32 $0xFFFFFFFF  }
0xb5: {  	_ =	strace $0x9000004E  }
0xb6: {  	_ =	sfence  }
0xb7: {  	s30 =	sld [smem:$0x0];
	_ =	sdelay $0x2  }
0xb8: {  	s31 =	sshll.u32 s1, $0xD;
	s1 =	sshrl.u32 s1, $0x2  }
0xb9: {  	s3 =	sand.u32 $0x4000, s31;
	s1 =	sadd.s32 s1, s30  }
0xba: {  	s0 =	sor.u32 s3, s0;
	s1 =	sshll.u32 s1, $0x11  }
0xbb: {  	s0 =	sor.u32 s1, s0  }
0xbc: {  	s0 =	sadd.s32 $0x8F2B, s0  }
0xbd: {  	[sflag:s0] =	ssyncadd.remote.s32 $0x1  }
0xbe: {  	_ =	sfence.sel $0xFFFF  }
0xbf: {  	[dreg:$0x0] =	wrdreg $0xFFFFFFFF;
	(pc) =	sbr.abs _section_cstart, $3  }
0xc0: {  	[dreg:$0x1] =	wrdreg $0xFFFFFFFF  }
0xc1: {  	_ =	task.clear_ibuf [dreg:s6], $0x2FFFF;
	_ =	strace $0x9FFFFFFF  }
0xc2: {  	(tm) =	ssettm $0x7FFFFFFF  }
0xc3: {  	_ =	shalt  }
tec
execute0_lowered:
.L_overlay_start_1:
0x0: {  	(tag) =	ssettag $0x1  }
0x1: {  	s9 =	rddreg [dreg:$0x0]  }
0x2: {  	s1 =	rddreg [dreg:$0x1]  }
0x3: {  	s0 =	rddreg [dreg:$0x2];
	s3 =	simm.s32 $0x0  }
0x4: {  	s2 =	srdreg.scid;
	s17 =	simm.s32 $0x180;
	s18 =	simm.s32 $0x3  }
0x5: {  	s19 =	simm.s32 $0x80;
	s20 =	simm.s32 $0x4180;
	s21 =	simm.s32 $0x1  }
0x6: {  	s22 =	simm.s32 $0x100;
	s23 =	simm.s32 $0x2;
	s24 =	simm.s32 $0x0  }
0x7: {  	[smem:$0x7FF] =	sst s3;
	s4 =	sand.u32 $0x1, s2;
	s2 =	stileid.u32  }
0x8: {  	s5 =	sadd.s32 $0xFA00, s9;
	s6 =	sadd.s32 $0x541A00, s9;
	s10 =	smul.u32 $0x140000, s4  }
0x9: {  	s7 =	sadd.s32 $0xAA00, s9;
	s8 =	sadd.s32 $0x5A00, s9;
	s11 =	smul.u32 $0x14000, s2  }
0xa: {  	_ =	strace $0x8000004D;
	s12 =	smul.u32 $0x50000, s2;
	s31 =	ssub.s32 $0x2, s4  }
.Ltmp0:
0xb: {  	s13 =	sshrl.u32 s31, $0x1;
	s10 =	sadd.s32 s11, s10;
	(pc) =	sbr.rel .LBB2_1-.Ltmp0, $4  }
0xc: {  	s12 =	sshrl.u32 s12, $0x2;
	s16 =	ssub.s32 s31, s13;
	s10 =	sshrl.u32 s10, $0x3  }
0xd: {  	s16 =	smax.u32 s16, $0x1;
	s15 =	sadd.s32 s10, s9;
	s9 =	sadd.s32 s12, s1  }
0xe: {  	s10 =	sshll.u32 s2, $0x1;
	s11 =	sadd.s32 $0x4000, s9;
	s12 =	sadd.s32 $0x8000, s9  }
0xf: {  	v0 =	vimm.f32 $0.0e+00;
	s13 =	sadd.s32 $0xC000, s9;
	s14 =	sadd.s32 $0x10000, s9;
	s15 =	sadd.s32 $0x36C00, s15  }
.LBB2_11:
0x10: {  	_ =	swait.ge [sflag:s23], $0x4000  }
0x11: {  	s25 =	sshll.u32 s2, $0x6;
	s24 =	sadd.s32 $0x1, s24;
	[sflag:s23] =	ssyncset.done $0x0  }
0x12: {  	s26 =	sshrl.u32 s9, $0x3;
	p0 =	sne.s32 s24, s16;
	[sflag:s23] =	ssyncadd.s32 $0xFFFFC000  }
.Ltmp1:
0x13: {  	s25 =	sor.u32 $0x1C03, s25;
	[bflag:$0x0] =	sbarrier.arrive $0xFFFF;
	(pc) =	sbr.rel @!p0 .LBB2_12-.Ltmp1, $4  }
0x14: {  	[hbm:s15], [sflag:s25] =	dma.local [spmem:s26], $0x2800  }
0x15: {  	_ =	swait.ge [sflag:s18], $0x2800  }
0x16: {  	[sflag:s18] =	ssyncset.done $0x0  }
0x17: {  	[sflag:s18] =	ssyncadd.s32 $0xFFFFD800  }
.LBB2_1:
0x18: {  	s25 =	simm.s32 $0x0;
	s26 =	simm.s32 $0x200  }
.LBB2_2:
0x19: {  	p0 =	sne.s32 s26, $0xFE00;
	[tilespmem:s25+$0x1F0] =	vst v0  }
0x1a: {  	[tilespmem:s25+$0x180] =	vst v0  }
0x1b: {  	[tilespmem:s25+$0x190] =	vst v0  }
.Ltmp2:
0x1c: {  	[tilespmem:s25+$0x1A0] =	vst v0;
	(pc) =	sbr.rel @p0 .LBB2_2-.Ltmp2, $4  }
0x1d: {  	[tilespmem:s25+$0x1B0] =	vst v0  }
0x1e: {  	[tilespmem:s25+$0x1C0] =	vst v0  }
0x1f: {  	[tilespmem:s25+$0x1D0] =	vst v0  }
0x20: {  	[tilespmem:s25+$0x1E0] =	vst v0;
	s25 =	sshra.s32 s26, $0x2;
	s26 =	sadd.s32 $0x200, s26  }
0x21: {  	[tilespmem:s25+$0x1F0] =	vst v0  }
0x22: {  	[tilespmem:s25+$0x180] =	vst v0  }
0x23: {  	[tilespmem:s25+$0x190] =	vst v0  }
0x24: {  	[tilespmem:s25+$0x1A0] =	vst v0  }
0x25: {  	[tilespmem:s25+$0x1B0] =	vst v0  }
0x26: {  	[tilespmem:s25+$0x1C0] =	vst v0  }
0x27: {  	[tilespmem:s25+$0x1D0] =	vst v0  }
0x28: {  	[tilespmem:s25+$0x1E0] =	vst v0  }
0x29: {  	[spmem:s9] =	stream.linear.scatter [tilespmem:s17], [sflag:$0x3], $0x4000, $0x38;
	[tilespmem:$0x1C180] =	vst v63  }
0x2a: {  	_ =	swait.ge [sflag:s18], $0x4000  }
0x2b: {  	[sflag:s18] =	ssyncset.done $0x0  }
0x2c: {  	[sflag:s18] =	ssyncadd.s32 $0xFFFFC000  }
0x2d: {  	[spmem:s11] =	stream.linear.scatter [tilespmem:s17], [sflag:$0x3], $0x4000, $0x38;
	[tilespmem:$0x1C180] =	vst v63  }
0x2e: {  	_ =	swait.ge [sflag:s18], $0x4000  }
0x2f: {  	[sflag:s18] =	ssyncset.done $0x0  }
0x30: {  	[sflag:s18] =	ssyncadd.s32 $0xFFFFC000  }
0x31: {  	[spmem:s12] =	stream.linear.scatter [tilespmem:s17], [sflag:$0x3], $0x4000, $0x38;
	[tilespmem:$0x1C180] =	vst v63  }
0x32: {  	_ =	swait.ge [sflag:s18], $0x4000  }
0x33: {  	[sflag:s18] =	ssyncset.done $0x0  }
0x34: {  	[sflag:s18] =	ssyncadd.s32 $0xFFFFC000  }
0x35: {  	[spmem:s13] =	stream.linear.scatter [tilespmem:s17], [sflag:$0x3], $0x4000, $0x38;
	[tilespmem:$0x1C180] =	vst v63  }
0x36: {  	_ =	swait.ge [sflag:s18], $0x4000  }
0x37: {  	[sflag:s18] =	ssyncset.done $0x0  }
0x38: {  	[sflag:s18] =	ssyncadd.s32 $0xFFFFC000  }
0x39: {  	[spmem:s14] =	stream.linear.scatter [tilespmem:s17], [sflag:$0x3], $0x4000, $0x38;
	[tilespmem:$0x1C180] =	vst v63  }
.Ltmp3:
0x3a: {  	_ =	swait.ge [sflag:s18], $0x4000;
	(pc) =	sbr.rel .LBB2_4-.Ltmp3, $4  }
0x3b: {  	[sflag:s18] =	ssyncset.done $0x0  }
0x3c: {  	[sflag:s18] =	ssyncadd.s32 $0xFFFFC000  }
0x3d: {  	[bflag:$0x0] =	sbarrier.arrive $0xFFFF  }
0x3e: {  	s25 =	simm.s32 $0x0;
	s26 =	simm.s32 $0x0  }
.LBB2_10:
0x3f: {  	s26 =	sadd.s32 $0x1, s26  }
0x40: {  	p0 =	sne.s32 s26, $0x14  }
.Ltmp4:
0x41: {  	_ = 	snop;
	(pc) =	sbr.rel @!p0 .LBB2_11-.Ltmp4, $1  }
0x42: {  	_ =	sdelay $0x3  }
.LBB2_4:
0x43: {  	s28 =	sshll.u32 s26, $0x6  }
0x44: {  	s28 =	sor.u32 s28, s10  }
0x45: {  	s28 =	sor.u32 s4, s28  }
0x46: {  	s29 =	sshll.u32 s28, $0x4  }
0x47: {  	s30 =	sadd.s32 s7, s29  }
0x48: {  	[tilespmem:s3], [sflag:$0x3] =	stream.linear.gather [hbm4b:s30+s3], $0x80, $0x38;
	[tilespmem:$0x1C180] =	vst v63  }
0x49: {  	_ =	swait.ge [sflag:s18], $0x80  }
0x4a: {  	[sflag:s18] =	ssyncset.done $0x0  }
0x4b: {  	s29 =	sadd.s32 s8, s29;
	[sflag:s18] =	ssyncadd.s32 $0xFFFFFF80  }
0x4c: {  	[tilespmem:s19], [sflag:$0x3] =	stream.linear.gather [hbm4b:s29+s3], $0x80, $0x38;
	[tilespmem:$0x1C180] =	vst v63  }
0x4d: {  	_ =	swait.ge [sflag:s18], $0x80  }
0x4e: {  	p0 =	seq.s32 s26, $0x0;
	[sflag:s18] =	ssyncset.done $0x0  }
0x4f: {  	s29 =	simm.s32 @!p0 $0x2;
	[sflag:s18] =	ssyncadd.s32 $0xFFFFFF80  }
0x50: {  	_ =	swait.ge @!p0 [sflag:s29], $0x4000  }
0x51: {  	[sflag:s29] =	ssyncset.done @!p0 $0x0  }
0x52: {  	[sflag:s29] =	ssyncadd.s32 @!p0 $0xFFFFC000;
	s29 =	sshll.u32 s28, $0xB  }
0x53: {  	[tilespmem:s17], [sflag:$0x1] =	stream.indirect.gather [hbm4b:s5+s19], $0x80, s25, s19, $0xb8;
	[tilespmem:$0x1C180] =	vst v63  }
0x54: {  	s29 =	sadd.s32 s6, s29  }
0x55: {  	[tilespmem:s20], [sflag:$0x3] =	stream.linear.gather [hbm4b:s29+s25], $0x4000, $0x38;
	[tilespmem:$0x1C180] =	vst v63  }
0x56: {  	_ =	swait.ge [sflag:s18], $0x4000  }
0x57: {  	[sflag:s18] =	ssyncset.done $0x0  }
0x58: {  	[sflag:s18] =	ssyncadd.s32 $0xFFFFC000  }
0x59: {  	_ =	swait.ge [sflag:s21], $0x4000  }
0x5a: {  	[sflag:s21] =	ssyncset.done $0x0  }
0x5b: {  	s29 =	simm.s32 $0x0;
	[sflag:s21] =	ssyncadd.s32 $0xFFFFC000  }
0x5c: {  	v8 =	vld [tilespmem:s29+$0x4180]  }
0x5d: {  	v12 =	vld [tilespmem:s29+$0x4190]  }
0x5e: {  	v6 =	vld [tilespmem:s29+$0x41A0]  }
0x5f: {  	v5 =	vld [tilespmem:s29+$0x41B0]  }
0x60: {  	v4 =	vld [tilespmem:s29+$0x41C0]  }
0x61: {  	v3 =	vld [tilespmem:s29+$0x41D0]  }
0x62: {  	v2 =	vld [tilespmem:s29+$0x41E0]  }
0x63: {  	v1 =	vld [tilespmem:s29+$0x41F0]  }
0x64: {  	v13 =	vld [tilespmem:s29+$0x180]  }
0x65: {  	v14 =	vld [tilespmem:s29+$0x190]  }
0x66: {  	v11 =	vld [tilespmem:s29+$0x1A0]  }
0x67: {  	v10 =	vld [tilespmem:s29+$0x1B0]  }
0x68: {  	v9 =	vld [tilespmem:s29+$0x1C0]  }
0x69: {  	v7 =	vld [tilespmem:s29+$0x1D0];
	v13 =	vmul.f32 v8, v13  }
0x6a: {  	s30 =	simm.s32 $0x200;
	v12 =	vmul.f32 v12, v14;
	v8 =	vld [tilespmem:s29+$0x1E0]  }
.LBB2_5:
0x6b: {  	s31 =	sshra.s32 s30, $0x2;
	p0 =	sne.s32 s30, $0xFE00;
	[tilespmem:s29+$0x180] =	vst v13;
	v6 =	vmul.f32 v6, v11;
	v11 =	vld [tilespmem:s29+$0x1F0]  }
0x6c: {  	v13 =	vld [tilespmem:s31+$0x4180];
	[tilespmem:s29+$0x190] =	vst v12;
	v5 =	vmul.f32 v5, v10  }
0x6d: {  	v12 =	vld [tilespmem:s31+$0x4190];
	[tilespmem:s29+$0x1A0] =	vst v6;
	v4 =	vmul.f32 v4, v9  }
0x6e: {  	v6 =	vld [tilespmem:s31+$0x41A0];
	[tilespmem:s29+$0x1B0] =	vst v5;
	v3 =	vmul.f32 v3, v7  }
0x6f: {  	v5 =	vld [tilespmem:s31+$0x41B0];
	[tilespmem:s29+$0x1C0] =	vst v4;
	v2 =	vmul.f32 v2, v8  }
0x70: {  	v4 =	vld [tilespmem:s31+$0x41C0];
	[tilespmem:s29+$0x1D0] =	vst v3;
	v1 =	vmul.f32 v1, v11  }
0x71: {  	v3 =	vld [tilespmem:s31+$0x41D0];
	[tilespmem:s29+$0x1E0] =	vst v2  }
0x72: {  	v2 =	vld [tilespmem:s31+$0x41E0];
	[tilespmem:s29+$0x1F0] =	vst v1;
	s29 =	smov.u32 s31  }
0x73: {  	v1 =	vld [tilespmem:s29+$0x41F0]  }
0x74: {  	v7 =	vld [tilespmem:s29+$0x180]  }
0x75: {  	v8 =	vld [tilespmem:s29+$0x190]  }
.Ltmp5:
0x76: {  	v11 =	vld [tilespmem:s29+$0x1A0];
	(pc) =	sbr.rel @p0 .LBB2_5-.Ltmp5, $4  }
0x77: {  	v10 =	vld [tilespmem:s29+$0x1B0]  }
0x78: {  	v9 =	vld [tilespmem:s29+$0x1C0]  }
0x79: {  	v13 =	vmul.f32 v13, v7;
	v7 =	vld [tilespmem:s29+$0x1D0]  }
0x7a: {  	s30 =	sadd.s32 $0x200, s30;
	v12 =	vmul.f32 v12, v8;
	v8 =	vld [tilespmem:s29+$0x1E0]  }
0x7b: {  	[tilespmem:s29+$0x180] =	vst v13;
	v6 =	vmul.f32 v6, v11;
	v63 =	vld [tilespmem:s29+$0x1F0]  }
0x7c: {  	[tilespmem:s29+$0x190] =	vst v12;
	v5 =	vmul.f32 v5, v10  }
0x7d: {  	s28 =	sor.u32 $0x20, s28;
	[tilespmem:s29+$0x1A0] =	vst v6;
	v4 =	vmul.f32 v4, v9  }
0x7e: {  	p0 =	sgt.u32 s28, $0x4E1;
	[tilespmem:s29+$0x1B0] =	vst v5;
	v3 =	vmul.f32 v3, v7  }
.Ltmp6:
0x7f: {  	[tilespmem:s29+$0x1C0] =	vst v4;
	v2 =	vmul.f32 v2, v8;
	(pc) =	sbr.rel @p0 .LBB2_10-.Ltmp6, $4  }
0x80: {  	[tilespmem:s29+$0x1D0] =	vst v3;
	v1 =	vmul.f32 v1, v63  }
0x81: {  	[tilespmem:s29+$0x1E0] =	vst v2  }
0x82: {  	[tilespmem:s29+$0x1F0] =	vst v1  }
0x83: {  	[spmem:s1] =	stream.indirect.scatter.add.f32 [tilespmem:s17], [sflag:$0x2], $0x80, s19, s19, $0xb8;
	[tilespmem:$0x1C180] =	vst v63  }
0x84: {  	s29 =	sshll.u32 s28, $0x4  }
0x85: {  	s31 =	simm.s32 $0x0;
	s30 =	sadd.s32 s7, s29  }
0x86: {  	[tilespmem:s31], [sflag:$0x3] =	stream.linear.gather [hbm4b:s30+s31], $0x80, $0x38;
	[tilespmem:$0x1C180] =	vst v63  }
0x87: {  	_ =	swait.ge [sflag:s18], $0x80  }
0x88: {  	[sflag:s18] =	ssyncset.done $0x0  }
0x89: {  	s29 =	sadd.s32 s8, s29;
	[sflag:s18] =	ssyncadd.s32 $0xFFFFFF80  }
0x8a: {  	[tilespmem:s22], [sflag:$0x3] =	stream.linear.gather [hbm4b:s29+s31], $0x80, $0x38;
	[tilespmem:$0x1C180] =	vst v63  }
0x8b: {  	_ =	swait.ge [sflag:s18], $0x80  }
0x8c: {  	[sflag:s18] =	ssyncset.done $0x0  }
0x8d: {  	[sflag:s18] =	ssyncadd.s32 $0xFFFFFF80  }
0x8e: {  	_ =	swait.ge [sflag:s23], $0x4000  }
0x8f: {  	[sflag:s23] =	ssyncset.done $0x0  }
0x90: {  	s28 =	sshll.u32 s28, $0xB;
	[sflag:s23] =	ssyncadd.s32 $0xFFFFC000  }
0x91: {  	[tilespmem:s17], [sflag:$0x1] =	stream.indirect.gather [hbm4b:s5+s19], $0x80, s31, s19, $0xb8;
	[tilespmem:$0x1C180] =	vst v63  }
0x92: {  	s28 =	sadd.s32 s6, s28  }
0x93: {  	[tilespmem:s20], [sflag:$0x3] =	stream.linear.gather [hbm4b:s28+s31], $0x4000, $0x38;
	[tilespmem:$0x1C180] =	vst v63  }
0x94: {  	_ =	swait.ge [sflag:s18], $0x4000  }
0x95: {  	[sflag:s18] =	ssyncset.done $0x0  }
0x96: {  	[sflag:s18] =	ssyncadd.s32 $0xFFFFC000  }
0x97: {  	_ =	swait.ge [sflag:s21], $0x4000  }
0x98: {  	[sflag:s21] =	ssyncset.done $0x0  }
0x99: {  	s28 =	simm.s32 $0x0;
	[sflag:s21] =	ssyncadd.s32 $0xFFFFC000  }
0x9a: {  	v8 =	vld [tilespmem:s28+$0x4180]  }
0x9b: {  	v12 =	vld [tilespmem:s28+$0x4190]  }
0x9c: {  	v6 =	vld [tilespmem:s28+$0x41A0]  }
0x9d: {  	v5 =	vld [tilespmem:s28+$0x41B0]  }
0x9e: {  	v4 =	vld [tilespmem:s28+$0x41C0]  }
0x9f: {  	v3 =	vld [tilespmem:s28+$0x41D0]  }
0xa0: {  	v2 =	vld [tilespmem:s28+$0x41E0]  }
0xa1: {  	v1 =	vld [tilespmem:s28+$0x41F0]  }
0xa2: {  	v13 =	vld [tilespmem:s28+$0x180]  }
0xa3: {  	v14 =	vld [tilespmem:s28+$0x190]  }
0xa4: {  	v11 =	vld [tilespmem:s28+$0x1A0]  }
0xa5: {  	v10 =	vld [tilespmem:s28+$0x1B0]  }
0xa6: {  	v9 =	vld [tilespmem:s28+$0x1C0]  }
0xa7: {  	v7 =	vld [tilespmem:s28+$0x1D0];
	v13 =	vmul.f32 v8, v13  }
0xa8: {  	s29 =	simm.s32 $0x200;
	v12 =	vmul.f32 v12, v14;
	v8 =	vld [tilespmem:s28+$0x1E0]  }
.LBB2_8:
0xa9: {  	s30 =	sshra.s32 s29, $0x2;
	p0 =	sne.s32 s29, $0xFE00;
	[tilespmem:s28+$0x180] =	vst v13;
	v6 =	vmul.f32 v6, v11;
	v11 =	vld [tilespmem:s28+$0x1F0]  }
0xaa: {  	v13 =	vld [tilespmem:s30+$0x4180];
	[tilespmem:s28+$0x190] =	vst v12;
	v5 =	vmul.f32 v5, v10  }
0xab: {  	v12 =	vld [tilespmem:s30+$0x4190];
	[tilespmem:s28+$0x1A0] =	vst v6;
	v4 =	vmul.f32 v4, v9  }
0xac: {  	v6 =	vld [tilespmem:s30+$0x41A0];
	[tilespmem:s28+$0x1B0] =	vst v5;
	v3 =	vmul.f32 v3, v7  }
0xad: {  	v5 =	vld [tilespmem:s30+$0x41B0];
	[tilespmem:s28+$0x1C0] =	vst v4;
	v2 =	vmul.f32 v2, v8  }
0xae: {  	v4 =	vld [tilespmem:s30+$0x41C0];
	[tilespmem:s28+$0x1D0] =	vst v3;
	v1 =	vmul.f32 v1, v11  }
0xaf: {  	v3 =	vld [tilespmem:s30+$0x41D0];
	[tilespmem:s28+$0x1E0] =	vst v2  }
0xb0: {  	v2 =	vld [tilespmem:s30+$0x41E0];
	[tilespmem:s28+$0x1F0] =	vst v1;
	s28 =	smov.u32 s30  }
0xb1: {  	v1 =	vld [tilespmem:s28+$0x41F0]  }
0xb2: {  	v7 =	vld [tilespmem:s28+$0x180]  }
0xb3: {  	v8 =	vld [tilespmem:s28+$0x190]  }
.Ltmp7:
0xb4: {  	v11 =	vld [tilespmem:s28+$0x1A0];
	(pc) =	sbr.rel @p0 .LBB2_8-.Ltmp7, $4  }
0xb5: {  	v10 =	vld [tilespmem:s28+$0x1B0]  }
0xb6: {  	v9 =	vld [tilespmem:s28+$0x1C0]  }
0xb7: {  	v13 =	vmul.f32 v13, v7;
	v7 =	vld [tilespmem:s28+$0x1D0]  }
0xb8: {  	s29 =	sadd.s32 $0x200, s29;
	v12 =	vmul.f32 v12, v8;
	v8 =	vld [tilespmem:s28+$0x1E0]  }
0xb9: {  	[tilespmem:s28+$0x180] =	vst v13;
	v6 =	vmul.f32 v6, v11;
	v63 =	vld [tilespmem:s28+$0x1F0]  }
0xba: {  	[tilespmem:s28+$0x190] =	vst v12;
	v5 =	vmul.f32 v5, v10  }
0xbb: {  	[tilespmem:s28+$0x1A0] =	vst v6;
	v4 =	vmul.f32 v4, v9  }
0xbc: {  	[tilespmem:s28+$0x1B0] =	vst v5;
	v3 =	vmul.f32 v3, v7  }
.Ltmp8:
0xbd: {  	[tilespmem:s28+$0x1C0] =	vst v4;
	v2 =	vmul.f32 v2, v8;
	(pc) =	sbr.rel .LBB2_10-.Ltmp8, $4  }
0xbe: {  	[tilespmem:s28+$0x1D0] =	vst v3;
	v1 =	vmul.f32 v1, v63  }
0xbf: {  	[tilespmem:s28+$0x1E0] =	vst v2  }
0xc0: {  	[tilespmem:s28+$0x1F0] =	vst v1  }
0xc1: {  	[spmem:s1] =	stream.indirect.scatter.add.f32 [tilespmem:s17], [sflag:$0x2], $0x80, s22, s19, $0xb8;
	[tilespmem:$0x1C180] =	vst v63  }
.LBB2_12:
0xc2: {  	_ =	sfence.sel $0x180000  }
0xc3: {  	[bflag:$0x0] =	sbarrier.arrive $0xFFFF  }
0xc4: {  	p0 =	sne.s32 s2, $0x0;
	_ =	strace $0x9000004D  }
0xc5: {  	s0 =	sadd.s32 @!p0 $0x100000, s0;
	[bflag:$0x2] =	sbarrier.arrive $0xFFFF  }
0xc6: {  	[sflag:s0] =	ssyncadd.tile.s32 @!p0 $0x1;
	_ =	shalt  }
.Lfunc_end2:
_tile_overlayer_lowered:
.L_overlay_start_2:
0xc7: {  	(tag) =	ssettag $0x2  }
0xc8: {  	s0 =	rddreg [dreg:$0x0];
	s2 =	stileid.u32  }
0xc9: {  	s1 =	rddreg [dreg:$0x1];
	p0 =	sne.s32 s2, $0x0  }
0xca: {  	s3 =	rddreg [dreg:$0x2];
	[bflag:$0x3] =	sbarrier.arrive $0xFFFF;
	s2 =	simm.s32 @!p0 $0x1C03  }
0xcb: {  	[timem:s3], [sflag:s2] =	dma.local @!p0 [hbm:s0], s1  }
0xcc: {  	s0 =	simm.s32 @!p0 $0x3  }
0xcd: {  	_ =	swait.ge @!p0 [sflag:s0], s1  }
0xce: {  	s1 =	ssub.s32 @!p0 $0x0, s1;
	[sflag:s0] =	ssyncset.done @!p0 $0x0  }
0xcf: {  	[sflag:s0] =	ssyncadd.s32 @!p0 s1  }
0xd0: {  	[bflag:$0x3] =	sbarrier.arrive $0xFFFF  }
0xd1: {  	_ =	shalt  }

// kernel: kernel.25.cloned.1.call-start
scs
__scs_entry_jumppad:
0x0: {  	(pc) =	sbr.rel $0x88, $3  }
0x1: {  	(tag) =	ssettag $0x0;
	lr =	simm.s32 $0x1  }
0x2: {  	[smem:$0x3F8C] =	sst lr;
	_ =	strace $0xD0000000  }
0x3: {  	_ = 	snop  }
0x4: {  	_ = 	snop  }
0x5: {  	_ = 	snop  }
0x6: {  	_ = 	snop  }
0x7: {  	_ = 	snop  }
__scs_overlays_trampoline_lowered:
0x8: {  	[smem:$0x3F9B] =	sst s0  }
0x9: {  	[smem:$0x3F9C] =	sst s1  }
0xa: {  	[smem:$0x3F9D] =	sst s2  }
0xb: {  	[smem:$0x3F9E] =	sst s3  }
0xc: {  	[smem:$0x3F9F] =	sst s4  }
0xd: {  	[smem:$0x3FA0] =	sst s5  }
0xe: {  	[smem:$0x3FA1] =	sst s6  }
0xf: {  	[smem:$0x3FA2] =	sst s7  }
0x10: {  	[smem:$0x3FA3] =	sst s8  }
0x11: {  	[smem:$0x3FA4] =	sst s9;
	s0 =	simm.s32 @!p0 $0x0  }
0x12: {  	s1 =	sld [smem:$0x3F8A];
	s0 =	simm.s32 @p0 $0x1  }
0x13: {  	[smem:$0x3FA5] =	sst s0;
	s0 =	simm.s32 @!p1 $0x0  }
0x14: {  	s2 =	sld [smem:$0x3F89];
	s0 =	simm.s32 @p1 $0x1  }
0x15: {  	[smem:$0x3FA6] =	sst s0;
	s0 =	simm.s32 @!p2 $0x0  }
0x16: {  	s3 =	sld [smem:$0x3FDB];
	s0 =	simm.s32 @p2 $0x1  }
0x17: {  	s4 =	simm.s32 $0x1BF5;
	[smem:$0x3FA8] =	sst s0  }
0x18: {  	s0 =	sld [smem:$0x3F8B];
	_ =	swait.ge [sflag:s4], $0x0  }
0x19: {  	s7 =	sld [smem:$0x3F8C]  }
0x1a: {  	s8 =	sadd.s32 $0xFFFFE003, lr  }
0x1b: {  	s9 =	sadd.s32 $0xFFFFFEF7, lr;
	s5 =	simm.s32 $0xFFFFFFFF;
	p2 =	slt.u32 s8, $0xFFFFF086  }
0x1c: {  	p1 =	slt.u32 s9, $0xF7A;
	s5 =	simm.s32 @!p2 $0x0  }
0x1d: {  	s5 =	simm.s32 @p1 $0x1;
	p0 =	seq.s32 s7, s2  }
0x1e: {  	s7 =	smul.u32 @!p0 $0xF7A, s2;
	p2 =	seq.s32 @!p0 s5, $0x0  }
0x1f: {  	s9 =	smul.u32 $0xF7A, s1;
	s8 =	simm.s32 @!p0 $0x1BF5;
	p2 =	por !p2, p0  }
0x20: {  	[sflag:s8] =	ssyncset.s32 @!p0 $0xFFFFF086;
	s6 =	sadd.s32 @!p0 s3, s7;
	s7 =	simm.s32 @!p0 $0x108  }
0x21: {  	s3 =	sadd.s32 s3, s9;
	s6 =	sadd.s32 @!p0 $0x88, s6;
	s7 =	simm.s32 @p2 $0x1082  }
0x22: {  	[simem:s7], [sflag:s8] =	dma.local @!p0 [hbm:s6], $0xF7A  }
0x23: {  	s9 =	sor.u32 $0xD0000000, s2;
	s6 =	simm.s32 $0x108;
	_ =	swait.ge @!p0 [sflag:s8], $0x0  }
0x24: {  	s3 =	sadd.s32 $0x88, s3;
	s6 =	simm.s32 @!p1 $0x1082;
	[sflag:s4] =	ssyncset.s32 $0xFFFFF086  }
0x25: {  	[simem:s6], [sflag:s4] =	dma.local [hbm:s3], $0xF7A  }
0x26: {  	[smem:$0x3F8C] =	sst s1;
	(tag) =	ssettag s2;
	_ =	strace s9  }
0x27: {  	s1 =	sld [smem:$0x3F9C]  }
0x28: {  	s2 =	sld [smem:$0x3F9D]  }
0x29: {  	s4 =	sld [smem:$0x3F9F]  }
0x2a: {  	p0 =	seq.s32 s5, $0x0;
	s5 =	sld [smem:$0x3FA0]  }
0x2b: {  	s6 =	sld [smem:$0x3FA1]  }
0x2c: {  	s7 =	sld [smem:$0x3FA2]  }
0x2d: {  	s3 =	simm.s32 $0x108;
	s8 =	sld [smem:$0x3FA3]  }
0x2e: {  	s3 =	simm.s32 @!p0 $0x1082;
	s9 =	sld [smem:$0x3FA4]  }
0x2f: {  	lr =	sadd.s32 s0, s3;
	s0 =	sld [smem:$0x3F9B]  }
0x30: {  	s3 =	sld [smem:$0x3F9E]  }
0x31: {  	[smem:$0x3FA7] =	sst s10  }
0x32: {  	s10 =	sld [smem:$0x3FA5];
	_ =	sdelay $0x3  }
0x33: {  	p0 =	seq.s32 s10, $0x1;
	s10 =	sld [smem:$0x3FA7];
	_ =	sdelay $0x3  }
0x34: {  	[smem:$0x3FA7] =	sst s10  }
0x35: {  	s10 =	sld [smem:$0x3FA6];
	_ =	sdelay $0x3  }
0x36: {  	p1 =	seq.s32 s10, $0x1;
	s10 =	sld [smem:$0x3FA7];
	_ =	sdelay $0x3  }
0x37: {  	[smem:$0x3FA7] =	sst s10  }
0x38: {  	s10 =	sld [smem:$0x3FA8]  }
0x39: {  	_ = 	snop;
	(pc) =	sbr.ind lr, $3  }
0x3a: {  	_ = 	snop  }
0x3b: {  	_ = 	snop  }
0x3c: {  	p2 =	seq.s32 s10, $0x1;
	s10 =	sld [smem:$0x3FA7]  }
0x3d: {  	_ =	shalt  }
0x3e: {  	_ =	shalt  }
0x3f: {  	_ =	shalt  }
0x40: {  	_ =	shalt  }
0x41: {  	_ =	shalt  }
0x42: {  	_ =	shalt  }
0x43: {  	_ =	shalt  }
0x44: {  	_ =	shalt  }
0x45: {  	_ =	shalt  }
0x46: {  	_ =	shalt  }
0x47: {  	_ =	shalt  }
0x48: {  	_ =	shalt  }
0x49: {  	_ =	shalt  }
0x4a: {  	_ =	shalt  }
0x4b: {  	_ =	shalt  }
0x4c: {  	_ =	shalt  }
0x4d: {  	_ =	shalt  }
0x4e: {  	_ =	shalt  }
0x4f: {  	_ =	shalt  }
0x50: {  	_ =	shalt  }
0x51: {  	_ =	shalt  }
0x52: {  	_ =	shalt  }
0x53: {  	_ =	shalt  }
0x54: {  	_ =	shalt  }
0x55: {  	_ =	shalt  }
0x56: {  	_ =	shalt  }
0x57: {  	_ =	shalt  }
0x58: {  	_ =	shalt  }
0x59: {  	_ =	shalt  }
0x5a: {  	_ =	shalt  }
0x5b: {  	_ =	shalt  }
0x5c: {  	_ =	shalt  }
0x5d: {  	_ =	shalt  }
0x5e: {  	_ =	shalt  }
0x5f: {  	_ =	shalt  }
0x60: {  	_ =	shalt  }
0x61: {  	_ =	shalt  }
0x62: {  	_ =	shalt  }
0x63: {  	_ =	shalt  }
0x64: {  	_ =	shalt  }
0x65: {  	_ =	shalt  }
0x66: {  	_ =	shalt  }
0x67: {  	_ =	shalt  }
0x68: {  	_ =	shalt  }
0x69: {  	_ =	shalt  }
0x6a: {  	_ =	shalt  }
0x6b: {  	_ =	shalt  }
0x6c: {  	_ =	shalt  }
0x6d: {  	_ =	shalt  }
0x6e: {  	_ =	shalt  }
0x6f: {  	_ =	shalt  }
0x70: {  	_ =	shalt  }
0x71: {  	_ =	shalt  }
0x72: {  	_ =	shalt  }
0x73: {  	_ =	shalt  }
0x74: {  	_ =	shalt  }
0x75: {  	_ =	shalt  }
0x76: {  	_ =	shalt  }
0x77: {  	_ =	shalt  }
0x78: {  	_ =	shalt  }
0x79: {  	_ =	shalt  }
0x7a: {  	_ =	shalt  }
0x7b: {  	_ =	shalt  }
0x7c: {  	_ =	shalt  }
0x7d: {  	_ =	shalt  }
0x7e: {  	_ =	shalt  }
0x7f: {  	_ =	shalt  }
0x80: {  	_ =	shalt  }
0x81: {  	_ =	shalt  }
0x82: {  	_ =	shalt  }
0x83: {  	_ =	shalt  }
0x84: {  	_ =	shalt  }
0x85: {  	_ =	shalt  }
0x86: {  	_ =	shalt  }
0x87: {  	_ =	shalt  }
.Lfunc_end0:
.L_simem_size_0:
called_computation.3_lowered:
.L_overlay_start_0:
0x88: {  	s2 =	sld [smem:$0x3FD9]  }
0x89: {  	s3 =	sld [smem:$0x3FFE];
	_ =	sdelay $0x1  }
0x8a: {  	s1 =	srdreg.scid  }
0x8b: {  	s0 =	sand.u32 $0x1, s1  }
0x8c: {  	s16 =	sshll.u32 s0, $0xA;
	s2 =	sadd.s32 s3, s2  }
0x8d: {  	s2 =	sadd.s32 s2, s16  }
0x8e: {  	[smem:$0x3FB3] =	sst s2  }
0x8f: {  	_ = 	snop  }
0x90: {  	(tm) =	ssettm $0x1  }
0x91: {  	s17 =	sld [smem:$0x3FFB];
	_ =	sdelay $0x3  }
0x92: {  	_ =	strace s17  }
0x93: {  	s2 =	sld [smem:$0x3FFC];
	_ =	sdelay $0x3  }
0x94: {  	_ =	strace s2  }
0x95: {  	s2 =	sld [smem:$0x3FFD];
	_ =	sdelay $0x3  }
0x96: {  	_ =	strace s2  }
0x97: {  	_ =	strace $0x8FFFFFFF  }
0x98: {  	s18 =	sld [smem:$0x3FDB];
	_ =	sdelay $0x1  }
0x99: {  	s19 =	simm.s32 $_scs_section_size  }
0x9a: {  	s4 =	simm.s32 $_size__tile_overlayer_lowered;
	s5 =	simm.s32 $_tile_overlayer_lowered  }
0x9b: {  	s22 =	simm.s32 $0x1BFF;
	s21 =	sshll.u32 s5, $0x1;
	s2 =	sadd.s32 s19, s18  }
0x9c: {  	s6 =	simm.s32 $0x0;
	s20 =	sshll.u32 s4, $0x1;
	s4 =	sadd.s32 s21, s2  }
0x9d: {  	[timem:s6], [sflag:s22] =	dma.local [hbm:s4], s20  }
0x9e: {  	_ =	swait.ge [sflag:s22], s20  }
0x9f: {  	s3 =	ssub.s32 $0x0, s20;
	[sflag:s22] =	ssyncset.done $0x0  }
0xa0: {  	[sflag:s22] =	ssyncadd.s32 s3;
	_ =	sdelay $0x1  }
0xa1: {  	s23 =	simm.s32 $0x1B8B  }
0xa2: {  	_ =	swait.ge [sflag:s23], $0x1  }
0xa3: {  	[sflag:s23] =	ssyncset.done $0x0  }
0xa4: {  	s25 =	simm.s32 $0x1B8E;
	s24 =	sld [smem:$0x3FFE];
	[sflag:s23] =	ssyncadd.s32 $0xFFFFFFFF  }
0xa5: {  	s26 =	simm.s32 $execute0_lowered;
	[smem:$0x3FD2] =	sst s25  }
0xa6: {  	s4 =	sshll.u32 s26, $0x1;
	_ =	strace $0x8000004F;
	[dreg:$0x1] =	wrdreg $0xFFFFFFFF  }
0xa7: {  	s28 =	simm.s32 $_size_execute0_lowered;
	s2 =	sadd.s32 s2, s4;
	[dreg:$0x0] =	wrdreg $0x0  }
0xa8: {  	s4 =	sshll.u32 s28, $0x1;
	[dreg:$0x2] =	wrdreg s2  }
0xa9: {  	[dreg:$0x3] =	wrdreg s4  }
0xaa: {  	[dreg:$0x4] =	wrdreg $0xC0  }
0xab: {  	_ =	task [dreg:s6], $0x5FFFF  }
0xac: {  	[dreg:$0x1] =	wrdreg $0xFFFFFFFF  }
0xad: {  	[dreg:$0x0] =	wrdreg $0x60  }
0xae: {  	[dreg:$0x2] =	wrdreg s24  }
0xaf: {  	[dreg:$0x3] =	wrdreg $0x81800  }
0xb0: {  	[dreg:$0x4] =	wrdreg $0x9  }
0xb1: {  	_ =	task.clear_ibuf [dreg:s6], $0x5FFFF;
	_ =	strace $0x9000004F  }
0xb2: {  	s29 =	simm.s32 $0x9;
	_ =	strace $0x80000051  }
0xb3: {  	_ =	swait.ge [sflag:s29], $0x1  }
0xb4: {  	[sflag:s29] =	ssyncadd.s32 $0xFFFFFFFF  }
0xb5: {  	_ =	strace $0x90000051  }
0xb6: {  	_ =	sfence  }
0xb7: {  	s30 =	sld [smem:$0x0];
	_ =	sdelay $0x2  }
0xb8: {  	s31 =	sshll.u32 s1, $0xD;
	s1 =	sshrl.u32 s1, $0x2  }
0xb9: {  	s3 =	sand.u32 $0x4000, s31;
	s1 =	sadd.s32 s1, s30  }
0xba: {  	s0 =	sor.u32 s3, s0;
	s1 =	sshll.u32 s1, $0x11  }
0xbb: {  	s0 =	sor.u32 s1, s0  }
0xbc: {  	s0 =	sadd.s32 $0x8F2B, s0  }
0xbd: {  	[sflag:s0] =	ssyncadd.remote.s32 $0x1  }
0xbe: {  	_ =	sfence.sel $0xFFFF  }
0xbf: {  	[dreg:$0x0] =	wrdreg $0xFFFFFFFF;
	(pc) =	sbr.abs _section_cstart, $3  }
0xc0: {  	[dreg:$0x1] =	wrdreg $0xFFFFFFFF  }
0xc1: {  	_ =	task.clear_ibuf [dreg:s6], $0x2FFFF;
	_ =	strace $0x9FFFFFFF  }
0xc2: {  	(tm) =	ssettm $0x7FFFFFFF  }
0xc3: {  	_ =	shalt  }
tec
execute0_lowered:
.L_overlay_start_1:
0x0: {  	(tag) =	ssettag $0x1  }
0x1: {  	s9 =	rddreg [dreg:$0x0]  }
0x2: {  	s1 =	rddreg [dreg:$0x1]  }
0x3: {  	s0 =	rddreg [dreg:$0x2];
	s3 =	simm.s32 $0x0  }
0x4: {  	s2 =	srdreg.scid;
	s17 =	simm.s32 $0x180;
	s18 =	simm.s32 $0x3  }
0x5: {  	s19 =	simm.s32 $0x80;
	s20 =	simm.s32 $0x4180;
	s21 =	simm.s32 $0x1  }
0x6: {  	s22 =	simm.s32 $0x100;
	s23 =	simm.s32 $0x2;
	s24 =	simm.s32 $0x0  }
0x7: {  	[smem:$0x7FF] =	sst s3;
	s4 =	sand.u32 $0x1, s2;
	s2 =	stileid.u32  }
0x8: {  	s5 =	sadd.s32 $0xFA00, s9;
	s6 =	sadd.s32 $0x7B2A00, s9;
	s10 =	smul.u32 $0x140000, s4  }
0x9: {  	s7 =	sadd.s32 $0xAA00, s9;
	s8 =	sadd.s32 $0x5A00, s9;
	s11 =	smul.u32 $0x14000, s2  }
0xa: {  	_ =	strace $0x80000050;
	s12 =	smul.u32 $0x50000, s2;
	s31 =	ssub.s32 $0x2, s4  }
.Ltmp0:
0xb: {  	s13 =	sshrl.u32 s31, $0x1;
	s10 =	sadd.s32 s11, s10;
	(pc) =	sbr.rel .LBB2_1-.Ltmp0, $4  }
0xc: {  	s12 =	sshrl.u32 s12, $0x2;
	s16 =	ssub.s32 s31, s13;
	s10 =	sshrl.u32 s10, $0x3  }
0xd: {  	s16 =	smax.u32 s16, $0x1;
	s15 =	sadd.s32 s10, s9;
	s9 =	sadd.s32 s12, s1  }
0xe: {  	s10 =	sshll.u32 s2, $0x1;
	s11 =	sadd.s32 $0x4000, s9;
	s12 =	sadd.s32 $0x8000, s9  }
0xf: {  	v0 =	vimm.f32 $0.0e+00;
	s13 =	sadd.s32 $0xC000, s9;
	s14 =	sadd.s32 $0x10000, s9;
	s15 =	sadd.s32 $0x36C00, s15  }
.LBB2_11:
0x10: {  	_ =	swait.ge [sflag:s23], $0x4000  }
0x11: {  	s25 =	sshll.u32 s2, $0x6;
	s24 =	sadd.s32 $0x1, s24;
	[sflag:s23] =	ssyncset.done $0x0  }
0x12: {  	s26 =	sshrl.u32 s9, $0x3;
	p0 =	sne.s32 s24, s16;
	[sflag:s23] =	ssyncadd.s32 $0xFFFFC000  }
.Ltmp1:
0x13: {  	s25 =	sor.u32 $0x1C03, s25;
	[bflag:$0x0] =	sbarrier.arrive $0xFFFF;
	(pc) =	sbr.rel @!p0 .LBB2_12-.Ltmp1, $4  }
0x14: {  	[hbm:s15], [sflag:s25] =	dma.local [spmem:s26], $0x2800  }
0x15: {  	_ =	swait.ge [sflag:s18], $0x2800  }
0x16: {  	[sflag:s18] =	ssyncset.done $0x0  }
0x17: {  	[sflag:s18] =	ssyncadd.s32 $0xFFFFD800  }
.LBB2_1:
0x18: {  	s25 =	simm.s32 $0x0;
	s26 =	simm.s32 $0x200  }
.LBB2_2:
0x19: {  	p0 =	sne.s32 s26, $0xFE00;
	[tilespmem:s25+$0x1F0] =	vst v0  }
0x1a: {  	[tilespmem:s25+$0x180] =	vst v0  }
0x1b: {  	[tilespmem:s25+$0x190] =	vst v0  }
.Ltmp2:
0x1c: {  	[tilespmem:s25+$0x1A0] =	vst v0;
	(pc) =	sbr.rel @p0 .LBB2_2-.Ltmp2, $4  }
0x1d: {  	[tilespmem:s25+$0x1B0] =	vst v0  }
0x1e: {  	[tilespmem:s25+$0x1C0] =	vst v0  }
0x1f: {  	[tilespmem:s25+$0x1D0] =	vst v0  }
0x20: {  	[tilespmem:s25+$0x1E0] =	vst v0;
	s25 =	sshra.s32 s26, $0x2;
	s26 =	sadd.s32 $0x200, s26  }
0x21: {  	[tilespmem:s25+$0x1F0] =	vst v0  }
0x22: {  	[tilespmem:s25+$0x180] =	vst v0  }
0x23: {  	[tilespmem:s25+$0x190] =	vst v0  }
0x24: {  	[tilespmem:s25+$0x1A0] =	vst v0  }
0x25: {  	[tilespmem:s25+$0x1B0] =	vst v0  }
0x26: {  	[tilespmem:s25+$0x1C0] =	vst v0  }
0x27: {  	[tilespmem:s25+$0x1D0] =	vst v0  }
0x28: {  	[tilespmem:s25+$0x1E0] =	vst v0  }
0x29: {  	[spmem:s9] =	stream.linear.scatter [tilespmem:s17], [sflag:$0x3], $0x4000, $0x38;
	[tilespmem:$0x1C180] =	vst v63  }
0x2a: {  	_ =	swait.ge [sflag:s18], $0x4000  }
0x2b: {  	[sflag:s18] =	ssyncset.done $0x0  }
0x2c: {  	[sflag:s18] =	ssyncadd.s32 $0xFFFFC000  }
0x2d: {  	[spmem:s11] =	stream.linear.scatter [tilespmem:s17], [sflag:$0x3], $0x4000, $0x38;
	[tilespmem:$0x1C180] =	vst v63  }
0x2e: {  	_ =	swait.ge [sflag:s18], $0x4000  }
0x2f: {  	[sflag:s18] =	ssyncset.done $0x0  }
0x30: {  	[sflag:s18] =	ssyncadd.s32 $0xFFFFC000  }
0x31: {  	[spmem:s12] =	stream.linear.scatter [tilespmem:s17], [sflag:$0x3], $0x4000, $0x38;
	[tilespmem:$0x1C180] =	vst v63  }
0x32: {  	_ =	swait.ge [sflag:s18], $0x4000  }
0x33: {  	[sflag:s18] =	ssyncset.done $0x0  }
0x34: {  	[sflag:s18] =	ssyncadd.s32 $0xFFFFC000  }
0x35: {  	[spmem:s13] =	stream.linear.scatter [tilespmem:s17], [sflag:$0x3], $0x4000, $0x38;
	[tilespmem:$0x1C180] =	vst v63  }
0x36: {  	_ =	swait.ge [sflag:s18], $0x4000  }
0x37: {  	[sflag:s18] =	ssyncset.done $0x0  }
0x38: {  	[sflag:s18] =	ssyncadd.s32 $0xFFFFC000  }
0x39: {  	[spmem:s14] =	stream.linear.scatter [tilespmem:s17], [sflag:$0x3], $0x4000, $0x38;
	[tilespmem:$0x1C180] =	vst v63  }
.Ltmp3:
0x3a: {  	_ =	swait.ge [sflag:s18], $0x4000;
	(pc) =	sbr.rel .LBB2_4-.Ltmp3, $4  }
0x3b: {  	[sflag:s18] =	ssyncset.done $0x0  }
0x3c: {  	[sflag:s18] =	ssyncadd.s32 $0xFFFFC000  }
0x3d: {  	[bflag:$0x0] =	sbarrier.arrive $0xFFFF  }
0x3e: {  	s25 =	simm.s32 $0x0;
	s26 =	simm.s32 $0x0  }
.LBB2_10:
0x3f: {  	s26 =	sadd.s32 $0x1, s26  }
0x40: {  	p0 =	sne.s32 s26, $0x14  }
.Ltmp4:
0x41: {  	_ = 	snop;
	(pc) =	sbr.rel @!p0 .LBB2_11-.Ltmp4, $1  }
0x42: {  	_ =	sdelay $0x3  }
.LBB2_4:
0x43: {  	s28 =	sshll.u32 s26, $0x6  }
0x44: {  	s28 =	sor.u32 s28, s10  }
0x45: {  	s28 =	sor.u32 s4, s28  }
0x46: {  	s29 =	sshll.u32 s28, $0x4  }
0x47: {  	s30 =	sadd.s32 s7, s29  }
0x48: {  	[tilespmem:s3], [sflag:$0x3] =	stream.linear.gather [hbm4b:s30+s3], $0x80, $0x38;
	[tilespmem:$0x1C180] =	vst v63  }
0x49: {  	_ =	swait.ge [sflag:s18], $0x80  }
0x4a: {  	[sflag:s18] =	ssyncset.done $0x0  }
0x4b: {  	s29 =	sadd.s32 s8, s29;
	[sflag:s18] =	ssyncadd.s32 $0xFFFFFF80  }
0x4c: {  	[tilespmem:s19], [sflag:$0x3] =	stream.linear.gather [hbm4b:s29+s3], $0x80, $0x38;
	[tilespmem:$0x1C180] =	vst v63  }
0x4d: {  	_ =	swait.ge [sflag:s18], $0x80  }
0x4e: {  	p0 =	seq.s32 s26, $0x0;
	[sflag:s18] =	ssyncset.done $0x0  }
0x4f: {  	s29 =	simm.s32 @!p0 $0x2;
	[sflag:s18] =	ssyncadd.s32 $0xFFFFFF80  }
0x50: {  	_ =	swait.ge @!p0 [sflag:s29], $0x4000  }
0x51: {  	[sflag:s29] =	ssyncset.done @!p0 $0x0  }
0x52: {  	[sflag:s29] =	ssyncadd.s32 @!p0 $0xFFFFC000;
	s29 =	sshll.u32 s28, $0xB  }
0x53: {  	[tilespmem:s17], [sflag:$0x1] =	stream.indirect.gather [hbm4b:s5+s19], $0x80, s25, s19, $0xb8;
	[tilespmem:$0x1C180] =	vst v63  }
0x54: {  	s29 =	sadd.s32 s6, s29  }
0x55: {  	[tilespmem:s20], [sflag:$0x3] =	stream.linear.gather [hbm4b:s29+s25], $0x4000, $0x38;
	[tilespmem:$0x1C180] =	vst v63  }
0x56: {  	_ =	swait.ge [sflag:s18], $0x4000  }
0x57: {  	[sflag:s18] =	ssyncset.done $0x0  }
0x58: {  	[sflag:s18] =	ssyncadd.s32 $0xFFFFC000  }
0x59: {  	_ =	swait.ge [sflag:s21], $0x4000  }
0x5a: {  	[sflag:s21] =	ssyncset.done $0x0  }
0x5b: {  	s29 =	simm.s32 $0x0;
	[sflag:s21] =	ssyncadd.s32 $0xFFFFC000  }
0x5c: {  	v8 =	vld [tilespmem:s29+$0x4180]  }
0x5d: {  	v12 =	vld [tilespmem:s29+$0x4190]  }
0x5e: {  	v6 =	vld [tilespmem:s29+$0x41A0]  }
0x5f: {  	v5 =	vld [tilespmem:s29+$0x41B0]  }
0x60: {  	v4 =	vld [tilespmem:s29+$0x41C0]  }
0x61: {  	v3 =	vld [tilespmem:s29+$0x41D0]  }
0x62: {  	v2 =	vld [tilespmem:s29+$0x41E0]  }
0x63: {  	v1 =	vld [tilespmem:s29+$0x41F0]  }
0x64: {  	v13 =	vld [tilespmem:s29+$0x180]  }
0x65: {  	v14 =	vld [tilespmem:s29+$0x190]  }
0x66: {  	v11 =	vld [tilespmem:s29+$0x1A0]  }
0x67: {  	v10 =	vld [tilespmem:s29+$0x1B0]  }
0x68: {  	v9 =	vld [tilespmem:s29+$0x1C0]  }
0x69: {  	v7 =	vld [tilespmem:s29+$0x1D0];
	v13 =	vmul.f32 v8, v13  }
0x6a: {  	s30 =	simm.s32 $0x200;
	v12 =	vmul.f32 v12, v14;
	v8 =	vld [tilespmem:s29+$0x1E0]  }
.LBB2_5:
0x6b: {  	s31 =	sshra.s32 s30, $0x2;
	p0 =	sne.s32 s30, $0xFE00;
	[tilespmem:s29+$0x180] =	vst v13;
	v6 =	vmul.f32 v6, v11;
	v11 =	vld [tilespmem:s29+$0x1F0]  }
0x6c: {  	v13 =	vld [tilespmem:s31+$0x4180];
	[tilespmem:s29+$0x190] =	vst v12;
	v5 =	vmul.f32 v5, v10  }
0x6d: {  	v12 =	vld [tilespmem:s31+$0x4190];
	[tilespmem:s29+$0x1A0] =	vst v6;
	v4 =	vmul.f32 v4, v9  }
0x6e: {  	v6 =	vld [tilespmem:s31+$0x41A0];
	[tilespmem:s29+$0x1B0] =	vst v5;
	v3 =	vmul.f32 v3, v7  }
0x6f: {  	v5 =	vld [tilespmem:s31+$0x41B0];
	[tilespmem:s29+$0x1C0] =	vst v4;
	v2 =	vmul.f32 v2, v8  }
0x70: {  	v4 =	vld [tilespmem:s31+$0x41C0];
	[tilespmem:s29+$0x1D0] =	vst v3;
	v1 =	vmul.f32 v1, v11  }
0x71: {  	v3 =	vld [tilespmem:s31+$0x41D0];
	[tilespmem:s29+$0x1E0] =	vst v2  }
0x72: {  	v2 =	vld [tilespmem:s31+$0x41E0];
	[tilespmem:s29+$0x1F0] =	vst v1;
	s29 =	smov.u32 s31  }
0x73: {  	v1 =	vld [tilespmem:s29+$0x41F0]  }
0x74: {  	v7 =	vld [tilespmem:s29+$0x180]  }
0x75: {  	v8 =	vld [tilespmem:s29+$0x190]  }
.Ltmp5:
0x76: {  	v11 =	vld [tilespmem:s29+$0x1A0];
	(pc) =	sbr.rel @p0 .LBB2_5-.Ltmp5, $4  }
0x77: {  	v10 =	vld [tilespmem:s29+$0x1B0]  }
0x78: {  	v9 =	vld [tilespmem:s29+$0x1C0]  }
0x79: {  	v13 =	vmul.f32 v13, v7;
	v7 =	vld [tilespmem:s29+$0x1D0]  }
0x7a: {  	s30 =	sadd.s32 $0x200, s30;
	v12 =	vmul.f32 v12, v8;
	v8 =	vld [tilespmem:s29+$0x1E0]  }
0x7b: {  	[tilespmem:s29+$0x180] =	vst v13;
	v6 =	vmul.f32 v6, v11;
	v63 =	vld [tilespmem:s29+$0x1F0]  }
0x7c: {  	[tilespmem:s29+$0x190] =	vst v12;
	v5 =	vmul.f32 v5, v10  }
0x7d: {  	s28 =	sor.u32 $0x20, s28;
	[tilespmem:s29+$0x1A0] =	vst v6;
	v4 =	vmul.f32 v4, v9  }
0x7e: {  	p0 =	sgt.u32 s28, $0x4E1;
	[tilespmem:s29+$0x1B0] =	vst v5;
	v3 =	vmul.f32 v3, v7  }
.Ltmp6:
0x7f: {  	[tilespmem:s29+$0x1C0] =	vst v4;
	v2 =	vmul.f32 v2, v8;
	(pc) =	sbr.rel @p0 .LBB2_10-.Ltmp6, $4  }
0x80: {  	[tilespmem:s29+$0x1D0] =	vst v3;
	v1 =	vmul.f32 v1, v63  }
0x81: {  	[tilespmem:s29+$0x1E0] =	vst v2  }
0x82: {  	[tilespmem:s29+$0x1F0] =	vst v1  }
0x83: {  	[spmem:s1] =	stream.indirect.scatter.add.f32 [tilespmem:s17], [sflag:$0x2], $0x80, s19, s19, $0xb8;
	[tilespmem:$0x1C180] =	vst v63  }
0x84: {  	s29 =	sshll.u32 s28, $0x4  }
0x85: {  	s31 =	simm.s32 $0x0;
	s30 =	sadd.s32 s7, s29  }
0x86: {  	[tilespmem:s31], [sflag:$0x3] =	stream.linear.gather [hbm4b:s30+s31], $0x80, $0x38;
	[tilespmem:$0x1C180] =	vst v63  }
0x87: {  	_ =	swait.ge [sflag:s18], $0x80  }
0x88: {  	[sflag:s18] =	ssyncset.done $0x0  }
0x89: {  	s29 =	sadd.s32 s8, s29;
	[sflag:s18] =	ssyncadd.s32 $0xFFFFFF80  }
0x8a: {  	[tilespmem:s22], [sflag:$0x3] =	stream.linear.gather [hbm4b:s29+s31], $0x80, $0x38;
	[tilespmem:$0x1C180] =	vst v63  }
0x8b: {  	_ =	swait.ge [sflag:s18], $0x80  }
0x8c: {  	[sflag:s18] =	ssyncset.done $0x0  }
0x8d: {  	[sflag:s18] =	ssyncadd.s32 $0xFFFFFF80  }
0x8e: {  	_ =	swait.ge [sflag:s23], $0x4000  }
0x8f: {  	[sflag:s23] =	ssyncset.done $0x0  }
0x90: {  	s28 =	sshll.u32 s28, $0xB;
	[sflag:s23] =	ssyncadd.s32 $0xFFFFC000  }
0x91: {  	[tilespmem:s17], [sflag:$0x1] =	stream.indirect.gather [hbm4b:s5+s19], $0x80, s31, s19, $0xb8;
	[tilespmem:$0x1C180] =	vst v63  }
0x92: {  	s28 =	sadd.s32 s6, s28  }
0x93: {  	[tilespmem:s20], [sflag:$0x3] =	stream.linear.gather [hbm4b:s28+s31], $0x4000, $0x38;
	[tilespmem:$0x1C180] =	vst v63  }
0x94: {  	_ =	swait.ge [sflag:s18], $0x4000  }
0x95: {  	[sflag:s18] =	ssyncset.done $0x0  }
0x96: {  	[sflag:s18] =	ssyncadd.s32 $0xFFFFC000  }
0x97: {  	_ =	swait.ge [sflag:s21], $0x4000  }
0x98: {  	[sflag:s21] =	ssyncset.done $0x0  }
0x99: {  	s28 =	simm.s32 $0x0;
	[sflag:s21] =	ssyncadd.s32 $0xFFFFC000  }
0x9a: {  	v8 =	vld [tilespmem:s28+$0x4180]  }
0x9b: {  	v12 =	vld [tilespmem:s28+$0x4190]  }
0x9c: {  	v6 =	vld [tilespmem:s28+$0x41A0]  }
0x9d: {  	v5 =	vld [tilespmem:s28+$0x41B0]  }
0x9e: {  	v4 =	vld [tilespmem:s28+$0x41C0]  }
0x9f: {  	v3 =	vld [tilespmem:s28+$0x41D0]  }
0xa0: {  	v2 =	vld [tilespmem:s28+$0x41E0]  }
0xa1: {  	v1 =	vld [tilespmem:s28+$0x41F0]  }
0xa2: {  	v13 =	vld [tilespmem:s28+$0x180]  }
0xa3: {  	v14 =	vld [tilespmem:s28+$0x190]  }
0xa4: {  	v11 =	vld [tilespmem:s28+$0x1A0]  }
0xa5: {  	v10 =	vld [tilespmem:s28+$0x1B0]  }
0xa6: {  	v9 =	vld [tilespmem:s28+$0x1C0]  }
0xa7: {  	v7 =	vld [tilespmem:s28+$0x1D0];
	v13 =	vmul.f32 v8, v13  }
0xa8: {  	s29 =	simm.s32 $0x200;
	v12 =	vmul.f32 v12, v14;
	v8 =	vld [tilespmem:s28+$0x1E0]  }
.LBB2_8:
0xa9: {  	s30 =	sshra.s32 s29, $0x2;
	p0 =	sne.s32 s29, $0xFE00;
	[tilespmem:s28+$0x180] =	vst v13;
	v6 =	vmul.f32 v6, v11;
	v11 =	vld [tilespmem:s28+$0x1F0]  }
0xaa: {  	v13 =	vld [tilespmem:s30+$0x4180];
	[tilespmem:s28+$0x190] =	vst v12;
	v5 =	vmul.f32 v5, v10  }
0xab: {  	v12 =	vld [tilespmem:s30+$0x4190];
	[tilespmem:s28+$0x1A0] =	vst v6;
	v4 =	vmul.f32 v4, v9  }
0xac: {  	v6 =	vld [tilespmem:s30+$0x41A0];
	[tilespmem:s28+$0x1B0] =	vst v5;
	v3 =	vmul.f32 v3, v7  }
0xad: {  	v5 =	vld [tilespmem:s30+$0x41B0];
	[tilespmem:s28+$0x1C0] =	vst v4;
	v2 =	vmul.f32 v2, v8  }
0xae: {  	v4 =	vld [tilespmem:s30+$0x41C0];
	[tilespmem:s28+$0x1D0] =	vst v3;
	v1 =	vmul.f32 v1, v11  }
0xaf: {  	v3 =	vld [tilespmem:s30+$0x41D0];
	[tilespmem:s28+$0x1E0] =	vst v2  }
0xb0: {  	v2 =	vld [tilespmem:s30+$0x41E0];
	[tilespmem:s28+$0x1F0] =	vst v1;
	s28 =	smov.u32 s30  }
0xb1: {  	v1 =	vld [tilespmem:s28+$0x41F0]  }
0xb2: {  	v7 =	vld [tilespmem:s28+$0x180]  }
0xb3: {  	v8 =	vld [tilespmem:s28+$0x190]  }
.Ltmp7:
0xb4: {  	v11 =	vld [tilespmem:s28+$0x1A0];
	(pc) =	sbr.rel @p0 .LBB2_8-.Ltmp7, $4  }
0xb5: {  	v10 =	vld [tilespmem:s28+$0x1B0]  }
0xb6: {  	v9 =	vld [tilespmem:s28+$0x1C0]  }
0xb7: {  	v13 =	vmul.f32 v13, v7;
	v7 =	vld [tilespmem:s28+$0x1D0]  }
0xb8: {  	s29 =	sadd.s32 $0x200, s29;
	v12 =	vmul.f32 v12, v8;
	v8 =	vld [tilespmem:s28+$0x1E0]  }
0xb9: {  	[tilespmem:s28+$0x180] =	vst v13;
	v6 =	vmul.f32 v6, v11;
	v63 =	vld [tilespmem:s28+$0x1F0]  }
0xba: {  	[tilespmem:s28+$0x190] =	vst v12;
	v5 =	vmul.f32 v5, v10  }
0xbb: {  	[tilespmem:s28+$0x1A0] =	vst v6;
	v4 =	vmul.f32 v4, v9  }
0xbc: {  	[tilespmem:s28+$0x1B0] =	vst v5;
	v3 =	vmul.f32 v3, v7  }
.Ltmp8:
0xbd: {  	[tilespmem:s28+$0x1C0] =	vst v4;
	v2 =	vmul.f32 v2, v8;
	(pc) =	sbr.rel .LBB2_10-.Ltmp8, $4  }
0xbe: {  	[tilespmem:s28+$0x1D0] =	vst v3;
	v1 =	vmul.f32 v1, v63  }
0xbf: {  	[tilespmem:s28+$0x1E0] =	vst v2  }
0xc0: {  	[tilespmem:s28+$0x1F0] =	vst v1  }
0xc1: {  	[spmem:s1] =	stream.indirect.scatter.add.f32 [tilespmem:s17], [sflag:$0x2], $0x80, s22, s19, $0xb8;
	[tilespmem:$0x1C180] =	vst v63  }
.LBB2_12:
0xc2: {  	_ =	sfence.sel $0x180000  }
0xc3: {  	[bflag:$0x0] =	sbarrier.arrive $0xFFFF  }
0xc4: {  	p0 =	sne.s32 s2, $0x0;
	_ =	strace $0x90000050  }
0xc5: {  	s0 =	sadd.s32 @!p0 $0x100000, s0;
	[bflag:$0x2] =	sbarrier.arrive $0xFFFF  }
0xc6: {  	[sflag:s0] =	ssyncadd.tile.s32 @!p0 $0x1;
	_ =	shalt  }
.Lfunc_end2:
_tile_overlayer_lowered:
.L_overlay_start_2:
0xc7: {  	(tag) =	ssettag $0x2  }
0xc8: {  	s0 =	rddreg [dreg:$0x0];
	s2 =	stileid.u32  }
0xc9: {  	s1 =	rddreg [dreg:$0x1];
	p0 =	sne.s32 s2, $0x0  }
0xca: {  	s3 =	rddreg [dreg:$0x2];
	[bflag:$0x3] =	sbarrier.arrive $0xFFFF;
	s2 =	simm.s32 @!p0 $0x1C03  }
0xcb: {  	[timem:s3], [sflag:s2] =	dma.local @!p0 [hbm:s0], s1  }
0xcc: {  	s0 =	simm.s32 @!p0 $0x3  }
0xcd: {  	_ =	swait.ge @!p0 [sflag:s0], s1  }
0xce: {  	s1 =	ssub.s32 @!p0 $0x0, s1;
	[sflag:s0] =	ssyncset.done @!p0 $0x0  }
0xcf: {  	[sflag:s0] =	ssyncadd.s32 @!p0 s1  }
0xd0: {  	[bflag:$0x3] =	sbarrier.arrive $0xFFFF  }
0xd1: {  	_ =	shalt  }

// kernel: kernel.28.cloned.1.call-start
scs
__scs_entry_jumppad:
0x0: {  	(pc) =	sbr.rel $0x88, $3  }
0x1: {  	(tag) =	ssettag $0x0;
	lr =	simm.s32 $0x1  }
0x2: {  	[smem:$0x3F8C] =	sst lr;
	_ =	strace $0xD0000000  }
0x3: {  	_ = 	snop  }
0x4: {  	_ = 	snop  }
0x5: {  	_ = 	snop  }
0x6: {  	_ = 	snop  }
0x7: {  	_ = 	snop  }
__scs_overlays_trampoline_lowered:
0x8: {  	[smem:$0x3F9B] =	sst s0  }
0x9: {  	[smem:$0x3F9C] =	sst s1  }
0xa: {  	[smem:$0x3F9D] =	sst s2  }
0xb: {  	[smem:$0x3F9E] =	sst s3  }
0xc: {  	[smem:$0x3F9F] =	sst s4  }
0xd: {  	[smem:$0x3FA0] =	sst s5  }
0xe: {  	[smem:$0x3FA1] =	sst s6  }
0xf: {  	[smem:$0x3FA2] =	sst s7  }
0x10: {  	[smem:$0x3FA3] =	sst s8  }
0x11: {  	[smem:$0x3FA4] =	sst s9;
	s0 =	simm.s32 @!p0 $0x0  }
0x12: {  	s1 =	sld [smem:$0x3F8A];
	s0 =	simm.s32 @p0 $0x1  }
0x13: {  	[smem:$0x3FA5] =	sst s0;
	s0 =	simm.s32 @!p1 $0x0  }
0x14: {  	s2 =	sld [smem:$0x3F89];
	s0 =	simm.s32 @p1 $0x1  }
0x15: {  	[smem:$0x3FA6] =	sst s0;
	s0 =	simm.s32 @!p2 $0x0  }
0x16: {  	s3 =	sld [smem:$0x3FDB];
	s0 =	simm.s32 @p2 $0x1  }
0x17: {  	s4 =	simm.s32 $0x1BF5;
	[smem:$0x3FA8] =	sst s0  }
0x18: {  	s0 =	sld [smem:$0x3F8B];
	_ =	swait.ge [sflag:s4], $0x0  }
0x19: {  	s7 =	sld [smem:$0x3F8C]  }
0x1a: {  	s8 =	sadd.s32 $0xFFFFE003, lr  }
0x1b: {  	s9 =	sadd.s32 $0xFFFFFEF7, lr;
	s5 =	simm.s32 $0xFFFFFFFF;
	p2 =	slt.u32 s8, $0xFFFFF086  }
0x1c: {  	p1 =	slt.u32 s9, $0xF7A;
	s5 =	simm.s32 @!p2 $0x0  }
0x1d: {  	s5 =	simm.s32 @p1 $0x1;
	p0 =	seq.s32 s7, s2  }
0x1e: {  	s7 =	smul.u32 @!p0 $0xF7A, s2;
	p2 =	seq.s32 @!p0 s5, $0x0  }
0x1f: {  	s9 =	smul.u32 $0xF7A, s1;
	s8 =	simm.s32 @!p0 $0x1BF5;
	p2 =	por !p2, p0  }
0x20: {  	[sflag:s8] =	ssyncset.s32 @!p0 $0xFFFFF086;
	s6 =	sadd.s32 @!p0 s3, s7;
	s7 =	simm.s32 @!p0 $0x108  }
0x21: {  	s3 =	sadd.s32 s3, s9;
	s6 =	sadd.s32 @!p0 $0x88, s6;
	s7 =	simm.s32 @p2 $0x1082  }
0x22: {  	[simem:s7], [sflag:s8] =	dma.local @!p0 [hbm:s6], $0xF7A  }
0x23: {  	s9 =	sor.u32 $0xD0000000, s2;
	s6 =	simm.s32 $0x108;
	_ =	swait.ge @!p0 [sflag:s8], $0x0  }
0x24: {  	s3 =	sadd.s32 $0x88, s3;
	s6 =	simm.s32 @!p1 $0x1082;
	[sflag:s4] =	ssyncset.s32 $0xFFFFF086  }
0x25: {  	[simem:s6], [sflag:s4] =	dma.local [hbm:s3], $0xF7A  }
0x26: {  	[smem:$0x3F8C] =	sst s1;
	(tag) =	ssettag s2;
	_ =	strace s9  }
0x27: {  	s1 =	sld [smem:$0x3F9C]  }
0x28: {  	s2 =	sld [smem:$0x3F9D]  }
0x29: {  	s4 =	sld [smem:$0x3F9F]  }
0x2a: {  	p0 =	seq.s32 s5, $0x0;
	s5 =	sld [smem:$0x3FA0]  }
0x2b: {  	s6 =	sld [smem:$0x3FA1]  }
0x2c: {  	s7 =	sld [smem:$0x3FA2]  }
0x2d: {  	s3 =	simm.s32 $0x108;
	s8 =	sld [smem:$0x3FA3]  }
0x2e: {  	s3 =	simm.s32 @!p0 $0x1082;
	s9 =	sld [smem:$0x3FA4]  }
0x2f: {  	lr =	sadd.s32 s0, s3;
	s0 =	sld [smem:$0x3F9B]  }
0x30: {  	s3 =	sld [smem:$0x3F9E]  }
0x31: {  	[smem:$0x3FA7] =	sst s10  }
0x32: {  	s10 =	sld [smem:$0x3FA5];
	_ =	sdelay $0x3  }
0x33: {  	p0 =	seq.s32 s10, $0x1;
	s10 =	sld [smem:$0x3FA7];
	_ =	sdelay $0x3  }
0x34: {  	[smem:$0x3FA7] =	sst s10  }
0x35: {  	s10 =	sld [smem:$0x3FA6];
	_ =	sdelay $0x3  }
0x36: {  	p1 =	seq.s32 s10, $0x1;
	s10 =	sld [smem:$0x3FA7];
	_ =	sdelay $0x3  }
0x37: {  	[smem:$0x3FA7] =	sst s10  }
0x38: {  	s10 =	sld [smem:$0x3FA8]  }
0x39: {  	_ = 	snop;
	(pc) =	sbr.ind lr, $3  }
0x3a: {  	_ = 	snop  }
0x3b: {  	_ = 	snop  }
0x3c: {  	p2 =	seq.s32 s10, $0x1;
	s10 =	sld [smem:$0x3FA7]  }
0x3d: {  	_ =	shalt  }
0x3e: {  	_ =	shalt  }
0x3f: {  	_ =	shalt  }
0x40: {  	_ =	shalt  }
0x41: {  	_ =	shalt  }
0x42: {  	_ =	shalt  }
0x43: {  	_ =	shalt  }
0x44: {  	_ =	shalt  }
0x45: {  	_ =	shalt  }
0x46: {  	_ =	shalt  }
0x47: {  	_ =	shalt  }
0x48: {  	_ =	shalt  }
0x49: {  	_ =	shalt  }
0x4a: {  	_ =	shalt  }
0x4b: {  	_ =	shalt  }
0x4c: {  	_ =	shalt  }
0x4d: {  	_ =	shalt  }
0x4e: {  	_ =	shalt  }
0x4f: {  	_ =	shalt  }
0x50: {  	_ =	shalt  }
0x51: {  	_ =	shalt  }
0x52: {  	_ =	shalt  }
0x53: {  	_ =	shalt  }
0x54: {  	_ =	shalt  }
0x55: {  	_ =	shalt  }
0x56: {  	_ =	shalt  }
0x57: {  	_ =	shalt  }
0x58: {  	_ =	shalt  }
0x59: {  	_ =	shalt  }
0x5a: {  	_ =	shalt  }
0x5b: {  	_ =	shalt  }
0x5c: {  	_ =	shalt  }
0x5d: {  	_ =	shalt  }
0x5e: {  	_ =	shalt  }
0x5f: {  	_ =	shalt  }
0x60: {  	_ =	shalt  }
0x61: {  	_ =	shalt  }
0x62: {  	_ =	shalt  }
0x63: {  	_ =	shalt  }
0x64: {  	_ =	shalt  }
0x65: {  	_ =	shalt  }
0x66: {  	_ =	shalt  }
0x67: {  	_ =	shalt  }
0x68: {  	_ =	shalt  }
0x69: {  	_ =	shalt  }
0x6a: {  	_ =	shalt  }
0x6b: {  	_ =	shalt  }
0x6c: {  	_ =	shalt  }
0x6d: {  	_ =	shalt  }
0x6e: {  	_ =	shalt  }
0x6f: {  	_ =	shalt  }
0x70: {  	_ =	shalt  }
0x71: {  	_ =	shalt  }
0x72: {  	_ =	shalt  }
0x73: {  	_ =	shalt  }
0x74: {  	_ =	shalt  }
0x75: {  	_ =	shalt  }
0x76: {  	_ =	shalt  }
0x77: {  	_ =	shalt  }
0x78: {  	_ =	shalt  }
0x79: {  	_ =	shalt  }
0x7a: {  	_ =	shalt  }
0x7b: {  	_ =	shalt  }
0x7c: {  	_ =	shalt  }
0x7d: {  	_ =	shalt  }
0x7e: {  	_ =	shalt  }
0x7f: {  	_ =	shalt  }
0x80: {  	_ =	shalt  }
0x81: {  	_ =	shalt  }
0x82: {  	_ =	shalt  }
0x83: {  	_ =	shalt  }
0x84: {  	_ =	shalt  }
0x85: {  	_ =	shalt  }
0x86: {  	_ =	shalt  }
0x87: {  	_ =	shalt  }
.Lfunc_end0:
.L_simem_size_0:
called_computation.4_lowered:
.L_overlay_start_0:
0x88: {  	s2 =	sld [smem:$0x3FD9]  }
0x89: {  	s3 =	sld [smem:$0x3FFE];
	_ =	sdelay $0x1  }
0x8a: {  	s1 =	srdreg.scid  }
0x8b: {  	s0 =	sand.u32 $0x1, s1  }
0x8c: {  	s16 =	sshll.u32 s0, $0xA;
	s2 =	sadd.s32 s3, s2  }
0x8d: {  	s2 =	sadd.s32 s2, s16  }
0x8e: {  	[smem:$0x3FB3] =	sst s2  }
0x8f: {  	_ = 	snop  }
0x90: {  	(tm) =	ssettm $0x1  }
0x91: {  	s17 =	sld [smem:$0x3FFB];
	_ =	sdelay $0x3  }
0x92: {  	_ =	strace s17  }
0x93: {  	s2 =	sld [smem:$0x3FFC];
	_ =	sdelay $0x3  }
0x94: {  	_ =	strace s2  }
0x95: {  	s2 =	sld [smem:$0x3FFD];
	_ =	sdelay $0x3  }
0x96: {  	_ =	strace s2  }
0x97: {  	_ =	strace $0x8FFFFFFF  }
0x98: {  	s18 =	sld [smem:$0x3FDB];
	_ =	sdelay $0x1  }
0x99: {  	s19 =	simm.s32 $_scs_section_size  }
0x9a: {  	s4 =	simm.s32 $_size__tile_overlayer_lowered;
	s5 =	simm.s32 $_tile_overlayer_lowered  }
0x9b: {  	s22 =	simm.s32 $0x1BFF;
	s21 =	sshll.u32 s5, $0x1;
	s2 =	sadd.s32 s19, s18  }
0x9c: {  	s6 =	simm.s32 $0x0;
	s20 =	sshll.u32 s4, $0x1;
	s4 =	sadd.s32 s21, s2  }
0x9d: {  	[timem:s6], [sflag:s22] =	dma.local [hbm:s4], s20  }
0x9e: {  	_ =	swait.ge [sflag:s22], s20  }
0x9f: {  	s3 =	ssub.s32 $0x0, s20;
	[sflag:s22] =	ssyncset.done $0x0  }
0xa0: {  	[sflag:s22] =	ssyncadd.s32 s3;
	_ =	sdelay $0x1  }
0xa1: {  	s23 =	simm.s32 $0x1B8B  }
0xa2: {  	_ =	swait.ge [sflag:s23], $0x1  }
0xa3: {  	[sflag:s23] =	ssyncset.done $0x0  }
0xa4: {  	s25 =	simm.s32 $0x1B8E;
	s24 =	sld [smem:$0x3FFE];
	[sflag:s23] =	ssyncadd.s32 $0xFFFFFFFF  }
0xa5: {  	s26 =	simm.s32 $execute0_lowered;
	[smem:$0x3FD2] =	sst s25  }
0xa6: {  	s4 =	sshll.u32 s26, $0x1;
	_ =	strace $0x80000052;
	[dreg:$0x1] =	wrdreg $0xFFFFFFFF  }
0xa7: {  	s28 =	simm.s32 $_size_execute0_lowered;
	s2 =	sadd.s32 s2, s4;
	[dreg:$0x0] =	wrdreg $0x0  }
0xa8: {  	s4 =	sshll.u32 s28, $0x1;
	[dreg:$0x2] =	wrdreg s2  }
0xa9: {  	[dreg:$0x3] =	wrdreg s4  }
0xaa: {  	[dreg:$0x4] =	wrdreg $0xC0  }
0xab: {  	_ =	task [dreg:s6], $0x5FFFF  }
0xac: {  	[dreg:$0x1] =	wrdreg $0xFFFFFFFF  }
0xad: {  	[dreg:$0x0] =	wrdreg $0x60  }
0xae: {  	[dreg:$0x2] =	wrdreg s24  }
0xaf: {  	[dreg:$0x3] =	wrdreg $0x81800  }
0xb0: {  	[dreg:$0x4] =	wrdreg $0x9  }
0xb1: {  	_ =	task.clear_ibuf [dreg:s6], $0x5FFFF;
	_ =	strace $0x90000052  }
0xb2: {  	s29 =	simm.s32 $0x9;
	_ =	strace $0x80000054  }
0xb3: {  	_ =	swait.ge [sflag:s29], $0x1  }
0xb4: {  	[sflag:s29] =	ssyncadd.s32 $0xFFFFFFFF  }
0xb5: {  	_ =	strace $0x90000054  }
0xb6: {  	_ =	sfence  }
0xb7: {  	s30 =	sld [smem:$0x0];
	_ =	sdelay $0x2  }
0xb8: {  	s31 =	sshll.u32 s1, $0xD;
	s1 =	sshrl.u32 s1, $0x2  }
0xb9: {  	s3 =	sand.u32 $0x4000, s31;
	s1 =	sadd.s32 s1, s30  }
0xba: {  	s0 =	sor.u32 s3, s0;
	s1 =	sshll.u32 s1, $0x11  }
0xbb: {  	s0 =	sor.u32 s1, s0  }
0xbc: {  	s0 =	sadd.s32 $0x8F2B, s0  }
0xbd: {  	[sflag:s0] =	ssyncadd.remote.s32 $0x1  }
0xbe: {  	_ =	sfence.sel $0xFFFF  }
0xbf: {  	[dreg:$0x0] =	wrdreg $0xFFFFFFFF;
	(pc) =	sbr.abs _section_cstart, $3  }
0xc0: {  	[dreg:$0x1] =	wrdreg $0xFFFFFFFF  }
0xc1: {  	_ =	task.clear_ibuf [dreg:s6], $0x2FFFF;
	_ =	strace $0x9FFFFFFF  }
0xc2: {  	(tm) =	ssettm $0x7FFFFFFF  }
0xc3: {  	_ =	shalt  }
tec
execute0_lowered:
.L_overlay_start_1:
0x0: {  	(tag) =	ssettag $0x1  }
0x1: {  	s9 =	rddreg [dreg:$0x0]  }
0x2: {  	s1 =	rddreg [dreg:$0x1]  }
0x3: {  	s0 =	rddreg [dreg:$0x2];
	s3 =	simm.s32 $0x0  }
0x4: {  	s2 =	srdreg.scid;
	s17 =	simm.s32 $0x180;
	s18 =	simm.s32 $0x3  }
0x5: {  	s19 =	simm.s32 $0x80;
	s20 =	simm.s32 $0x4180;
	s21 =	simm.s32 $0x1  }
0x6: {  	s22 =	simm.s32 $0x100;
	s23 =	simm.s32 $0x2;
	s24 =	simm.s32 $0x0  }
0x7: {  	[smem:$0x7FF] =	sst s3;
	s4 =	sand.u32 $0x1, s2;
	s2 =	stileid.u32  }
0x8: {  	s5 =	sadd.s32 $0xFA00, s9;
	s6 =	sadd.s32 $0xA23A00, s9;
	s10 =	smul.u32 $0x140000, s4  }
0x9: {  	s7 =	sadd.s32 $0xAA00, s9;
	s8 =	sadd.s32 $0x5A00, s9;
	s11 =	smul.u32 $0x14000, s2  }
0xa: {  	_ =	strace $0x80000053;
	s12 =	smul.u32 $0x50000, s2;
	s31 =	ssub.s32 $0x2, s4  }
.Ltmp0:
0xb: {  	s13 =	sshrl.u32 s31, $0x1;
	s10 =	sadd.s32 s11, s10;
	(pc) =	sbr.rel .LBB2_1-.Ltmp0, $4  }
0xc: {  	s12 =	sshrl.u32 s12, $0x2;
	s16 =	ssub.s32 s31, s13;
	s10 =	sshrl.u32 s10, $0x3  }
0xd: {  	s16 =	smax.u32 s16, $0x1;
	s15 =	sadd.s32 s10, s9;
	s9 =	sadd.s32 s12, s1  }
0xe: {  	s10 =	sshll.u32 s2, $0x1;
	s11 =	sadd.s32 $0x4000, s9;
	s12 =	sadd.s32 $0x8000, s9  }
0xf: {  	v0 =	vimm.f32 $0.0e+00;
	s13 =	sadd.s32 $0xC000, s9;
	s14 =	sadd.s32 $0x10000, s9;
	s15 =	sadd.s32 $0x36C00, s15  }
.LBB2_11:
0x10: {  	_ =	swait.ge [sflag:s23], $0x4000  }
0x11: {  	s25 =	sshll.u32 s2, $0x6;
	s24 =	sadd.s32 $0x1, s24;
	[sflag:s23] =	ssyncset.done $0x0  }
0x12: {  	s26 =	sshrl.u32 s9, $0x3;
	p0 =	sne.s32 s24, s16;
	[sflag:s23] =	ssyncadd.s32 $0xFFFFC000  }
.Ltmp1:
0x13: {  	s25 =	sor.u32 $0x1C03, s25;
	[bflag:$0x0] =	sbarrier.arrive $0xFFFF;
	(pc) =	sbr.rel @!p0 .LBB2_12-.Ltmp1, $4  }
0x14: {  	[hbm:s15], [sflag:s25] =	dma.local [spmem:s26], $0x2800  }
0x15: {  	_ =	swait.ge [sflag:s18], $0x2800  }
0x16: {  	[sflag:s18] =	ssyncset.done $0x0  }
0x17: {  	[sflag:s18] =	ssyncadd.s32 $0xFFFFD800  }
.LBB2_1:
0x18: {  	s25 =	simm.s32 $0x0;
	s26 =	simm.s32 $0x200  }
.LBB2_2:
0x19: {  	p0 =	sne.s32 s26, $0xFE00;
	[tilespmem:s25+$0x1F0] =	vst v0  }
0x1a: {  	[tilespmem:s25+$0x180] =	vst v0  }
0x1b: {  	[tilespmem:s25+$0x190] =	vst v0  }
.Ltmp2:
0x1c: {  	[tilespmem:s25+$0x1A0] =	vst v0;
	(pc) =	sbr.rel @p0 .LBB2_2-.Ltmp2, $4  }
0x1d: {  	[tilespmem:s25+$0x1B0] =	vst v0  }
0x1e: {  	[tilespmem:s25+$0x1C0] =	vst v0  }
0x1f: {  	[tilespmem:s25+$0x1D0] =	vst v0  }
0x20: {  	[tilespmem:s25+$0x1E0] =	vst v0;
	s25 =	sshra.s32 s26, $0x2;
	s26 =	sadd.s32 $0x200, s26  }
0x21: {  	[tilespmem:s25+$0x1F0] =	vst v0  }
0x22: {  	[tilespmem:s25+$0x180] =	vst v0  }
0x23: {  	[tilespmem:s25+$0x190] =	vst v0  }
0x24: {  	[tilespmem:s25+$0x1A0] =	vst v0  }
0x25: {  	[tilespmem:s25+$0x1B0] =	vst v0  }
0x26: {  	[tilespmem:s25+$0x1C0] =	vst v0  }
0x27: {  	[tilespmem:s25+$0x1D0] =	vst v0  }
0x28: {  	[tilespmem:s25+$0x1E0] =	vst v0  }
0x29: {  	[spmem:s9] =	stream.linear.scatter [tilespmem:s17], [sflag:$0x3], $0x4000, $0x38;
	[tilespmem:$0x1C180] =	vst v63  }
0x2a: {  	_ =	swait.ge [sflag:s18], $0x4000  }
0x2b: {  	[sflag:s18] =	ssyncset.done $0x0  }
0x2c: {  	[sflag:s18] =	ssyncadd.s32 $0xFFFFC000  }
0x2d: {  	[spmem:s11] =	stream.linear.scatter [tilespmem:s17], [sflag:$0x3], $0x4000, $0x38;
	[tilespmem:$0x1C180] =	vst v63  }
0x2e: {  	_ =	swait.ge [sflag:s18], $0x4000  }
0x2f: {  	[sflag:s18] =	ssyncset.done $0x0  }
0x30: {  	[sflag:s18] =	ssyncadd.s32 $0xFFFFC000  }
0x31: {  	[spmem:s12] =	stream.linear.scatter [tilespmem:s17], [sflag:$0x3], $0x4000, $0x38;
	[tilespmem:$0x1C180] =	vst v63  }
0x32: {  	_ =	swait.ge [sflag:s18], $0x4000  }
0x33: {  	[sflag:s18] =	ssyncset.done $0x0  }
0x34: {  	[sflag:s18] =	ssyncadd.s32 $0xFFFFC000  }
0x35: {  	[spmem:s13] =	stream.linear.scatter [tilespmem:s17], [sflag:$0x3], $0x4000, $0x38;
	[tilespmem:$0x1C180] =	vst v63  }
0x36: {  	_ =	swait.ge [sflag:s18], $0x4000  }
0x37: {  	[sflag:s18] =	ssyncset.done $0x0  }
0x38: {  	[sflag:s18] =	ssyncadd.s32 $0xFFFFC000  }
0x39: {  	[spmem:s14] =	stream.linear.scatter [tilespmem:s17], [sflag:$0x3], $0x4000, $0x38;
	[tilespmem:$0x1C180] =	vst v63  }
.Ltmp3:
0x3a: {  	_ =	swait.ge [sflag:s18], $0x4000;
	(pc) =	sbr.rel .LBB2_4-.Ltmp3, $4  }
0x3b: {  	[sflag:s18] =	ssyncset.done $0x0  }
0x3c: {  	[sflag:s18] =	ssyncadd.s32 $0xFFFFC000  }
0x3d: {  	[bflag:$0x0] =	sbarrier.arrive $0xFFFF  }
0x3e: {  	s25 =	simm.s32 $0x0;
	s26 =	simm.s32 $0x0  }
.LBB2_10:
0x3f: {  	s26 =	sadd.s32 $0x1, s26  }
0x40: {  	p0 =	sne.s32 s26, $0x14  }
.Ltmp4:
0x41: {  	_ = 	snop;
	(pc) =	sbr.rel @!p0 .LBB2_11-.Ltmp4, $1  }
0x42: {  	_ =	sdelay $0x3  }
.LBB2_4:
0x43: {  	s28 =	sshll.u32 s26, $0x6  }
0x44: {  	s28 =	sor.u32 s28, s10  }
0x45: {  	s28 =	sor.u32 s4, s28  }
0x46: {  	s29 =	sshll.u32 s28, $0x4  }
0x47: {  	s30 =	sadd.s32 s7, s29  }
0x48: {  	[tilespmem:s3], [sflag:$0x3] =	stream.linear.gather [hbm4b:s30+s3], $0x80, $0x38;
	[tilespmem:$0x1C180] =	vst v63  }
0x49: {  	_ =	swait.ge [sflag:s18], $0x80  }
0x4a: {  	[sflag:s18] =	ssyncset.done $0x0  }
0x4b: {  	s29 =	sadd.s32 s8, s29;
	[sflag:s18] =	ssyncadd.s32 $0xFFFFFF80  }
0x4c: {  	[tilespmem:s19], [sflag:$0x3] =	stream.linear.gather [hbm4b:s29+s3], $0x80, $0x38;
	[tilespmem:$0x1C180] =	vst v63  }
0x4d: {  	_ =	swait.ge [sflag:s18], $0x80  }
0x4e: {  	p0 =	seq.s32 s26, $0x0;
	[sflag:s18] =	ssyncset.done $0x0  }
0x4f: {  	s29 =	simm.s32 @!p0 $0x2;
	[sflag:s18] =	ssyncadd.s32 $0xFFFFFF80  }
0x50: {  	_ =	swait.ge @!p0 [sflag:s29], $0x4000  }
0x51: {  	[sflag:s29] =	ssyncset.done @!p0 $0x0  }
0x52: {  	[sflag:s29] =	ssyncadd.s32 @!p0 $0xFFFFC000;
	s29 =	sshll.u32 s28, $0xB  }
0x53: {  	[tilespmem:s17], [sflag:$0x1] =	stream.indirect.gather [hbm4b:s5+s19], $0x80, s25, s19, $0xb8;
	[tilespmem:$0x1C180] =	vst v63  }
0x54: {  	s29 =	sadd.s32 s6, s29  }
0x55: {  	[tilespmem:s20], [sflag:$0x3] =	stream.linear.gather [hbm4b:s29+s25], $0x4000, $0x38;
	[tilespmem:$0x1C180] =	vst v63  }
0x56: {  	_ =	swait.ge [sflag:s18], $0x4000  }
0x57: {  	[sflag:s18] =	ssyncset.done $0x0  }
0x58: {  	[sflag:s18] =	ssyncadd.s32 $0xFFFFC000  }
0x59: {  	_ =	swait.ge [sflag:s21], $0x4000  }
0x5a: {  	[sflag:s21] =	ssyncset.done $0x0  }
0x5b: {  	s29 =	simm.s32 $0x0;
	[sflag:s21] =	ssyncadd.s32 $0xFFFFC000  }
0x5c: {  	v8 =	vld [tilespmem:s29+$0x4180]  }
0x5d: {  	v12 =	vld [tilespmem:s29+$0x4190]  }
0x5e: {  	v6 =	vld [tilespmem:s29+$0x41A0]  }
0x5f: {  	v5 =	vld [tilespmem:s29+$0x41B0]  }
0x60: {  	v4 =	vld [tilespmem:s29+$0x41C0]  }
0x61: {  	v3 =	vld [tilespmem:s29+$0x41D0]  }
0x62: {  	v2 =	vld [tilespmem:s29+$0x41E0]  }
0x63: {  	v1 =	vld [tilespmem:s29+$0x41F0]  }
0x64: {  	v13 =	vld [tilespmem:s29+$0x180]  }
0x65: {  	v14 =	vld [tilespmem:s29+$0x190]  }
0x66: {  	v11 =	vld [tilespmem:s29+$0x1A0]  }
0x67: {  	v10 =	vld [tilespmem:s29+$0x1B0]  }
0x68: {  	v9 =	vld [tilespmem:s29+$0x1C0]  }
0x69: {  	v7 =	vld [tilespmem:s29+$0x1D0];
	v13 =	vmul.f32 v8, v13  }
0x6a: {  	s30 =	simm.s32 $0x200;
	v12 =	vmul.f32 v12, v14;
	v8 =	vld [tilespmem:s29+$0x1E0]  }
.LBB2_5:
0x6b: {  	s31 =	sshra.s32 s30, $0x2;
	p0 =	sne.s32 s30, $0xFE00;
	[tilespmem:s29+$0x180] =	vst v13;
	v6 =	vmul.f32 v6, v11;
	v11 =	vld [tilespmem:s29+$0x1F0]  }
0x6c: {  	v13 =	vld [tilespmem:s31+$0x4180];
	[tilespmem:s29+$0x190] =	vst v12;
	v5 =	vmul.f32 v5, v10  }
0x6d: {  	v12 =	vld [tilespmem:s31+$0x4190];
	[tilespmem:s29+$0x1A0] =	vst v6;
	v4 =	vmul.f32 v4, v9  }
0x6e: {  	v6 =	vld [tilespmem:s31+$0x41A0];
	[tilespmem:s29+$0x1B0] =	vst v5;
	v3 =	vmul.f32 v3, v7  }
0x6f: {  	v5 =	vld [tilespmem:s31+$0x41B0];
	[tilespmem:s29+$0x1C0] =	vst v4;
	v2 =	vmul.f32 v2, v8  }
0x70: {  	v4 =	vld [tilespmem:s31+$0x41C0];
	[tilespmem:s29+$0x1D0] =	vst v3;
	v1 =	vmul.f32 v1, v11  }
0x71: {  	v3 =	vld [tilespmem:s31+$0x41D0];
	[tilespmem:s29+$0x1E0] =	vst v2  }
0x72: {  	v2 =	vld [tilespmem:s31+$0x41E0];
	[tilespmem:s29+$0x1F0] =	vst v1;
	s29 =	smov.u32 s31  }
0x73: {  	v1 =	vld [tilespmem:s29+$0x41F0]  }
0x74: {  	v7 =	vld [tilespmem:s29+$0x180]  }
0x75: {  	v8 =	vld [tilespmem:s29+$0x190]  }
.Ltmp5:
0x76: {  	v11 =	vld [tilespmem:s29+$0x1A0];
	(pc) =	sbr.rel @p0 .LBB2_5-.Ltmp5, $4  }
0x77: {  	v10 =	vld [tilespmem:s29+$0x1B0]  }
0x78: {  	v9 =	vld [tilespmem:s29+$0x1C0]  }
0x79: {  	v13 =	vmul.f32 v13, v7;
	v7 =	vld [tilespmem:s29+$0x1D0]  }
0x7a: {  	s30 =	sadd.s32 $0x200, s30;
	v12 =	vmul.f32 v12, v8;
	v8 =	vld [tilespmem:s29+$0x1E0]  }
0x7b: {  	[tilespmem:s29+$0x180] =	vst v13;
	v6 =	vmul.f32 v6, v11;
	v63 =	vld [tilespmem:s29+$0x1F0]  }
0x7c: {  	[tilespmem:s29+$0x190] =	vst v12;
	v5 =	vmul.f32 v5, v10  }
0x7d: {  	s28 =	sor.u32 $0x20, s28;
	[tilespmem:s29+$0x1A0] =	vst v6;
	v4 =	vmul.f32 v4, v9  }
0x7e: {  	p0 =	sgt.u32 s28, $0x4E1;
	[tilespmem:s29+$0x1B0] =	vst v5;
	v3 =	vmul.f32 v3, v7  }
.Ltmp6:
0x7f: {  	[tilespmem:s29+$0x1C0] =	vst v4;
	v2 =	vmul.f32 v2, v8;
	(pc) =	sbr.rel @p0 .LBB2_10-.Ltmp6, $4  }
0x80: {  	[tilespmem:s29+$0x1D0] =	vst v3;
	v1 =	vmul.f32 v1, v63  }
0x81: {  	[tilespmem:s29+$0x1E0] =	vst v2  }
0x82: {  	[tilespmem:s29+$0x1F0] =	vst v1  }
0x83: {  	[spmem:s1] =	stream.indirect.scatter.add.f32 [tilespmem:s17], [sflag:$0x2], $0x80, s19, s19, $0xb8;
	[tilespmem:$0x1C180] =	vst v63  }
0x84: {  	s29 =	sshll.u32 s28, $0x4  }
0x85: {  	s31 =	simm.s32 $0x0;
	s30 =	sadd.s32 s7, s29  }
0x86: {  	[tilespmem:s31], [sflag:$0x3] =	stream.linear.gather [hbm4b:s30+s31], $0x80, $0x38;
	[tilespmem:$0x1C180] =	vst v63  }
0x87: {  	_ =	swait.ge [sflag:s18], $0x80  }
0x88: {  	[sflag:s18] =	ssyncset.done $0x0  }
0x89: {  	s29 =	sadd.s32 s8, s29;
	[sflag:s18] =	ssyncadd.s32 $0xFFFFFF80  }
0x8a: {  	[tilespmem:s22], [sflag:$0x3] =	stream.linear.gather [hbm4b:s29+s31], $0x80, $0x38;
	[tilespmem:$0x1C180] =	vst v63  }
0x8b: {  	_ =	swait.ge [sflag:s18], $0x80  }
0x8c: {  	[sflag:s18] =	ssyncset.done $0x0  }
0x8d: {  	[sflag:s18] =	ssyncadd.s32 $0xFFFFFF80  }
0x8e: {  	_ =	swait.ge [sflag:s23], $0x4000  }
0x8f: {  	[sflag:s23] =	ssyncset.done $0x0  }
0x90: {  	s28 =	sshll.u32 s28, $0xB;
	[sflag:s23] =	ssyncadd.s32 $0xFFFFC000  }
0x91: {  	[tilespmem:s17], [sflag:$0x1] =	stream.indirect.gather [hbm4b:s5+s19], $0x80, s31, s19, $0xb8;
	[tilespmem:$0x1C180] =	vst v63  }
0x92: {  	s28 =	sadd.s32 s6, s28  }
0x93: {  	[tilespmem:s20], [sflag:$0x3] =	stream.linear.gather [hbm4b:s28+s31], $0x4000, $0x38;
	[tilespmem:$0x1C180] =	vst v63  }
0x94: {  	_ =	swait.ge [sflag:s18], $0x4000  }
0x95: {  	[sflag:s18] =	ssyncset.done $0x0  }
0x96: {  	[sflag:s18] =	ssyncadd.s32 $0xFFFFC000  }
0x97: {  	_ =	swait.ge [sflag:s21], $0x4000  }
0x98: {  	[sflag:s21] =	ssyncset.done $0x0  }
0x99: {  	s28 =	simm.s32 $0x0;
	[sflag:s21] =	ssyncadd.s32 $0xFFFFC000  }
0x9a: {  	v8 =	vld [tilespmem:s28+$0x4180]  }
0x9b: {  	v12 =	vld [tilespmem:s28+$0x4190]  }
0x9c: {  	v6 =	vld [tilespmem:s28+$0x41A0]  }
0x9d: {  	v5 =	vld [tilespmem:s28+$0x41B0]  }
0x9e: {  	v4 =	vld [tilespmem:s28+$0x41C0]  }
0x9f: {  	v3 =	vld [tilespmem:s28+$0x41D0]  }
0xa0: {  	v2 =	vld [tilespmem:s28+$0x41E0]  }
0xa1: {  	v1 =	vld [tilespmem:s28+$0x41F0]  }
0xa2: {  	v13 =	vld [tilespmem:s28+$0x180]  }
0xa3: {  	v14 =	vld [tilespmem:s28+$0x190]  }
0xa4: {  	v11 =	vld [tilespmem:s28+$0x1A0]  }
0xa5: {  	v10 =	vld [tilespmem:s28+$0x1B0]  }
0xa6: {  	v9 =	vld [tilespmem:s28+$0x1C0]  }
0xa7: {  	v7 =	vld [tilespmem:s28+$0x1D0];
	v13 =	vmul.f32 v8, v13  }
0xa8: {  	s29 =	simm.s32 $0x200;
	v12 =	vmul.f32 v12, v14;
	v8 =	vld [tilespmem:s28+$0x1E0]  }
.LBB2_8:
0xa9: {  	s30 =	sshra.s32 s29, $0x2;
	p0 =	sne.s32 s29, $0xFE00;
	[tilespmem:s28+$0x180] =	vst v13;
	v6 =	vmul.f32 v6, v11;
	v11 =	vld [tilespmem:s28+$0x1F0]  }
0xaa: {  	v13 =	vld [tilespmem:s30+$0x4180];
	[tilespmem:s28+$0x190] =	vst v12;
	v5 =	vmul.f32 v5, v10  }
0xab: {  	v12 =	vld [tilespmem:s30+$0x4190];
	[tilespmem:s28+$0x1A0] =	vst v6;
	v4 =	vmul.f32 v4, v9  }
0xac: {  	v6 =	vld [tilespmem:s30+$0x41A0];
	[tilespmem:s28+$0x1B0] =	vst v5;
	v3 =	vmul.f32 v3, v7  }
0xad: {  	v5 =	vld [tilespmem:s30+$0x41B0];
	[tilespmem:s28+$0x1C0] =	vst v4;
	v2 =	vmul.f32 v2, v8  }
0xae: {  	v4 =	vld [tilespmem:s30+$0x41C0];
	[tilespmem:s28+$0x1D0] =	vst v3;
	v1 =	vmul.f32 v1, v11  }
0xaf: {  	v3 =	vld [tilespmem:s30+$0x41D0];
	[tilespmem:s28+$0x1E0] =	vst v2  }
0xb0: {  	v2 =	vld [tilespmem:s30+$0x41E0];
	[tilespmem:s28+$0x1F0] =	vst v1;
	s28 =	smov.u32 s30  }
0xb1: {  	v1 =	vld [tilespmem:s28+$0x41F0]  }
0xb2: {  	v7 =	vld [tilespmem:s28+$0x180]  }
0xb3: {  	v8 =	vld [tilespmem:s28+$0x190]  }
.Ltmp7:
0xb4: {  	v11 =	vld [tilespmem:s28+$0x1A0];
	(pc) =	sbr.rel @p0 .LBB2_8-.Ltmp7, $4  }
0xb5: {  	v10 =	vld [tilespmem:s28+$0x1B0]  }
0xb6: {  	v9 =	vld [tilespmem:s28+$0x1C0]  }
0xb7: {  	v13 =	vmul.f32 v13, v7;
	v7 =	vld [tilespmem:s28+$0x1D0]  }
0xb8: {  	s29 =	sadd.s32 $0x200, s29;
	v12 =	vmul.f32 v12, v8;
	v8 =	vld [tilespmem:s28+$0x1E0]  }
0xb9: {  	[tilespmem:s28+$0x180] =	vst v13;
	v6 =	vmul.f32 v6, v11;
	v63 =	vld [tilespmem:s28+$0x1F0]  }
0xba: {  	[tilespmem:s28+$0x190] =	vst v12;
	v5 =	vmul.f32 v5, v10  }
0xbb: {  	[tilespmem:s28+$0x1A0] =	vst v6;
	v4 =	vmul.f32 v4, v9  }
0xbc: {  	[tilespmem:s28+$0x1B0] =	vst v5;
	v3 =	vmul.f32 v3, v7  }
.Ltmp8:
0xbd: {  	[tilespmem:s28+$0x1C0] =	vst v4;
	v2 =	vmul.f32 v2, v8;
	(pc) =	sbr.rel .LBB2_10-.Ltmp8, $4  }
0xbe: {  	[tilespmem:s28+$0x1D0] =	vst v3;
	v1 =	vmul.f32 v1, v63  }
0xbf: {  	[tilespmem:s28+$0x1E0] =	vst v2  }
0xc0: {  	[tilespmem:s28+$0x1F0] =	vst v1  }
0xc1: {  	[spmem:s1] =	stream.indirect.scatter.add.f32 [tilespmem:s17], [sflag:$0x2], $0x80, s22, s19, $0xb8;
	[tilespmem:$0x1C180] =	vst v63  }
.LBB2_12:
0xc2: {  	_ =	sfence.sel $0x180000  }
0xc3: {  	[bflag:$0x0] =	sbarrier.arrive $0xFFFF  }
0xc4: {  	p0 =	sne.s32 s2, $0x0;
	_ =	strace $0x90000053  }
0xc5: {  	s0 =	sadd.s32 @!p0 $0x100000, s0;
	[bflag:$0x2] =	sbarrier.arrive $0xFFFF  }
0xc6: {  	[sflag:s0] =	ssyncadd.tile.s32 @!p0 $0x1;
	_ =	shalt  }
.Lfunc_end2:
_tile_overlayer_lowered:
.L_overlay_start_2:
0xc7: {  	(tag) =	ssettag $0x2  }
0xc8: {  	s0 =	rddreg [dreg:$0x0];
	s2 =	stileid.u32  }
0xc9: {  	s1 =	rddreg [dreg:$0x1];
	p0 =	sne.s32 s2, $0x0  }
0xca: {  	s3 =	rddreg [dreg:$0x2];
	[bflag:$0x3] =	sbarrier.arrive $0xFFFF;
	s2 =	simm.s32 @!p0 $0x1C03  }
0xcb: {  	[timem:s3], [sflag:s2] =	dma.local @!p0 [hbm:s0], s1  }
0xcc: {  	s0 =	simm.s32 @!p0 $0x3  }
0xcd: {  	_ =	swait.ge @!p0 [sflag:s0], s1  }
0xce: {  	s1 =	ssub.s32 @!p0 $0x0, s1;
	[sflag:s0] =	ssyncset.done @!p0 $0x0  }
0xcf: {  	[sflag:s0] =	ssyncadd.s32 @!p0 s1  }
0xd0: {  	[bflag:$0x3] =	sbarrier.arrive $0xFFFF  }
0xd1: {  	_ =	shalt  }

// kernel: kernel.31.cloned.1.call-start
scs
__scs_entry_jumppad:
0x0: {  	(pc) =	sbr.rel $0x88, $3  }
0x1: {  	(tag) =	ssettag $0x0;
	lr =	simm.s32 $0x1  }
0x2: {  	[smem:$0x3F8C] =	sst lr;
	_ =	strace $0xD0000000  }
0x3: {  	_ = 	snop  }
0x4: {  	_ = 	snop  }
0x5: {  	_ = 	snop  }
0x6: {  	_ = 	snop  }
0x7: {  	_ = 	snop  }
__scs_overlays_trampoline_lowered:
0x8: {  	[smem:$0x3F9B] =	sst s0  }
0x9: {  	[smem:$0x3F9C] =	sst s1  }
0xa: {  	[smem:$0x3F9D] =	sst s2  }
0xb: {  	[smem:$0x3F9E] =	sst s3  }
0xc: {  	[smem:$0x3F9F] =	sst s4  }
0xd: {  	[smem:$0x3FA0] =	sst s5  }
0xe: {  	[smem:$0x3FA1] =	sst s6  }
0xf: {  	[smem:$0x3FA2] =	sst s7  }
0x10: {  	[smem:$0x3FA3] =	sst s8  }
0x11: {  	[smem:$0x3FA4] =	sst s9;
	s0 =	simm.s32 @!p0 $0x0  }
0x12: {  	s1 =	sld [smem:$0x3F8A];
	s0 =	simm.s32 @p0 $0x1  }
0x13: {  	[smem:$0x3FA5] =	sst s0;
	s0 =	simm.s32 @!p1 $0x0  }
0x14: {  	s2 =	sld [smem:$0x3F89];
	s0 =	simm.s32 @p1 $0x1  }
0x15: {  	[smem:$0x3FA6] =	sst s0;
	s0 =	simm.s32 @!p2 $0x0  }
0x16: {  	s3 =	sld [smem:$0x3FDB];
	s0 =	simm.s32 @p2 $0x1  }
0x17: {  	s4 =	simm.s32 $0x1BF5;
	[smem:$0x3FA8] =	sst s0  }
0x18: {  	s0 =	sld [smem:$0x3F8B];
	_ =	swait.ge [sflag:s4], $0x0  }
0x19: {  	s7 =	sld [smem:$0x3F8C]  }
0x1a: {  	s8 =	sadd.s32 $0xFFFFE003, lr  }
0x1b: {  	s9 =	sadd.s32 $0xFFFFFEF7, lr;
	s5 =	simm.s32 $0xFFFFFFFF;
	p2 =	slt.u32 s8, $0xFFFFF086  }
0x1c: {  	p1 =	slt.u32 s9, $0xF7A;
	s5 =	simm.s32 @!p2 $0x0  }
0x1d: {  	s5 =	simm.s32 @p1 $0x1;
	p0 =	seq.s32 s7, s2  }
0x1e: {  	s7 =	smul.u32 @!p0 $0xF7A, s2;
	p2 =	seq.s32 @!p0 s5, $0x0  }
0x1f: {  	s9 =	smul.u32 $0xF7A, s1;
	s8 =	simm.s32 @!p0 $0x1BF5;
	p2 =	por !p2, p0  }
0x20: {  	[sflag:s8] =	ssyncset.s32 @!p0 $0xFFFFF086;
	s6 =	sadd.s32 @!p0 s3, s7;
	s7 =	simm.s32 @!p0 $0x108  }
0x21: {  	s3 =	sadd.s32 s3, s9;
	s6 =	sadd.s32 @!p0 $0x88, s6;
	s7 =	simm.s32 @p2 $0x1082  }
0x22: {  	[simem:s7], [sflag:s8] =	dma.local @!p0 [hbm:s6], $0xF7A  }
0x23: {  	s9 =	sor.u32 $0xD0000000, s2;
	s6 =	simm.s32 $0x108;
	_ =	swait.ge @!p0 [sflag:s8], $0x0  }
0x24: {  	s3 =	sadd.s32 $0x88, s3;
	s6 =	simm.s32 @!p1 $0x1082;
	[sflag:s4] =	ssyncset.s32 $0xFFFFF086  }
0x25: {  	[simem:s6], [sflag:s4] =	dma.local [hbm:s3], $0xF7A  }
0x26: {  	[smem:$0x3F8C] =	sst s1;
	(tag) =	ssettag s2;
	_ =	strace s9  }
0x27: {  	s1 =	sld [smem:$0x3F9C]  }
0x28: {  	s2 =	sld [smem:$0x3F9D]  }
0x29: {  	s4 =	sld [smem:$0x3F9F]  }
0x2a: {  	p0 =	seq.s32 s5, $0x0;
	s5 =	sld [smem:$0x3FA0]  }
0x2b: {  	s6 =	sld [smem:$0x3FA1]  }
0x2c: {  	s7 =	sld [smem:$0x3FA2]  }
0x2d: {  	s3 =	simm.s32 $0x108;
	s8 =	sld [smem:$0x3FA3]  }
0x2e: {  	s3 =	simm.s32 @!p0 $0x1082;
	s9 =	sld [smem:$0x3FA4]  }
0x2f: {  	lr =	sadd.s32 s0, s3;
	s0 =	sld [smem:$0x3F9B]  }
0x30: {  	s3 =	sld [smem:$0x3F9E]  }
0x31: {  	[smem:$0x3FA7] =	sst s10  }
0x32: {  	s10 =	sld [smem:$0x3FA5];
	_ =	sdelay $0x3  }
0x33: {  	p0 =	seq.s32 s10, $0x1;
	s10 =	sld [smem:$0x3FA7];
	_ =	sdelay $0x3  }
0x34: {  	[smem:$0x3FA7] =	sst s10  }
0x35: {  	s10 =	sld [smem:$0x3FA6];
	_ =	sdelay $0x3  }
0x36: {  	p1 =	seq.s32 s10, $0x1;
	s10 =	sld [smem:$0x3FA7];
	_ =	sdelay $0x3  }
0x37: {  	[smem:$0x3FA7] =	sst s10  }
0x38: {  	s10 =	sld [smem:$0x3FA8]  }
0x39: {  	_ = 	snop;
	(pc) =	sbr.ind lr, $3  }
0x3a: {  	_ = 	snop  }
0x3b: {  	_ = 	snop  }
0x3c: {  	p2 =	seq.s32 s10, $0x1;
	s10 =	sld [smem:$0x3FA7]  }
0x3d: {  	_ =	shalt  }
0x3e: {  	_ =	shalt  }
0x3f: {  	_ =	shalt  }
0x40: {  	_ =	shalt  }
0x41: {  	_ =	shalt  }
0x42: {  	_ =	shalt  }
0x43: {  	_ =	shalt  }
0x44: {  	_ =	shalt  }
0x45: {  	_ =	shalt  }
0x46: {  	_ =	shalt  }
0x47: {  	_ =	shalt  }
0x48: {  	_ =	shalt  }
0x49: {  	_ =	shalt  }
0x4a: {  	_ =	shalt  }
0x4b: {  	_ =	shalt  }
0x4c: {  	_ =	shalt  }
0x4d: {  	_ =	shalt  }
0x4e: {  	_ =	shalt  }
0x4f: {  	_ =	shalt  }
0x50: {  	_ =	shalt  }
0x51: {  	_ =	shalt  }
0x52: {  	_ =	shalt  }
0x53: {  	_ =	shalt  }
0x54: {  	_ =	shalt  }
0x55: {  	_ =	shalt  }
0x56: {  	_ =	shalt  }
0x57: {  	_ =	shalt  }
0x58: {  	_ =	shalt  }
0x59: {  	_ =	shalt  }
0x5a: {  	_ =	shalt  }
0x5b: {  	_ =	shalt  }
0x5c: {  	_ =	shalt  }
0x5d: {  	_ =	shalt  }
0x5e: {  	_ =	shalt  }
0x5f: {  	_ =	shalt  }
0x60: {  	_ =	shalt  }
0x61: {  	_ =	shalt  }
0x62: {  	_ =	shalt  }
0x63: {  	_ =	shalt  }
0x64: {  	_ =	shalt  }
0x65: {  	_ =	shalt  }
0x66: {  	_ =	shalt  }
0x67: {  	_ =	shalt  }
0x68: {  	_ =	shalt  }
0x69: {  	_ =	shalt  }
0x6a: {  	_ =	shalt  }
0x6b: {  	_ =	shalt  }
0x6c: {  	_ =	shalt  }
0x6d: {  	_ =	shalt  }
0x6e: {  	_ =	shalt  }
0x6f: {  	_ =	shalt  }
0x70: {  	_ =	shalt  }
0x71: {  	_ =	shalt  }
0x72: {  	_ =	shalt  }
0x73: {  	_ =	shalt  }
0x74: {  	_ =	shalt  }
0x75: {  	_ =	shalt  }
0x76: {  	_ =	shalt  }
0x77: {  	_ =	shalt  }
0x78: {  	_ =	shalt  }
0x79: {  	_ =	shalt  }
0x7a: {  	_ =	shalt  }
0x7b: {  	_ =	shalt  }
0x7c: {  	_ =	shalt  }
0x7d: {  	_ =	shalt  }
0x7e: {  	_ =	shalt  }
0x7f: {  	_ =	shalt  }
0x80: {  	_ =	shalt  }
0x81: {  	_ =	shalt  }
0x82: {  	_ =	shalt  }
0x83: {  	_ =	shalt  }
0x84: {  	_ =	shalt  }
0x85: {  	_ =	shalt  }
0x86: {  	_ =	shalt  }
0x87: {  	_ =	shalt  }
.Lfunc_end0:
.L_simem_size_0:
called_computation.5_lowered:
.L_overlay_start_0:
0x88: {  	s2 =	sld [smem:$0x3FD9]  }
0x89: {  	s3 =	sld [smem:$0x3FFE];
	_ =	sdelay $0x1  }
0x8a: {  	s1 =	srdreg.scid  }
0x8b: {  	s0 =	sand.u32 $0x1, s1  }
0x8c: {  	s16 =	sshll.u32 s0, $0xA;
	s2 =	sadd.s32 s3, s2  }
0x8d: {  	s2 =	sadd.s32 s2, s16  }
0x8e: {  	[smem:$0x3FB3] =	sst s2  }
0x8f: {  	_ = 	snop  }
0x90: {  	(tm) =	ssettm $0x1  }
0x91: {  	s17 =	sld [smem:$0x3FFB];
	_ =	sdelay $0x3  }
0x92: {  	_ =	strace s17  }
0x93: {  	s2 =	sld [smem:$0x3FFC];
	_ =	sdelay $0x3  }
0x94: {  	_ =	strace s2  }
0x95: {  	s2 =	sld [smem:$0x3FFD];
	_ =	sdelay $0x3  }
0x96: {  	_ =	strace s2  }
0x97: {  	_ =	strace $0x8FFFFFFF  }
0x98: {  	s18 =	sld [smem:$0x3FDB];
	_ =	sdelay $0x1  }
0x99: {  	s19 =	simm.s32 $_scs_section_size  }
0x9a: {  	s4 =	simm.s32 $_size__tile_overlayer_lowered;
	s5 =	simm.s32 $_tile_overlayer_lowered  }
0x9b: {  	s22 =	simm.s32 $0x1BFF;
	s21 =	sshll.u32 s5, $0x1;
	s2 =	sadd.s32 s19, s18  }
0x9c: {  	s6 =	simm.s32 $0x0;
	s20 =	sshll.u32 s4, $0x1;
	s4 =	sadd.s32 s21, s2  }
0x9d: {  	[timem:s6], [sflag:s22] =	dma.local [hbm:s4], s20  }
0x9e: {  	_ =	swait.ge [sflag:s22], s20  }
0x9f: {  	s3 =	ssub.s32 $0x0, s20;
	[sflag:s22] =	ssyncset.done $0x0  }
0xa0: {  	[sflag:s22] =	ssyncadd.s32 s3;
	_ =	sdelay $0x1  }
0xa1: {  	s23 =	simm.s32 $0x1B8B  }
0xa2: {  	_ =	swait.ge [sflag:s23], $0x1  }
0xa3: {  	[sflag:s23] =	ssyncset.done $0x0  }
0xa4: {  	s25 =	simm.s32 $0x1B8E;
	s24 =	sld [smem:$0x3FFE];
	[sflag:s23] =	ssyncadd.s32 $0xFFFFFFFF  }
0xa5: {  	s26 =	simm.s32 $execute0_lowered;
	[smem:$0x3FD2] =	sst s25  }
0xa6: {  	s4 =	sshll.u32 s26, $0x1;
	_ =	strace $0x80000055;
	[dreg:$0x1] =	wrdreg $0xFFFFFFFF  }
0xa7: {  	s28 =	simm.s32 $_size_execute0_lowered;
	s2 =	sadd.s32 s2, s4;
	[dreg:$0x0] =	wrdreg $0x0  }
0xa8: {  	s4 =	sshll.u32 s28, $0x1;
	[dreg:$0x2] =	wrdreg s2  }
0xa9: {  	[dreg:$0x3] =	wrdreg s4  }
0xaa: {  	[dreg:$0x4] =	wrdreg $0xC0  }
0xab: {  	_ =	task [dreg:s6], $0x5FFFF  }
0xac: {  	[dreg:$0x1] =	wrdreg $0xFFFFFFFF  }
0xad: {  	[dreg:$0x0] =	wrdreg $0x60  }
0xae: {  	[dreg:$0x2] =	wrdreg s24  }
0xaf: {  	[dreg:$0x3] =	wrdreg $0x81800  }
0xb0: {  	[dreg:$0x4] =	wrdreg $0x9  }
0xb1: {  	_ =	task.clear_ibuf [dreg:s6], $0x5FFFF;
	_ =	strace $0x90000055  }
0xb2: {  	s29 =	simm.s32 $0x9;
	_ =	strace $0x80000057  }
0xb3: {  	_ =	swait.ge [sflag:s29], $0x1  }
0xb4: {  	[sflag:s29] =	ssyncadd.s32 $0xFFFFFFFF  }
0xb5: {  	_ =	strace $0x90000057  }
0xb6: {  	_ =	sfence  }
0xb7: {  	s30 =	sld [smem:$0x0];
	_ =	sdelay $0x2  }
0xb8: {  	s31 =	sshll.u32 s1, $0xD;
	s1 =	sshrl.u32 s1, $0x2  }
0xb9: {  	s3 =	sand.u32 $0x4000, s31;
	s1 =	sadd.s32 s1, s30  }
0xba: {  	s0 =	sor.u32 s3, s0;
	s1 =	sshll.u32 s1, $0x11  }
0xbb: {  	s0 =	sor.u32 s1, s0  }
0xbc: {  	s0 =	sadd.s32 $0x8F2B, s0  }
0xbd: {  	[sflag:s0] =	ssyncadd.remote.s32 $0x1  }
0xbe: {  	_ =	sfence.sel $0xFFFF  }
0xbf: {  	[dreg:$0x0] =	wrdreg $0xFFFFFFFF;
	(pc) =	sbr.abs _section_cstart, $3  }
0xc0: {  	[dreg:$0x1] =	wrdreg $0xFFFFFFFF  }
0xc1: {  	_ =	task.clear_ibuf [dreg:s6], $0x2FFFF;
	_ =	strace $0x9FFFFFFF  }
0xc2: {  	(tm) =	ssettm $0x7FFFFFFF  }
0xc3: {  	_ =	shalt  }
tec
execute0_lowered:
.L_overlay_start_1:
0x0: {  	(tag) =	ssettag $0x1  }
0x1: {  	s9 =	rddreg [dreg:$0x0]  }
0x2: {  	s1 =	rddreg [dreg:$0x1]  }
0x3: {  	s0 =	rddreg [dreg:$0x2];
	s3 =	simm.s32 $0x0  }
0x4: {  	s2 =	srdreg.scid;
	s17 =	simm.s32 $0x180;
	s18 =	simm.s32 $0x3  }
0x5: {  	s19 =	simm.s32 $0x80;
	s20 =	simm.s32 $0x4180;
	s21 =	simm.s32 $0x1  }
0x6: {  	s22 =	simm.s32 $0x100;
	s23 =	simm.s32 $0x2;
	s24 =	simm.s32 $0x0  }
0x7: {  	[smem:$0x7FF] =	sst s3;
	s4 =	sand.u32 $0x1, s2;
	s2 =	stileid.u32  }
0x8: {  	s5 =	sadd.s32 $0xFA00, s9;
	s6 =	sadd.s32 $0xC94A00, s9;
	s10 =	smul.u32 $0x140000, s4  }
0x9: {  	s7 =	sadd.s32 $0xAA00, s9;
	s8 =	sadd.s32 $0x5A00, s9;
	s11 =	smul.u32 $0x14000, s2  }
0xa: {  	_ =	strace $0x80000056;
	s12 =	smul.u32 $0x50000, s2;
	s31 =	ssub.s32 $0x2, s4  }
.Ltmp0:
0xb: {  	s13 =	sshrl.u32 s31, $0x1;
	s10 =	sadd.s32 s11, s10;
	(pc) =	sbr.rel .LBB2_1-.Ltmp0, $4  }
0xc: {  	s12 =	sshrl.u32 s12, $0x2;
	s16 =	ssub.s32 s31, s13;
	s10 =	sshrl.u32 s10, $0x3  }
0xd: {  	s16 =	smax.u32 s16, $0x1;
	s15 =	sadd.s32 s10, s9;
	s9 =	sadd.s32 s12, s1  }
0xe: {  	s10 =	sshll.u32 s2, $0x1;
	s11 =	sadd.s32 $0x4000, s9;
	s12 =	sadd.s32 $0x8000, s9  }
0xf: {  	v0 =	vimm.f32 $0.0e+00;
	s13 =	sadd.s32 $0xC000, s9;
	s14 =	sadd.s32 $0x10000, s9;
	s15 =	sadd.s32 $0x36C00, s15  }
.LBB2_11:
0x10: {  	_ =	swait.ge [sflag:s23], $0x4000  }
0x11: {  	s25 =	sshll.u32 s2, $0x6;
	s24 =	sadd.s32 $0x1, s24;
	[sflag:s23] =	ssyncset.done $0x0  }
0x12: {  	s26 =	sshrl.u32 s9, $0x3;
	p0 =	sne.s32 s24, s16;
	[sflag:s23] =	ssyncadd.s32 $0xFFFFC000  }
.Ltmp1:
0x13: {  	s25 =	sor.u32 $0x1C03, s25;
	[bflag:$0x0] =	sbarrier.arrive $0xFFFF;
	(pc) =	sbr.rel @!p0 .LBB2_12-.Ltmp1, $4  }
0x14: {  	[hbm:s15], [sflag:s25] =	dma.local [spmem:s26], $0x2800  }
0x15: {  	_ =	swait.ge [sflag:s18], $0x2800  }
0x16: {  	[sflag:s18] =	ssyncset.done $0x0  }
0x17: {  	[sflag:s18] =	ssyncadd.s32 $0xFFFFD800  }
.LBB2_1:
0x18: {  	s25 =	simm.s32 $0x0;
	s26 =	simm.s32 $0x200  }
.LBB2_2:
0x19: {  	p0 =	sne.s32 s26, $0xFE00;
	[tilespmem:s25+$0x1F0] =	vst v0  }
0x1a: {  	[tilespmem:s25+$0x180] =	vst v0  }
0x1b: {  	[tilespmem:s25+$0x190] =	vst v0  }
.Ltmp2:
0x1c: {  	[tilespmem:s25+$0x1A0] =	vst v0;
	(pc) =	sbr.rel @p0 .LBB2_2-.Ltmp2, $4  }
0x1d: {  	[tilespmem:s25+$0x1B0] =	vst v0  }
0x1e: {  	[tilespmem:s25+$0x1C0] =	vst v0  }
0x1f: {  	[tilespmem:s25+$0x1D0] =	vst v0  }
0x20: {  	[tilespmem:s25+$0x1E0] =	vst v0;
	s25 =	sshra.s32 s26, $0x2;
	s26 =	sadd.s32 $0x200, s26  }
0x21: {  	[tilespmem:s25+$0x1F0] =	vst v0  }
0x22: {  	[tilespmem:s25+$0x180] =	vst v0  }
0x23: {  	[tilespmem:s25+$0x190] =	vst v0  }
0x24: {  	[tilespmem:s25+$0x1A0] =	vst v0  }
0x25: {  	[tilespmem:s25+$0x1B0] =	vst v0  }
0x26: {  	[tilespmem:s25+$0x1C0] =	vst v0  }
0x27: {  	[tilespmem:s25+$0x1D0] =	vst v0  }
0x28: {  	[tilespmem:s25+$0x1E0] =	vst v0  }
0x29: {  	[spmem:s9] =	stream.linear.scatter [tilespmem:s17], [sflag:$0x3], $0x4000, $0x38;
	[tilespmem:$0x1C180] =	vst v63  }
0x2a: {  	_ =	swait.ge [sflag:s18], $0x4000  }
0x2b: {  	[sflag:s18] =	ssyncset.done $0x0  }
0x2c: {  	[sflag:s18] =	ssyncadd.s32 $0xFFFFC000  }
0x2d: {  	[spmem:s11] =	stream.linear.scatter [tilespmem:s17], [sflag:$0x3], $0x4000, $0x38;
	[tilespmem:$0x1C180] =	vst v63  }
0x2e: {  	_ =	swait.ge [sflag:s18], $0x4000  }
0x2f: {  	[sflag:s18] =	ssyncset.done $0x0  }
0x30: {  	[sflag:s18] =	ssyncadd.s32 $0xFFFFC000  }
0x31: {  	[spmem:s12] =	stream.linear.scatter [tilespmem:s17], [sflag:$0x3], $0x4000, $0x38;
	[tilespmem:$0x1C180] =	vst v63  }
0x32: {  	_ =	swait.ge [sflag:s18], $0x4000  }
0x33: {  	[sflag:s18] =	ssyncset.done $0x0  }
0x34: {  	[sflag:s18] =	ssyncadd.s32 $0xFFFFC000  }
0x35: {  	[spmem:s13] =	stream.linear.scatter [tilespmem:s17], [sflag:$0x3], $0x4000, $0x38;
	[tilespmem:$0x1C180] =	vst v63  }
0x36: {  	_ =	swait.ge [sflag:s18], $0x4000  }
0x37: {  	[sflag:s18] =	ssyncset.done $0x0  }
0x38: {  	[sflag:s18] =	ssyncadd.s32 $0xFFFFC000  }
0x39: {  	[spmem:s14] =	stream.linear.scatter [tilespmem:s17], [sflag:$0x3], $0x4000, $0x38;
	[tilespmem:$0x1C180] =	vst v63  }
.Ltmp3:
0x3a: {  	_ =	swait.ge [sflag:s18], $0x4000;
	(pc) =	sbr.rel .LBB2_4-.Ltmp3, $4  }
0x3b: {  	[sflag:s18] =	ssyncset.done $0x0  }
0x3c: {  	[sflag:s18] =	ssyncadd.s32 $0xFFFFC000  }
0x3d: {  	[bflag:$0x0] =	sbarrier.arrive $0xFFFF  }
0x3e: {  	s25 =	simm.s32 $0x0;
	s26 =	simm.s32 $0x0  }
.LBB2_10:
0x3f: {  	s26 =	sadd.s32 $0x1, s26  }
0x40: {  	p0 =	sne.s32 s26, $0x14  }
.Ltmp4:
0x41: {  	_ = 	snop;
	(pc) =	sbr.rel @!p0 .LBB2_11-.Ltmp4, $1  }
0x42: {  	_ =	sdelay $0x3  }
.LBB2_4:
0x43: {  	s28 =	sshll.u32 s26, $0x6  }
0x44: {  	s28 =	sor.u32 s28, s10  }
0x45: {  	s28 =	sor.u32 s4, s28  }
0x46: {  	s29 =	sshll.u32 s28, $0x4  }
0x47: {  	s30 =	sadd.s32 s7, s29  }
0x48: {  	[tilespmem:s3], [sflag:$0x3] =	stream.linear.gather [hbm4b:s30+s3], $0x80, $0x38;
	[tilespmem:$0x1C180] =	vst v63  }
0x49: {  	_ =	swait.ge [sflag:s18], $0x80  }
0x4a: {  	[sflag:s18] =	ssyncset.done $0x0  }
0x4b: {  	s29 =	sadd.s32 s8, s29;
	[sflag:s18] =	ssyncadd.s32 $0xFFFFFF80  }
0x4c: {  	[tilespmem:s19], [sflag:$0x3] =	stream.linear.gather [hbm4b:s29+s3], $0x80, $0x38;
	[tilespmem:$0x1C180] =	vst v63  }
0x4d: {  	_ =	swait.ge [sflag:s18], $0x80  }
0x4e: {  	p0 =	seq.s32 s26, $0x0;
	[sflag:s18] =	ssyncset.done $0x0  }
0x4f: {  	s29 =	simm.s32 @!p0 $0x2;
	[sflag:s18] =	ssyncadd.s32 $0xFFFFFF80  }
0x50: {  	_ =	swait.ge @!p0 [sflag:s29], $0x4000  }
0x51: {  	[sflag:s29] =	ssyncset.done @!p0 $0x0  }
0x52: {  	[sflag:s29] =	ssyncadd.s32 @!p0 $0xFFFFC000;
	s29 =	sshll.u32 s28, $0xB  }
0x53: {  	[tilespmem:s17], [sflag:$0x1] =	stream.indirect.gather [hbm4b:s5+s19], $0x80, s25, s19, $0xb8;
	[tilespmem:$0x1C180] =	vst v63  }
0x54: {  	s29 =	sadd.s32 s6, s29  }
0x55: {  	[tilespmem:s20], [sflag:$0x3] =	stream.linear.gather [hbm4b:s29+s25], $0x4000, $0x38;
	[tilespmem:$0x1C180] =	vst v63  }
0x56: {  	_ =	swait.ge [sflag:s18], $0x4000  }
0x57: {  	[sflag:s18] =	ssyncset.done $0x0  }
0x58: {  	[sflag:s18] =	ssyncadd.s32 $0xFFFFC000  }
0x59: {  	_ =	swait.ge [sflag:s21], $0x4000  }
0x5a: {  	[sflag:s21] =	ssyncset.done $0x0  }
0x5b: {  	s29 =	simm.s32 $0x0;
	[sflag:s21] =	ssyncadd.s32 $0xFFFFC000  }
0x5c: {  	v8 =	vld [tilespmem:s29+$0x4180]  }
0x5d: {  	v12 =	vld [tilespmem:s29+$0x4190]  }
0x5e: {  	v6 =	vld [tilespmem:s29+$0x41A0]  }
0x5f: {  	v5 =	vld [tilespmem:s29+$0x41B0]  }
0x60: {  	v4 =	vld [tilespmem:s29+$0x41C0]  }
0x61: {  	v3 =	vld [tilespmem:s29+$0x41D0]  }
0x62: {  	v2 =	vld [tilespmem:s29+$0x41E0]  }
0x63: {  	v1 =	vld [tilespmem:s29+$0x41F0]  }
0x64: {  	v13 =	vld [tilespmem:s29+$0x180]  }
0x65: {  	v14 =	vld [tilespmem:s29+$0x190]  }
0x66: {  	v11 =	vld [tilespmem:s29+$0x1A0]  }
0x67: {  	v10 =	vld [tilespmem:s29+$0x1B0]  }
0x68: {  	v9 =	vld [tilespmem:s29+$0x1C0]  }
0x69: {  	v7 =	vld [tilespmem:s29+$0x1D0];
	v13 =	vmul.f32 v8, v13  }
0x6a: {  	s30 =	simm.s32 $0x200;
	v12 =	vmul.f32 v12, v14;
	v8 =	vld [tilespmem:s29+$0x1E0]  }
.LBB2_5:
0x6b: {  	s31 =	sshra.s32 s30, $0x2;
	p0 =	sne.s32 s30, $0xFE00;
	[tilespmem:s29+$0x180] =	vst v13;
	v6 =	vmul.f32 v6, v11;
	v11 =	vld [tilespmem:s29+$0x1F0]  }
0x6c: {  	v13 =	vld [tilespmem:s31+$0x4180];
	[tilespmem:s29+$0x190] =	vst v12;
	v5 =	vmul.f32 v5, v10  }
0x6d: {  	v12 =	vld [tilespmem:s31+$0x4190];
	[tilespmem:s29+$0x1A0] =	vst v6;
	v4 =	vmul.f32 v4, v9  }
0x6e: {  	v6 =	vld [tilespmem:s31+$0x41A0];
	[tilespmem:s29+$0x1B0] =	vst v5;
	v3 =	vmul.f32 v3, v7  }
0x6f: {  	v5 =	vld [tilespmem:s31+$0x41B0];
	[tilespmem:s29+$0x1C0] =	vst v4;
	v2 =	vmul.f32 v2, v8  }
0x70: {  	v4 =	vld [tilespmem:s31+$0x41C0];
	[tilespmem:s29+$0x1D0] =	vst v3;
	v1 =	vmul.f32 v1, v11  }
0x71: {  	v3 =	vld [tilespmem:s31+$0x41D0];
	[tilespmem:s29+$0x1E0] =	vst v2  }
0x72: {  	v2 =	vld [tilespmem:s31+$0x41E0];
	[tilespmem:s29+$0x1F0] =	vst v1;
	s29 =	smov.u32 s31  }
0x73: {  	v1 =	vld [tilespmem:s29+$0x41F0]  }
0x74: {  	v7 =	vld [tilespmem:s29+$0x180]  }
0x75: {  	v8 =	vld [tilespmem:s29+$0x190]  }
.Ltmp5:
0x76: {  	v11 =	vld [tilespmem:s29+$0x1A0];
	(pc) =	sbr.rel @p0 .LBB2_5-.Ltmp5, $4  }
0x77: {  	v10 =	vld [tilespmem:s29+$0x1B0]  }
0x78: {  	v9 =	vld [tilespmem:s29+$0x1C0]  }
0x79: {  	v13 =	vmul.f32 v13, v7;
	v7 =	vld [tilespmem:s29+$0x1D0]  }
0x7a: {  	s30 =	sadd.s32 $0x200, s30;
	v12 =	vmul.f32 v12, v8;
	v8 =	vld [tilespmem:s29+$0x1E0]  }
0x7b: {  	[tilespmem:s29+$0x180] =	vst v13;
	v6 =	vmul.f32 v6, v11;
	v63 =	vld [tilespmem:s29+$0x1F0]  }
0x7c: {  	[tilespmem:s29+$0x190] =	vst v12;
	v5 =	vmul.f32 v5, v10  }
0x7d: {  	s28 =	sor.u32 $0x20, s28;
	[tilespmem:s29+$0x1A0] =	vst v6;
	v4 =	vmul.f32 v4, v9  }
0x7e: {  	p0 =	sgt.u32 s28, $0x4E1;
	[tilespmem:s29+$0x1B0] =	vst v5;
	v3 =	vmul.f32 v3, v7  }
.Ltmp6:
0x7f: {  	[tilespmem:s29+$0x1C0] =	vst v4;
	v2 =	vmul.f32 v2, v8;
	(pc) =	sbr.rel @p0 .LBB2_10-.Ltmp6, $4  }
0x80: {  	[tilespmem:s29+$0x1D0] =	vst v3;
	v1 =	vmul.f32 v1, v63  }
0x81: {  	[tilespmem:s29+$0x1E0] =	vst v2  }
0x82: {  	[tilespmem:s29+$0x1F0] =	vst v1  }
0x83: {  	[spmem:s1] =	stream.indirect.scatter.add.f32 [tilespmem:s17], [sflag:$0x2], $0x80, s19, s19, $0xb8;
	[tilespmem:$0x1C180] =	vst v63  }
0x84: {  	s29 =	sshll.u32 s28, $0x4  }
0x85: {  	s31 =	simm.s32 $0x0;
	s30 =	sadd.s32 s7, s29  }
0x86: {  	[tilespmem:s31], [sflag:$0x3] =	stream.linear.gather [hbm4b:s30+s31], $0x80, $0x38;
	[tilespmem:$0x1C180] =	vst v63  }
0x87: {  	_ =	swait.ge [sflag:s18], $0x80  }
0x88: {  	[sflag:s18] =	ssyncset.done $0x0  }
0x89: {  	s29 =	sadd.s32 s8, s29;
	[sflag:s18] =	ssyncadd.s32 $0xFFFFFF80  }
0x8a: {  	[tilespmem:s22], [sflag:$0x3] =	stream.linear.gather [hbm4b:s29+s31], $0x80, $0x38;
	[tilespmem:$0x1C180] =	vst v63  }
0x8b: {  	_ =	swait.ge [sflag:s18], $0x80  }
0x8c: {  	[sflag:s18] =	ssyncset.done $0x0  }
0x8d: {  	[sflag:s18] =	ssyncadd.s32 $0xFFFFFF80  }
0x8e: {  	_ =	swait.ge [sflag:s23], $0x4000  }
0x8f: {  	[sflag:s23] =	ssyncset.done $0x0  }
0x90: {  	s28 =	sshll.u32 s28, $0xB;
	[sflag:s23] =	ssyncadd.s32 $0xFFFFC000  }
0x91: {  	[tilespmem:s17], [sflag:$0x1] =	stream.indirect.gather [hbm4b:s5+s19], $0x80, s31, s19, $0xb8;
	[tilespmem:$0x1C180] =	vst v63  }
0x92: {  	s28 =	sadd.s32 s6, s28  }
0x93: {  	[tilespmem:s20], [sflag:$0x3] =	stream.linear.gather [hbm4b:s28+s31], $0x4000, $0x38;
	[tilespmem:$0x1C180] =	vst v63  }
0x94: {  	_ =	swait.ge [sflag:s18], $0x4000  }
0x95: {  	[sflag:s18] =	ssyncset.done $0x0  }
0x96: {  	[sflag:s18] =	ssyncadd.s32 $0xFFFFC000  }
0x97: {  	_ =	swait.ge [sflag:s21], $0x4000  }
0x98: {  	[sflag:s21] =	ssyncset.done $0x0  }
0x99: {  	s28 =	simm.s32 $0x0;
	[sflag:s21] =	ssyncadd.s32 $0xFFFFC000  }
0x9a: {  	v8 =	vld [tilespmem:s28+$0x4180]  }
0x9b: {  	v12 =	vld [tilespmem:s28+$0x4190]  }
0x9c: {  	v6 =	vld [tilespmem:s28+$0x41A0]  }
0x9d: {  	v5 =	vld [tilespmem:s28+$0x41B0]  }
0x9e: {  	v4 =	vld [tilespmem:s28+$0x41C0]  }
0x9f: {  	v3 =	vld [tilespmem:s28+$0x41D0]  }
0xa0: {  	v2 =	vld [tilespmem:s28+$0x41E0]  }
0xa1: {  	v1 =	vld [tilespmem:s28+$0x41F0]  }
0xa2: {  	v13 =	vld [tilespmem:s28+$0x180]  }
0xa3: {  	v14 =	vld [tilespmem:s28+$0x190]  }
0xa4: {  	v11 =	vld [tilespmem:s28+$0x1A0]  }
0xa5: {  	v10 =	vld [tilespmem:s28+$0x1B0]  }
0xa6: {  	v9 =	vld [tilespmem:s28+$0x1C0]  }
0xa7: {  	v7 =	vld [tilespmem:s28+$0x1D0];
	v13 =	vmul.f32 v8, v13  }
0xa8: {  	s29 =	simm.s32 $0x200;
	v12 =	vmul.f32 v12, v14;
	v8 =	vld [tilespmem:s28+$0x1E0]  }
.LBB2_8:
0xa9: {  	s30 =	sshra.s32 s29, $0x2;
	p0 =	sne.s32 s29, $0xFE00;
	[tilespmem:s28+$0x180] =	vst v13;
	v6 =	vmul.f32 v6, v11;
	v11 =	vld [tilespmem:s28+$0x1F0]  }
0xaa: {  	v13 =	vld [tilespmem:s30+$0x4180];
	[tilespmem:s28+$0x190] =	vst v12;
	v5 =	vmul.f32 v5, v10  }
0xab: {  	v12 =	vld [tilespmem:s30+$0x4190];
	[tilespmem:s28+$0x1A0] =	vst v6;
	v4 =	vmul.f32 v4, v9  }
0xac: {  	v6 =	vld [tilespmem:s30+$0x41A0];
	[tilespmem:s28+$0x1B0] =	vst v5;
	v3 =	vmul.f32 v3, v7  }
0xad: {  	v5 =	vld [tilespmem:s30+$0x41B0];
	[tilespmem:s28+$0x1C0] =	vst v4;
	v2 =	vmul.f32 v2, v8  }
0xae: {  	v4 =	vld [tilespmem:s30+$0x41C0];
	[tilespmem:s28+$0x1D0] =	vst v3;
	v1 =	vmul.f32 v1, v11  }
0xaf: {  	v3 =	vld [tilespmem:s30+$0x41D0];
	[tilespmem:s28+$0x1E0] =	vst v2  }
0xb0: {  	v2 =	vld [tilespmem:s30+$0x41E0];
	[tilespmem:s28+$0x1F0] =	vst v1;
	s28 =	smov.u32 s30  }
0xb1: {  	v1 =	vld [tilespmem:s28+$0x41F0]  }
0xb2: {  	v7 =	vld [tilespmem:s28+$0x180]  }
0xb3: {  	v8 =	vld [tilespmem:s28+$0x190]  }
.Ltmp7:
0xb4: {  	v11 =	vld [tilespmem:s28+$0x1A0];
	(pc) =	sbr.rel @p0 .LBB2_8-.Ltmp7, $4  }
0xb5: {  	v10 =	vld [tilespmem:s28+$0x1B0]  }
0xb6: {  	v9 =	vld [tilespmem:s28+$0x1C0]  }
0xb7: {  	v13 =	vmul.f32 v13, v7;
	v7 =	vld [tilespmem:s28+$0x1D0]  }
0xb8: {  	s29 =	sadd.s32 $0x200, s29;
	v12 =	vmul.f32 v12, v8;
	v8 =	vld [tilespmem:s28+$0x1E0]  }
0xb9: {  	[tilespmem:s28+$0x180] =	vst v13;
	v6 =	vmul.f32 v6, v11;
	v63 =	vld [tilespmem:s28+$0x1F0]  }
0xba: {  	[tilespmem:s28+$0x190] =	vst v12;
	v5 =	vmul.f32 v5, v10  }
0xbb: {  	[tilespmem:s28+$0x1A0] =	vst v6;
	v4 =	vmul.f32 v4, v9  }
0xbc: {  	[tilespmem:s28+$0x1B0] =	vst v5;
	v3 =	vmul.f32 v3, v7  }
.Ltmp8:
0xbd: {  	[tilespmem:s28+$0x1C0] =	vst v4;
	v2 =	vmul.f32 v2, v8;
	(pc) =	sbr.rel .LBB2_10-.Ltmp8, $4  }
0xbe: {  	[tilespmem:s28+$0x1D0] =	vst v3;
	v1 =	vmul.f32 v1, v63  }
0xbf: {  	[tilespmem:s28+$0x1E0] =	vst v2  }
0xc0: {  	[tilespmem:s28+$0x1F0] =	vst v1  }
0xc1: {  	[spmem:s1] =	stream.indirect.scatter.add.f32 [tilespmem:s17], [sflag:$0x2], $0x80, s22, s19, $0xb8;
	[tilespmem:$0x1C180] =	vst v63  }
.LBB2_12:
0xc2: {  	_ =	sfence.sel $0x180000  }
0xc3: {  	[bflag:$0x0] =	sbarrier.arrive $0xFFFF  }
0xc4: {  	p0 =	sne.s32 s2, $0x0;
	_ =	strace $0x90000056  }
0xc5: {  	s0 =	sadd.s32 @!p0 $0x100000, s0;
	[bflag:$0x2] =	sbarrier.arrive $0xFFFF  }
0xc6: {  	[sflag:s0] =	ssyncadd.tile.s32 @!p0 $0x1;
	_ =	shalt  }
.Lfunc_end2:
_tile_overlayer_lowered:
.L_overlay_start_2:
0xc7: {  	(tag) =	ssettag $0x2  }
0xc8: {  	s0 =	rddreg [dreg:$0x0];
	s2 =	stileid.u32  }
0xc9: {  	s1 =	rddreg [dreg:$0x1];
	p0 =	sne.s32 s2, $0x0  }
0xca: {  	s3 =	rddreg [dreg:$0x2];
	[bflag:$0x3] =	sbarrier.arrive $0xFFFF;
	s2 =	simm.s32 @!p0 $0x1C03  }
0xcb: {  	[timem:s3], [sflag:s2] =	dma.local @!p0 [hbm:s0], s1  }
0xcc: {  	s0 =	simm.s32 @!p0 $0x3  }
0xcd: {  	_ =	swait.ge @!p0 [sflag:s0], s1  }
0xce: {  	s1 =	ssub.s32 @!p0 $0x0, s1;
	[sflag:s0] =	ssyncset.done @!p0 $0x0  }
0xcf: {  	[sflag:s0] =	ssyncadd.s32 @!p0 s1  }
0xd0: {  	[bflag:$0x3] =	sbarrier.arrive $0xFFFF  }
0xd1: {  	_ =	shalt  }

</sc_bundles>
